<compile_context>
chip_gen: v7x
topology: tpu7x:2x2x1
jax: 0.10.2.dev20260603
libtpu: 0.0.44.dev20260713+nightly
codegen_flags: <defaults>
</compile_context>

<pallas_src>
import functools

import numpy as np
import jax
import jax.numpy as jnp
from jax import lax
from jax.experimental import pallas as pl
from jax.experimental.pallas import tpu as pltpu
from jax.experimental.pallas import tpu_sc as plsc

B = 16384
F = 26
V = 100000
D = 16
P = F * (F - 1) // 2

_row, _col = np.triu_indices(F, k=1)
_pid = {(i, j): p for p, (i, j) in enumerate(zip(_row, _col))}
_GAP_PERM = np.asarray(
    [_pid[(i, i + g)] for g in range(1, F) for i in range(F - g)], dtype=np.int32
)

_GATHER_WINDOW = 128
_VC = V


_VBP = 12544


def _tp_body(tt_ref, out_ref):
    pieces = []
    for sl in range(8):
        a = sl * _VBP
        w = min(V - a, _VBP)
        p = tt_ref[0, :, a:a + w]
        if w < _VBP:
            p = jnp.concatenate(
                [p, jnp.zeros((D, _VBP - w), jnp.float32)], axis=1)
        pieces.append(p)
    z = jnp.concatenate(pieces, axis=0)
    out_ref[0] = z.T.astype(jnp.bfloat16)


def _tc_detranspose(tt):
    return pl.pallas_call(
        _tp_body,
        grid=(F,),
        in_specs=[pl.BlockSpec((1, D, V), lambda f: (f, 0, 0))],
        out_specs=pl.BlockSpec((1, _VBP, 8 * D), lambda f: (f, 0, 0)),
        out_shape=jax.ShapeDtypeStruct((F, _VBP, 8 * D), jnp.bfloat16),
    )(tt)


def _sc_gather(tables_flat, flat_idx):
    n = flat_idx.shape[1]
    mesh = plsc.VectorSubcoreMesh(core_axis_name="core", subcore_axis_name="subcore")

    @functools.partial(
        pl.kernel,
        out_type=jax.ShapeDtypeStruct((n, D), jnp.bfloat16),
        mesh=mesh,
        compiler_params=pltpu.CompilerParams(use_tc_tiling_on_sc=False),
    )
    def k(x_hbm, i_hbm, o_hbm):
        def body(i_vmem, o_vmem):
            pltpu.sync_copy(x_hbm.at[i_vmem.at[0]], o_vmem)

        pltpu.emit_pipeline(
            body,
            grid=(n // _GATHER_WINDOW,),
            in_specs=[pl.BlockSpec((1, _GATHER_WINDOW), index_map=lambda i: (0, i))],
            out_specs=[pl.BlockSpec((_GATHER_WINDOW, D), index_map=lambda i: (i, 0))],
            core_axis_name=("core", "subcore"),
            dimension_semantics=(pltpu.PARALLEL,),
        )(i_hbm, o_hbm)

    return k(tables_flat, flat_idx)


def _mlp_body(xw_ref, w0a_ref, w0r_ref, w1_ref, w2_ref, b0_ref, b1_ref, b2_ref,
              out_ref):
    bf = jnp.bfloat16
    xwb = xw_ref[...][:, :F * D]
    xw = xwb.astype(jnp.float32)
    zs = []
    for g in range(1, F):
        ncols = F - g
        w = D * ncols
        prod = (xw[:, :w] * xw[:, D * g:]).astype(bf)
        rgrp = lax.broadcasted_iota(jnp.int32, (w, ncols), 0) // D
        cid = lax.broadcasted_iota(jnp.int32, (w, ncols), 1)
        sel = (rgrp == cid).astype(bf)
        zs.append(jnp.dot(prod, sel, preferred_element_type=jnp.float32))
    ip = jnp.concatenate(zs, axis=1).astype(bf)
    h = jnp.dot(xwb, w0a_ref[...].astype(bf), preferred_element_type=jnp.float32)
    h = h + jnp.dot(ip, w0r_ref[...].astype(bf),
                    preferred_element_type=jnp.float32)
    h = jnp.maximum(h + b0_ref[...], 0.0).astype(bf)
    h = jnp.dot(h, w1_ref[...].astype(bf),
                preferred_element_type=jnp.float32) + b1_ref[...]
    h = jnp.maximum(h, 0.0).astype(bf)
    o = jnp.dot(h, w2_ref[...].astype(bf),
                preferred_element_type=jnp.float32) + b2_ref[...]
    out_ref[...] = jax.nn.sigmoid(o)


def _tc_mlp(xw, w0a, w0r, w1, w2, b0, b1, b2, block_b=1024):
    nb = xw.shape[0] // block_b
    full = lambda shape: pl.BlockSpec(shape, lambda i: (0, 0))
    return pl.pallas_call(
        _mlp_body,
        grid=(nb,),
        in_specs=[
            pl.BlockSpec((block_b, 512), lambda i: (i, 0)),
            full(w0a.shape),
            full(w0r.shape),
            full(w1.shape),
            full(w2.shape),
            full(b0.shape),
            full(b1.shape),
            full(b2.shape),
        ],
        out_specs=pl.BlockSpec((block_b, 1), lambda i: (i, 0)),
        out_shape=jax.ShapeDtypeStruct((xw.shape[0], 1), jnp.float32),
    )(xw, w0a, w0r, w1, w2, b0, b1, b2)


def kernel(indices, tables, w0, b0, w1, b1, w2, b2):
    idx = indices.astype(jnp.int32)
    foff = jnp.arange(F, dtype=jnp.int32) * _VBP
    flat_idx = (foff + idx % _VBP) * 8 + idx // _VBP
    flat_idx = jnp.concatenate(
        [flat_idx, jnp.broadcast_to(flat_idx[:, :1], (B, 32 - F))], axis=1)
    flat_idx = flat_idx.reshape(1, B * 32)
    tt = jnp.transpose(tables, (0, 2, 1))
    lines = _tc_detranspose(tt)
    tables_flat = lines.reshape(F * _VBP * 8, D)
    w0a = w0[: F * D]
    w0r = w0[F * D:][jnp.asarray(_GAP_PERM)]
    b0r, b1r, b2r = b0.reshape(1, -1), b1.reshape(1, -1), b2.reshape(1, -1)
    nsplit = 4
    bh = B // nsplit
    hn = bh * 32
    outs = []
    for h in range(nsplit):
        fi_h = lax.slice(flat_idx, (0, h * hn), (1, (h + 1) * hn))
        g_h = _sc_gather(tables_flat, fi_h)
        xw_h = g_h.reshape(bh, 512)
        outs.append(_tc_mlp(xw_h, w0a, w0r, w1, w2, b0r, b1r, b2r))
    return jnp.concatenate(outs, axis=0).reshape(B)

# --- scband reference (transcript-rebuilt; emitter-appended) ---
"""Pipeline reference for scband-ipnn-28544352649645 (READ-ONLY COPY).

The authoritative reference and input builder live on the scoring server;
editing this copy changes nothing except your own understanding.
"""

import jax, jax.numpy as jnp
import numpy as np

B = 16384
F = 26
V = 100000
D = 16
LAYERS = [512, 256, 1]


def setup_inputs(seed: int = 0) -> dict:
    key = jax.random.key(seed)
    ks = jax.random.split(key, 10)
    indices = jax.random.randint(ks[0], (B, F), 0, V, dtype=jnp.int64 if jax.config.jax_enable_x64 else jnp.int32)
    tables = jax.random.normal(ks[1], (F, V, D), dtype=jnp.float32) * 0.01
    num_pairs = F * (F - 1) // 2
    node_in = F * D + num_pairs
    dims = [node_in] + LAYERS
    out = {"indices": indices, "tables": tables}
    for i in range(len(LAYERS)):
        fan_in, fan_out = dims[i], dims[i + 1]
        scale = float(np.sqrt(2.0 / (fan_in + fan_out)))
        out[f"w{i}"] = jax.random.normal(ks[2 + i], (fan_in, fan_out), dtype=jnp.float32) * scale
        out[f"b{i}"] = jnp.zeros((fan_out,), dtype=jnp.float32)
    return out


def reference(indices, tables, w0, b0, w1, b1, w2, b2):
    # Embedding lookup: one-hot sparse matmul == row gather per field
    # tables: [F, V, D], indices: [B, F] -> xw3d: [B, F, D]
    xw3d = jax.vmap(lambda tab, idx: jnp.take(tab, idx, axis=0), in_axes=(0, 1), out_axes=1)(tables, indices)
    xw = jnp.reshape(xw3d, (-1, F * D))
    # pairwise inner products
    row, col = np.triu_indices(F, k=1)
    p = jnp.take(xw3d, jnp.asarray(row), axis=1)  # [B, P, D]
    q = jnp.take(xw3d, jnp.asarray(col), axis=1)  # [B, P, D]
    ip = jnp.sum(p * q, axis=-1)  # [B, P]
    l = jnp.concatenate([xw, ip], axis=1)
    l = jax.nn.relu(jnp.matmul(l, w0) + b0)
    l = jax.nn.relu(jnp.matmul(l, w1) + b1)
    l = jnp.matmul(l, w2) + b2
    l = jnp.squeeze(l, axis=-1)
    return jax.nn.sigmoid(l)

if __name__ == "__main__":
    import jax
    _d = setup_inputs()
    print(jax.jit(kernel)(*tuple(_d.values())))

</pallas_src>

<mosaic_0001>
#map = affine_map<(d0, d1) -> (0, 0)>
module attributes {stable_mosaic.version = 14 : i64} {
  func.func @k(%arg0: i32, %arg1: i32, %arg2: memref<2609152x16xbf16, #tpu.memory_space<hbm>>, %arg3: memref<1x131072xi32, #tpu.memory_space<hbm>>, %arg4: memref<131072x16xbf16, #tpu.memory_space<hbm>>) attributes {dimension_semantics = [#tpu.dimension_semantics<core_parallel>, #tpu.dimension_semantics<subcore_parallel>], iteration_bounds = array<i64: 2, 16>, scalar_prefetch = 0 : i64, scratch_operands = 0 : i64, tpu.core_type = #tpu.core_type<sc_vector_subcore>, window_params = [{transform_indices = #map}, {transform_indices = #map}, {transform_indices = #map}]} {
    %mul3A = arith.constant 1 : i32
    %mul3A_0 = arith.muli %arg1, %mul3A : i32
    %add3A = arith.constant 0 : i32
    %add3A_1 = arith.addi %add3A, %mul3A_0 : i32
    %mul3A_2 = arith.constant 16 : i32
    %mul3A_3 = arith.muli %arg0, %mul3A_2 : i32
    %add3A_4 = arith.addi %add3A_1, %mul3A_3 : i32
    %mul3A_5 = arith.constant 32 : i32
    %mul3A_6 = arith.muli %add3A_4, %mul3A_5 : i32
    "tpu.region"() ({
      %run_scoped3A = memref.alloca() : memref<2x1x128xi32, #tpu.memory_space<vmem>>
      %run_scoped3A_7 = tpu.sem_alloc : memref<2x!tpu.dma_semaphore, #tpu.memory_space<semaphore_mem>>
      %run_scoped3A_8 = memref.alloca() : memref<2x128x16xbf16, #tpu.memory_space<vmem>>
      %run_scoped3A_9 = tpu.sem_alloc : memref<2x!tpu.dma_semaphore, #tpu.memory_space<semaphore_mem>>
      %add3A_10 = arith.constant 0 : i32
      %add3A_11 = arith.addi %add3A_10, %mul3A_6 : i32
      %select_n3A = arith.constant true
      %select_n3A_12 = arith.constant 0 : i32
      %select_n3A_13 = arith.constant -1 : i32
      %select_n3A_14 = arith.select %select_n3A, %select_n3A_13, %select_n3A_12 : i32
      %eq3A = arith.constant -1 : i32
      %eq3A_15 = arith.cmpi eq, %select_n3A_14, %eq3A : i32
      %select_n3A_16 = arith.constant 31 : i32
      %select_n3A_17 = arith.select %eq3A_15, %select_n3A_16, %select_n3A_14 : i32
      %add3A_18 = arith.addi %select_n3A_17, %mul3A_6 : i32
      %select_n3A_19 = arith.constant true
      %select_n3A_20 = arith.constant 0 : i32
      %select_n3A_21 = arith.constant 1 : i32
      %select_n3A_22 = arith.select %select_n3A_19, %select_n3A_21, %select_n3A_20 : i32
      %eq3A_23 = arith.constant 32 : i32
      %eq3A_24 = arith.cmpi eq, %select_n3A_22, %eq3A_23 : i32
      %select_n3A_25 = arith.constant 0 : i32
      %select_n3A_26 = arith.select %eq3A_24, %select_n3A_25, %select_n3A_22 : i32
      %add3A_27 = arith.addi %select_n3A_26, %mul3A_6 : i32
      %add3A_28 = arith.constant 1 : i32
      %add3A_29 = arith.addi %select_n3A_26, %add3A_28 : i32
      %select_n3A_30 = arith.constant true
      %select_n3A_31 = arith.select %select_n3A_30, %add3A_29, %select_n3A_26 : i32
      %eq3A_32 = arith.constant 32 : i32
      %eq3A_33 = arith.cmpi eq, %select_n3A_31, %eq3A_32 : i32
      %select_n3A_34 = arith.constant 0 : i32
      %select_n3A_35 = arith.select %eq3A_33, %select_n3A_34, %select_n3A_31 : i32
      %add3A_36 = arith.addi %select_n3A_35, %mul3A_6 : i32
      "tpu.trace_start"() <{level = 10 : i32, message = "ep_initialize_0"}> : () -> ()
      %rem3A = arith.constant 0 : i32
      %rem3A_37 = arith.constant 2 : i32
      %rem3A_38 = arith.remui %rem3A, %rem3A_37 : i32
      %mul3A_39 = arith.constant 128 : i32
      %mul3A_40 = arith.muli %mul3A_39, %add3A_11 : i32
      %dma_start3A = arith.constant 0 : i32
      %dma_start3A_41 = arith.constant 0 : i32
      %dma_start3A_42 = tpu.memref_slice %run_scoped3A[%rem3A_38, %dma_start3A, %dma_start3A_41] : memref<2x1x128xi32, #tpu.memory_space<vmem>> -> memref<1x1x128xi32, #tpu.memory_space<vmem>>
      %dma_start3A_43 = tpu.memref_squeeze %dma_start3A_42 : memref<1x1x128xi32, #tpu.memory_space<vmem>> -> memref<1x128xi32, #tpu.memory_space<vmem>>
      %dma_start3A_44 = arith.constant 0 : i32
      %dma_start3A_45 = tpu.memref_slice %arg3[%dma_start3A_44, %mul3A_40] : memref<1x131072xi32, #tpu.memory_space<hbm>> -> memref<1x128xi32, #tpu.memory_space<hbm>>
      %dma_start3A_46 = tpu.memref_slice %run_scoped3A_7[%rem3A_38] : memref<2x!tpu.dma_semaphore, #tpu.memory_space<semaphore_mem>> -> memref<1x!tpu.dma_semaphore, #tpu.memory_space<semaphore_mem>>
      %dma_start3A_47 = tpu.memref_squeeze %dma_start3A_46 : memref<1x!tpu.dma_semaphore, #tpu.memory_space<semaphore_mem>> -> memref<!tpu.dma_semaphore, #tpu.memory_space<semaphore_mem>>
      %dma_start3A_48 = arith.constant 0 : i32
      %dma_start3A_49 = arith.constant 0 : i32
      %dma_start3A_50 = tpu.memref_slice %run_scoped3A[%rem3A_38, %dma_start3A_48, %dma_start3A_49] : memref<2x1x128xi32, #tpu.memory_space<vmem>> -> memref<1x1x128xi32, #tpu.memory_space<vmem>>
      %dma_start3A_51 = tpu.memref_squeeze %dma_start3A_50 : memref<1x1x128xi32, #tpu.memory_space<vmem>> -> memref<1x128xi32, #tpu.memory_space<vmem>>
      %dma_start3A_52 = arith.constant 0 : i32
      %dma_start3A_53 = tpu.memref_slice %arg3[%dma_start3A_52, %mul3A_40] : memref<1x131072xi32, #tpu.memory_space<hbm>> -> memref<1x128xi32, #tpu.memory_space<hbm>>
      tpu.enqueue_dma source(%dma_start3A_53 : memref<1x128xi32, #tpu.memory_space<hbm>>) target(%dma_start3A_51 : memref<1x128xi32, #tpu.memory_space<vmem>>) target_semaphore(%dma_start3A_47 : memref<!tpu.dma_semaphore, #tpu.memory_space<semaphore_mem>>)
      %add3A_54 = arith.constant 0 : i32
      %add3A_55 = arith.constant 1 : i32
      %add3A_56 = arith.addi %add3A_54, %add3A_55 : i32
      %select_n3A_57 = arith.constant true
      %select_n3A_58 = arith.constant 0 : i32
      %select_n3A_59 = arith.select %select_n3A_57, %add3A_56, %select_n3A_58 : i32
      "tpu.trace_stop"() : () -> ()
      %scan3A = arith.constant 0 : i32
      %scan3A_60 = arith.constant 0 : i32
      %scan3A_61 = arith.constant 0 : i32
      %scan3A_62 = arith.constant 0 : i32
      %scan3A_63 = arith.constant 0 : i32
      %scan3A_64 = arith.constant 32 : i32
      %scan3A_65 = arith.addi %scan3A_63, %scan3A_64 : i32
      %scan3A_66 = arith.constant 1 : i32
      %scan3A_67:5 = scf.for %scan3A_121 = %scan3A_63 to %scan3A_65 step %scan3A_66 iter_args(%scan3A_122 = %select_n3A_59, %scan3A_123 = %scan3A, %scan3A_124 = %scan3A_60, %scan3A_125 = %scan3A_61, %scan3A_126 = %scan3A_62) -> (i32, i32, i32, i32, i32)  : i32 {
        %eq3A_127 = arith.constant 0 : i32
        %eq3A_128 = arith.cmpi eq, %scan3A_121, %eq3A_127 : i32
        %eq3A_129 = arith.constant 31 : i32
        %eq3A_130 = arith.cmpi eq, %scan3A_121, %eq3A_129 : i32
        %add3A_131 = arith.addi %scan3A_126, %mul3A_6 : i32
        %sub3A_132 = arith.constant 1 : i32
        %sub3A_133 = arith.subi %scan3A_126, %sub3A_132 : i32
        %select_n3A_134 = arith.constant true
        %select_n3A_135 = arith.select %select_n3A_134, %sub3A_133, %scan3A_126 : i32
        %eq3A_136 = arith.constant -1 : i32
        %eq3A_137 = arith.cmpi eq, %select_n3A_135, %eq3A_136 : i32
        %select_n3A_138 = arith.constant 31 : i32
        %select_n3A_139 = arith.select %eq3A_137, %select_n3A_138, %select_n3A_135 : i32
        %add3A_140 = arith.addi %select_n3A_139, %mul3A_6 : i32
        %add3A_141 = arith.constant 1 : i32
        %add3A_142 = arith.addi %scan3A_126, %add3A_141 : i32
        %select_n3A_143 = arith.constant true
        %select_n3A_144 = arith.select %select_n3A_143, %add3A_142, %scan3A_126 : i32
        %eq3A_145 = arith.constant 32 : i32
        %eq3A_146 = arith.cmpi eq, %select_n3A_144, %eq3A_145 : i32
        %select_n3A_147 = arith.constant 0 : i32
        %select_n3A_148 = arith.select %eq3A_146, %select_n3A_147, %select_n3A_144 : i32
        %add3A_149 = arith.addi %select_n3A_148, %mul3A_6 : i32
        %add3A_150 = arith.constant 1 : i32
        %add3A_151 = arith.addi %select_n3A_148, %add3A_150 : i32
        %select_n3A_152 = arith.constant true
        %select_n3A_153 = arith.select %select_n3A_152, %add3A_151, %select_n3A_148 : i32
        %eq3A_154 = arith.constant 32 : i32
        %eq3A_155 = arith.cmpi eq, %select_n3A_153, %eq3A_154 : i32
        %select_n3A_156 = arith.constant 0 : i32
        %select_n3A_157 = arith.select %eq3A_155, %select_n3A_156, %select_n3A_153 : i32
        %add3A_158 = arith.addi %select_n3A_157, %mul3A_6 : i32
        %ne3A = arith.cmpi ne, %add3A_131, %add3A_149 : i32
        %or3A = arith.constant false
        %or3A_159 = arith.ori %or3A, %ne3A : i1
        %ge3A = arith.constant 31 : i32
        %ge3A_160 = arith.cmpi sge, %scan3A_121, %ge3A : i32
        %not3A = arith.constant true
        %not3A_161 = arith.xori %ge3A_160, %not3A : i1
        %and3A = arith.andi %or3A_159, %not3A_161 : i1
        %convert_element_type3A = arith.extui %and3A : i1 to i32
        %cond3A = arith.constant 0 : i32
        %cond3A_162 = arith.cmpi ne, %convert_element_type3A, %cond3A : i32
        scf.if %cond3A_162 {
          "tpu.trace_start"() <{level = 10 : i32, message = "ep_copy_in"}> : () -> ()
          %rem3A_264 = arith.constant 2 : i32
          %rem3A_265 = arith.remui %scan3A_122, %rem3A_264 : i32
          %mul3A_266 = arith.constant 128 : i32
          %mul3A_267 = arith.muli %mul3A_266, %add3A_149 : i32
          %dma_start3A_268 = arith.constant 0 : i32
          %dma_start3A_269 = arith.constant 0 : i32
          %dma_start3A_270 = tpu.memref_slice %run_scoped3A[%rem3A_265, %dma_start3A_268, %dma_start3A_269] : memref<2x1x128xi32, #tpu.memory_space<vmem>> -> memref<1x1x128xi32, #tpu.memory_space<vmem>>
          %dma_start3A_271 = tpu.memref_squeeze %dma_start3A_270 : memref<1x1x128xi32, #tpu.memory_space<vmem>> -> memref<1x128xi32, #tpu.memory_space<vmem>>
          %dma_start3A_272 = arith.constant 0 : i32
          %dma_start3A_273 = tpu.memref_slice %arg3[%dma_start3A_272, %mul3A_267] : memref<1x131072xi32, #tpu.memory_space<hbm>> -> memref<1x128xi32, #tpu.memory_space<hbm>>
          %dma_start3A_274 = tpu.memref_slice %run_scoped3A_7[%rem3A_265] : memref<2x!tpu.dma_semaphore, #tpu.memory_space<semaphore_mem>> -> memref<1x!tpu.dma_semaphore, #tpu.memory_space<semaphore_mem>>
          %dma_start3A_275 = tpu.memref_squeeze %dma_start3A_274 : memref<1x!tpu.dma_semaphore, #tpu.memory_space<semaphore_mem>> -> memref<!tpu.dma_semaphore, #tpu.memory_space<semaphore_mem>>
          %dma_start3A_276 = arith.constant 0 : i32
          %dma_start3A_277 = arith.constant 0 : i32
          %dma_start3A_278 = tpu.memref_slice %run_scoped3A[%rem3A_265, %dma_start3A_276, %dma_start3A_277] : memref<2x1x128xi32, #tpu.memory_space<vmem>> -> memref<1x1x128xi32, #tpu.memory_space<vmem>>
          %dma_start3A_279 = tpu.memref_squeeze %dma_start3A_278 : memref<1x1x128xi32, #tpu.memory_space<vmem>> -> memref<1x128xi32, #tpu.memory_space<vmem>>
          %dma_start3A_280 = arith.constant 0 : i32
          %dma_start3A_281 = tpu.memref_slice %arg3[%dma_start3A_280, %mul3A_267] : memref<1x131072xi32, #tpu.memory_space<hbm>> -> memref<1x128xi32, #tpu.memory_space<hbm>>
          tpu.enqueue_dma source(%dma_start3A_281 : memref<1x128xi32, #tpu.memory_space<hbm>>) target(%dma_start3A_279 : memref<1x128xi32, #tpu.memory_space<vmem>>) target_semaphore(%dma_start3A_275 : memref<!tpu.dma_semaphore, #tpu.memory_space<semaphore_mem>>)
          "tpu.trace_stop"() : () -> ()
        } else {
        }
        %and3A_163 = arith.constant true
        %and3A_164 = arith.andi %and3A, %and3A_163 : i1
        %add3A_165 = arith.constant 1 : i32
        %add3A_166 = arith.addi %scan3A_122, %add3A_165 : i32
        %select_n3A_167 = arith.select %and3A_164, %add3A_166, %scan3A_122 : i32
        %ne3A_168 = arith.cmpi ne, %add3A_131, %add3A_149 : i32
        %or3A_169 = arith.constant false
        %or3A_170 = arith.ori %or3A_169, %ne3A_168 : i1
        %or3A_171 = arith.constant false
        %or3A_172 = arith.ori %or3A_170, %or3A_171 : i1
        %ge3A_173 = arith.constant 31 : i32
        %ge3A_174 = arith.cmpi sge, %scan3A_121, %ge3A_173 : i32
        %not3A_175 = arith.constant true
        %not3A_176 = arith.xori %ge3A_174, %not3A_175 : i1
        %and3A_177 = arith.andi %or3A_172, %not3A_176 : i1
        %ne3A_178 = arith.cmpi ne, %add3A_131, %add3A_140 : i32
        %or3A_179 = arith.constant false
        %or3A_180 = arith.ori %or3A_179, %ne3A_178 : i1
        %or3A_181 = arith.ori %or3A_180, %eq3A_128 : i1
        %convert_element_type3A_182 = arith.extui %or3A_181 : i1 to i32
        %cond3A_183 = arith.constant 0 : i32
        %cond3A_184 = arith.cmpi ne, %convert_element_type3A_182, %cond3A_183 : i32
        scf.if %cond3A_184 {
          "tpu.trace_start"() <{level = 10 : i32, message = "ep_wait_in"}> : () -> ()
          %mul3A_264 = arith.constant 128 : i32
          %mul3A_265 = arith.muli %mul3A_264, %add3A_131 : i32
          %rem3A_266 = arith.constant 2 : i32
          %rem3A_267 = arith.remui %scan3A_123, %rem3A_266 : i32
          %dma_wait3A_268 = arith.constant 0 : i32
          %dma_wait3A_269 = arith.constant 0 : i32
          %dma_wait3A_270 = tpu.memref_slice %run_scoped3A[%rem3A_267, %dma_wait3A_268, %dma_wait3A_269] : memref<2x1x128xi32, #tpu.memory_space<vmem>> -> memref<1x1x128xi32, #tpu.memory_space<vmem>>
          %dma_wait3A_271 = tpu.memref_squeeze %dma_wait3A_270 : memref<1x1x128xi32, #tpu.memory_space<vmem>> -> memref<1x128xi32, #tpu.memory_space<vmem>>
          %dma_wait3A_272 = arith.constant 0 : i32
          %dma_wait3A_273 = tpu.memref_slice %arg3[%dma_wait3A_272, %mul3A_265] : memref<1x131072xi32, #tpu.memory_space<hbm>> -> memref<1x128xi32, #tpu.memory_space<hbm>>
          %dma_wait3A_274 = tpu.memref_slice %run_scoped3A_7[%rem3A_267] : memref<2x!tpu.dma_semaphore, #tpu.memory_space<semaphore_mem>> -> memref<1x!tpu.dma_semaphore, #tpu.memory_space<semaphore_mem>>
          %dma_wait3A_275 = tpu.memref_squeeze %dma_wait3A_274 : memref<1x!tpu.dma_semaphore, #tpu.memory_space<semaphore_mem>> -> memref<!tpu.dma_semaphore, #tpu.memory_space<semaphore_mem>>
          %dma_wait3A_276 = arith.constant 0 : i32
          %dma_wait3A_277 = arith.constant 0 : i32
          %dma_wait3A_278 = tpu.memref_slice %run_scoped3A[%rem3A_267, %dma_wait3A_276, %dma_wait3A_277] : memref<2x1x128xi32, #tpu.memory_space<vmem>> -> memref<1x1x128xi32, #tpu.memory_space<vmem>>
          %dma_wait3A_279 = tpu.memref_squeeze %dma_wait3A_278 : memref<1x1x128xi32, #tpu.memory_space<vmem>> -> memref<1x128xi32, #tpu.memory_space<vmem>>
          %dma_wait3A_280 = arith.constant 0 : i32
          %dma_wait3A_281 = tpu.memref_slice %arg3[%dma_wait3A_280, %mul3A_265] : memref<1x131072xi32, #tpu.memory_space<hbm>> -> memref<1x128xi32, #tpu.memory_space<hbm>>
          tpu.wait_dma2 semaphore(%dma_wait3A_275 : memref<!tpu.dma_semaphore, #tpu.memory_space<semaphore_mem>>) src(%dma_wait3A_281 : memref<1x128xi32, #tpu.memory_space<hbm>>) dst(%dma_wait3A_279 : memref<1x128xi32, #tpu.memory_space<vmem>>)
          "tpu.trace_stop"() : () -> ()
        } else {
        }
        %ne3A_185 = arith.cmpi ne, %add3A_131, %add3A_140 : i32
        %or3A_186 = arith.constant false
        %or3A_187 = arith.ori %or3A_186, %ne3A_185 : i1
        %or3A_188 = arith.constant false
        %or3A_189 = arith.ori %or3A_187, %or3A_188 : i1
        %or3A_190 = arith.ori %or3A_189, %eq3A_128 : i1
        %convert_element_type3A_191 = arith.extui %or3A_190 : i1 to i32
        %cond3A_192 = arith.constant 0 : i32
        %cond3A_193 = arith.cmpi ne, %convert_element_type3A_191, %cond3A_192 : i32
        scf.if %cond3A_193 {
        } else {
        }
        %rem3A_194 = arith.constant 2 : i32
        %rem3A_195 = arith.remui %scan3A_123, %rem3A_194 : i32
        %rem3A_196 = arith.constant 2 : i32
        %rem3A_197 = arith.remui %scan3A_124, %rem3A_196 : i32
        %run_scoped3A_198 = arith.constant 0 : i32
        "tpu.trace_start"() <{level = 10 : i32, message = "ep_run_kernel"}> : () -> ()
        "tpu.region"() ({
          %run_scoped3A_264 = tpu.sem_alloc : memref<!tpu.dma_semaphore, #tpu.memory_space<semaphore_mem>>
          %dma_start3A_265 = arith.constant 0 : i32
          %dma_start3A_266 = arith.constant 0 : i32
          %dma_start3A_267 = tpu.memref_slice %run_scoped3A_8[%rem3A_197, %dma_start3A_265, %dma_start3A_266] : memref<2x128x16xbf16, #tpu.memory_space<vmem>> -> memref<1x128x16xbf16, #tpu.memory_space<vmem>>
          %dma_start3A_268 = tpu.memref_squeeze %dma_start3A_267 : memref<1x128x16xbf16, #tpu.memory_space<vmem>> -> memref<128x16xbf16, #tpu.memory_space<vmem>>
          %dma_start3A_269 = arith.constant 0 : i32
          %dma_start3A_270 = arith.constant 0 : i32
          %dma_start3A_271 = tpu.memref_slice %run_scoped3A[%rem3A_195, %dma_start3A_269, %dma_start3A_270] : memref<2x1x128xi32, #tpu.memory_space<vmem>> -> memref<1x1x128xi32, #tpu.memory_space<vmem>>
          %dma_start3A_272 = tpu.memref_squeeze %dma_start3A_271 : memref<1x1x128xi32, #tpu.memory_space<vmem>> -> memref<1x128xi32, #tpu.memory_space<vmem>>
          %dma_start3A_273 = arith.constant 0 : i32
          %dma_start3A_274 = tpu.memref_slice %dma_start3A_272[%run_scoped3A_198, %dma_start3A_273] : memref<1x128xi32, #tpu.memory_space<vmem>> -> memref<1x128xi32, #tpu.memory_space<vmem>>
          %dma_start3A_275 = tpu.memref_squeeze %dma_start3A_274 : memref<1x128xi32, #tpu.memory_space<vmem>> -> memref<128xi32, #tpu.memory_space<vmem>>
          %dma_start3A_276 = arith.constant 0 : i32
          %dma_start3A_277 = arith.constant 0 : i32
          %dma_start3A_278 = tpu.memref_slice %arg2[%dma_start3A_276, %dma_start3A_277] : memref<2609152x16xbf16, #tpu.memory_space<hbm>> -> memref<2609152x16xbf16, #tpu.memory_space<hbm>>
          tpu.enqueue_indirect_dma source(%dma_start3A_278 : memref<2609152x16xbf16, #tpu.memory_space<hbm>>) target(%dma_start3A_268 : memref<128x16xbf16, #tpu.memory_space<vmem>>) offsets(%dma_start3A_275 : memref<128xi32, #tpu.memory_space<vmem>>) semaphore(%run_scoped3A_264 : memref<!tpu.dma_semaphore, #tpu.memory_space<semaphore_mem>>)
          %dma_wait3A_279 = arith.constant 0 : i32
          %dma_wait3A_280 = arith.constant 0 : i32
          %dma_wait3A_281 = tpu.memref_slice %run_scoped3A_8[%rem3A_197, %dma_wait3A_279, %dma_wait3A_280] : memref<2x128x16xbf16, #tpu.memory_space<vmem>> -> memref<1x128x16xbf16, #tpu.memory_space<vmem>>
          %dma_wait3A_282 = tpu.memref_squeeze %dma_wait3A_281 : memref<1x128x16xbf16, #tpu.memory_space<vmem>> -> memref<128x16xbf16, #tpu.memory_space<vmem>>
          %dma_wait3A_283 = arith.constant 0 : i32
          %dma_wait3A_284 = arith.constant 0 : i32
          %dma_wait3A_285 = tpu.memref_slice %run_scoped3A[%rem3A_195, %dma_wait3A_283, %dma_wait3A_284] : memref<2x1x128xi32, #tpu.memory_space<vmem>> -> memref<1x1x128xi32, #tpu.memory_space<vmem>>
          %dma_wait3A_286 = tpu.memref_squeeze %dma_wait3A_285 : memref<1x1x128xi32, #tpu.memory_space<vmem>> -> memref<1x128xi32, #tpu.memory_space<vmem>>
          %dma_wait3A_287 = arith.constant 0 : i32
          %dma_wait3A_288 = tpu.memref_slice %dma_wait3A_286[%run_scoped3A_198, %dma_wait3A_287] : memref<1x128xi32, #tpu.memory_space<vmem>> -> memref<1x128xi32, #tpu.memory_space<vmem>>
          %dma_wait3A_289 = tpu.memref_squeeze %dma_wait3A_288 : memref<1x128xi32, #tpu.memory_space<vmem>> -> memref<128xi32, #tpu.memory_space<vmem>>
          %dma_wait3A_290 = arith.constant 0 : i32
          %dma_wait3A_291 = arith.constant 0 : i32
          %dma_wait3A_292 = tpu.memref_slice %arg2[%dma_wait3A_290, %dma_wait3A_291] : memref<2609152x16xbf16, #tpu.memory_space<hbm>> -> memref<2609152x16xbf16, #tpu.memory_space<hbm>>
          tpu.wait_indirect_dma semaphore(%run_scoped3A_264 : memref<!tpu.dma_semaphore, #tpu.memory_space<semaphore_mem>>) src(%dma_wait3A_292 : memref<2609152x16xbf16, #tpu.memory_space<hbm>>) dst(%dma_wait3A_282 : memref<128x16xbf16, #tpu.memory_space<vmem>>)
          tpu.yield
        }) : () -> ()
        "tpu.trace_stop"() : () -> ()
        %ne3A_199 = arith.cmpi ne, %add3A_131, %add3A_149 : i32
        %or3A_200 = arith.constant false
        %or3A_201 = arith.ori %or3A_200, %ne3A_199 : i1
        %or3A_202 = arith.ori %or3A_201, %eq3A_130 : i1
        %convert_element_type3A_203 = arith.extui %or3A_202 : i1 to i32
        %cond3A_204 = arith.constant 0 : i32
        %cond3A_205 = arith.cmpi ne, %convert_element_type3A_203, %cond3A_204 : i32
        scf.if %cond3A_205 {
        } else {
        }
        %and3A_206 = arith.constant false
        %and3A_207 = arith.andi %or3A_202, %and3A_206 : i1
        %ne3A_208 = arith.cmpi ne, %add3A_131, %add3A_149 : i32
        %or3A_209 = arith.constant false
        %or3A_210 = arith.ori %or3A_209, %ne3A_208 : i1
        %or3A_211 = arith.constant false
        %or3A_212 = arith.ori %or3A_210, %or3A_211 : i1
        %or3A_213 = arith.ori %or3A_212, %eq3A_130 : i1
        %convert_element_type3A_214 = arith.extui %or3A_213 : i1 to i32
        %cond3A_215 = arith.constant 0 : i32
        %cond3A_216 = arith.cmpi ne, %convert_element_type3A_214, %cond3A_215 : i32
        scf.if %cond3A_216 {
          "tpu.trace_start"() <{level = 10 : i32, message = "ep_copy_out"}> : () -> ()
          %rem3A_264 = arith.constant 2 : i32
          %rem3A_265 = arith.remui %scan3A_124, %rem3A_264 : i32
          %mul3A_266 = arith.constant 128 : i32
          %mul3A_267 = arith.muli %mul3A_266, %add3A_131 : i32
          %dma_start3A_268 = arith.constant 0 : i32
          %dma_start3A_269 = arith.constant 0 : i32
          %dma_start3A_270 = tpu.memref_slice %run_scoped3A_8[%rem3A_265, %dma_start3A_268, %dma_start3A_269] : memref<2x128x16xbf16, #tpu.memory_space<vmem>> -> memref<1x128x16xbf16, #tpu.memory_space<vmem>>
          %dma_start3A_271 = tpu.memref_squeeze %dma_start3A_270 : memref<1x128x16xbf16, #tpu.memory_space<vmem>> -> memref<128x16xbf16, #tpu.memory_space<vmem>>
          %dma_start3A_272 = arith.constant 0 : i32
          %dma_start3A_273 = tpu.memref_slice %arg4[%mul3A_267, %dma_start3A_272] : memref<131072x16xbf16, #tpu.memory_space<hbm>> -> memref<128x16xbf16, #tpu.memory_space<hbm>>
          %dma_start3A_274 = tpu.memref_slice %run_scoped3A_9[%rem3A_265] : memref<2x!tpu.dma_semaphore, #tpu.memory_space<semaphore_mem>> -> memref<1x!tpu.dma_semaphore, #tpu.memory_space<semaphore_mem>>
          %dma_start3A_275 = tpu.memref_squeeze %dma_start3A_274 : memref<1x!tpu.dma_semaphore, #tpu.memory_space<semaphore_mem>> -> memref<!tpu.dma_semaphore, #tpu.memory_space<semaphore_mem>>
          %dma_start3A_276 = arith.constant 0 : i32
          %dma_start3A_277 = tpu.memref_slice %arg4[%mul3A_267, %dma_start3A_276] : memref<131072x16xbf16, #tpu.memory_space<hbm>> -> memref<128x16xbf16, #tpu.memory_space<hbm>>
          %dma_start3A_278 = arith.constant 0 : i32
          %dma_start3A_279 = arith.constant 0 : i32
          %dma_start3A_280 = tpu.memref_slice %run_scoped3A_8[%rem3A_265, %dma_start3A_278, %dma_start3A_279] : memref<2x128x16xbf16, #tpu.memory_space<vmem>> -> memref<1x128x16xbf16, #tpu.memory_space<vmem>>
          %dma_start3A_281 = tpu.memref_squeeze %dma_start3A_280 : memref<1x128x16xbf16, #tpu.memory_space<vmem>> -> memref<128x16xbf16, #tpu.memory_space<vmem>>
          tpu.enqueue_dma source(%dma_start3A_281 : memref<128x16xbf16, #tpu.memory_space<vmem>>) target(%dma_start3A_277 : memref<128x16xbf16, #tpu.memory_space<hbm>>) target_semaphore(%dma_start3A_275 : memref<!tpu.dma_semaphore, #tpu.memory_space<semaphore_mem>>)
          "tpu.trace_stop"() : () -> ()
        } else {
        }
        %and3A_217 = arith.constant true
        %and3A_218 = arith.andi %or3A_213, %and3A_217 : i1
        %add3A_219 = arith.constant 1 : i32
        %add3A_220 = arith.addi %scan3A_124, %add3A_219 : i32
        %select_n3A_221 = arith.select %and3A_218, %add3A_220, %scan3A_124 : i32
        %ne3A_222 = arith.cmpi ne, %add3A_131, %add3A_140 : i32
        %or3A_223 = arith.constant false
        %or3A_224 = arith.ori %or3A_223, %ne3A_222 : i1
        %not3A_225 = arith.constant true
        %not3A_226 = arith.xori %eq3A_128, %not3A_225 : i1
        %and3A_227 = arith.andi %or3A_224, %not3A_226 : i1
        %convert_element_type3A_228 = arith.extui %and3A_227 : i1 to i32
        %cond3A_229 = arith.constant 0 : i32
        %cond3A_230 = arith.cmpi ne, %convert_element_type3A_228, %cond3A_229 : i32
        scf.if %cond3A_230 {
        } else {
        }
        %and3A_231 = arith.constant false
        %and3A_232 = arith.andi %and3A_227, %and3A_231 : i1
        %ne3A_233 = arith.cmpi ne, %add3A_131, %add3A_140 : i32
        %or3A_234 = arith.constant false
        %or3A_235 = arith.ori %or3A_234, %ne3A_233 : i1
        %or3A_236 = arith.constant false
        %or3A_237 = arith.ori %or3A_235, %or3A_236 : i1
        %not3A_238 = arith.constant true
        %not3A_239 = arith.xori %eq3A_128, %not3A_238 : i1
        %and3A_240 = arith.andi %or3A_237, %not3A_239 : i1
        %convert_element_type3A_241 = arith.extui %and3A_240 : i1 to i32
        %cond3A_242 = arith.constant 0 : i32
        %cond3A_243 = arith.cmpi ne, %convert_element_type3A_241, %cond3A_242 : i32
        scf.if %cond3A_243 {
          "tpu.trace_start"() <{level = 10 : i32, message = "ep_wait_out"}> : () -> ()
          %rem3A_264 = arith.constant 2 : i32
          %rem3A_265 = arith.remui %scan3A_125, %rem3A_264 : i32
          %mul3A_266 = arith.constant 128 : i32
          %mul3A_267 = arith.muli %mul3A_266, %add3A_140 : i32
          %dma_wait3A_268 = arith.constant 0 : i32
          %dma_wait3A_269 = arith.constant 0 : i32
          %dma_wait3A_270 = tpu.memref_slice %run_scoped3A_8[%rem3A_265, %dma_wait3A_268, %dma_wait3A_269] : memref<2x128x16xbf16, #tpu.memory_space<vmem>> -> memref<1x128x16xbf16, #tpu.memory_space<vmem>>
          %dma_wait3A_271 = tpu.memref_squeeze %dma_wait3A_270 : memref<1x128x16xbf16, #tpu.memory_space<vmem>> -> memref<128x16xbf16, #tpu.memory_space<vmem>>
          %dma_wait3A_272 = arith.constant 0 : i32
          %dma_wait3A_273 = tpu.memref_slice %arg4[%mul3A_267, %dma_wait3A_272] : memref<131072x16xbf16, #tpu.memory_space<hbm>> -> memref<128x16xbf16, #tpu.memory_space<hbm>>
          %dma_wait3A_274 = tpu.memref_slice %run_scoped3A_9[%rem3A_265] : memref<2x!tpu.dma_semaphore, #tpu.memory_space<semaphore_mem>> -> memref<1x!tpu.dma_semaphore, #tpu.memory_space<semaphore_mem>>
          %dma_wait3A_275 = tpu.memref_squeeze %dma_wait3A_274 : memref<1x!tpu.dma_semaphore, #tpu.memory_space<semaphore_mem>> -> memref<!tpu.dma_semaphore, #tpu.memory_space<semaphore_mem>>
          %dma_wait3A_276 = arith.constant 0 : i32
          %dma_wait3A_277 = tpu.memref_slice %arg4[%mul3A_267, %dma_wait3A_276] : memref<131072x16xbf16, #tpu.memory_space<hbm>> -> memref<128x16xbf16, #tpu.memory_space<hbm>>
          %dma_wait3A_278 = arith.constant 0 : i32
          %dma_wait3A_279 = arith.constant 0 : i32
          %dma_wait3A_280 = tpu.memref_slice %run_scoped3A_8[%rem3A_265, %dma_wait3A_278, %dma_wait3A_279] : memref<2x128x16xbf16, #tpu.memory_space<vmem>> -> memref<1x128x16xbf16, #tpu.memory_space<vmem>>
          %dma_wait3A_281 = tpu.memref_squeeze %dma_wait3A_280 : memref<1x128x16xbf16, #tpu.memory_space<vmem>> -> memref<128x16xbf16, #tpu.memory_space<vmem>>
          tpu.wait_dma2 semaphore(%dma_wait3A_275 : memref<!tpu.dma_semaphore, #tpu.memory_space<semaphore_mem>>) src(%dma_wait3A_281 : memref<128x16xbf16, #tpu.memory_space<vmem>>) dst(%dma_wait3A_277 : memref<128x16xbf16, #tpu.memory_space<hbm>>)
          "tpu.trace_stop"() : () -> ()
        } else {
        }
        %and3A_244 = arith.constant true
        %and3A_245 = arith.andi %and3A_240, %and3A_244 : i1
        %add3A_246 = arith.constant 1 : i32
        %add3A_247 = arith.addi %scan3A_125, %add3A_246 : i32
        %select_n3A_248 = arith.select %and3A_245, %add3A_247, %scan3A_125 : i32
        %ne3A_249 = arith.cmpi ne, %add3A_131, %add3A_149 : i32
        %or3A_250 = arith.constant false
        %or3A_251 = arith.ori %or3A_250, %ne3A_249 : i1
        %or3A_252 = arith.ori %or3A_251, %eq3A_130 : i1
        %add3A_253 = arith.constant 1 : i32
        %add3A_254 = arith.addi %scan3A_123, %add3A_253 : i32
        %select_n3A_255 = arith.select %or3A_252, %add3A_254, %scan3A_123 : i32
        %add3A_256 = arith.constant 1 : i32
        %add3A_257 = arith.addi %scan3A_126, %add3A_256 : i32
        %select_n3A_258 = arith.constant true
        %select_n3A_259 = arith.select %select_n3A_258, %add3A_257, %scan3A_126 : i32
        %eq3A_260 = arith.constant 32 : i32
        %eq3A_261 = arith.cmpi eq, %select_n3A_259, %eq3A_260 : i32
        %select_n3A_262 = arith.constant 0 : i32
        %select_n3A_263 = arith.select %eq3A_261, %select_n3A_262, %select_n3A_259 : i32
        scf.yield %select_n3A_167, %select_n3A_255, %select_n3A_221, %select_n3A_248, %select_n3A_263 : i32, i32, i32, i32, i32
      }
      %scan3A_68 = arith.constant 32 : i32
      %sub3A = arith.constant 1 : i32
      %sub3A_69 = arith.subi %scan3A_67#4, %sub3A : i32
      %select_n3A_70 = arith.constant true
      %select_n3A_71 = arith.select %select_n3A_70, %sub3A_69, %scan3A_67#4 : i32
      %eq3A_72 = arith.constant -1 : i32
      %eq3A_73 = arith.cmpi eq, %select_n3A_71, %eq3A_72 : i32
      %select_n3A_74 = arith.constant 31 : i32
      %select_n3A_75 = arith.select %eq3A_73, %select_n3A_74, %select_n3A_71 : i32
      %add3A_76 = arith.addi %select_n3A_75, %mul3A_6 : i32
      %sub3A_77 = arith.constant 1 : i32
      %sub3A_78 = arith.subi %select_n3A_75, %sub3A_77 : i32
      %select_n3A_79 = arith.constant true
      %select_n3A_80 = arith.select %select_n3A_79, %sub3A_78, %select_n3A_75 : i32
      %eq3A_81 = arith.constant -1 : i32
      %eq3A_82 = arith.cmpi eq, %select_n3A_80, %eq3A_81 : i32
      %select_n3A_83 = arith.constant 31 : i32
      %select_n3A_84 = arith.select %eq3A_82, %select_n3A_83, %select_n3A_80 : i32
      %add3A_85 = arith.addi %select_n3A_84, %mul3A_6 : i32
      %add3A_86 = arith.constant 1 : i32
      %add3A_87 = arith.addi %select_n3A_75, %add3A_86 : i32
      %select_n3A_88 = arith.constant true
      %select_n3A_89 = arith.select %select_n3A_88, %add3A_87, %select_n3A_75 : i32
      %eq3A_90 = arith.constant 32 : i32
      %eq3A_91 = arith.cmpi eq, %select_n3A_89, %eq3A_90 : i32
      %select_n3A_92 = arith.constant 0 : i32
      %select_n3A_93 = arith.select %eq3A_91, %select_n3A_92, %select_n3A_89 : i32
      %add3A_94 = arith.addi %select_n3A_93, %mul3A_6 : i32
      %add3A_95 = arith.constant 1 : i32
      %add3A_96 = arith.addi %select_n3A_93, %add3A_95 : i32
      %select_n3A_97 = arith.constant true
      %select_n3A_98 = arith.select %select_n3A_97, %add3A_96, %select_n3A_93 : i32
      %eq3A_99 = arith.constant 32 : i32
      %eq3A_100 = arith.cmpi eq, %select_n3A_98, %eq3A_99 : i32
      %select_n3A_101 = arith.constant 0 : i32
      %select_n3A_102 = arith.select %eq3A_100, %select_n3A_101, %select_n3A_98 : i32
      %add3A_103 = arith.addi %select_n3A_102, %mul3A_6 : i32
      "tpu.trace_start"() <{level = 10 : i32, message = "ep_finalize"}> : () -> ()
      %rem3A_104 = arith.constant 2 : i32
      %rem3A_105 = arith.remui %scan3A_67#3, %rem3A_104 : i32
      %mul3A_106 = arith.constant 128 : i32
      %mul3A_107 = arith.muli %mul3A_106, %add3A_76 : i32
      %dma_wait3A = arith.constant 0 : i32
      %dma_wait3A_108 = arith.constant 0 : i32
      %dma_wait3A_109 = tpu.memref_slice %run_scoped3A_8[%rem3A_105, %dma_wait3A, %dma_wait3A_108] : memref<2x128x16xbf16, #tpu.memory_space<vmem>> -> memref<1x128x16xbf16, #tpu.memory_space<vmem>>
      %dma_wait3A_110 = tpu.memref_squeeze %dma_wait3A_109 : memref<1x128x16xbf16, #tpu.memory_space<vmem>> -> memref<128x16xbf16, #tpu.memory_space<vmem>>
      %dma_wait3A_111 = arith.constant 0 : i32
      %dma_wait3A_112 = tpu.memref_slice %arg4[%mul3A_107, %dma_wait3A_111] : memref<131072x16xbf16, #tpu.memory_space<hbm>> -> memref<128x16xbf16, #tpu.memory_space<hbm>>
      %dma_wait3A_113 = tpu.memref_slice %run_scoped3A_9[%rem3A_105] : memref<2x!tpu.dma_semaphore, #tpu.memory_space<semaphore_mem>> -> memref<1x!tpu.dma_semaphore, #tpu.memory_space<semaphore_mem>>
      %dma_wait3A_114 = tpu.memref_squeeze %dma_wait3A_113 : memref<1x!tpu.dma_semaphore, #tpu.memory_space<semaphore_mem>> -> memref<!tpu.dma_semaphore, #tpu.memory_space<semaphore_mem>>
      %dma_wait3A_115 = arith.constant 0 : i32
      %dma_wait3A_116 = tpu.memref_slice %arg4[%mul3A_107, %dma_wait3A_115] : memref<131072x16xbf16, #tpu.memory_space<hbm>> -> memref<128x16xbf16, #tpu.memory_space<hbm>>
      %dma_wait3A_117 = arith.constant 0 : i32
      %dma_wait3A_118 = arith.constant 0 : i32
      %dma_wait3A_119 = tpu.memref_slice %run_scoped3A_8[%rem3A_105, %dma_wait3A_117, %dma_wait3A_118] : memref<2x128x16xbf16, #tpu.memory_space<vmem>> -> memref<1x128x16xbf16, #tpu.memory_space<vmem>>
      %dma_wait3A_120 = tpu.memref_squeeze %dma_wait3A_119 : memref<1x128x16xbf16, #tpu.memory_space<vmem>> -> memref<128x16xbf16, #tpu.memory_space<vmem>>
      tpu.wait_dma2 semaphore(%dma_wait3A_114 : memref<!tpu.dma_semaphore, #tpu.memory_space<semaphore_mem>>) src(%dma_wait3A_120 : memref<128x16xbf16, #tpu.memory_space<vmem>>) dst(%dma_wait3A_116 : memref<128x16xbf16, #tpu.memory_space<hbm>>)
      "tpu.trace_stop"() : () -> ()
      tpu.yield
    }) : () -> ()
    return
  }
}

#map = affine_map<(d0, d1) -> (0, 0)>
module attributes {stable_mosaic.version = 14 : i64} {
  func.func @k(%arg0: i32, %arg1: i32, %arg2: memref<2609152x16xbf16, #tpu.memory_space<hbm>>, %arg3: memref<1x131072xi32, #tpu.memory_space<hbm>>, %arg4: memref<131072x16xbf16, #tpu.memory_space<hbm>>) attributes {dimension_semantics = [#tpu.dimension_semantics<core_parallel>, #tpu.dimension_semantics<subcore_parallel>], iteration_bounds = array<i64: 2, 16>, scalar_prefetch = 0 : i64, scratch_operands = 0 : i64, tpu.core_type = #tpu.core_type<sc_vector_subcore>, window_params = [{transform_indices = #map}, {transform_indices = #map}, {transform_indices = #map}]} {
    %mul3A = arith.constant 1 : i32
    %mul3A_0 = arith.muli %arg1, %mul3A : i32
    %add3A = arith.constant 0 : i32
    %add3A_1 = arith.addi %add3A, %mul3A_0 : i32
    %mul3A_2 = arith.constant 16 : i32
    %mul3A_3 = arith.muli %arg0, %mul3A_2 : i32
    %add3A_4 = arith.addi %add3A_1, %mul3A_3 : i32
    %mul3A_5 = arith.constant 32 : i32
    %mul3A_6 = arith.muli %add3A_4, %mul3A_5 : i32
    "tpu.region"() ({
      %run_scoped3A = memref.alloca() : memref<2x1x128xi32, #tpu.memory_space<vmem>>
      %run_scoped3A_7 = tpu.sem_alloc : memref<2x!tpu.dma_semaphore, #tpu.memory_space<semaphore_mem>>
      %run_scoped3A_8 = memref.alloca() : memref<2x128x16xbf16, #tpu.memory_space<vmem>>
      %run_scoped3A_9 = tpu.sem_alloc : memref<2x!tpu.dma_semaphore, #tpu.memory_space<semaphore_mem>>
      %add3A_10 = arith.constant 0 : i32
      %add3A_11 = arith.addi %add3A_10, %mul3A_6 : i32
      %select_n3A = arith.constant true
      %select_n3A_12 = arith.constant 0 : i32
      %select_n3A_13 = arith.constant -1 : i32
      %select_n3A_14 = arith.select %select_n3A, %select_n3A_13, %select_n3A_12 : i32
      %eq3A = arith.constant -1 : i32
      %eq3A_15 = arith.cmpi eq, %select_n3A_14, %eq3A : i32
      %select_n3A_16 = arith.constant 31 : i32
      %select_n3A_17 = arith.select %eq3A_15, %select_n3A_16, %select_n3A_14 : i32
      %add3A_18 = arith.addi %select_n3A_17, %mul3A_6 : i32
      %select_n3A_19 = arith.constant true
      %select_n3A_20 = arith.constant 0 : i32
      %select_n3A_21 = arith.constant 1 : i32
      %select_n3A_22 = arith.select %select_n3A_19, %select_n3A_21, %select_n3A_20 : i32
      %eq3A_23 = arith.constant 32 : i32
      %eq3A_24 = arith.cmpi eq, %select_n3A_22, %eq3A_23 : i32
      %select_n3A_25 = arith.constant 0 : i32
      %select_n3A_26 = arith.select %eq3A_24, %select_n3A_25, %select_n3A_22 : i32
      %add3A_27 = arith.addi %select_n3A_26, %mul3A_6 : i32
      %add3A_28 = arith.constant 1 : i32
      %add3A_29 = arith.addi %select_n3A_26, %add3A_28 : i32
      %select_n3A_30 = arith.constant true
      %select_n3A_31 = arith.select %select_n3A_30, %add3A_29, %select_n3A_26 : i32
      %eq3A_32 = arith.constant 32 : i32
      %eq3A_33 = arith.cmpi eq, %select_n3A_31, %eq3A_32 : i32
      %select_n3A_34 = arith.constant 0 : i32
      %select_n3A_35 = arith.select %eq3A_33, %select_n3A_34, %select_n3A_31 : i32
      %add3A_36 = arith.addi %select_n3A_35, %mul3A_6 : i32
      "tpu.trace_start"() <{level = 10 : i32, message = "ep_initialize_0"}> : () -> ()
      %rem3A = arith.constant 0 : i32
      %rem3A_37 = arith.constant 2 : i32
      %rem3A_38 = arith.remui %rem3A, %rem3A_37 : i32
      %mul3A_39 = arith.constant 128 : i32
      %mul3A_40 = arith.muli %mul3A_39, %add3A_11 : i32
      %dma_start3A = arith.constant 0 : i32
      %dma_start3A_41 = arith.constant 0 : i32
      %dma_start3A_42 = tpu.memref_slice %run_scoped3A[%rem3A_38, %dma_start3A, %dma_start3A_41] : memref<2x1x128xi32, #tpu.memory_space<vmem>> -> memref<1x1x128xi32, #tpu.memory_space<vmem>>
      %dma_start3A_43 = tpu.memref_squeeze %dma_start3A_42 : memref<1x1x128xi32, #tpu.memory_space<vmem>> -> memref<1x128xi32, #tpu.memory_space<vmem>>
      %dma_start3A_44 = arith.constant 0 : i32
      %dma_start3A_45 = tpu.memref_slice %arg3[%dma_start3A_44, %mul3A_40] : memref<1x131072xi32, #tpu.memory_space<hbm>> -> memref<1x128xi32, #tpu.memory_space<hbm>>
      %dma_start3A_46 = tpu.memref_slice %run_scoped3A_7[%rem3A_38] : memref<2x!tpu.dma_semaphore, #tpu.memory_space<semaphore_mem>> -> memref<1x!tpu.dma_semaphore, #tpu.memory_space<semaphore_mem>>
      %dma_start3A_47 = tpu.memref_squeeze %dma_start3A_46 : memref<1x!tpu.dma_semaphore, #tpu.memory_space<semaphore_mem>> -> memref<!tpu.dma_semaphore, #tpu.memory_space<semaphore_mem>>
      %dma_start3A_48 = arith.constant 0 : i32
      %dma_start3A_49 = arith.constant 0 : i32
      %dma_start3A_50 = tpu.memref_slice %run_scoped3A[%rem3A_38, %dma_start3A_48, %dma_start3A_49] : memref<2x1x128xi32, #tpu.memory_space<vmem>> -> memref<1x1x128xi32, #tpu.memory_space<vmem>>
      %dma_start3A_51 = tpu.memref_squeeze %dma_start3A_50 : memref<1x1x128xi32, #tpu.memory_space<vmem>> -> memref<1x128xi32, #tpu.memory_space<vmem>>
      %dma_start3A_52 = arith.constant 0 : i32
      %dma_start3A_53 = tpu.memref_slice %arg3[%dma_start3A_52, %mul3A_40] : memref<1x131072xi32, #tpu.memory_space<hbm>> -> memref<1x128xi32, #tpu.memory_space<hbm>>
      tpu.enqueue_dma source(%dma_start3A_53 : memref<1x128xi32, #tpu.memory_space<hbm>>) target(%dma_start3A_51 : memref<1x128xi32, #tpu.memory_space<vmem>>) target_semaphore(%dma_start3A_47 : memref<!tpu.dma_semaphore, #tpu.memory_space<semaphore_mem>>)
      %add3A_54 = arith.constant 0 : i32
      %add3A_55 = arith.constant 1 : i32
      %add3A_56 = arith.addi %add3A_54, %add3A_55 : i32
      %select_n3A_57 = arith.constant true
      %select_n3A_58 = arith.constant 0 : i32
      %select_n3A_59 = arith.select %select_n3A_57, %add3A_56, %select_n3A_58 : i32
      "tpu.trace_stop"() : () -> ()
      %scan3A = arith.constant 0 : i32
      %scan3A_60 = arith.constant 0 : i32
      %scan3A_61 = arith.constant 0 : i32
      %scan3A_62 = arith.constant 0 : i32
      %scan3A_63 = arith.constant 0 : i32
      %scan3A_64 = arith.constant 32 : i32
      %scan3A_65 = arith.addi %scan3A_63, %scan3A_64 : i32
      %scan3A_66 = arith.constant 1 : i32
      %scan3A_67:5 = scf.for %scan3A_121 = %scan3A_63 to %scan3A_65 step %scan3A_66 iter_args(%scan3A_122 = %select_n3A_59, %scan3A_123 = %scan3A, %scan3A_124 = %scan3A_60, %scan3A_125 = %scan3A_61, %scan3A_126 = %scan3A_62) -> (i32, i32, i32, i32, i32)  : i32 {
        %eq3A_127 = arith.constant 0 : i32
        %eq3A_128 = arith.cmpi eq, %scan3A_121, %eq3A_127 : i32
        %eq3A_129 = arith.constant 31 : i32
        %eq3A_130 = arith.cmpi eq, %scan3A_121, %eq3A_129 : i32
        %add3A_131 = arith.addi %scan3A_126, %mul3A_6 : i32
        %sub3A_132 = arith.constant 1 : i32
        %sub3A_133 = arith.subi %scan3A_126, %sub3A_132 : i32
        %select_n3A_134 = arith.constant true
        %select_n3A_135 = arith.select %select_n3A_134, %sub3A_133, %scan3A_126 : i32
        %eq3A_136 = arith.constant -1 : i32
        %eq3A_137 = arith.cmpi eq, %select_n3A_135, %eq3A_136 : i32
        %select_n3A_138 = arith.constant 31 : i32
        %select_n3A_139 = arith.select %eq3A_137, %select_n3A_138, %select_n3A_135 : i32
        %add3A_140 = arith.addi %select_n3A_139, %mul3A_6 : i32
        %add3A_141 = arith.constant 1 : i32
        %add3A_142 = arith.addi %scan3A_126, %add3A_141 : i32
        %select_n3A_143 = arith.constant true
        %select_n3A_144 = arith.select %select_n3A_143, %add3A_142, %scan3A_126 : i32
        %eq3A_145 = arith.constant 32 : i32
        %eq3A_146 = arith.cmpi eq, %select_n3A_144, %eq3A_145 : i32
        %select_n3A_147 = arith.constant 0 : i32
        %select_n3A_148 = arith.select %eq3A_146, %select_n3A_147, %select_n3A_144 : i32
        %add3A_149 = arith.addi %select_n3A_148, %mul3A_6 : i32
        %add3A_150 = arith.constant 1 : i32
        %add3A_151 = arith.addi %select_n3A_148, %add3A_150 : i32
        %select_n3A_152 = arith.constant true
        %select_n3A_153 = arith.select %select_n3A_152, %add3A_151, %select_n3A_148 : i32
        %eq3A_154 = arith.constant 32 : i32
        %eq3A_155 = arith.cmpi eq, %select_n3A_153, %eq3A_154 : i32
        %select_n3A_156 = arith.constant 0 : i32
        %select_n3A_157 = arith.select %eq3A_155, %select_n3A_156, %select_n3A_153 : i32
        %add3A_158 = arith.addi %select_n3A_157, %mul3A_6 : i32
        %ne3A = arith.cmpi ne, %add3A_131, %add3A_149 : i32
        %or3A = arith.constant false
        %or3A_159 = arith.ori %or3A, %ne3A : i1
        %ge3A = arith.constant 31 : i32
        %ge3A_160 = arith.cmpi sge, %scan3A_121, %ge3A : i32
        %not3A = arith.constant true
        %not3A_161 = arith.xori %ge3A_160, %not3A : i1
        %and3A = arith.andi %or3A_159, %not3A_161 : i1
        %convert_element_type3A = arith.extui %and3A : i1 to i32
        %cond3A = arith.constant 0 : i32
        %cond3A_162 = arith.cmpi ne, %convert_element_type3A, %cond3A : i32
        scf.if %cond3A_162 {
          "tpu.trace_start"() <{level = 10 : i32, message = "ep_copy_in"}> : () -> ()
          %rem3A_264 = arith.constant 2 : i32
          %rem3A_265 = arith.remui %scan3A_122, %rem3A_264 : i32
          %mul3A_266 = arith.constant 128 : i32
          %mul3A_267 = arith.muli %mul3A_266, %add3A_149 : i32
          %dma_start3A_268 = arith.constant 0 : i32
          %dma_start3A_269 = arith.constant 0 : i32
          %dma_start3A_270 = tpu.memref_slice %run_scoped3A[%rem3A_265, %dma_start3A_268, %dma_start3A_269] : memref<2x1x128xi32, #tpu.memory_space<vmem>> -> memref<1x1x128xi32, #tpu.memory_space<vmem>>
          %dma_start3A_271 = tpu.memref_squeeze %dma_start3A_270 : memref<1x1x128xi32, #tpu.memory_space<vmem>> -> memref<1x128xi32, #tpu.memory_space<vmem>>
          %dma_start3A_272 = arith.constant 0 : i32
          %dma_start3A_273 = tpu.memref_slice %arg3[%dma_start3A_272, %mul3A_267] : memref<1x131072xi32, #tpu.memory_space<hbm>> -> memref<1x128xi32, #tpu.memory_space<hbm>>
          %dma_start3A_274 = tpu.memref_slice %run_scoped3A_7[%rem3A_265] : memref<2x!tpu.dma_semaphore, #tpu.memory_space<semaphore_mem>> -> memref<1x!tpu.dma_semaphore, #tpu.memory_space<semaphore_mem>>
          %dma_start3A_275 = tpu.memref_squeeze %dma_start3A_274 : memref<1x!tpu.dma_semaphore, #tpu.memory_space<semaphore_mem>> -> memref<!tpu.dma_semaphore, #tpu.memory_space<semaphore_mem>>
          %dma_start3A_276 = arith.constant 0 : i32
          %dma_start3A_277 = arith.constant 0 : i32
          %dma_start3A_278 = tpu.memref_slice %run_scoped3A[%rem3A_265, %dma_start3A_276, %dma_start3A_277] : memref<2x1x128xi32, #tpu.memory_space<vmem>> -> memref<1x1x128xi32, #tpu.memory_space<vmem>>
          %dma_start3A_279 = tpu.memref_squeeze %dma_start3A_278 : memref<1x1x128xi32, #tpu.memory_space<vmem>> -> memref<1x128xi32, #tpu.memory_space<vmem>>
          %dma_start3A_280 = arith.constant 0 : i32
          %dma_start3A_281 = tpu.memref_slice %arg3[%dma_start3A_280, %mul3A_267] : memref<1x131072xi32, #tpu.memory_space<hbm>> -> memref<1x128xi32, #tpu.memory_space<hbm>>
          tpu.enqueue_dma source(%dma_start3A_281 : memref<1x128xi32, #tpu.memory_space<hbm>>) target(%dma_start3A_279 : memref<1x128xi32, #tpu.memory_space<vmem>>) target_semaphore(%dma_start3A_275 : memref<!tpu.dma_semaphore, #tpu.memory_space<semaphore_mem>>)
          "tpu.trace_stop"() : () -> ()
        } else {
        }
        %and3A_163 = arith.constant true
        %and3A_164 = arith.andi %and3A, %and3A_163 : i1
        %add3A_165 = arith.constant 1 : i32
        %add3A_166 = arith.addi %scan3A_122, %add3A_165 : i32
        %select_n3A_167 = arith.select %and3A_164, %add3A_166, %scan3A_122 : i32
        %ne3A_168 = arith.cmpi ne, %add3A_131, %add3A_149 : i32
        %or3A_169 = arith.constant false
        %or3A_170 = arith.ori %or3A_169, %ne3A_168 : i1
        %or3A_171 = arith.constant false
        %or3A_172 = arith.ori %or3A_170, %or3A_171 : i1
        %ge3A_173 = arith.constant 31 : i32
        %ge3A_174 = arith.cmpi sge, %scan3A_121, %ge3A_173 : i32
        %not3A_175 = arith.constant true
        %not3A_176 = arith.xori %ge3A_174, %not3A_175 : i1
        %and3A_177 = arith.andi %or3A_172, %not3A_176 : i1
        %ne3A_178 = arith.cmpi ne, %add3A_131, %add3A_140 : i32
        %or3A_179 = arith.constant false
        %or3A_180 = arith.ori %or3A_179, %ne3A_178 : i1
        %or3A_181 = arith.ori %or3A_180, %eq3A_128 : i1
        %convert_element_type3A_182 = arith.extui %or3A_181 : i1 to i32
        %cond3A_183 = arith.constant 0 : i32
        %cond3A_184 = arith.cmpi ne, %convert_element_type3A_182, %cond3A_183 : i32
        scf.if %cond3A_184 {
          "tpu.trace_start"() <{level = 10 : i32, message = "ep_wait_in"}> : () -> ()
          %mul3A_264 = arith.constant 128 : i32
          %mul3A_265 = arith.muli %mul3A_264, %add3A_131 : i32
          %rem3A_266 = arith.constant 2 : i32
          %rem3A_267 = arith.remui %scan3A_123, %rem3A_266 : i32
          %dma_wait3A_268 = arith.constant 0 : i32
          %dma_wait3A_269 = arith.constant 0 : i32
          %dma_wait3A_270 = tpu.memref_slice %run_scoped3A[%rem3A_267, %dma_wait3A_268, %dma_wait3A_269] : memref<2x1x128xi32, #tpu.memory_space<vmem>> -> memref<1x1x128xi32, #tpu.memory_space<vmem>>
          %dma_wait3A_271 = tpu.memref_squeeze %dma_wait3A_270 : memref<1x1x128xi32, #tpu.memory_space<vmem>> -> memref<1x128xi32, #tpu.memory_space<vmem>>
          %dma_wait3A_272 = arith.constant 0 : i32
          %dma_wait3A_273 = tpu.memref_slice %arg3[%dma_wait3A_272, %mul3A_265] : memref<1x131072xi32, #tpu.memory_space<hbm>> -> memref<1x128xi32, #tpu.memory_space<hbm>>
          %dma_wait3A_274 = tpu.memref_slice %run_scoped3A_7[%rem3A_267] : memref<2x!tpu.dma_semaphore, #tpu.memory_space<semaphore_mem>> -> memref<1x!tpu.dma_semaphore, #tpu.memory_space<semaphore_mem>>
          %dma_wait3A_275 = tpu.memref_squeeze %dma_wait3A_274 : memref<1x!tpu.dma_semaphore, #tpu.memory_space<semaphore_mem>> -> memref<!tpu.dma_semaphore, #tpu.memory_space<semaphore_mem>>
          %dma_wait3A_276 = arith.constant 0 : i32
          %dma_wait3A_277 = arith.constant 0 : i32
          %dma_wait3A_278 = tpu.memref_slice %run_scoped3A[%rem3A_267, %dma_wait3A_276, %dma_wait3A_277] : memref<2x1x128xi32, #tpu.memory_space<vmem>> -> memref<1x1x128xi32, #tpu.memory_space<vmem>>
          %dma_wait3A_279 = tpu.memref_squeeze %dma_wait3A_278 : memref<1x1x128xi32, #tpu.memory_space<vmem>> -> memref<1x128xi32, #tpu.memory_space<vmem>>
          %dma_wait3A_280 = arith.constant 0 : i32
          %dma_wait3A_281 = tpu.memref_slice %arg3[%dma_wait3A_280, %mul3A_265] : memref<1x131072xi32, #tpu.memory_space<hbm>> -> memref<1x128xi32, #tpu.memory_space<hbm>>
          tpu.wait_dma2 semaphore(%dma_wait3A_275 : memref<!tpu.dma_semaphore, #tpu.memory_space<semaphore_mem>>) src(%dma_wait3A_281 : memref<1x128xi32, #tpu.memory_space<hbm>>) dst(%dma_wait3A_279 : memref<1x128xi32, #tpu.memory_space<vmem>>)
          "tpu.trace_stop"() : () -> ()
        } else {
        }
        %ne3A_185 = arith.cmpi ne, %add3A_131, %add3A_140 : i32
        %or3A_186 = arith.constant false
        %or3A_187 = arith.ori %or3A_186, %ne3A_185 : i1
        %or3A_188 = arith.constant false
        %or3A_189 = arith.ori %or3A_187, %or3A_188 : i1
        %or3A_190 = arith.ori %or3A_189, %eq3A_128 : i1
        %convert_element_type3A_191 = arith.extui %or3A_190 : i1 to i32
        %cond3A_192 = arith.constant 0 : i32
        %cond3A_193 = arith.cmpi ne, %convert_element_type3A_191, %cond3A_192 : i32
        scf.if %cond3A_193 {
        } else {
        }
        %rem3A_194 = arith.constant 2 : i32
        %rem3A_195 = arith.remui %scan3A_123, %rem3A_194 : i32
        %rem3A_196 = arith.constant 2 : i32
        %rem3A_197 = arith.remui %scan3A_124, %rem3A_196 : i32
        %run_scoped3A_198 = arith.constant 0 : i32
        "tpu.trace_start"() <{level = 10 : i32, message = "ep_run_kernel"}> : () -> ()
        "tpu.region"() ({
          %run_scoped3A_264 = tpu.sem_alloc : memref<!tpu.dma_semaphore, #tpu.memory_space<semaphore_mem>>
          %dma_start3A_265 = arith.constant 0 : i32
          %dma_start3A_266 = arith.constant 0 : i32
          %dma_start3A_267 = tpu.memref_slice %run_scoped3A_8[%rem3A_197, %dma_start3A_265, %dma_start3A_266] : memref<2x128x16xbf16, #tpu.memory_space<vmem>> -> memref<1x128x16xbf16, #tpu.memory_space<vmem>>
          %dma_start3A_268 = tpu.memref_squeeze %dma_start3A_267 : memref<1x128x16xbf16, #tpu.memory_space<vmem>> -> memref<128x16xbf16, #tpu.memory_space<vmem>>
          %dma_start3A_269 = arith.constant 0 : i32
          %dma_start3A_270 = arith.constant 0 : i32
          %dma_start3A_271 = tpu.memref_slice %run_scoped3A[%rem3A_195, %dma_start3A_269, %dma_start3A_270] : memref<2x1x128xi32, #tpu.memory_space<vmem>> -> memref<1x1x128xi32, #tpu.memory_space<vmem>>
          %dma_start3A_272 = tpu.memref_squeeze %dma_start3A_271 : memref<1x1x128xi32, #tpu.memory_space<vmem>> -> memref<1x128xi32, #tpu.memory_space<vmem>>
          %dma_start3A_273 = arith.constant 0 : i32
          %dma_start3A_274 = tpu.memref_slice %dma_start3A_272[%run_scoped3A_198, %dma_start3A_273] : memref<1x128xi32, #tpu.memory_space<vmem>> -> memref<1x128xi32, #tpu.memory_space<vmem>>
          %dma_start3A_275 = tpu.memref_squeeze %dma_start3A_274 : memref<1x128xi32, #tpu.memory_space<vmem>> -> memref<128xi32, #tpu.memory_space<vmem>>
          %dma_start3A_276 = arith.constant 0 : i32
          %dma_start3A_277 = arith.constant 0 : i32
          %dma_start3A_278 = tpu.memref_slice %arg2[%dma_start3A_276, %dma_start3A_277] : memref<2609152x16xbf16, #tpu.memory_space<hbm>> -> memref<2609152x16xbf16, #tpu.memory_space<hbm>>
          tpu.enqueue_indirect_dma source(%dma_start3A_278 : memref<2609152x16xbf16, #tpu.memory_space<hbm>>) target(%dma_start3A_268 : memref<128x16xbf16, #tpu.memory_space<vmem>>) offsets(%dma_start3A_275 : memref<128xi32, #tpu.memory_space<vmem>>) semaphore(%run_scoped3A_264 : memref<!tpu.dma_semaphore, #tpu.memory_space<semaphore_mem>>)
          %dma_wait3A_279 = arith.constant 0 : i32
          %dma_wait3A_280 = arith.constant 0 : i32
          %dma_wait3A_281 = tpu.memref_slice %run_scoped3A_8[%rem3A_197, %dma_wait3A_279, %dma_wait3A_280] : memref<2x128x16xbf16, #tpu.memory_space<vmem>> -> memref<1x128x16xbf16, #tpu.memory_space<vmem>>
          %dma_wait3A_282 = tpu.memref_squeeze %dma_wait3A_281 : memref<1x128x16xbf16, #tpu.memory_space<vmem>> -> memref<128x16xbf16, #tpu.memory_space<vmem>>
          %dma_wait3A_283 = arith.constant 0 : i32
          %dma_wait3A_284 = arith.constant 0 : i32
          %dma_wait3A_285 = tpu.memref_slice %run_scoped3A[%rem3A_195, %dma_wait3A_283, %dma_wait3A_284] : memref<2x1x128xi32, #tpu.memory_space<vmem>> -> memref<1x1x128xi32, #tpu.memory_space<vmem>>
          %dma_wait3A_286 = tpu.memref_squeeze %dma_wait3A_285 : memref<1x1x128xi32, #tpu.memory_space<vmem>> -> memref<1x128xi32, #tpu.memory_space<vmem>>
          %dma_wait3A_287 = arith.constant 0 : i32
          %dma_wait3A_288 = tpu.memref_slice %dma_wait3A_286[%run_scoped3A_198, %dma_wait3A_287] : memref<1x128xi32, #tpu.memory_space<vmem>> -> memref<1x128xi32, #tpu.memory_space<vmem>>
          %dma_wait3A_289 = tpu.memref_squeeze %dma_wait3A_288 : memref<1x128xi32, #tpu.memory_space<vmem>> -> memref<128xi32, #tpu.memory_space<vmem>>
          %dma_wait3A_290 = arith.constant 0 : i32
          %dma_wait3A_291 = arith.constant 0 : i32
          %dma_wait3A_292 = tpu.memref_slice %arg2[%dma_wait3A_290, %dma_wait3A_291] : memref<2609152x16xbf16, #tpu.memory_space<hbm>> -> memref<2609152x16xbf16, #tpu.memory_space<hbm>>
          tpu.wait_indirect_dma semaphore(%run_scoped3A_264 : memref<!tpu.dma_semaphore, #tpu.memory_space<semaphore_mem>>) src(%dma_wait3A_292 : memref<2609152x16xbf16, #tpu.memory_space<hbm>>) dst(%dma_wait3A_282 : memref<128x16xbf16, #tpu.memory_space<vmem>>)
          tpu.yield
        }) : () -> ()
        "tpu.trace_stop"() : () -> ()
        %ne3A_199 = arith.cmpi ne, %add3A_131, %add3A_149 : i32
        %or3A_200 = arith.constant false
        %or3A_201 = arith.ori %or3A_200, %ne3A_199 : i1
        %or3A_202 = arith.ori %or3A_201, %eq3A_130 : i1
        %convert_element_type3A_203 = arith.extui %or3A_202 : i1 to i32
        %cond3A_204 = arith.constant 0 : i32
        %cond3A_205 = arith.cmpi ne, %convert_element_type3A_203, %cond3A_204 : i32
        scf.if %cond3A_205 {
        } else {
        }
        %and3A_206 = arith.constant false
        %and3A_207 = arith.andi %or3A_202, %and3A_206 : i1
        %ne3A_208 = arith.cmpi ne, %add3A_131, %add3A_149 : i32
        %or3A_209 = arith.constant false
        %or3A_210 = arith.ori %or3A_209, %ne3A_208 : i1
        %or3A_211 = arith.constant false
        %or3A_212 = arith.ori %or3A_210, %or3A_211 : i1
        %or3A_213 = arith.ori %or3A_212, %eq3A_130 : i1
        %convert_element_type3A_214 = arith.extui %or3A_213 : i1 to i32
        %cond3A_215 = arith.constant 0 : i32
        %cond3A_216 = arith.cmpi ne, %convert_element_type3A_214, %cond3A_215 : i32
        scf.if %cond3A_216 {
          "tpu.trace_start"() <{level = 10 : i32, message = "ep_copy_out"}> : () -> ()
          %rem3A_264 = arith.constant 2 : i32
          %rem3A_265 = arith.remui %scan3A_124, %rem3A_264 : i32
          %mul3A_266 = arith.constant 128 : i32
          %mul3A_267 = arith.muli %mul3A_266, %add3A_131 : i32
          %dma_start3A_268 = arith.constant 0 : i32
          %dma_start3A_269 = arith.constant 0 : i32
          %dma_start3A_270 = tpu.memref_slice %run_scoped3A_8[%rem3A_265, %dma_start3A_268, %dma_start3A_269] : memref<2x128x16xbf16, #tpu.memory_space<vmem>> -> memref<1x128x16xbf16, #tpu.memory_space<vmem>>
          %dma_start3A_271 = tpu.memref_squeeze %dma_start3A_270 : memref<1x128x16xbf16, #tpu.memory_space<vmem>> -> memref<128x16xbf16, #tpu.memory_space<vmem>>
          %dma_start3A_272 = arith.constant 0 : i32
          %dma_start3A_273 = tpu.memref_slice %arg4[%mul3A_267, %dma_start3A_272] : memref<131072x16xbf16, #tpu.memory_space<hbm>> -> memref<128x16xbf16, #tpu.memory_space<hbm>>
          %dma_start3A_274 = tpu.memref_slice %run_scoped3A_9[%rem3A_265] : memref<2x!tpu.dma_semaphore, #tpu.memory_space<semaphore_mem>> -> memref<1x!tpu.dma_semaphore, #tpu.memory_space<semaphore_mem>>
          %dma_start3A_275 = tpu.memref_squeeze %dma_start3A_274 : memref<1x!tpu.dma_semaphore, #tpu.memory_space<semaphore_mem>> -> memref<!tpu.dma_semaphore, #tpu.memory_space<semaphore_mem>>
          %dma_start3A_276 = arith.constant 0 : i32
          %dma_start3A_277 = tpu.memref_slice %arg4[%mul3A_267, %dma_start3A_276] : memref<131072x16xbf16, #tpu.memory_space<hbm>> -> memref<128x16xbf16, #tpu.memory_space<hbm>>
          %dma_start3A_278 = arith.constant 0 : i32
          %dma_start3A_279 = arith.constant 0 : i32
          %dma_start3A_280 = tpu.memref_slice %run_scoped3A_8[%rem3A_265, %dma_start3A_278, %dma_start3A_279] : memref<2x128x16xbf16, #tpu.memory_space<vmem>> -> memref<1x128x16xbf16, #tpu.memory_space<vmem>>
          %dma_start3A_281 = tpu.memref_squeeze %dma_start3A_280 : memref<1x128x16xbf16, #tpu.memory_space<vmem>> -> memref<128x16xbf16, #tpu.memory_space<vmem>>
          tpu.enqueue_dma source(%dma_start3A_281 : memref<128x16xbf16, #tpu.memory_space<vmem>>) target(%dma_start3A_277 : memref<128x16xbf16, #tpu.memory_space<hbm>>) target_semaphore(%dma_start3A_275 : memref<!tpu.dma_semaphore, #tpu.memory_space<semaphore_mem>>)
          "tpu.trace_stop"() : () -> ()
        } else {
        }
        %and3A_217 = arith.constant true
        %and3A_218 = arith.andi %or3A_213, %and3A_217 : i1
        %add3A_219 = arith.constant 1 : i32
        %add3A_220 = arith.addi %scan3A_124, %add3A_219 : i32
        %select_n3A_221 = arith.select %and3A_218, %add3A_220, %scan3A_124 : i32
        %ne3A_222 = arith.cmpi ne, %add3A_131, %add3A_140 : i32
        %or3A_223 = arith.constant false
        %or3A_224 = arith.ori %or3A_223, %ne3A_222 : i1
        %not3A_225 = arith.constant true
        %not3A_226 = arith.xori %eq3A_128, %not3A_225 : i1
        %and3A_227 = arith.andi %or3A_224, %not3A_226 : i1
        %convert_element_type3A_228 = arith.extui %and3A_227 : i1 to i32
        %cond3A_229 = arith.constant 0 : i32
        %cond3A_230 = arith.cmpi ne, %convert_element_type3A_228, %cond3A_229 : i32
        scf.if %cond3A_230 {
        } else {
        }
        %and3A_231 = arith.constant false
        %and3A_232 = arith.andi %and3A_227, %and3A_231 : i1
        %ne3A_233 = arith.cmpi ne, %add3A_131, %add3A_140 : i32
        %or3A_234 = arith.constant false
        %or3A_235 = arith.ori %or3A_234, %ne3A_233 : i1
        %or3A_236 = arith.constant false
        %or3A_237 = arith.ori %or3A_235, %or3A_236 : i1
        %not3A_238 = arith.constant true
        %not3A_239 = arith.xori %eq3A_128, %not3A_238 : i1
        %and3A_240 = arith.andi %or3A_237, %not3A_239 : i1
        %convert_element_type3A_241 = arith.extui %and3A_240 : i1 to i32
        %cond3A_242 = arith.constant 0 : i32
        %cond3A_243 = arith.cmpi ne, %convert_element_type3A_241, %cond3A_242 : i32
        scf.if %cond3A_243 {
          "tpu.trace_start"() <{level = 10 : i32, message = "ep_wait_out"}> : () -> ()
          %rem3A_264 = arith.constant 2 : i32
          %rem3A_265 = arith.remui %scan3A_125, %rem3A_264 : i32
          %mul3A_266 = arith.constant 128 : i32
          %mul3A_267 = arith.muli %mul3A_266, %add3A_140 : i32
          %dma_wait3A_268 = arith.constant 0 : i32
          %dma_wait3A_269 = arith.constant 0 : i32
          %dma_wait3A_270 = tpu.memref_slice %run_scoped3A_8[%rem3A_265, %dma_wait3A_268, %dma_wait3A_269] : memref<2x128x16xbf16, #tpu.memory_space<vmem>> -> memref<1x128x16xbf16, #tpu.memory_space<vmem>>
          %dma_wait3A_271 = tpu.memref_squeeze %dma_wait3A_270 : memref<1x128x16xbf16, #tpu.memory_space<vmem>> -> memref<128x16xbf16, #tpu.memory_space<vmem>>
          %dma_wait3A_272 = arith.constant 0 : i32
          %dma_wait3A_273 = tpu.memref_slice %arg4[%mul3A_267, %dma_wait3A_272] : memref<131072x16xbf16, #tpu.memory_space<hbm>> -> memref<128x16xbf16, #tpu.memory_space<hbm>>
          %dma_wait3A_274 = tpu.memref_slice %run_scoped3A_9[%rem3A_265] : memref<2x!tpu.dma_semaphore, #tpu.memory_space<semaphore_mem>> -> memref<1x!tpu.dma_semaphore, #tpu.memory_space<semaphore_mem>>
          %dma_wait3A_275 = tpu.memref_squeeze %dma_wait3A_274 : memref<1x!tpu.dma_semaphore, #tpu.memory_space<semaphore_mem>> -> memref<!tpu.dma_semaphore, #tpu.memory_space<semaphore_mem>>
          %dma_wait3A_276 = arith.constant 0 : i32
          %dma_wait3A_277 = tpu.memref_slice %arg4[%mul3A_267, %dma_wait3A_276] : memref<131072x16xbf16, #tpu.memory_space<hbm>> -> memref<128x16xbf16, #tpu.memory_space<hbm>>
          %dma_wait3A_278 = arith.constant 0 : i32
          %dma_wait3A_279 = arith.constant 0 : i32
          %dma_wait3A_280 = tpu.memref_slice %run_scoped3A_8[%rem3A_265, %dma_wait3A_278, %dma_wait3A_279] : memref<2x128x16xbf16, #tpu.memory_space<vmem>> -> memref<1x128x16xbf16, #tpu.memory_space<vmem>>
          %dma_wait3A_281 = tpu.memref_squeeze %dma_wait3A_280 : memref<1x128x16xbf16, #tpu.memory_space<vmem>> -> memref<128x16xbf16, #tpu.memory_space<vmem>>
          tpu.wait_dma2 semaphore(%dma_wait3A_275 : memref<!tpu.dma_semaphore, #tpu.memory_space<semaphore_mem>>) src(%dma_wait3A_281 : memref<128x16xbf16, #tpu.memory_space<vmem>>) dst(%dma_wait3A_277 : memref<128x16xbf16, #tpu.memory_space<hbm>>)
          "tpu.trace_stop"() : () -> ()
        } else {
        }
        %and3A_244 = arith.constant true
        %and3A_245 = arith.andi %and3A_240, %and3A_244 : i1
        %add3A_246 = arith.constant 1 : i32
        %add3A_247 = arith.addi %scan3A_125, %add3A_246 : i32
        %select_n3A_248 = arith.select %and3A_245, %add3A_247, %scan3A_125 : i32
        %ne3A_249 = arith.cmpi ne, %add3A_131, %add3A_149 : i32
        %or3A_250 = arith.constant false
        %or3A_251 = arith.ori %or3A_250, %ne3A_249 : i1
        %or3A_252 = arith.ori %or3A_251, %eq3A_130 : i1
        %add3A_253 = arith.constant 1 : i32
        %add3A_254 = arith.addi %scan3A_123, %add3A_253 : i32
        %select_n3A_255 = arith.select %or3A_252, %add3A_254, %scan3A_123 : i32
        %add3A_256 = arith.constant 1 : i32
        %add3A_257 = arith.addi %scan3A_126, %add3A_256 : i32
        %select_n3A_258 = arith.constant true
        %select_n3A_259 = arith.select %select_n3A_258, %add3A_257, %scan3A_126 : i32
        %eq3A_260 = arith.constant 32 : i32
        %eq3A_261 = arith.cmpi eq, %select_n3A_259, %eq3A_260 : i32
        %select_n3A_262 = arith.constant 0 : i32
        %select_n3A_263 = arith.select %eq3A_261, %select_n3A_262, %select_n3A_259 : i32
        scf.yield %select_n3A_167, %select_n3A_255, %select_n3A_221, %select_n3A_248, %select_n3A_263 : i32, i32, i32, i32, i32
      }
      %scan3A_68 = arith.constant 32 : i32
      %sub3A = arith.constant 1 : i32
      %sub3A_69 = arith.subi %scan3A_67#4, %sub3A : i32
      %select_n3A_70 = arith.constant true
      %select_n3A_71 = arith.select %select_n3A_70, %sub3A_69, %scan3A_67#4 : i32
      %eq3A_72 = arith.constant -1 : i32
      %eq3A_73 = arith.cmpi eq, %select_n3A_71, %eq3A_72 : i32
      %select_n3A_74 = arith.constant 31 : i32
      %select_n3A_75 = arith.select %eq3A_73, %select_n3A_74, %select_n3A_71 : i32
      %add3A_76 = arith.addi %select_n3A_75, %mul3A_6 : i32
      %sub3A_77 = arith.constant 1 : i32
      %sub3A_78 = arith.subi %select_n3A_75, %sub3A_77 : i32
      %select_n3A_79 = arith.constant true
      %select_n3A_80 = arith.select %select_n3A_79, %sub3A_78, %select_n3A_75 : i32
      %eq3A_81 = arith.constant -1 : i32
      %eq3A_82 = arith.cmpi eq, %select_n3A_80, %eq3A_81 : i32
      %select_n3A_83 = arith.constant 31 : i32
      %select_n3A_84 = arith.select %eq3A_82, %select_n3A_83, %select_n3A_80 : i32
      %add3A_85 = arith.addi %select_n3A_84, %mul3A_6 : i32
      %add3A_86 = arith.constant 1 : i32
      %add3A_87 = arith.addi %select_n3A_75, %add3A_86 : i32
      %select_n3A_88 = arith.constant true
      %select_n3A_89 = arith.select %select_n3A_88, %add3A_87, %select_n3A_75 : i32
      %eq3A_90 = arith.constant 32 : i32
      %eq3A_91 = arith.cmpi eq, %select_n3A_89, %eq3A_90 : i32
      %select_n3A_92 = arith.constant 0 : i32
      %select_n3A_93 = arith.select %eq3A_91, %select_n3A_92, %select_n3A_89 : i32
      %add3A_94 = arith.addi %select_n3A_93, %mul3A_6 : i32
      %add3A_95 = arith.constant 1 : i32
      %add3A_96 = arith.addi %select_n3A_93, %add3A_95 : i32
      %select_n3A_97 = arith.constant true
      %select_n3A_98 = arith.select %select_n3A_97, %add3A_96, %select_n3A_93 : i32
      %eq3A_99 = arith.constant 32 : i32
      %eq3A_100 = arith.cmpi eq, %select_n3A_98, %eq3A_99 : i32
      %select_n3A_101 = arith.constant 0 : i32
      %select_n3A_102 = arith.select %eq3A_100, %select_n3A_101, %select_n3A_98 : i32
      %add3A_103 = arith.addi %select_n3A_102, %mul3A_6 : i32
      "tpu.trace_start"() <{level = 10 : i32, message = "ep_finalize"}> : () -> ()
      %rem3A_104 = arith.constant 2 : i32
      %rem3A_105 = arith.remui %scan3A_67#3, %rem3A_104 : i32
      %mul3A_106 = arith.constant 128 : i32
      %mul3A_107 = arith.muli %mul3A_106, %add3A_76 : i32
      %dma_wait3A = arith.constant 0 : i32
      %dma_wait3A_108 = arith.constant 0 : i32
      %dma_wait3A_109 = tpu.memref_slice %run_scoped3A_8[%rem3A_105, %dma_wait3A, %dma_wait3A_108] : memref<2x128x16xbf16, #tpu.memory_space<vmem>> -> memref<1x128x16xbf16, #tpu.memory_space<vmem>>
      %dma_wait3A_110 = tpu.memref_squeeze %dma_wait3A_109 : memref<1x128x16xbf16, #tpu.memory_space<vmem>> -> memref<128x16xbf16, #tpu.memory_space<vmem>>
      %dma_wait3A_111 = arith.constant 0 : i32
      %dma_wait3A_112 = tpu.memref_slice %arg4[%mul3A_107, %dma_wait3A_111] : memref<131072x16xbf16, #tpu.memory_space<hbm>> -> memref<128x16xbf16, #tpu.memory_space<hbm>>
      %dma_wait3A_113 = tpu.memref_slice %run_scoped3A_9[%rem3A_105] : memref<2x!tpu.dma_semaphore, #tpu.memory_space<semaphore_mem>> -> memref<1x!tpu.dma_semaphore, #tpu.memory_space<semaphore_mem>>
      %dma_wait3A_114 = tpu.memref_squeeze %dma_wait3A_113 : memref<1x!tpu.dma_semaphore, #tpu.memory_space<semaphore_mem>> -> memref<!tpu.dma_semaphore, #tpu.memory_space<semaphore_mem>>
      %dma_wait3A_115 = arith.constant 0 : i32
      %dma_wait3A_116 = tpu.memref_slice %arg4[%mul3A_107, %dma_wait3A_115] : memref<131072x16xbf16, #tpu.memory_space<hbm>> -> memref<128x16xbf16, #tpu.memory_space<hbm>>
      %dma_wait3A_117 = arith.constant 0 : i32
      %dma_wait3A_118 = arith.constant 0 : i32
      %dma_wait3A_119 = tpu.memref_slice %run_scoped3A_8[%rem3A_105, %dma_wait3A_117, %dma_wait3A_118] : memref<2x128x16xbf16, #tpu.memory_space<vmem>> -> memref<1x128x16xbf16, #tpu.memory_space<vmem>>
      %dma_wait3A_120 = tpu.memref_squeeze %dma_wait3A_119 : memref<1x128x16xbf16, #tpu.memory_space<vmem>> -> memref<128x16xbf16, #tpu.memory_space<vmem>>
      tpu.wait_dma2 semaphore(%dma_wait3A_114 : memref<!tpu.dma_semaphore, #tpu.memory_space<semaphore_mem>>) src(%dma_wait3A_120 : memref<128x16xbf16, #tpu.memory_space<vmem>>) dst(%dma_wait3A_116 : memref<128x16xbf16, #tpu.memory_space<hbm>>)
      "tpu.trace_stop"() : () -> ()
      tpu.yield
    }) : () -> ()
    return
  }
}

#map = affine_map<(d0, d1) -> (0, 0)>
module attributes {stable_mosaic.version = 14 : i64} {
  func.func @k(%arg0: i32, %arg1: i32, %arg2: memref<2609152x16xbf16, #tpu.memory_space<hbm>>, %arg3: memref<1x131072xi32, #tpu.memory_space<hbm>>, %arg4: memref<131072x16xbf16, #tpu.memory_space<hbm>>) attributes {dimension_semantics = [#tpu.dimension_semantics<core_parallel>, #tpu.dimension_semantics<subcore_parallel>], iteration_bounds = array<i64: 2, 16>, scalar_prefetch = 0 : i64, scratch_operands = 0 : i64, tpu.core_type = #tpu.core_type<sc_vector_subcore>, window_params = [{transform_indices = #map}, {transform_indices = #map}, {transform_indices = #map}]} {
    %mul3A = arith.constant 1 : i32
    %mul3A_0 = arith.muli %arg1, %mul3A : i32
    %add3A = arith.constant 0 : i32
    %add3A_1 = arith.addi %add3A, %mul3A_0 : i32
    %mul3A_2 = arith.constant 16 : i32
    %mul3A_3 = arith.muli %arg0, %mul3A_2 : i32
    %add3A_4 = arith.addi %add3A_1, %mul3A_3 : i32
    %mul3A_5 = arith.constant 32 : i32
    %mul3A_6 = arith.muli %add3A_4, %mul3A_5 : i32
    "tpu.region"() ({
      %run_scoped3A = memref.alloca() : memref<2x1x128xi32, #tpu.memory_space<vmem>>
      %run_scoped3A_7 = tpu.sem_alloc : memref<2x!tpu.dma_semaphore, #tpu.memory_space<semaphore_mem>>
      %run_scoped3A_8 = memref.alloca() : memref<2x128x16xbf16, #tpu.memory_space<vmem>>
      %run_scoped3A_9 = tpu.sem_alloc : memref<2x!tpu.dma_semaphore, #tpu.memory_space<semaphore_mem>>
      %add3A_10 = arith.constant 0 : i32
      %add3A_11 = arith.addi %add3A_10, %mul3A_6 : i32
      %select_n3A = arith.constant true
      %select_n3A_12 = arith.constant 0 : i32
      %select_n3A_13 = arith.constant -1 : i32
      %select_n3A_14 = arith.select %select_n3A, %select_n3A_13, %select_n3A_12 : i32
      %eq3A = arith.constant -1 : i32
      %eq3A_15 = arith.cmpi eq, %select_n3A_14, %eq3A : i32
      %select_n3A_16 = arith.constant 31 : i32
      %select_n3A_17 = arith.select %eq3A_15, %select_n3A_16, %select_n3A_14 : i32
      %add3A_18 = arith.addi %select_n3A_17, %mul3A_6 : i32
      %select_n3A_19 = arith.constant true
      %select_n3A_20 = arith.constant 0 : i32
      %select_n3A_21 = arith.constant 1 : i32
      %select_n3A_22 = arith.select %select_n3A_19, %select_n3A_21, %select_n3A_20 : i32
      %eq3A_23 = arith.constant 32 : i32
      %eq3A_24 = arith.cmpi eq, %select_n3A_22, %eq3A_23 : i32
      %select_n3A_25 = arith.constant 0 : i32
      %select_n3A_26 = arith.select %eq3A_24, %select_n3A_25, %select_n3A_22 : i32
      %add3A_27 = arith.addi %select_n3A_26, %mul3A_6 : i32
      %add3A_28 = arith.constant 1 : i32
      %add3A_29 = arith.addi %select_n3A_26, %add3A_28 : i32
      %select_n3A_30 = arith.constant true
      %select_n3A_31 = arith.select %select_n3A_30, %add3A_29, %select_n3A_26 : i32
      %eq3A_32 = arith.constant 32 : i32
      %eq3A_33 = arith.cmpi eq, %select_n3A_31, %eq3A_32 : i32
      %select_n3A_34 = arith.constant 0 : i32
      %select_n3A_35 = arith.select %eq3A_33, %select_n3A_34, %select_n3A_31 : i32
      %add3A_36 = arith.addi %select_n3A_35, %mul3A_6 : i32
      "tpu.trace_start"() <{level = 10 : i32, message = "ep_initialize_0"}> : () -> ()
      %rem3A = arith.constant 0 : i32
      %rem3A_37 = arith.constant 2 : i32
      %rem3A_38 = arith.remui %rem3A, %rem3A_37 : i32
      %mul3A_39 = arith.constant 128 : i32
      %mul3A_40 = arith.muli %mul3A_39, %add3A_11 : i32
      %dma_start3A = arith.constant 0 : i32
      %dma_start3A_41 = arith.constant 0 : i32
      %dma_start3A_42 = tpu.memref_slice %run_scoped3A[%rem3A_38, %dma_start3A, %dma_start3A_41] : memref<2x1x128xi32, #tpu.memory_space<vmem>> -> memref<1x1x128xi32, #tpu.memory_space<vmem>>
      %dma_start3A_43 = tpu.memref_squeeze %dma_start3A_42 : memref<1x1x128xi32, #tpu.memory_space<vmem>> -> memref<1x128xi32, #tpu.memory_space<vmem>>
      %dma_start3A_44 = arith.constant 0 : i32
      %dma_start3A_45 = tpu.memref_slice %arg3[%dma_start3A_44, %mul3A_40] : memref<1x131072xi32, #tpu.memory_space<hbm>> -> memref<1x128xi32, #tpu.memory_space<hbm>>
      %dma_start3A_46 = tpu.memref_slice %run_scoped3A_7[%rem3A_38] : memref<2x!tpu.dma_semaphore, #tpu.memory_space<semaphore_mem>> -> memref<1x!tpu.dma_semaphore, #tpu.memory_space<semaphore_mem>>
      %dma_start3A_47 = tpu.memref_squeeze %dma_start3A_46 : memref<1x!tpu.dma_semaphore, #tpu.memory_space<semaphore_mem>> -> memref<!tpu.dma_semaphore, #tpu.memory_space<semaphore_mem>>
      %dma_start3A_48 = arith.constant 0 : i32
      %dma_start3A_49 = arith.constant 0 : i32
      %dma_start3A_50 = tpu.memref_slice %run_scoped3A[%rem3A_38, %dma_start3A_48, %dma_start3A_49] : memref<2x1x128xi32, #tpu.memory_space<vmem>> -> memref<1x1x128xi32, #tpu.memory_space<vmem>>
      %dma_start3A_51 = tpu.memref_squeeze %dma_start3A_50 : memref<1x1x128xi32, #tpu.memory_space<vmem>> -> memref<1x128xi32, #tpu.memory_space<vmem>>
      %dma_start3A_52 = arith.constant 0 : i32
      %dma_start3A_53 = tpu.memref_slice %arg3[%dma_start3A_52, %mul3A_40] : memref<1x131072xi32, #tpu.memory_space<hbm>> -> memref<1x128xi32, #tpu.memory_space<hbm>>
      tpu.enqueue_dma source(%dma_start3A_53 : memref<1x128xi32, #tpu.memory_space<hbm>>) target(%dma_start3A_51 : memref<1x128xi32, #tpu.memory_space<vmem>>) target_semaphore(%dma_start3A_47 : memref<!tpu.dma_semaphore, #tpu.memory_space<semaphore_mem>>)
      %add3A_54 = arith.constant 0 : i32
      %add3A_55 = arith.constant 1 : i32
      %add3A_56 = arith.addi %add3A_54, %add3A_55 : i32
      %select_n3A_57 = arith.constant true
      %select_n3A_58 = arith.constant 0 : i32
      %select_n3A_59 = arith.select %select_n3A_57, %add3A_56, %select_n3A_58 : i32
      "tpu.trace_stop"() : () -> ()
      %scan3A = arith.constant 0 : i32
      %scan3A_60 = arith.constant 0 : i32
      %scan3A_61 = arith.constant 0 : i32
      %scan3A_62 = arith.constant 0 : i32
      %scan3A_63 = arith.constant 0 : i32
      %scan3A_64 = arith.constant 32 : i32
      %scan3A_65 = arith.addi %scan3A_63, %scan3A_64 : i32
      %scan3A_66 = arith.constant 1 : i32
      %scan3A_67:5 = scf.for %scan3A_121 = %scan3A_63 to %scan3A_65 step %scan3A_66 iter_args(%scan3A_122 = %select_n3A_59, %scan3A_123 = %scan3A, %scan3A_124 = %scan3A_60, %scan3A_125 = %scan3A_61, %scan3A_126 = %scan3A_62) -> (i32, i32, i32, i32, i32)  : i32 {
        %eq3A_127 = arith.constant 0 : i32
        %eq3A_128 = arith.cmpi eq, %scan3A_121, %eq3A_127 : i32
        %eq3A_129 = arith.constant 31 : i32
        %eq3A_130 = arith.cmpi eq, %scan3A_121, %eq3A_129 : i32
        %add3A_131 = arith.addi %scan3A_126, %mul3A_6 : i32
        %sub3A_132 = arith.constant 1 : i32
        %sub3A_133 = arith.subi %scan3A_126, %sub3A_132 : i32
        %select_n3A_134 = arith.constant true
        %select_n3A_135 = arith.select %select_n3A_134, %sub3A_133, %scan3A_126 : i32
        %eq3A_136 = arith.constant -1 : i32
        %eq3A_137 = arith.cmpi eq, %select_n3A_135, %eq3A_136 : i32
        %select_n3A_138 = arith.constant 31 : i32
        %select_n3A_139 = arith.select %eq3A_137, %select_n3A_138, %select_n3A_135 : i32
        %add3A_140 = arith.addi %select_n3A_139, %mul3A_6 : i32
        %add3A_141 = arith.constant 1 : i32
        %add3A_142 = arith.addi %scan3A_126, %add3A_141 : i32
        %select_n3A_143 = arith.constant true
        %select_n3A_144 = arith.select %select_n3A_143, %add3A_142, %scan3A_126 : i32
        %eq3A_145 = arith.constant 32 : i32
        %eq3A_146 = arith.cmpi eq, %select_n3A_144, %eq3A_145 : i32
        %select_n3A_147 = arith.constant 0 : i32
        %select_n3A_148 = arith.select %eq3A_146, %select_n3A_147, %select_n3A_144 : i32
        %add3A_149 = arith.addi %select_n3A_148, %mul3A_6 : i32
        %add3A_150 = arith.constant 1 : i32
        %add3A_151 = arith.addi %select_n3A_148, %add3A_150 : i32
        %select_n3A_152 = arith.constant true
        %select_n3A_153 = arith.select %select_n3A_152, %add3A_151, %select_n3A_148 : i32
        %eq3A_154 = arith.constant 32 : i32
        %eq3A_155 = arith.cmpi eq, %select_n3A_153, %eq3A_154 : i32
        %select_n3A_156 = arith.constant 0 : i32
        %select_n3A_157 = arith.select %eq3A_155, %select_n3A_156, %select_n3A_153 : i32
        %add3A_158 = arith.addi %select_n3A_157, %mul3A_6 : i32
        %ne3A = arith.cmpi ne, %add3A_131, %add3A_149 : i32
        %or3A = arith.constant false
        %or3A_159 = arith.ori %or3A, %ne3A : i1
        %ge3A = arith.constant 31 : i32
        %ge3A_160 = arith.cmpi sge, %scan3A_121, %ge3A : i32
        %not3A = arith.constant true
        %not3A_161 = arith.xori %ge3A_160, %not3A : i1
        %and3A = arith.andi %or3A_159, %not3A_161 : i1
        %convert_element_type3A = arith.extui %and3A : i1 to i32
        %cond3A = arith.constant 0 : i32
        %cond3A_162 = arith.cmpi ne, %convert_element_type3A, %cond3A : i32
        scf.if %cond3A_162 {
          "tpu.trace_start"() <{level = 10 : i32, message = "ep_copy_in"}> : () -> ()
          %rem3A_264 = arith.constant 2 : i32
          %rem3A_265 = arith.remui %scan3A_122, %rem3A_264 : i32
          %mul3A_266 = arith.constant 128 : i32
          %mul3A_267 = arith.muli %mul3A_266, %add3A_149 : i32
          %dma_start3A_268 = arith.constant 0 : i32
          %dma_start3A_269 = arith.constant 0 : i32
          %dma_start3A_270 = tpu.memref_slice %run_scoped3A[%rem3A_265, %dma_start3A_268, %dma_start3A_269] : memref<2x1x128xi32, #tpu.memory_space<vmem>> -> memref<1x1x128xi32, #tpu.memory_space<vmem>>
          %dma_start3A_271 = tpu.memref_squeeze %dma_start3A_270 : memref<1x1x128xi32, #tpu.memory_space<vmem>> -> memref<1x128xi32, #tpu.memory_space<vmem>>
          %dma_start3A_272 = arith.constant 0 : i32
          %dma_start3A_273 = tpu.memref_slice %arg3[%dma_start3A_272, %mul3A_267] : memref<1x131072xi32, #tpu.memory_space<hbm>> -> memref<1x128xi32, #tpu.memory_space<hbm>>
          %dma_start3A_274 = tpu.memref_slice %run_scoped3A_7[%rem3A_265] : memref<2x!tpu.dma_semaphore, #tpu.memory_space<semaphore_mem>> -> memref<1x!tpu.dma_semaphore, #tpu.memory_space<semaphore_mem>>
          %dma_start3A_275 = tpu.memref_squeeze %dma_start3A_274 : memref<1x!tpu.dma_semaphore, #tpu.memory_space<semaphore_mem>> -> memref<!tpu.dma_semaphore, #tpu.memory_space<semaphore_mem>>
          %dma_start3A_276 = arith.constant 0 : i32
          %dma_start3A_277 = arith.constant 0 : i32
          %dma_start3A_278 = tpu.memref_slice %run_scoped3A[%rem3A_265, %dma_start3A_276, %dma_start3A_277] : memref<2x1x128xi32, #tpu.memory_space<vmem>> -> memref<1x1x128xi32, #tpu.memory_space<vmem>>
          %dma_start3A_279 = tpu.memref_squeeze %dma_start3A_278 : memref<1x1x128xi32, #tpu.memory_space<vmem>> -> memref<1x128xi32, #tpu.memory_space<vmem>>
          %dma_start3A_280 = arith.constant 0 : i32
          %dma_start3A_281 = tpu.memref_slice %arg3[%dma_start3A_280, %mul3A_267] : memref<1x131072xi32, #tpu.memory_space<hbm>> -> memref<1x128xi32, #tpu.memory_space<hbm>>
          tpu.enqueue_dma source(%dma_start3A_281 : memref<1x128xi32, #tpu.memory_space<hbm>>) target(%dma_start3A_279 : memref<1x128xi32, #tpu.memory_space<vmem>>) target_semaphore(%dma_start3A_275 : memref<!tpu.dma_semaphore, #tpu.memory_space<semaphore_mem>>)
          "tpu.trace_stop"() : () -> ()
        } else {
        }
        %and3A_163 = arith.constant true
        %and3A_164 = arith.andi %and3A, %and3A_163 : i1
        %add3A_165 = arith.constant 1 : i32
        %add3A_166 = arith.addi %scan3A_122, %add3A_165 : i32
        %select_n3A_167 = arith.select %and3A_164, %add3A_166, %scan3A_122 : i32
        %ne3A_168 = arith.cmpi ne, %add3A_131, %add3A_149 : i32
        %or3A_169 = arith.constant false
        %or3A_170 = arith.ori %or3A_169, %ne3A_168 : i1
        %or3A_171 = arith.constant false
        %or3A_172 = arith.ori %or3A_170, %or3A_171 : i1
        %ge3A_173 = arith.constant 31 : i32
        %ge3A_174 = arith.cmpi sge, %scan3A_121, %ge3A_173 : i32
        %not3A_175 = arith.constant true
        %not3A_176 = arith.xori %ge3A_174, %not3A_175 : i1
        %and3A_177 = arith.andi %or3A_172, %not3A_176 : i1
        %ne3A_178 = arith.cmpi ne, %add3A_131, %add3A_140 : i32
        %or3A_179 = arith.constant false
        %or3A_180 = arith.ori %or3A_179, %ne3A_178 : i1
        %or3A_181 = arith.ori %or3A_180, %eq3A_128 : i1
        %convert_element_type3A_182 = arith.extui %or3A_181 : i1 to i32
        %cond3A_183 = arith.constant 0 : i32
        %cond3A_184 = arith.cmpi ne, %convert_element_type3A_182, %cond3A_183 : i32
        scf.if %cond3A_184 {
          "tpu.trace_start"() <{level = 10 : i32, message = "ep_wait_in"}> : () -> ()
          %mul3A_264 = arith.constant 128 : i32
          %mul3A_265 = arith.muli %mul3A_264, %add3A_131 : i32
          %rem3A_266 = arith.constant 2 : i32
          %rem3A_267 = arith.remui %scan3A_123, %rem3A_266 : i32
          %dma_wait3A_268 = arith.constant 0 : i32
          %dma_wait3A_269 = arith.constant 0 : i32
          %dma_wait3A_270 = tpu.memref_slice %run_scoped3A[%rem3A_267, %dma_wait3A_268, %dma_wait3A_269] : memref<2x1x128xi32, #tpu.memory_space<vmem>> -> memref<1x1x128xi32, #tpu.memory_space<vmem>>
          %dma_wait3A_271 = tpu.memref_squeeze %dma_wait3A_270 : memref<1x1x128xi32, #tpu.memory_space<vmem>> -> memref<1x128xi32, #tpu.memory_space<vmem>>
          %dma_wait3A_272 = arith.constant 0 : i32
          %dma_wait3A_273 = tpu.memref_slice %arg3[%dma_wait3A_272, %mul3A_265] : memref<1x131072xi32, #tpu.memory_space<hbm>> -> memref<1x128xi32, #tpu.memory_space<hbm>>
          %dma_wait3A_274 = tpu.memref_slice %run_scoped3A_7[%rem3A_267] : memref<2x!tpu.dma_semaphore, #tpu.memory_space<semaphore_mem>> -> memref<1x!tpu.dma_semaphore, #tpu.memory_space<semaphore_mem>>
          %dma_wait3A_275 = tpu.memref_squeeze %dma_wait3A_274 : memref<1x!tpu.dma_semaphore, #tpu.memory_space<semaphore_mem>> -> memref<!tpu.dma_semaphore, #tpu.memory_space<semaphore_mem>>
          %dma_wait3A_276 = arith.constant 0 : i32
          %dma_wait3A_277 = arith.constant 0 : i32
          %dma_wait3A_278 = tpu.memref_slice %run_scoped3A[%rem3A_267, %dma_wait3A_276, %dma_wait3A_277] : memref<2x1x128xi32, #tpu.memory_space<vmem>> -> memref<1x1x128xi32, #tpu.memory_space<vmem>>
          %dma_wait3A_279 = tpu.memref_squeeze %dma_wait3A_278 : memref<1x1x128xi32, #tpu.memory_space<vmem>> -> memref<1x128xi32, #tpu.memory_space<vmem>>
          %dma_wait3A_280 = arith.constant 0 : i32
          %dma_wait3A_281 = tpu.memref_slice %arg3[%dma_wait3A_280, %mul3A_265] : memref<1x131072xi32, #tpu.memory_space<hbm>> -> memref<1x128xi32, #tpu.memory_space<hbm>>
          tpu.wait_dma2 semaphore(%dma_wait3A_275 : memref<!tpu.dma_semaphore, #tpu.memory_space<semaphore_mem>>) src(%dma_wait3A_281 : memref<1x128xi32, #tpu.memory_space<hbm>>) dst(%dma_wait3A_279 : memref<1x128xi32, #tpu.memory_space<vmem>>)
          "tpu.trace_stop"() : () -> ()
        } else {
        }
        %ne3A_185 = arith.cmpi ne, %add3A_131, %add3A_140 : i32
        %or3A_186 = arith.constant false
        %or3A_187 = arith.ori %or3A_186, %ne3A_185 : i1
        %or3A_188 = arith.constant false
        %or3A_189 = arith.ori %or3A_187, %or3A_188 : i1
        %or3A_190 = arith.ori %or3A_189, %eq3A_128 : i1
        %convert_element_type3A_191 = arith.extui %or3A_190 : i1 to i32
        %cond3A_192 = arith.constant 0 : i32
        %cond3A_193 = arith.cmpi ne, %convert_element_type3A_191, %cond3A_192 : i32
        scf.if %cond3A_193 {
        } else {
        }
        %rem3A_194 = arith.constant 2 : i32
        %rem3A_195 = arith.remui %scan3A_123, %rem3A_194 : i32
        %rem3A_196 = arith.constant 2 : i32
        %rem3A_197 = arith.remui %scan3A_124, %rem3A_196 : i32
        %run_scoped3A_198 = arith.constant 0 : i32
        "tpu.trace_start"() <{level = 10 : i32, message = "ep_run_kernel"}> : () -> ()
        "tpu.region"() ({
          %run_scoped3A_264 = tpu.sem_alloc : memref<!tpu.dma_semaphore, #tpu.memory_space<semaphore_mem>>
          %dma_start3A_265 = arith.constant 0 : i32
          %dma_start3A_266 = arith.constant 0 : i32
          %dma_start3A_267 = tpu.memref_slice %run_scoped3A_8[%rem3A_197, %dma_start3A_265, %dma_start3A_266] : memref<2x128x16xbf16, #tpu.memory_space<vmem>> -> memref<1x128x16xbf16, #tpu.memory_space<vmem>>
          %dma_start3A_268 = tpu.memref_squeeze %dma_start3A_267 : memref<1x128x16xbf16, #tpu.memory_space<vmem>> -> memref<128x16xbf16, #tpu.memory_space<vmem>>
          %dma_start3A_269 = arith.constant 0 : i32
          %dma_start3A_270 = arith.constant 0 : i32
          %dma_start3A_271 = tpu.memref_slice %run_scoped3A[%rem3A_195, %dma_start3A_269, %dma_start3A_270] : memref<2x1x128xi32, #tpu.memory_space<vmem>> -> memref<1x1x128xi32, #tpu.memory_space<vmem>>
          %dma_start3A_272 = tpu.memref_squeeze %dma_start3A_271 : memref<1x1x128xi32, #tpu.memory_space<vmem>> -> memref<1x128xi32, #tpu.memory_space<vmem>>
          %dma_start3A_273 = arith.constant 0 : i32
          %dma_start3A_274 = tpu.memref_slice %dma_start3A_272[%run_scoped3A_198, %dma_start3A_273] : memref<1x128xi32, #tpu.memory_space<vmem>> -> memref<1x128xi32, #tpu.memory_space<vmem>>
          %dma_start3A_275 = tpu.memref_squeeze %dma_start3A_274 : memref<1x128xi32, #tpu.memory_space<vmem>> -> memref<128xi32, #tpu.memory_space<vmem>>
          %dma_start3A_276 = arith.constant 0 : i32
          %dma_start3A_277 = arith.constant 0 : i32
          %dma_start3A_278 = tpu.memref_slice %arg2[%dma_start3A_276, %dma_start3A_277] : memref<2609152x16xbf16, #tpu.memory_space<hbm>> -> memref<2609152x16xbf16, #tpu.memory_space<hbm>>
          tpu.enqueue_indirect_dma source(%dma_start3A_278 : memref<2609152x16xbf16, #tpu.memory_space<hbm>>) target(%dma_start3A_268 : memref<128x16xbf16, #tpu.memory_space<vmem>>) offsets(%dma_start3A_275 : memref<128xi32, #tpu.memory_space<vmem>>) semaphore(%run_scoped3A_264 : memref<!tpu.dma_semaphore, #tpu.memory_space<semaphore_mem>>)
          %dma_wait3A_279 = arith.constant 0 : i32
          %dma_wait3A_280 = arith.constant 0 : i32
          %dma_wait3A_281 = tpu.memref_slice %run_scoped3A_8[%rem3A_197, %dma_wait3A_279, %dma_wait3A_280] : memref<2x128x16xbf16, #tpu.memory_space<vmem>> -> memref<1x128x16xbf16, #tpu.memory_space<vmem>>
          %dma_wait3A_282 = tpu.memref_squeeze %dma_wait3A_281 : memref<1x128x16xbf16, #tpu.memory_space<vmem>> -> memref<128x16xbf16, #tpu.memory_space<vmem>>
          %dma_wait3A_283 = arith.constant 0 : i32
          %dma_wait3A_284 = arith.constant 0 : i32
          %dma_wait3A_285 = tpu.memref_slice %run_scoped3A[%rem3A_195, %dma_wait3A_283, %dma_wait3A_284] : memref<2x1x128xi32, #tpu.memory_space<vmem>> -> memref<1x1x128xi32, #tpu.memory_space<vmem>>
          %dma_wait3A_286 = tpu.memref_squeeze %dma_wait3A_285 : memref<1x1x128xi32, #tpu.memory_space<vmem>> -> memref<1x128xi32, #tpu.memory_space<vmem>>
          %dma_wait3A_287 = arith.constant 0 : i32
          %dma_wait3A_288 = tpu.memref_slice %dma_wait3A_286[%run_scoped3A_198, %dma_wait3A_287] : memref<1x128xi32, #tpu.memory_space<vmem>> -> memref<1x128xi32, #tpu.memory_space<vmem>>
          %dma_wait3A_289 = tpu.memref_squeeze %dma_wait3A_288 : memref<1x128xi32, #tpu.memory_space<vmem>> -> memref<128xi32, #tpu.memory_space<vmem>>
          %dma_wait3A_290 = arith.constant 0 : i32
          %dma_wait3A_291 = arith.constant 0 : i32
          %dma_wait3A_292 = tpu.memref_slice %arg2[%dma_wait3A_290, %dma_wait3A_291] : memref<2609152x16xbf16, #tpu.memory_space<hbm>> -> memref<2609152x16xbf16, #tpu.memory_space<hbm>>
          tpu.wait_indirect_dma semaphore(%run_scoped3A_264 : memref<!tpu.dma_semaphore, #tpu.memory_space<semaphore_mem>>) src(%dma_wait3A_292 : memref<2609152x16xbf16, #tpu.memory_space<hbm>>) dst(%dma_wait3A_282 : memref<128x16xbf16, #tpu.memory_space<vmem>>)
          tpu.yield
        }) : () -> ()
        "tpu.trace_stop"() : () -> ()
        %ne3A_199 = arith.cmpi ne, %add3A_131, %add3A_149 : i32
        %or3A_200 = arith.constant false
        %or3A_201 = arith.ori %or3A_200, %ne3A_199 : i1
        %or3A_202 = arith.ori %or3A_201, %eq3A_130 : i1
        %convert_element_type3A_203 = arith.extui %or3A_202 : i1 to i32
        %cond3A_204 = arith.constant 0 : i32
        %cond3A_205 = arith.cmpi ne, %convert_element_type3A_203, %cond3A_204 : i32
        scf.if %cond3A_205 {
        } else {
        }
        %and3A_206 = arith.constant false
        %and3A_207 = arith.andi %or3A_202, %and3A_206 : i1
        %ne3A_208 = arith.cmpi ne, %add3A_131, %add3A_149 : i32
        %or3A_209 = arith.constant false
        %or3A_210 = arith.ori %or3A_209, %ne3A_208 : i1
        %or3A_211 = arith.constant false
        %or3A_212 = arith.ori %or3A_210, %or3A_211 : i1
        %or3A_213 = arith.ori %or3A_212, %eq3A_130 : i1
        %convert_element_type3A_214 = arith.extui %or3A_213 : i1 to i32
        %cond3A_215 = arith.constant 0 : i32
        %cond3A_216 = arith.cmpi ne, %convert_element_type3A_214, %cond3A_215 : i32
        scf.if %cond3A_216 {
          "tpu.trace_start"() <{level = 10 : i32, message = "ep_copy_out"}> : () -> ()
          %rem3A_264 = arith.constant 2 : i32
          %rem3A_265 = arith.remui %scan3A_124, %rem3A_264 : i32
          %mul3A_266 = arith.constant 128 : i32
          %mul3A_267 = arith.muli %mul3A_266, %add3A_131 : i32
          %dma_start3A_268 = arith.constant 0 : i32
          %dma_start3A_269 = arith.constant 0 : i32
          %dma_start3A_270 = tpu.memref_slice %run_scoped3A_8[%rem3A_265, %dma_start3A_268, %dma_start3A_269] : memref<2x128x16xbf16, #tpu.memory_space<vmem>> -> memref<1x128x16xbf16, #tpu.memory_space<vmem>>
          %dma_start3A_271 = tpu.memref_squeeze %dma_start3A_270 : memref<1x128x16xbf16, #tpu.memory_space<vmem>> -> memref<128x16xbf16, #tpu.memory_space<vmem>>
          %dma_start3A_272 = arith.constant 0 : i32
          %dma_start3A_273 = tpu.memref_slice %arg4[%mul3A_267, %dma_start3A_272] : memref<131072x16xbf16, #tpu.memory_space<hbm>> -> memref<128x16xbf16, #tpu.memory_space<hbm>>
          %dma_start3A_274 = tpu.memref_slice %run_scoped3A_9[%rem3A_265] : memref<2x!tpu.dma_semaphore, #tpu.memory_space<semaphore_mem>> -> memref<1x!tpu.dma_semaphore, #tpu.memory_space<semaphore_mem>>
          %dma_start3A_275 = tpu.memref_squeeze %dma_start3A_274 : memref<1x!tpu.dma_semaphore, #tpu.memory_space<semaphore_mem>> -> memref<!tpu.dma_semaphore, #tpu.memory_space<semaphore_mem>>
          %dma_start3A_276 = arith.constant 0 : i32
          %dma_start3A_277 = tpu.memref_slice %arg4[%mul3A_267, %dma_start3A_276] : memref<131072x16xbf16, #tpu.memory_space<hbm>> -> memref<128x16xbf16, #tpu.memory_space<hbm>>
          %dma_start3A_278 = arith.constant 0 : i32
          %dma_start3A_279 = arith.constant 0 : i32
          %dma_start3A_280 = tpu.memref_slice %run_scoped3A_8[%rem3A_265, %dma_start3A_278, %dma_start3A_279] : memref<2x128x16xbf16, #tpu.memory_space<vmem>> -> memref<1x128x16xbf16, #tpu.memory_space<vmem>>
          %dma_start3A_281 = tpu.memref_squeeze %dma_start3A_280 : memref<1x128x16xbf16, #tpu.memory_space<vmem>> -> memref<128x16xbf16, #tpu.memory_space<vmem>>
          tpu.enqueue_dma source(%dma_start3A_281 : memref<128x16xbf16, #tpu.memory_space<vmem>>) target(%dma_start3A_277 : memref<128x16xbf16, #tpu.memory_space<hbm>>) target_semaphore(%dma_start3A_275 : memref<!tpu.dma_semaphore, #tpu.memory_space<semaphore_mem>>)
          "tpu.trace_stop"() : () -> ()
        } else {
        }
        %and3A_217 = arith.constant true
        %and3A_218 = arith.andi %or3A_213, %and3A_217 : i1
        %add3A_219 = arith.constant 1 : i32
        %add3A_220 = arith.addi %scan3A_124, %add3A_219 : i32
        %select_n3A_221 = arith.select %and3A_218, %add3A_220, %scan3A_124 : i32
        %ne3A_222 = arith.cmpi ne, %add3A_131, %add3A_140 : i32
        %or3A_223 = arith.constant false
        %or3A_224 = arith.ori %or3A_223, %ne3A_222 : i1
        %not3A_225 = arith.constant true
        %not3A_226 = arith.xori %eq3A_128, %not3A_225 : i1
        %and3A_227 = arith.andi %or3A_224, %not3A_226 : i1
        %convert_element_type3A_228 = arith.extui %and3A_227 : i1 to i32
        %cond3A_229 = arith.constant 0 : i32
        %cond3A_230 = arith.cmpi ne, %convert_element_type3A_228, %cond3A_229 : i32
        scf.if %cond3A_230 {
        } else {
        }
        %and3A_231 = arith.constant false
        %and3A_232 = arith.andi %and3A_227, %and3A_231 : i1
        %ne3A_233 = arith.cmpi ne, %add3A_131, %add3A_140 : i32
        %or3A_234 = arith.constant false
        %or3A_235 = arith.ori %or3A_234, %ne3A_233 : i1
        %or3A_236 = arith.constant false
        %or3A_237 = arith.ori %or3A_235, %or3A_236 : i1
        %not3A_238 = arith.constant true
        %not3A_239 = arith.xori %eq3A_128, %not3A_238 : i1
        %and3A_240 = arith.andi %or3A_237, %not3A_239 : i1
        %convert_element_type3A_241 = arith.extui %and3A_240 : i1 to i32
        %cond3A_242 = arith.constant 0 : i32
        %cond3A_243 = arith.cmpi ne, %convert_element_type3A_241, %cond3A_242 : i32
        scf.if %cond3A_243 {
          "tpu.trace_start"() <{level = 10 : i32, message = "ep_wait_out"}> : () -> ()
          %rem3A_264 = arith.constant 2 : i32
          %rem3A_265 = arith.remui %scan3A_125, %rem3A_264 : i32
          %mul3A_266 = arith.constant 128 : i32
          %mul3A_267 = arith.muli %mul3A_266, %add3A_140 : i32
          %dma_wait3A_268 = arith.constant 0 : i32
          %dma_wait3A_269 = arith.constant 0 : i32
          %dma_wait3A_270 = tpu.memref_slice %run_scoped3A_8[%rem3A_265, %dma_wait3A_268, %dma_wait3A_269] : memref<2x128x16xbf16, #tpu.memory_space<vmem>> -> memref<1x128x16xbf16, #tpu.memory_space<vmem>>
          %dma_wait3A_271 = tpu.memref_squeeze %dma_wait3A_270 : memref<1x128x16xbf16, #tpu.memory_space<vmem>> -> memref<128x16xbf16, #tpu.memory_space<vmem>>
          %dma_wait3A_272 = arith.constant 0 : i32
          %dma_wait3A_273 = tpu.memref_slice %arg4[%mul3A_267, %dma_wait3A_272] : memref<131072x16xbf16, #tpu.memory_space<hbm>> -> memref<128x16xbf16, #tpu.memory_space<hbm>>
          %dma_wait3A_274 = tpu.memref_slice %run_scoped3A_9[%rem3A_265] : memref<2x!tpu.dma_semaphore, #tpu.memory_space<semaphore_mem>> -> memref<1x!tpu.dma_semaphore, #tpu.memory_space<semaphore_mem>>
          %dma_wait3A_275 = tpu.memref_squeeze %dma_wait3A_274 : memref<1x!tpu.dma_semaphore, #tpu.memory_space<semaphore_mem>> -> memref<!tpu.dma_semaphore, #tpu.memory_space<semaphore_mem>>
          %dma_wait3A_276 = arith.constant 0 : i32
          %dma_wait3A_277 = tpu.memref_slice %arg4[%mul3A_267, %dma_wait3A_276] : memref<131072x16xbf16, #tpu.memory_space<hbm>> -> memref<128x16xbf16, #tpu.memory_space<hbm>>
          %dma_wait3A_278 = arith.constant 0 : i32
          %dma_wait3A_279 = arith.constant 0 : i32
          %dma_wait3A_280 = tpu.memref_slice %run_scoped3A_8[%rem3A_265, %dma_wait3A_278, %dma_wait3A_279] : memref<2x128x16xbf16, #tpu.memory_space<vmem>> -> memref<1x128x16xbf16, #tpu.memory_space<vmem>>
          %dma_wait3A_281 = tpu.memref_squeeze %dma_wait3A_280 : memref<1x128x16xbf16, #tpu.memory_space<vmem>> -> memref<128x16xbf16, #tpu.memory_space<vmem>>
          tpu.wait_dma2 semaphore(%dma_wait3A_275 : memref<!tpu.dma_semaphore, #tpu.memory_space<semaphore_mem>>) src(%dma_wait3A_281 : memref<128x16xbf16, #tpu.memory_space<vmem>>) dst(%dma_wait3A_277 : memref<128x16xbf16, #tpu.memory_space<hbm>>)
          "tpu.trace_stop"() : () -> ()
        } else {
        }
        %and3A_244 = arith.constant true
        %and3A_245 = arith.andi %and3A_240, %and3A_244 : i1
        %add3A_246 = arith.constant 1 : i32
        %add3A_247 = arith.addi %scan3A_125, %add3A_246 : i32
        %select_n3A_248 = arith.select %and3A_245, %add3A_247, %scan3A_125 : i32
        %ne3A_249 = arith.cmpi ne, %add3A_131, %add3A_149 : i32
        %or3A_250 = arith.constant false
        %or3A_251 = arith.ori %or3A_250, %ne3A_249 : i1
        %or3A_252 = arith.ori %or3A_251, %eq3A_130 : i1
        %add3A_253 = arith.constant 1 : i32
        %add3A_254 = arith.addi %scan3A_123, %add3A_253 : i32
        %select_n3A_255 = arith.select %or3A_252, %add3A_254, %scan3A_123 : i32
        %add3A_256 = arith.constant 1 : i32
        %add3A_257 = arith.addi %scan3A_126, %add3A_256 : i32
        %select_n3A_258 = arith.constant true
        %select_n3A_259 = arith.select %select_n3A_258, %add3A_257, %scan3A_126 : i32
        %eq3A_260 = arith.constant 32 : i32
        %eq3A_261 = arith.cmpi eq, %select_n3A_259, %eq3A_260 : i32
        %select_n3A_262 = arith.constant 0 : i32
        %select_n3A_263 = arith.select %eq3A_261, %select_n3A_262, %select_n3A_259 : i32
        scf.yield %select_n3A_167, %select_n3A_255, %select_n3A_221, %select_n3A_248, %select_n3A_263 : i32, i32, i32, i32, i32
      }
      %scan3A_68 = arith.constant 32 : i32
      %sub3A = arith.constant 1 : i32
      %sub3A_69 = arith.subi %scan3A_67#4, %sub3A : i32
      %select_n3A_70 = arith.constant true
      %select_n3A_71 = arith.select %select_n3A_70, %sub3A_69, %scan3A_67#4 : i32
      %eq3A_72 = arith.constant -1 : i32
      %eq3A_73 = arith.cmpi eq, %select_n3A_71, %eq3A_72 : i32
      %select_n3A_74 = arith.constant 31 : i32
      %select_n3A_75 = arith.select %eq3A_73, %select_n3A_74, %select_n3A_71 : i32
      %add3A_76 = arith.addi %select_n3A_75, %mul3A_6 : i32
      %sub3A_77 = arith.constant 1 : i32
      %sub3A_78 = arith.subi %select_n3A_75, %sub3A_77 : i32
      %select_n3A_79 = arith.constant true
      %select_n3A_80 = arith.select %select_n3A_79, %sub3A_78, %select_n3A_75 : i32
      %eq3A_81 = arith.constant -1 : i32
      %eq3A_82 = arith.cmpi eq, %select_n3A_80, %eq3A_81 : i32
      %select_n3A_83 = arith.constant 31 : i32
      %select_n3A_84 = arith.select %eq3A_82, %select_n3A_83, %select_n3A_80 : i32
      %add3A_85 = arith.addi %select_n3A_84, %mul3A_6 : i32
      %add3A_86 = arith.constant 1 : i32
      %add3A_87 = arith.addi %select_n3A_75, %add3A_86 : i32
      %select_n3A_88 = arith.constant true
      %select_n3A_89 = arith.select %select_n3A_88, %add3A_87, %select_n3A_75 : i32
      %eq3A_90 = arith.constant 32 : i32
      %eq3A_91 = arith.cmpi eq, %select_n3A_89, %eq3A_90 : i32
      %select_n3A_92 = arith.constant 0 : i32
      %select_n3A_93 = arith.select %eq3A_91, %select_n3A_92, %select_n3A_89 : i32
      %add3A_94 = arith.addi %select_n3A_93, %mul3A_6 : i32
      %add3A_95 = arith.constant 1 : i32
      %add3A_96 = arith.addi %select_n3A_93, %add3A_95 : i32
      %select_n3A_97 = arith.constant true
      %select_n3A_98 = arith.select %select_n3A_97, %add3A_96, %select_n3A_93 : i32
      %eq3A_99 = arith.constant 32 : i32
      %eq3A_100 = arith.cmpi eq, %select_n3A_98, %eq3A_99 : i32
      %select_n3A_101 = arith.constant 0 : i32
      %select_n3A_102 = arith.select %eq3A_100, %select_n3A_101, %select_n3A_98 : i32
      %add3A_103 = arith.addi %select_n3A_102, %mul3A_6 : i32
      "tpu.trace_start"() <{level = 10 : i32, message = "ep_finalize"}> : () -> ()
      %rem3A_104 = arith.constant 2 : i32
      %rem3A_105 = arith.remui %scan3A_67#3, %rem3A_104 : i32
      %mul3A_106 = arith.constant 128 : i32
      %mul3A_107 = arith.muli %mul3A_106, %add3A_76 : i32
      %dma_wait3A = arith.constant 0 : i32
      %dma_wait3A_108 = arith.constant 0 : i32
      %dma_wait3A_109 = tpu.memref_slice %run_scoped3A_8[%rem3A_105, %dma_wait3A, %dma_wait3A_108] : memref<2x128x16xbf16, #tpu.memory_space<vmem>> -> memref<1x128x16xbf16, #tpu.memory_space<vmem>>
      %dma_wait3A_110 = tpu.memref_squeeze %dma_wait3A_109 : memref<1x128x16xbf16, #tpu.memory_space<vmem>> -> memref<128x16xbf16, #tpu.memory_space<vmem>>
      %dma_wait3A_111 = arith.constant 0 : i32
      %dma_wait3A_112 = tpu.memref_slice %arg4[%mul3A_107, %dma_wait3A_111] : memref<131072x16xbf16, #tpu.memory_space<hbm>> -> memref<128x16xbf16, #tpu.memory_space<hbm>>
      %dma_wait3A_113 = tpu.memref_slice %run_scoped3A_9[%rem3A_105] : memref<2x!tpu.dma_semaphore, #tpu.memory_space<semaphore_mem>> -> memref<1x!tpu.dma_semaphore, #tpu.memory_space<semaphore_mem>>
      %dma_wait3A_114 = tpu.memref_squeeze %dma_wait3A_113 : memref<1x!tpu.dma_semaphore, #tpu.memory_space<semaphore_mem>> -> memref<!tpu.dma_semaphore, #tpu.memory_space<semaphore_mem>>
      %dma_wait3A_115 = arith.constant 0 : i32
      %dma_wait3A_116 = tpu.memref_slice %arg4[%mul3A_107, %dma_wait3A_115] : memref<131072x16xbf16, #tpu.memory_space<hbm>> -> memref<128x16xbf16, #tpu.memory_space<hbm>>
      %dma_wait3A_117 = arith.constant 0 : i32
      %dma_wait3A_118 = arith.constant 0 : i32
      %dma_wait3A_119 = tpu.memref_slice %run_scoped3A_8[%rem3A_105, %dma_wait3A_117, %dma_wait3A_118] : memref<2x128x16xbf16, #tpu.memory_space<vmem>> -> memref<1x128x16xbf16, #tpu.memory_space<vmem>>
      %dma_wait3A_120 = tpu.memref_squeeze %dma_wait3A_119 : memref<1x128x16xbf16, #tpu.memory_space<vmem>> -> memref<128x16xbf16, #tpu.memory_space<vmem>>
      tpu.wait_dma2 semaphore(%dma_wait3A_114 : memref<!tpu.dma_semaphore, #tpu.memory_space<semaphore_mem>>) src(%dma_wait3A_120 : memref<128x16xbf16, #tpu.memory_space<vmem>>) dst(%dma_wait3A_116 : memref<128x16xbf16, #tpu.memory_space<hbm>>)
      "tpu.trace_stop"() : () -> ()
      tpu.yield
    }) : () -> ()
    return
  }
}

#map = affine_map<(d0, d1) -> (0, 0)>
module attributes {stable_mosaic.version = 14 : i64} {
  func.func @k(%arg0: i32, %arg1: i32, %arg2: memref<2609152x16xbf16, #tpu.memory_space<hbm>>, %arg3: memref<1x131072xi32, #tpu.memory_space<hbm>>, %arg4: memref<131072x16xbf16, #tpu.memory_space<hbm>>) attributes {dimension_semantics = [#tpu.dimension_semantics<core_parallel>, #tpu.dimension_semantics<subcore_parallel>], iteration_bounds = array<i64: 2, 16>, scalar_prefetch = 0 : i64, scratch_operands = 0 : i64, tpu.core_type = #tpu.core_type<sc_vector_subcore>, window_params = [{transform_indices = #map}, {transform_indices = #map}, {transform_indices = #map}]} {
    %mul3A = arith.constant 1 : i32
    %mul3A_0 = arith.muli %arg1, %mul3A : i32
    %add3A = arith.constant 0 : i32
    %add3A_1 = arith.addi %add3A, %mul3A_0 : i32
    %mul3A_2 = arith.constant 16 : i32
    %mul3A_3 = arith.muli %arg0, %mul3A_2 : i32
    %add3A_4 = arith.addi %add3A_1, %mul3A_3 : i32
    %mul3A_5 = arith.constant 32 : i32
    %mul3A_6 = arith.muli %add3A_4, %mul3A_5 : i32
    "tpu.region"() ({
      %run_scoped3A = memref.alloca() : memref<2x1x128xi32, #tpu.memory_space<vmem>>
      %run_scoped3A_7 = tpu.sem_alloc : memref<2x!tpu.dma_semaphore, #tpu.memory_space<semaphore_mem>>
      %run_scoped3A_8 = memref.alloca() : memref<2x128x16xbf16, #tpu.memory_space<vmem>>
      %run_scoped3A_9 = tpu.sem_alloc : memref<2x!tpu.dma_semaphore, #tpu.memory_space<semaphore_mem>>
      %add3A_10 = arith.constant 0 : i32
      %add3A_11 = arith.addi %add3A_10, %mul3A_6 : i32
      %select_n3A = arith.constant true
      %select_n3A_12 = arith.constant 0 : i32
      %select_n3A_13 = arith.constant -1 : i32
      %select_n3A_14 = arith.select %select_n3A, %select_n3A_13, %select_n3A_12 : i32
      %eq3A = arith.constant -1 : i32
      %eq3A_15 = arith.cmpi eq, %select_n3A_14, %eq3A : i32
      %select_n3A_16 = arith.constant 31 : i32
      %select_n3A_17 = arith.select %eq3A_15, %select_n3A_16, %select_n3A_14 : i32
      %add3A_18 = arith.addi %select_n3A_17, %mul3A_6 : i32
      %select_n3A_19 = arith.constant true
      %select_n3A_20 = arith.constant 0 : i32
      %select_n3A_21 = arith.constant 1 : i32
      %select_n3A_22 = arith.select %select_n3A_19, %select_n3A_21, %select_n3A_20 : i32
      %eq3A_23 = arith.constant 32 : i32
      %eq3A_24 = arith.cmpi eq, %select_n3A_22, %eq3A_23 : i32
      %select_n3A_25 = arith.constant 0 : i32
      %select_n3A_26 = arith.select %eq3A_24, %select_n3A_25, %select_n3A_22 : i32
      %add3A_27 = arith.addi %select_n3A_26, %mul3A_6 : i32
      %add3A_28 = arith.constant 1 : i32
      %add3A_29 = arith.addi %select_n3A_26, %add3A_28 : i32
      %select_n3A_30 = arith.constant true
      %select_n3A_31 = arith.select %select_n3A_30, %add3A_29, %select_n3A_26 : i32
      %eq3A_32 = arith.constant 32 : i32
      %eq3A_33 = arith.cmpi eq, %select_n3A_31, %eq3A_32 : i32
      %select_n3A_34 = arith.constant 0 : i32
      %select_n3A_35 = arith.select %eq3A_33, %select_n3A_34, %select_n3A_31 : i32
      %add3A_36 = arith.addi %select_n3A_35, %mul3A_6 : i32
      "tpu.trace_start"() <{level = 10 : i32, message = "ep_initialize_0"}> : () -> ()
      %rem3A = arith.constant 0 : i32
      %rem3A_37 = arith.constant 2 : i32
      %rem3A_38 = arith.remui %rem3A, %rem3A_37 : i32
      %mul3A_39 = arith.constant 128 : i32
      %mul3A_40 = arith.muli %mul3A_39, %add3A_11 : i32
      %dma_start3A = arith.constant 0 : i32
      %dma_start3A_41 = arith.constant 0 : i32
      %dma_start3A_42 = tpu.memref_slice %run_scoped3A[%rem3A_38, %dma_start3A, %dma_start3A_41] : memref<2x1x128xi32, #tpu.memory_space<vmem>> -> memref<1x1x128xi32, #tpu.memory_space<vmem>>
      %dma_start3A_43 = tpu.memref_squeeze %dma_start3A_42 : memref<1x1x128xi32, #tpu.memory_space<vmem>> -> memref<1x128xi32, #tpu.memory_space<vmem>>
      %dma_start3A_44 = arith.constant 0 : i32
      %dma_start3A_45 = tpu.memref_slice %arg3[%dma_start3A_44, %mul3A_40] : memref<1x131072xi32, #tpu.memory_space<hbm>> -> memref<1x128xi32, #tpu.memory_space<hbm>>
      %dma_start3A_46 = tpu.memref_slice %run_scoped3A_7[%rem3A_38] : memref<2x!tpu.dma_semaphore, #tpu.memory_space<semaphore_mem>> -> memref<1x!tpu.dma_semaphore, #tpu.memory_space<semaphore_mem>>
      %dma_start3A_47 = tpu.memref_squeeze %dma_start3A_46 : memref<1x!tpu.dma_semaphore, #tpu.memory_space<semaphore_mem>> -> memref<!tpu.dma_semaphore, #tpu.memory_space<semaphore_mem>>
      %dma_start3A_48 = arith.constant 0 : i32
      %dma_start3A_49 = arith.constant 0 : i32
      %dma_start3A_50 = tpu.memref_slice %run_scoped3A[%rem3A_38, %dma_start3A_48, %dma_start3A_49] : memref<2x1x128xi32, #tpu.memory_space<vmem>> -> memref<1x1x128xi32, #tpu.memory_space<vmem>>
      %dma_start3A_51 = tpu.memref_squeeze %dma_start3A_50 : memref<1x1x128xi32, #tpu.memory_space<vmem>> -> memref<1x128xi32, #tpu.memory_space<vmem>>
      %dma_start3A_52 = arith.constant 0 : i32
      %dma_start3A_53 = tpu.memref_slice %arg3[%dma_start3A_52, %mul3A_40] : memref<1x131072xi32, #tpu.memory_space<hbm>> -> memref<1x128xi32, #tpu.memory_space<hbm>>
      tpu.enqueue_dma source(%dma_start3A_53 : memref<1x128xi32, #tpu.memory_space<hbm>>) target(%dma_start3A_51 : memref<1x128xi32, #tpu.memory_space<vmem>>) target_semaphore(%dma_start3A_47 : memref<!tpu.dma_semaphore, #tpu.memory_space<semaphore_mem>>)
      %add3A_54 = arith.constant 0 : i32
      %add3A_55 = arith.constant 1 : i32
      %add3A_56 = arith.addi %add3A_54, %add3A_55 : i32
      %select_n3A_57 = arith.constant true
      %select_n3A_58 = arith.constant 0 : i32
      %select_n3A_59 = arith.select %select_n3A_57, %add3A_56, %select_n3A_58 : i32
      "tpu.trace_stop"() : () -> ()
      %scan3A = arith.constant 0 : i32
      %scan3A_60 = arith.constant 0 : i32
      %scan3A_61 = arith.constant 0 : i32
      %scan3A_62 = arith.constant 0 : i32
      %scan3A_63 = arith.constant 0 : i32
      %scan3A_64 = arith.constant 32 : i32
      %scan3A_65 = arith.addi %scan3A_63, %scan3A_64 : i32
      %scan3A_66 = arith.constant 1 : i32
      %scan3A_67:5 = scf.for %scan3A_121 = %scan3A_63 to %scan3A_65 step %scan3A_66 iter_args(%scan3A_122 = %select_n3A_59, %scan3A_123 = %scan3A, %scan3A_124 = %scan3A_60, %scan3A_125 = %scan3A_61, %scan3A_126 = %scan3A_62) -> (i32, i32, i32, i32, i32)  : i32 {
        %eq3A_127 = arith.constant 0 : i32
        %eq3A_128 = arith.cmpi eq, %scan3A_121, %eq3A_127 : i32
        %eq3A_129 = arith.constant 31 : i32
        %eq3A_130 = arith.cmpi eq, %scan3A_121, %eq3A_129 : i32
        %add3A_131 = arith.addi %scan3A_126, %mul3A_6 : i32
        %sub3A_132 = arith.constant 1 : i32
        %sub3A_133 = arith.subi %scan3A_126, %sub3A_132 : i32
        %select_n3A_134 = arith.constant true
        %select_n3A_135 = arith.select %select_n3A_134, %sub3A_133, %scan3A_126 : i32
        %eq3A_136 = arith.constant -1 : i32
        %eq3A_137 = arith.cmpi eq, %select_n3A_135, %eq3A_136 : i32
        %select_n3A_138 = arith.constant 31 : i32
        %select_n3A_139 = arith.select %eq3A_137, %select_n3A_138, %select_n3A_135 : i32
        %add3A_140 = arith.addi %select_n3A_139, %mul3A_6 : i32
        %add3A_141 = arith.constant 1 : i32
        %add3A_142 = arith.addi %scan3A_126, %add3A_141 : i32
        %select_n3A_143 = arith.constant true
        %select_n3A_144 = arith.select %select_n3A_143, %add3A_142, %scan3A_126 : i32
        %eq3A_145 = arith.constant 32 : i32
        %eq3A_146 = arith.cmpi eq, %select_n3A_144, %eq3A_145 : i32
        %select_n3A_147 = arith.constant 0 : i32
        %select_n3A_148 = arith.select %eq3A_146, %select_n3A_147, %select_n3A_144 : i32
        %add3A_149 = arith.addi %select_n3A_148, %mul3A_6 : i32
        %add3A_150 = arith.constant 1 : i32
        %add3A_151 = arith.addi %select_n3A_148, %add3A_150 : i32
        %select_n3A_152 = arith.constant true
        %select_n3A_153 = arith.select %select_n3A_152, %add3A_151, %select_n3A_148 : i32
        %eq3A_154 = arith.constant 32 : i32
        %eq3A_155 = arith.cmpi eq, %select_n3A_153, %eq3A_154 : i32
        %select_n3A_156 = arith.constant 0 : i32
        %select_n3A_157 = arith.select %eq3A_155, %select_n3A_156, %select_n3A_153 : i32
        %add3A_158 = arith.addi %select_n3A_157, %mul3A_6 : i32
        %ne3A = arith.cmpi ne, %add3A_131, %add3A_149 : i32
        %or3A = arith.constant false
        %or3A_159 = arith.ori %or3A, %ne3A : i1
        %ge3A = arith.constant 31 : i32
        %ge3A_160 = arith.cmpi sge, %scan3A_121, %ge3A : i32
        %not3A = arith.constant true
        %not3A_161 = arith.xori %ge3A_160, %not3A : i1
        %and3A = arith.andi %or3A_159, %not3A_161 : i1
        %convert_element_type3A = arith.extui %and3A : i1 to i32
        %cond3A = arith.constant 0 : i32
        %cond3A_162 = arith.cmpi ne, %convert_element_type3A, %cond3A : i32
        scf.if %cond3A_162 {
          "tpu.trace_start"() <{level = 10 : i32, message = "ep_copy_in"}> : () -> ()
          %rem3A_264 = arith.constant 2 : i32
          %rem3A_265 = arith.remui %scan3A_122, %rem3A_264 : i32
          %mul3A_266 = arith.constant 128 : i32
          %mul3A_267 = arith.muli %mul3A_266, %add3A_149 : i32
          %dma_start3A_268 = arith.constant 0 : i32
          %dma_start3A_269 = arith.constant 0 : i32
          %dma_start3A_270 = tpu.memref_slice %run_scoped3A[%rem3A_265, %dma_start3A_268, %dma_start3A_269] : memref<2x1x128xi32, #tpu.memory_space<vmem>> -> memref<1x1x128xi32, #tpu.memory_space<vmem>>
          %dma_start3A_271 = tpu.memref_squeeze %dma_start3A_270 : memref<1x1x128xi32, #tpu.memory_space<vmem>> -> memref<1x128xi32, #tpu.memory_space<vmem>>
          %dma_start3A_272 = arith.constant 0 : i32
          %dma_start3A_273 = tpu.memref_slice %arg3[%dma_start3A_272, %mul3A_267] : memref<1x131072xi32, #tpu.memory_space<hbm>> -> memref<1x128xi32, #tpu.memory_space<hbm>>
          %dma_start3A_274 = tpu.memref_slice %run_scoped3A_7[%rem3A_265] : memref<2x!tpu.dma_semaphore, #tpu.memory_space<semaphore_mem>> -> memref<1x!tpu.dma_semaphore, #tpu.memory_space<semaphore_mem>>
          %dma_start3A_275 = tpu.memref_squeeze %dma_start3A_274 : memref<1x!tpu.dma_semaphore, #tpu.memory_space<semaphore_mem>> -> memref<!tpu.dma_semaphore, #tpu.memory_space<semaphore_mem>>
          %dma_start3A_276 = arith.constant 0 : i32
          %dma_start3A_277 = arith.constant 0 : i32
          %dma_start3A_278 = tpu.memref_slice %run_scoped3A[%rem3A_265, %dma_start3A_276, %dma_start3A_277] : memref<2x1x128xi32, #tpu.memory_space<vmem>> -> memref<1x1x128xi32, #tpu.memory_space<vmem>>
          %dma_start3A_279 = tpu.memref_squeeze %dma_start3A_278 : memref<1x1x128xi32, #tpu.memory_space<vmem>> -> memref<1x128xi32, #tpu.memory_space<vmem>>
          %dma_start3A_280 = arith.constant 0 : i32
          %dma_start3A_281 = tpu.memref_slice %arg3[%dma_start3A_280, %mul3A_267] : memref<1x131072xi32, #tpu.memory_space<hbm>> -> memref<1x128xi32, #tpu.memory_space<hbm>>
          tpu.enqueue_dma source(%dma_start3A_281 : memref<1x128xi32, #tpu.memory_space<hbm>>) target(%dma_start3A_279 : memref<1x128xi32, #tpu.memory_space<vmem>>) target_semaphore(%dma_start3A_275 : memref<!tpu.dma_semaphore, #tpu.memory_space<semaphore_mem>>)
          "tpu.trace_stop"() : () -> ()
        } else {
        }
        %and3A_163 = arith.constant true
        %and3A_164 = arith.andi %and3A, %and3A_163 : i1
        %add3A_165 = arith.constant 1 : i32
        %add3A_166 = arith.addi %scan3A_122, %add3A_165 : i32
        %select_n3A_167 = arith.select %and3A_164, %add3A_166, %scan3A_122 : i32
        %ne3A_168 = arith.cmpi ne, %add3A_131, %add3A_149 : i32
        %or3A_169 = arith.constant false
        %or3A_170 = arith.ori %or3A_169, %ne3A_168 : i1
        %or3A_171 = arith.constant false
        %or3A_172 = arith.ori %or3A_170, %or3A_171 : i1
        %ge3A_173 = arith.constant 31 : i32
        %ge3A_174 = arith.cmpi sge, %scan3A_121, %ge3A_173 : i32
        %not3A_175 = arith.constant true
        %not3A_176 = arith.xori %ge3A_174, %not3A_175 : i1
        %and3A_177 = arith.andi %or3A_172, %not3A_176 : i1
        %ne3A_178 = arith.cmpi ne, %add3A_131, %add3A_140 : i32
        %or3A_179 = arith.constant false
        %or3A_180 = arith.ori %or3A_179, %ne3A_178 : i1
        %or3A_181 = arith.ori %or3A_180, %eq3A_128 : i1
        %convert_element_type3A_182 = arith.extui %or3A_181 : i1 to i32
        %cond3A_183 = arith.constant 0 : i32
        %cond3A_184 = arith.cmpi ne, %convert_element_type3A_182, %cond3A_183 : i32
        scf.if %cond3A_184 {
          "tpu.trace_start"() <{level = 10 : i32, message = "ep_wait_in"}> : () -> ()
          %mul3A_264 = arith.constant 128 : i32
          %mul3A_265 = arith.muli %mul3A_264, %add3A_131 : i32
          %rem3A_266 = arith.constant 2 : i32
          %rem3A_267 = arith.remui %scan3A_123, %rem3A_266 : i32
          %dma_wait3A_268 = arith.constant 0 : i32
          %dma_wait3A_269 = arith.constant 0 : i32
          %dma_wait3A_270 = tpu.memref_slice %run_scoped3A[%rem3A_267, %dma_wait3A_268, %dma_wait3A_269] : memref<2x1x128xi32, #tpu.memory_space<vmem>> -> memref<1x1x128xi32, #tpu.memory_space<vmem>>
          %dma_wait3A_271 = tpu.memref_squeeze %dma_wait3A_270 : memref<1x1x128xi32, #tpu.memory_space<vmem>> -> memref<1x128xi32, #tpu.memory_space<vmem>>
          %dma_wait3A_272 = arith.constant 0 : i32
          %dma_wait3A_273 = tpu.memref_slice %arg3[%dma_wait3A_272, %mul3A_265] : memref<1x131072xi32, #tpu.memory_space<hbm>> -> memref<1x128xi32, #tpu.memory_space<hbm>>
          %dma_wait3A_274 = tpu.memref_slice %run_scoped3A_7[%rem3A_267] : memref<2x!tpu.dma_semaphore, #tpu.memory_space<semaphore_mem>> -> memref<1x!tpu.dma_semaphore, #tpu.memory_space<semaphore_mem>>
          %dma_wait3A_275 = tpu.memref_squeeze %dma_wait3A_274 : memref<1x!tpu.dma_semaphore, #tpu.memory_space<semaphore_mem>> -> memref<!tpu.dma_semaphore, #tpu.memory_space<semaphore_mem>>
          %dma_wait3A_276 = arith.constant 0 : i32
          %dma_wait3A_277 = arith.constant 0 : i32
          %dma_wait3A_278 = tpu.memref_slice %run_scoped3A[%rem3A_267, %dma_wait3A_276, %dma_wait3A_277] : memref<2x1x128xi32, #tpu.memory_space<vmem>> -> memref<1x1x128xi32, #tpu.memory_space<vmem>>
          %dma_wait3A_279 = tpu.memref_squeeze %dma_wait3A_278 : memref<1x1x128xi32, #tpu.memory_space<vmem>> -> memref<1x128xi32, #tpu.memory_space<vmem>>
          %dma_wait3A_280 = arith.constant 0 : i32
          %dma_wait3A_281 = tpu.memref_slice %arg3[%dma_wait3A_280, %mul3A_265] : memref<1x131072xi32, #tpu.memory_space<hbm>> -> memref<1x128xi32, #tpu.memory_space<hbm>>
          tpu.wait_dma2 semaphore(%dma_wait3A_275 : memref<!tpu.dma_semaphore, #tpu.memory_space<semaphore_mem>>) src(%dma_wait3A_281 : memref<1x128xi32, #tpu.memory_space<hbm>>) dst(%dma_wait3A_279 : memref<1x128xi32, #tpu.memory_space<vmem>>)
          "tpu.trace_stop"() : () -> ()
        } else {
        }
        %ne3A_185 = arith.cmpi ne, %add3A_131, %add3A_140 : i32
        %or3A_186 = arith.constant false
        %or3A_187 = arith.ori %or3A_186, %ne3A_185 : i1
        %or3A_188 = arith.constant false
        %or3A_189 = arith.ori %or3A_187, %or3A_188 : i1
        %or3A_190 = arith.ori %or3A_189, %eq3A_128 : i1
        %convert_element_type3A_191 = arith.extui %or3A_190 : i1 to i32
        %cond3A_192 = arith.constant 0 : i32
        %cond3A_193 = arith.cmpi ne, %convert_element_type3A_191, %cond3A_192 : i32
        scf.if %cond3A_193 {
        } else {
        }
        %rem3A_194 = arith.constant 2 : i32
        %rem3A_195 = arith.remui %scan3A_123, %rem3A_194 : i32
        %rem3A_196 = arith.constant 2 : i32
        %rem3A_197 = arith.remui %scan3A_124, %rem3A_196 : i32
        %run_scoped3A_198 = arith.constant 0 : i32
        "tpu.trace_start"() <{level = 10 : i32, message = "ep_run_kernel"}> : () -> ()
        "tpu.region"() ({
          %run_scoped3A_264 = tpu.sem_alloc : memref<!tpu.dma_semaphore, #tpu.memory_space<semaphore_mem>>
          %dma_start3A_265 = arith.constant 0 : i32
          %dma_start3A_266 = arith.constant 0 : i32
          %dma_start3A_267 = tpu.memref_slice %run_scoped3A_8[%rem3A_197, %dma_start3A_265, %dma_start3A_266] : memref<2x128x16xbf16, #tpu.memory_space<vmem>> -> memref<1x128x16xbf16, #tpu.memory_space<vmem>>
          %dma_start3A_268 = tpu.memref_squeeze %dma_start3A_267 : memref<1x128x16xbf16, #tpu.memory_space<vmem>> -> memref<128x16xbf16, #tpu.memory_space<vmem>>
          %dma_start3A_269 = arith.constant 0 : i32
          %dma_start3A_270 = arith.constant 0 : i32
          %dma_start3A_271 = tpu.memref_slice %run_scoped3A[%rem3A_195, %dma_start3A_269, %dma_start3A_270] : memref<2x1x128xi32, #tpu.memory_space<vmem>> -> memref<1x1x128xi32, #tpu.memory_space<vmem>>
          %dma_start3A_272 = tpu.memref_squeeze %dma_start3A_271 : memref<1x1x128xi32, #tpu.memory_space<vmem>> -> memref<1x128xi32, #tpu.memory_space<vmem>>
          %dma_start3A_273 = arith.constant 0 : i32
          %dma_start3A_274 = tpu.memref_slice %dma_start3A_272[%run_scoped3A_198, %dma_start3A_273] : memref<1x128xi32, #tpu.memory_space<vmem>> -> memref<1x128xi32, #tpu.memory_space<vmem>>
          %dma_start3A_275 = tpu.memref_squeeze %dma_start3A_274 : memref<1x128xi32, #tpu.memory_space<vmem>> -> memref<128xi32, #tpu.memory_space<vmem>>
          %dma_start3A_276 = arith.constant 0 : i32
          %dma_start3A_277 = arith.constant 0 : i32
          %dma_start3A_278 = tpu.memref_slice %arg2[%dma_start3A_276, %dma_start3A_277] : memref<2609152x16xbf16, #tpu.memory_space<hbm>> -> memref<2609152x16xbf16, #tpu.memory_space<hbm>>
          tpu.enqueue_indirect_dma source(%dma_start3A_278 : memref<2609152x16xbf16, #tpu.memory_space<hbm>>) target(%dma_start3A_268 : memref<128x16xbf16, #tpu.memory_space<vmem>>) offsets(%dma_start3A_275 : memref<128xi32, #tpu.memory_space<vmem>>) semaphore(%run_scoped3A_264 : memref<!tpu.dma_semaphore, #tpu.memory_space<semaphore_mem>>)
          %dma_wait3A_279 = arith.constant 0 : i32
          %dma_wait3A_280 = arith.constant 0 : i32
          %dma_wait3A_281 = tpu.memref_slice %run_scoped3A_8[%rem3A_197, %dma_wait3A_279, %dma_wait3A_280] : memref<2x128x16xbf16, #tpu.memory_space<vmem>> -> memref<1x128x16xbf16, #tpu.memory_space<vmem>>
          %dma_wait3A_282 = tpu.memref_squeeze %dma_wait3A_281 : memref<1x128x16xbf16, #tpu.memory_space<vmem>> -> memref<128x16xbf16, #tpu.memory_space<vmem>>
          %dma_wait3A_283 = arith.constant 0 : i32
          %dma_wait3A_284 = arith.constant 0 : i32
          %dma_wait3A_285 = tpu.memref_slice %run_scoped3A[%rem3A_195, %dma_wait3A_283, %dma_wait3A_284] : memref<2x1x128xi32, #tpu.memory_space<vmem>> -> memref<1x1x128xi32, #tpu.memory_space<vmem>>
          %dma_wait3A_286 = tpu.memref_squeeze %dma_wait3A_285 : memref<1x1x128xi32, #tpu.memory_space<vmem>> -> memref<1x128xi32, #tpu.memory_space<vmem>>
          %dma_wait3A_287 = arith.constant 0 : i32
          %dma_wait3A_288 = tpu.memref_slice %dma_wait3A_286[%run_scoped3A_198, %dma_wait3A_287] : memref<1x128xi32, #tpu.memory_space<vmem>> -> memref<1x128xi32, #tpu.memory_space<vmem>>
          %dma_wait3A_289 = tpu.memref_squeeze %dma_wait3A_288 : memref<1x128xi32, #tpu.memory_space<vmem>> -> memref<128xi32, #tpu.memory_space<vmem>>
          %dma_wait3A_290 = arith.constant 0 : i32
          %dma_wait3A_291 = arith.constant 0 : i32
          %dma_wait3A_292 = tpu.memref_slice %arg2[%dma_wait3A_290, %dma_wait3A_291] : memref<2609152x16xbf16, #tpu.memory_space<hbm>> -> memref<2609152x16xbf16, #tpu.memory_space<hbm>>
          tpu.wait_indirect_dma semaphore(%run_scoped3A_264 : memref<!tpu.dma_semaphore, #tpu.memory_space<semaphore_mem>>) src(%dma_wait3A_292 : memref<2609152x16xbf16, #tpu.memory_space<hbm>>) dst(%dma_wait3A_282 : memref<128x16xbf16, #tpu.memory_space<vmem>>)
          tpu.yield
        }) : () -> ()
        "tpu.trace_stop"() : () -> ()
        %ne3A_199 = arith.cmpi ne, %add3A_131, %add3A_149 : i32
        %or3A_200 = arith.constant false
        %or3A_201 = arith.ori %or3A_200, %ne3A_199 : i1
        %or3A_202 = arith.ori %or3A_201, %eq3A_130 : i1
        %convert_element_type3A_203 = arith.extui %or3A_202 : i1 to i32
        %cond3A_204 = arith.constant 0 : i32
        %cond3A_205 = arith.cmpi ne, %convert_element_type3A_203, %cond3A_204 : i32
        scf.if %cond3A_205 {
        } else {
        }
        %and3A_206 = arith.constant false
        %and3A_207 = arith.andi %or3A_202, %and3A_206 : i1
        %ne3A_208 = arith.cmpi ne, %add3A_131, %add3A_149 : i32
        %or3A_209 = arith.constant false
        %or3A_210 = arith.ori %or3A_209, %ne3A_208 : i1
        %or3A_211 = arith.constant false
        %or3A_212 = arith.ori %or3A_210, %or3A_211 : i1
        %or3A_213 = arith.ori %or3A_212, %eq3A_130 : i1
        %convert_element_type3A_214 = arith.extui %or3A_213 : i1 to i32
        %cond3A_215 = arith.constant 0 : i32
        %cond3A_216 = arith.cmpi ne, %convert_element_type3A_214, %cond3A_215 : i32
        scf.if %cond3A_216 {
          "tpu.trace_start"() <{level = 10 : i32, message = "ep_copy_out"}> : () -> ()
          %rem3A_264 = arith.constant 2 : i32
          %rem3A_265 = arith.remui %scan3A_124, %rem3A_264 : i32
          %mul3A_266 = arith.constant 128 : i32
          %mul3A_267 = arith.muli %mul3A_266, %add3A_131 : i32
          %dma_start3A_268 = arith.constant 0 : i32
          %dma_start3A_269 = arith.constant 0 : i32
          %dma_start3A_270 = tpu.memref_slice %run_scoped3A_8[%rem3A_265, %dma_start3A_268, %dma_start3A_269] : memref<2x128x16xbf16, #tpu.memory_space<vmem>> -> memref<1x128x16xbf16, #tpu.memory_space<vmem>>
          %dma_start3A_271 = tpu.memref_squeeze %dma_start3A_270 : memref<1x128x16xbf16, #tpu.memory_space<vmem>> -> memref<128x16xbf16, #tpu.memory_space<vmem>>
          %dma_start3A_272 = arith.constant 0 : i32
          %dma_start3A_273 = tpu.memref_slice %arg4[%mul3A_267, %dma_start3A_272] : memref<131072x16xbf16, #tpu.memory_space<hbm>> -> memref<128x16xbf16, #tpu.memory_space<hbm>>
          %dma_start3A_274 = tpu.memref_slice %run_scoped3A_9[%rem3A_265] : memref<2x!tpu.dma_semaphore, #tpu.memory_space<semaphore_mem>> -> memref<1x!tpu.dma_semaphore, #tpu.memory_space<semaphore_mem>>
          %dma_start3A_275 = tpu.memref_squeeze %dma_start3A_274 : memref<1x!tpu.dma_semaphore, #tpu.memory_space<semaphore_mem>> -> memref<!tpu.dma_semaphore, #tpu.memory_space<semaphore_mem>>
          %dma_start3A_276 = arith.constant 0 : i32
          %dma_start3A_277 = tpu.memref_slice %arg4[%mul3A_267, %dma_start3A_276] : memref<131072x16xbf16, #tpu.memory_space<hbm>> -> memref<128x16xbf16, #tpu.memory_space<hbm>>
          %dma_start3A_278 = arith.constant 0 : i32
          %dma_start3A_279 = arith.constant 0 : i32
          %dma_start3A_280 = tpu.memref_slice %run_scoped3A_8[%rem3A_265, %dma_start3A_278, %dma_start3A_279] : memref<2x128x16xbf16, #tpu.memory_space<vmem>> -> memref<1x128x16xbf16, #tpu.memory_space<vmem>>
          %dma_start3A_281 = tpu.memref_squeeze %dma_start3A_280 : memref<1x128x16xbf16, #tpu.memory_space<vmem>> -> memref<128x16xbf16, #tpu.memory_space<vmem>>
          tpu.enqueue_dma source(%dma_start3A_281 : memref<128x16xbf16, #tpu.memory_space<vmem>>) target(%dma_start3A_277 : memref<128x16xbf16, #tpu.memory_space<hbm>>) target_semaphore(%dma_start3A_275 : memref<!tpu.dma_semaphore, #tpu.memory_space<semaphore_mem>>)
          "tpu.trace_stop"() : () -> ()
        } else {
        }
        %and3A_217 = arith.constant true
        %and3A_218 = arith.andi %or3A_213, %and3A_217 : i1
        %add3A_219 = arith.constant 1 : i32
        %add3A_220 = arith.addi %scan3A_124, %add3A_219 : i32
        %select_n3A_221 = arith.select %and3A_218, %add3A_220, %scan3A_124 : i32
        %ne3A_222 = arith.cmpi ne, %add3A_131, %add3A_140 : i32
        %or3A_223 = arith.constant false
        %or3A_224 = arith.ori %or3A_223, %ne3A_222 : i1
        %not3A_225 = arith.constant true
        %not3A_226 = arith.xori %eq3A_128, %not3A_225 : i1
        %and3A_227 = arith.andi %or3A_224, %not3A_226 : i1
        %convert_element_type3A_228 = arith.extui %and3A_227 : i1 to i32
        %cond3A_229 = arith.constant 0 : i32
        %cond3A_230 = arith.cmpi ne, %convert_element_type3A_228, %cond3A_229 : i32
        scf.if %cond3A_230 {
        } else {
        }
        %and3A_231 = arith.constant false
        %and3A_232 = arith.andi %and3A_227, %and3A_231 : i1
        %ne3A_233 = arith.cmpi ne, %add3A_131, %add3A_140 : i32
        %or3A_234 = arith.constant false
        %or3A_235 = arith.ori %or3A_234, %ne3A_233 : i1
        %or3A_236 = arith.constant false
        %or3A_237 = arith.ori %or3A_235, %or3A_236 : i1
        %not3A_238 = arith.constant true
        %not3A_239 = arith.xori %eq3A_128, %not3A_238 : i1
        %and3A_240 = arith.andi %or3A_237, %not3A_239 : i1
        %convert_element_type3A_241 = arith.extui %and3A_240 : i1 to i32
        %cond3A_242 = arith.constant 0 : i32
        %cond3A_243 = arith.cmpi ne, %convert_element_type3A_241, %cond3A_242 : i32
        scf.if %cond3A_243 {
          "tpu.trace_start"() <{level = 10 : i32, message = "ep_wait_out"}> : () -> ()
          %rem3A_264 = arith.constant 2 : i32
          %rem3A_265 = arith.remui %scan3A_125, %rem3A_264 : i32
          %mul3A_266 = arith.constant 128 : i32
          %mul3A_267 = arith.muli %mul3A_266, %add3A_140 : i32
          %dma_wait3A_268 = arith.constant 0 : i32
          %dma_wait3A_269 = arith.constant 0 : i32
          %dma_wait3A_270 = tpu.memref_slice %run_scoped3A_8[%rem3A_265, %dma_wait3A_268, %dma_wait3A_269] : memref<2x128x16xbf16, #tpu.memory_space<vmem>> -> memref<1x128x16xbf16, #tpu.memory_space<vmem>>
          %dma_wait3A_271 = tpu.memref_squeeze %dma_wait3A_270 : memref<1x128x16xbf16, #tpu.memory_space<vmem>> -> memref<128x16xbf16, #tpu.memory_space<vmem>>
          %dma_wait3A_272 = arith.constant 0 : i32
          %dma_wait3A_273 = tpu.memref_slice %arg4[%mul3A_267, %dma_wait3A_272] : memref<131072x16xbf16, #tpu.memory_space<hbm>> -> memref<128x16xbf16, #tpu.memory_space<hbm>>
          %dma_wait3A_274 = tpu.memref_slice %run_scoped3A_9[%rem3A_265] : memref<2x!tpu.dma_semaphore, #tpu.memory_space<semaphore_mem>> -> memref<1x!tpu.dma_semaphore, #tpu.memory_space<semaphore_mem>>
          %dma_wait3A_275 = tpu.memref_squeeze %dma_wait3A_274 : memref<1x!tpu.dma_semaphore, #tpu.memory_space<semaphore_mem>> -> memref<!tpu.dma_semaphore, #tpu.memory_space<semaphore_mem>>
          %dma_wait3A_276 = arith.constant 0 : i32
          %dma_wait3A_277 = tpu.memref_slice %arg4[%mul3A_267, %dma_wait3A_276] : memref<131072x16xbf16, #tpu.memory_space<hbm>> -> memref<128x16xbf16, #tpu.memory_space<hbm>>
          %dma_wait3A_278 = arith.constant 0 : i32
          %dma_wait3A_279 = arith.constant 0 : i32
          %dma_wait3A_280 = tpu.memref_slice %run_scoped3A_8[%rem3A_265, %dma_wait3A_278, %dma_wait3A_279] : memref<2x128x16xbf16, #tpu.memory_space<vmem>> -> memref<1x128x16xbf16, #tpu.memory_space<vmem>>
          %dma_wait3A_281 = tpu.memref_squeeze %dma_wait3A_280 : memref<1x128x16xbf16, #tpu.memory_space<vmem>> -> memref<128x16xbf16, #tpu.memory_space<vmem>>
          tpu.wait_dma2 semaphore(%dma_wait3A_275 : memref<!tpu.dma_semaphore, #tpu.memory_space<semaphore_mem>>) src(%dma_wait3A_281 : memref<128x16xbf16, #tpu.memory_space<vmem>>) dst(%dma_wait3A_277 : memref<128x16xbf16, #tpu.memory_space<hbm>>)
          "tpu.trace_stop"() : () -> ()
        } else {
        }
        %and3A_244 = arith.constant true
        %and3A_245 = arith.andi %and3A_240, %and3A_244 : i1
        %add3A_246 = arith.constant 1 : i32
        %add3A_247 = arith.addi %scan3A_125, %add3A_246 : i32
        %select_n3A_248 = arith.select %and3A_245, %add3A_247, %scan3A_125 : i32
        %ne3A_249 = arith.cmpi ne, %add3A_131, %add3A_149 : i32
        %or3A_250 = arith.constant false
        %or3A_251 = arith.ori %or3A_250, %ne3A_249 : i1
        %or3A_252 = arith.ori %or3A_251, %eq3A_130 : i1
        %add3A_253 = arith.constant 1 : i32
        %add3A_254 = arith.addi %scan3A_123, %add3A_253 : i32
        %select_n3A_255 = arith.select %or3A_252, %add3A_254, %scan3A_123 : i32
        %add3A_256 = arith.constant 1 : i32
        %add3A_257 = arith.addi %scan3A_126, %add3A_256 : i32
        %select_n3A_258 = arith.constant true
        %select_n3A_259 = arith.select %select_n3A_258, %add3A_257, %scan3A_126 : i32
        %eq3A_260 = arith.constant 32 : i32
        %eq3A_261 = arith.cmpi eq, %select_n3A_259, %eq3A_260 : i32
        %select_n3A_262 = arith.constant 0 : i32
        %select_n3A_263 = arith.select %eq3A_261, %select_n3A_262, %select_n3A_259 : i32
        scf.yield %select_n3A_167, %select_n3A_255, %select_n3A_221, %select_n3A_248, %select_n3A_263 : i32, i32, i32, i32, i32
      }
      %scan3A_68 = arith.constant 32 : i32
      %sub3A = arith.constant 1 : i32
      %sub3A_69 = arith.subi %scan3A_67#4, %sub3A : i32
      %select_n3A_70 = arith.constant true
      %select_n3A_71 = arith.select %select_n3A_70, %sub3A_69, %scan3A_67#4 : i32
      %eq3A_72 = arith.constant -1 : i32
      %eq3A_73 = arith.cmpi eq, %select_n3A_71, %eq3A_72 : i32
      %select_n3A_74 = arith.constant 31 : i32
      %select_n3A_75 = arith.select %eq3A_73, %select_n3A_74, %select_n3A_71 : i32
      %add3A_76 = arith.addi %select_n3A_75, %mul3A_6 : i32
      %sub3A_77 = arith.constant 1 : i32
      %sub3A_78 = arith.subi %select_n3A_75, %sub3A_77 : i32
      %select_n3A_79 = arith.constant true
      %select_n3A_80 = arith.select %select_n3A_79, %sub3A_78, %select_n3A_75 : i32
      %eq3A_81 = arith.constant -1 : i32
      %eq3A_82 = arith.cmpi eq, %select_n3A_80, %eq3A_81 : i32
      %select_n3A_83 = arith.constant 31 : i32
      %select_n3A_84 = arith.select %eq3A_82, %select_n3A_83, %select_n3A_80 : i32
      %add3A_85 = arith.addi %select_n3A_84, %mul3A_6 : i32
      %add3A_86 = arith.constant 1 : i32
      %add3A_87 = arith.addi %select_n3A_75, %add3A_86 : i32
      %select_n3A_88 = arith.constant true
      %select_n3A_89 = arith.select %select_n3A_88, %add3A_87, %select_n3A_75 : i32
      %eq3A_90 = arith.constant 32 : i32
      %eq3A_91 = arith.cmpi eq, %select_n3A_89, %eq3A_90 : i32
      %select_n3A_92 = arith.constant 0 : i32
      %select_n3A_93 = arith.select %eq3A_91, %select_n3A_92, %select_n3A_89 : i32
      %add3A_94 = arith.addi %select_n3A_93, %mul3A_6 : i32
      %add3A_95 = arith.constant 1 : i32
      %add3A_96 = arith.addi %select_n3A_93, %add3A_95 : i32
      %select_n3A_97 = arith.constant true
      %select_n3A_98 = arith.select %select_n3A_97, %add3A_96, %select_n3A_93 : i32
      %eq3A_99 = arith.constant 32 : i32
      %eq3A_100 = arith.cmpi eq, %select_n3A_98, %eq3A_99 : i32
      %select_n3A_101 = arith.constant 0 : i32
      %select_n3A_102 = arith.select %eq3A_100, %select_n3A_101, %select_n3A_98 : i32
      %add3A_103 = arith.addi %select_n3A_102, %mul3A_6 : i32
      "tpu.trace_start"() <{level = 10 : i32, message = "ep_finalize"}> : () -> ()
      %rem3A_104 = arith.constant 2 : i32
      %rem3A_105 = arith.remui %scan3A_67#3, %rem3A_104 : i32
      %mul3A_106 = arith.constant 128 : i32
      %mul3A_107 = arith.muli %mul3A_106, %add3A_76 : i32
      %dma_wait3A = arith.constant 0 : i32
      %dma_wait3A_108 = arith.constant 0 : i32
      %dma_wait3A_109 = tpu.memref_slice %run_scoped3A_8[%rem3A_105, %dma_wait3A, %dma_wait3A_108] : memref<2x128x16xbf16, #tpu.memory_space<vmem>> -> memref<1x128x16xbf16, #tpu.memory_space<vmem>>
      %dma_wait3A_110 = tpu.memref_squeeze %dma_wait3A_109 : memref<1x128x16xbf16, #tpu.memory_space<vmem>> -> memref<128x16xbf16, #tpu.memory_space<vmem>>
      %dma_wait3A_111 = arith.constant 0 : i32
      %dma_wait3A_112 = tpu.memref_slice %arg4[%mul3A_107, %dma_wait3A_111] : memref<131072x16xbf16, #tpu.memory_space<hbm>> -> memref<128x16xbf16, #tpu.memory_space<hbm>>
      %dma_wait3A_113 = tpu.memref_slice %run_scoped3A_9[%rem3A_105] : memref<2x!tpu.dma_semaphore, #tpu.memory_space<semaphore_mem>> -> memref<1x!tpu.dma_semaphore, #tpu.memory_space<semaphore_mem>>
      %dma_wait3A_114 = tpu.memref_squeeze %dma_wait3A_113 : memref<1x!tpu.dma_semaphore, #tpu.memory_space<semaphore_mem>> -> memref<!tpu.dma_semaphore, #tpu.memory_space<semaphore_mem>>
      %dma_wait3A_115 = arith.constant 0 : i32
      %dma_wait3A_116 = tpu.memref_slice %arg4[%mul3A_107, %dma_wait3A_115] : memref<131072x16xbf16, #tpu.memory_space<hbm>> -> memref<128x16xbf16, #tpu.memory_space<hbm>>
      %dma_wait3A_117 = arith.constant 0 : i32
      %dma_wait3A_118 = arith.constant 0 : i32
      %dma_wait3A_119 = tpu.memref_slice %run_scoped3A_8[%rem3A_105, %dma_wait3A_117, %dma_wait3A_118] : memref<2x128x16xbf16, #tpu.memory_space<vmem>> -> memref<1x128x16xbf16, #tpu.memory_space<vmem>>
      %dma_wait3A_120 = tpu.memref_squeeze %dma_wait3A_119 : memref<1x128x16xbf16, #tpu.memory_space<vmem>> -> memref<128x16xbf16, #tpu.memory_space<vmem>>
      tpu.wait_dma2 semaphore(%dma_wait3A_114 : memref<!tpu.dma_semaphore, #tpu.memory_space<semaphore_mem>>) src(%dma_wait3A_120 : memref<128x16xbf16, #tpu.memory_space<vmem>>) dst(%dma_wait3A_116 : memref<128x16xbf16, #tpu.memory_space<hbm>>)
      "tpu.trace_stop"() : () -> ()
      tpu.yield
    }) : () -> ()
    return
  }
}

module attributes {stable_mosaic.version = 14 : i64} {
  func.func @_tp_body(%arg0: i32, %arg1: memref<1x16x100000xf32, #tpu.memory_space<vmem>>, %arg2: memref<1x12544x128xbf16, #tpu.memory_space<vmem>>) attributes {dimension_semantics = [#tpu.dimension_semantics<arbitrary>], iteration_bounds = array<i64: 26>, scalar_prefetch = 0 : i64, scratch_operands = 0 : i64, tpu.core_type = #tpu.core_type<tc>, window_params = [{transform_indices = @transform_0, window_bounds = array<i64: 1, 16, 100000>}, {transform_indices = @transform_1, window_bounds = array<i64: 1, 12544, 128>}]} {
    %get3A = arith.constant 0 : index
    %get3A_0 = arith.constant 0 : index
    %get3A_1 = arith.constant 0 : index
    %get3A_2 = vector.load %arg1[%get3A, %get3A_0, %get3A_1] : memref<1x16x100000xf32, #tpu.memory_space<vmem>>, vector<1x16x12544xf32>
    %get3A_3 = vector.shape_cast %get3A_2 : vector<1x16x12544xf32> to vector<16x12544xf32>
    %get3A_4 = arith.constant 0 : index
    %get3A_5 = arith.constant 0 : index
    %get3A_6 = arith.constant 12544 : index
    %get3A_7 = vector.load %arg1[%get3A_4, %get3A_5, %get3A_6] : memref<1x16x100000xf32, #tpu.memory_space<vmem>>, vector<1x16x12544xf32>
    %get3A_8 = vector.shape_cast %get3A_7 : vector<1x16x12544xf32> to vector<16x12544xf32>
    %get3A_9 = arith.constant 0 : index
    %get3A_10 = arith.constant 0 : index
    %get3A_11 = arith.constant 25088 : index
    %get3A_12 = vector.load %arg1[%get3A_9, %get3A_10, %get3A_11] : memref<1x16x100000xf32, #tpu.memory_space<vmem>>, vector<1x16x12544xf32>
    %get3A_13 = vector.shape_cast %get3A_12 : vector<1x16x12544xf32> to vector<16x12544xf32>
    %get3A_14 = arith.constant 0 : index
    %get3A_15 = arith.constant 0 : index
    %get3A_16 = arith.constant 37632 : index
    %get3A_17 = vector.load %arg1[%get3A_14, %get3A_15, %get3A_16] : memref<1x16x100000xf32, #tpu.memory_space<vmem>>, vector<1x16x12544xf32>
    %get3A_18 = vector.shape_cast %get3A_17 : vector<1x16x12544xf32> to vector<16x12544xf32>
    %get3A_19 = arith.constant 0 : index
    %get3A_20 = arith.constant 0 : index
    %get3A_21 = arith.constant 50176 : index
    %get3A_22 = vector.load %arg1[%get3A_19, %get3A_20, %get3A_21] : memref<1x16x100000xf32, #tpu.memory_space<vmem>>, vector<1x16x12544xf32>
    %get3A_23 = vector.shape_cast %get3A_22 : vector<1x16x12544xf32> to vector<16x12544xf32>
    %get3A_24 = arith.constant 0 : index
    %get3A_25 = arith.constant 0 : index
    %get3A_26 = arith.constant 62720 : index
    %get3A_27 = vector.load %arg1[%get3A_24, %get3A_25, %get3A_26] : memref<1x16x100000xf32, #tpu.memory_space<vmem>>, vector<1x16x12544xf32>
    %get3A_28 = vector.shape_cast %get3A_27 : vector<1x16x12544xf32> to vector<16x12544xf32>
    %get3A_29 = arith.constant 0 : index
    %get3A_30 = arith.constant 0 : index
    %get3A_31 = arith.constant 75264 : index
    %get3A_32 = vector.load %arg1[%get3A_29, %get3A_30, %get3A_31] : memref<1x16x100000xf32, #tpu.memory_space<vmem>>, vector<1x16x12544xf32>
    %get3A_33 = vector.shape_cast %get3A_32 : vector<1x16x12544xf32> to vector<16x12544xf32>
    %get3A_34 = arith.constant 0 : index
    %get3A_35 = arith.constant 0 : index
    %get3A_36 = arith.constant 87808 : index
    %get3A_37 = vector.load %arg1[%get3A_34, %get3A_35, %get3A_36] : memref<1x16x100000xf32, #tpu.memory_space<vmem>>, vector<1x16x12192xf32>
    %get3A_38 = vector.shape_cast %get3A_37 : vector<1x16x12192xf32> to vector<16x12192xf32>
    %broadcast_in_dim3A = arith.constant 0.000000e+00 : f32
    %broadcast_in_dim3A_39 = vector.broadcast %broadcast_in_dim3A : f32 to vector<16x352xf32>
    %concatenate3A = tpu.concatenate %get3A_38, %broadcast_in_dim3A_39 in 1 : vector<16x12192xf32>, vector<16x352xf32> -> vector<16x12544xf32>
    %concatenate3A_40 = tpu.concatenate %get3A_3, %get3A_8, %get3A_13, %get3A_18, %get3A_23, %get3A_28, %get3A_33, %concatenate3A in 0 : vector<16x12544xf32>, vector<16x12544xf32>, vector<16x12544xf32>, vector<16x12544xf32>, vector<16x12544xf32>, vector<16x12544xf32>, vector<16x12544xf32>, vector<16x12544xf32> -> vector<128x12544xf32>
    %transpose3A = tpu.transpose %concatenate3A_40, [1, 0] : vector<128x12544xf32> -> vector<12544x128xf32>
    %convert_element_type3A = arith.truncf %transpose3A : vector<12544x128xf32> to vector<12544x128xbf16>
    %swap3A = arith.constant 0 : index
    %swap3A_41 = arith.constant 0 : index
    %swap3A_42 = arith.constant 0 : index
    %swap3A_43 = vector.load %arg2[%swap3A, %swap3A_41, %swap3A_42] : memref<1x12544x128xbf16, #tpu.memory_space<vmem>>, vector<1x12544x128xbf16>
    %swap3A_44 = vector.shape_cast %swap3A_43 : vector<1x12544x128xbf16> to vector<12544x128xbf16>
    %swap3A_45 = vector.shape_cast %convert_element_type3A : vector<12544x128xbf16> to vector<1x12544x128xbf16>
    tpu.vector_store %arg2[%swap3A, %swap3A_41, %swap3A_42], %swap3A_45 {strides = array<i32>} : memref<1x12544x128xbf16, #tpu.memory_space<vmem>>, vector<1x12544x128xbf16>,
    return
  }
  func.func @transform_0(%arg0: i32) -> (i32, i32, i32) {
    %c0_i32 = arith.constant 0 : i32
    %c0_i32_0 = arith.constant 0 : i32
    %c0_i32_1 = arith.constant 0 : i32
    return %arg0, %c0_i32, %c0_i32_0 : i32, i32, i32
  }
  func.func @transform_1(%arg0: i32) -> (i32, i32, i32) {
    %c0_i32 = arith.constant 0 : i32
    %c0_i32_0 = arith.constant 0 : i32
    %c0_i32_1 = arith.constant 0 : i32
    return %arg0, %c0_i32, %c0_i32_0 : i32, i32, i32
  }
}

module attributes {stable_mosaic.version = 14 : i64} {
  func.func @_mlp_body(%arg0: i32, %arg1: memref<1024x512xbf16, #tpu.memory_space<vmem>>, %arg2: memref<416x512xf32, #tpu.memory_space<vmem>>, %arg3: memref<325x512xf32, #tpu.memory_space<vmem>>, %arg4: memref<512x256xf32, #tpu.memory_space<vmem>>, %arg5: memref<256x1xf32, #tpu.memory_space<vmem>>, %arg6: memref<1x512xf32, #tpu.memory_space<vmem>>, %arg7: memref<1x256xf32, #tpu.memory_space<vmem>>, %arg8: memref<1x1xf32, #tpu.memory_space<vmem>>, %arg9: memref<1024x1xf32, #tpu.memory_space<vmem>>) attributes {dimension_semantics = [#tpu.dimension_semantics<arbitrary>], iteration_bounds = array<i64: 4>, scalar_prefetch = 0 : i64, scratch_operands = 0 : i64, tpu.core_type = #tpu.core_type<tc>, window_params = [{transform_indices = @transform_0, window_bounds = array<i64: 1024, 512>}, {pipeline_mode = #tpu.pipeline_mode<synchronous>, transform_indices = @transform_1, window_bounds = array<i64: 416, 512>}, {pipeline_mode = #tpu.pipeline_mode<synchronous>, transform_indices = @transform_2, window_bounds = array<i64: 325, 512>}, {pipeline_mode = #tpu.pipeline_mode<synchronous>, transform_indices = @transform_3, window_bounds = array<i64: 512, 256>}, {pipeline_mode = #tpu.pipeline_mode<synchronous>, transform_indices = @transform_4, window_bounds = array<i64: 256, 1>}, {pipeline_mode = #tpu.pipeline_mode<synchronous>, transform_indices = @transform_5, window_bounds = array<i64: 1, 512>}, {pipeline_mode = #tpu.pipeline_mode<synchronous>, transform_indices = @transform_6, window_bounds = array<i64: 1, 256>}, {pipeline_mode = #tpu.pipeline_mode<synchronous>, transform_indices = @transform_7, window_bounds = array<i64: 1, 1>}, {transform_indices = @transform_8, window_bounds = array<i64: 1024, 1>}]} {
    %get3A = arith.constant 0 : index
    %get3A_0 = arith.constant 0 : index
    %get3A_1 = vector.load %arg1[%get3A, %get3A_0] : memref<1024x512xbf16, #tpu.memory_space<vmem>>, vector<1024x512xbf16>
    %slice3A = vector.extract_strided_slice %get3A_1 {offsets = [0, 0], sizes = [1024, 416], strides = [1, 1]} : vector<1024x512xbf16> to vector<1024x416xbf16>
    %convert_element_type3A = arith.extf %slice3A : vector<1024x416xbf16> to vector<1024x416xf32>
    %slice3A_2 = vector.extract_strided_slice %convert_element_type3A {offsets = [0, 0], sizes = [1024, 400], strides = [1, 1]} : vector<1024x416xf32> to vector<1024x400xf32>
    %slice3A_3 = vector.extract_strided_slice %convert_element_type3A {offsets = [0, 16], sizes = [1024, 400], strides = [1, 1]} : vector<1024x416xf32> to vector<1024x400xf32>
    %mul3A = arith.mulf %slice3A_2, %slice3A_3 : vector<1024x400xf32>
    %convert_element_type3A_4 = arith.truncf %mul3A : vector<1024x400xf32> to vector<1024x400xbf16>
    %iota3A = tpu.iota {dimensions = array<i32: 0>} : vector<400x25xi32>
    %jit3A = arith.constant 16 : i32
    %div3A = vector.broadcast %jit3A : i32 to vector<400x25xi32>
    %div3A_5 = arith.divsi %iota3A, %div3A : vector<400x25xi32>
    %sign3A = arith.constant 0 : i32
    %sign3A_6 = vector.broadcast %sign3A : i32 to vector<400x25xi32>
    %sign3A_7 = arith.cmpi sgt, %iota3A, %sign3A_6 : vector<400x25xi32>
    %sign3A_8 = arith.extui %sign3A_7 : vector<400x25xi1> to vector<400x25xi32>
    %sign3A_9 = arith.constant 0 : i32
    %sign3A_10 = vector.broadcast %sign3A_9 : i32 to vector<400x25xi32>
    %sign3A_11 = arith.cmpi slt, %iota3A, %sign3A_10 : vector<400x25xi32>
    %sign3A_12 = arith.extui %sign3A_11 : vector<400x25xi1> to vector<400x25xi32>
    %sign3A_13 = arith.subi %sign3A_8, %sign3A_12 : vector<400x25xi32>
    %sign3A_14 = arith.constant 0 : i32
    %sign3A_15 = arith.cmpi sgt, %jit3A, %sign3A_14 : i32
    %sign3A_16 = arith.extui %sign3A_15 : i1 to i32
    %sign3A_17 = arith.constant 0 : i32
    %sign3A_18 = arith.cmpi slt, %jit3A, %sign3A_17 : i32
    %sign3A_19 = arith.extui %sign3A_18 : i1 to i32
    %sign3A_20 = arith.subi %sign3A_16, %sign3A_19 : i32
    %ne3A = vector.broadcast %sign3A_20 : i32 to vector<400x25xi32>
    %ne3A_21 = arith.cmpi ne, %sign3A_13, %ne3A : vector<400x25xi32>
    %rem3A = vector.broadcast %jit3A : i32 to vector<400x25xi32>
    %rem3A_22 = arith.remsi %iota3A, %rem3A : vector<400x25xi32>
    %ne3A_23 = arith.constant 0 : i32
    %ne3A_24 = vector.broadcast %ne3A_23 : i32 to vector<400x25xi32>
    %ne3A_25 = arith.cmpi ne, %rem3A_22, %ne3A_24 : vector<400x25xi32>
    %and3A = arith.andi %ne3A_21, %ne3A_25 : vector<400x25xi1>
    %sub3A = arith.constant 1 : i32
    %sub3A_26 = vector.broadcast %sub3A : i32 to vector<400x25xi32>
    %sub3A_27 = arith.subi %div3A_5, %sub3A_26 : vector<400x25xi32>
    %select_n3A = arith.select %and3A, %sub3A_27, %div3A_5 : vector<400x25xi1>, vector<400x25xi32>
    %iota3A_28 = tpu.iota {dimensions = array<i32: 1>} : vector<400x25xi32>
    %eq3A = arith.cmpi eq, %select_n3A, %iota3A_28 : vector<400x25xi32>
    %convert_element_type3A_29 = arith.extui %eq3A : vector<400x25xi1> to vector<400x25xi32>
    %convert_element_type3A_30 = arith.sitofp %convert_element_type3A_29 : vector<400x25xi32> to vector<400x25xf32>
    %convert_element_type3A_31 = arith.truncf %convert_element_type3A_30 : vector<400x25xf32> to vector<400x25xbf16>
    %dot_general3A = arith.constant dense<0.000000e+00> : vector<1024x25xf32>
    %dot_general3A_32 = tpu.matmul %convert_element_type3A_4, %convert_element_type3A_31, %dot_general3A {dimension_numbers = #tpu.dot_dimension_numbers<[1], [0], [0], [1], [0, 0, 1, 1], [], []>, transpose_lhs_hint = false} : vector<1024x400xbf16>, vector<400x25xbf16>, vector<1024x25xf32> -> vector<1024x25xf32>
    %slice3A_33 = vector.extract_strided_slice %convert_element_type3A {offsets = [0, 0], sizes = [1024, 384], strides = [1, 1]} : vector<1024x416xf32> to vector<1024x384xf32>
    %slice3A_34 = vector.extract_strided_slice %convert_element_type3A {offsets = [0, 32], sizes = [1024, 384], strides = [1, 1]} : vector<1024x416xf32> to vector<1024x384xf32>
    %mul3A_35 = arith.mulf %slice3A_33, %slice3A_34 : vector<1024x384xf32>
    %convert_element_type3A_36 = arith.truncf %mul3A_35 : vector<1024x384xf32> to vector<1024x384xbf16>
    %iota3A_37 = tpu.iota {dimensions = array<i32: 0>} : vector<384x24xi32>
    %jit3A_38 = arith.constant 16 : i32
    %div3A_39 = vector.broadcast %jit3A_38 : i32 to vector<384x24xi32>
    %div3A_40 = arith.divsi %iota3A_37, %div3A_39 : vector<384x24xi32>
    %sign3A_41 = arith.constant 0 : i32
    %sign3A_42 = vector.broadcast %sign3A_41 : i32 to vector<384x24xi32>
    %sign3A_43 = arith.cmpi sgt, %iota3A_37, %sign3A_42 : vector<384x24xi32>
    %sign3A_44 = arith.extui %sign3A_43 : vector<384x24xi1> to vector<384x24xi32>
    %sign3A_45 = arith.constant 0 : i32
    %sign3A_46 = vector.broadcast %sign3A_45 : i32 to vector<384x24xi32>
    %sign3A_47 = arith.cmpi slt, %iota3A_37, %sign3A_46 : vector<384x24xi32>
    %sign3A_48 = arith.extui %sign3A_47 : vector<384x24xi1> to vector<384x24xi32>
    %sign3A_49 = arith.subi %sign3A_44, %sign3A_48 : vector<384x24xi32>
    %sign3A_50 = arith.constant 0 : i32
    %sign3A_51 = arith.cmpi sgt, %jit3A_38, %sign3A_50 : i32
    %sign3A_52 = arith.extui %sign3A_51 : i1 to i32
    %sign3A_53 = arith.constant 0 : i32
    %sign3A_54 = arith.cmpi slt, %jit3A_38, %sign3A_53 : i32
    %sign3A_55 = arith.extui %sign3A_54 : i1 to i32
    %sign3A_56 = arith.subi %sign3A_52, %sign3A_55 : i32
    %ne3A_57 = vector.broadcast %sign3A_56 : i32 to vector<384x24xi32>
    %ne3A_58 = arith.cmpi ne, %sign3A_49, %ne3A_57 : vector<384x24xi32>
    %rem3A_59 = vector.broadcast %jit3A_38 : i32 to vector<384x24xi32>
    %rem3A_60 = arith.remsi %iota3A_37, %rem3A_59 : vector<384x24xi32>
    %ne3A_61 = arith.constant 0 : i32
    %ne3A_62 = vector.broadcast %ne3A_61 : i32 to vector<384x24xi32>
    %ne3A_63 = arith.cmpi ne, %rem3A_60, %ne3A_62 : vector<384x24xi32>
    %and3A_64 = arith.andi %ne3A_58, %ne3A_63 : vector<384x24xi1>
    %sub3A_65 = arith.constant 1 : i32
    %sub3A_66 = vector.broadcast %sub3A_65 : i32 to vector<384x24xi32>
    %sub3A_67 = arith.subi %div3A_40, %sub3A_66 : vector<384x24xi32>
    %select_n3A_68 = arith.select %and3A_64, %sub3A_67, %div3A_40 : vector<384x24xi1>, vector<384x24xi32>
    %iota3A_69 = tpu.iota {dimensions = array<i32: 1>} : vector<384x24xi32>
    %eq3A_70 = arith.cmpi eq, %select_n3A_68, %iota3A_69 : vector<384x24xi32>
    %convert_element_type3A_71 = arith.extui %eq3A_70 : vector<384x24xi1> to vector<384x24xi32>
    %convert_element_type3A_72 = arith.sitofp %convert_element_type3A_71 : vector<384x24xi32> to vector<384x24xf32>
    %convert_element_type3A_73 = arith.truncf %convert_element_type3A_72 : vector<384x24xf32> to vector<384x24xbf16>
    %dot_general3A_74 = arith.constant dense<0.000000e+00> : vector<1024x24xf32>
    %dot_general3A_75 = tpu.matmul %convert_element_type3A_36, %convert_element_type3A_73, %dot_general3A_74 {dimension_numbers = #tpu.dot_dimension_numbers<[1], [0], [0], [1], [0, 0, 1, 1], [], []>, transpose_lhs_hint = false} : vector<1024x384xbf16>, vector<384x24xbf16>, vector<1024x24xf32> -> vector<1024x24xf32>
    %slice3A_76 = vector.extract_strided_slice %convert_element_type3A {offsets = [0, 0], sizes = [1024, 368], strides = [1, 1]} : vector<1024x416xf32> to vector<1024x368xf32>
    %slice3A_77 = vector.extract_strided_slice %convert_element_type3A {offsets = [0, 48], sizes = [1024, 368], strides = [1, 1]} : vector<1024x416xf32> to vector<1024x368xf32>
    %mul3A_78 = arith.mulf %slice3A_76, %slice3A_77 : vector<1024x368xf32>
    %convert_element_type3A_79 = arith.truncf %mul3A_78 : vector<1024x368xf32> to vector<1024x368xbf16>
    %iota3A_80 = tpu.iota {dimensions = array<i32: 0>} : vector<368x23xi32>
    %jit3A_81 = arith.constant 16 : i32
    %div3A_82 = vector.broadcast %jit3A_81 : i32 to vector<368x23xi32>
    %div3A_83 = arith.divsi %iota3A_80, %div3A_82 : vector<368x23xi32>
    %sign3A_84 = arith.constant 0 : i32
    %sign3A_85 = vector.broadcast %sign3A_84 : i32 to vector<368x23xi32>
    %sign3A_86 = arith.cmpi sgt, %iota3A_80, %sign3A_85 : vector<368x23xi32>
    %sign3A_87 = arith.extui %sign3A_86 : vector<368x23xi1> to vector<368x23xi32>
    %sign3A_88 = arith.constant 0 : i32
    %sign3A_89 = vector.broadcast %sign3A_88 : i32 to vector<368x23xi32>
    %sign3A_90 = arith.cmpi slt, %iota3A_80, %sign3A_89 : vector<368x23xi32>
    %sign3A_91 = arith.extui %sign3A_90 : vector<368x23xi1> to vector<368x23xi32>
    %sign3A_92 = arith.subi %sign3A_87, %sign3A_91 : vector<368x23xi32>
    %sign3A_93 = arith.constant 0 : i32
    %sign3A_94 = arith.cmpi sgt, %jit3A_81, %sign3A_93 : i32
    %sign3A_95 = arith.extui %sign3A_94 : i1 to i32
    %sign3A_96 = arith.constant 0 : i32
    %sign3A_97 = arith.cmpi slt, %jit3A_81, %sign3A_96 : i32
    %sign3A_98 = arith.extui %sign3A_97 : i1 to i32
    %sign3A_99 = arith.subi %sign3A_95, %sign3A_98 : i32
    %ne3A_100 = vector.broadcast %sign3A_99 : i32 to vector<368x23xi32>
    %ne3A_101 = arith.cmpi ne, %sign3A_92, %ne3A_100 : vector<368x23xi32>
    %rem3A_102 = vector.broadcast %jit3A_81 : i32 to vector<368x23xi32>
    %rem3A_103 = arith.remsi %iota3A_80, %rem3A_102 : vector<368x23xi32>
    %ne3A_104 = arith.constant 0 : i32
    %ne3A_105 = vector.broadcast %ne3A_104 : i32 to vector<368x23xi32>
    %ne3A_106 = arith.cmpi ne, %rem3A_103, %ne3A_105 : vector<368x23xi32>
    %and3A_107 = arith.andi %ne3A_101, %ne3A_106 : vector<368x23xi1>
    %sub3A_108 = arith.constant 1 : i32
    %sub3A_109 = vector.broadcast %sub3A_108 : i32 to vector<368x23xi32>
    %sub3A_110 = arith.subi %div3A_83, %sub3A_109 : vector<368x23xi32>
    %select_n3A_111 = arith.select %and3A_107, %sub3A_110, %div3A_83 : vector<368x23xi1>, vector<368x23xi32>
    %iota3A_112 = tpu.iota {dimensions = array<i32: 1>} : vector<368x23xi32>
    %eq3A_113 = arith.cmpi eq, %select_n3A_111, %iota3A_112 : vector<368x23xi32>
    %convert_element_type3A_114 = arith.extui %eq3A_113 : vector<368x23xi1> to vector<368x23xi32>
    %convert_element_type3A_115 = arith.sitofp %convert_element_type3A_114 : vector<368x23xi32> to vector<368x23xf32>
    %convert_element_type3A_116 = arith.truncf %convert_element_type3A_115 : vector<368x23xf32> to vector<368x23xbf16>
    %dot_general3A_117 = arith.constant dense<0.000000e+00> : vector<1024x23xf32>
    %dot_general3A_118 = tpu.matmul %convert_element_type3A_79, %convert_element_type3A_116, %dot_general3A_117 {dimension_numbers = #tpu.dot_dimension_numbers<[1], [0], [0], [1], [0, 0, 1, 1], [], []>, transpose_lhs_hint = false} : vector<1024x368xbf16>, vector<368x23xbf16>, vector<1024x23xf32> -> vector<1024x23xf32>
    %slice3A_119 = vector.extract_strided_slice %convert_element_type3A {offsets = [0, 0], sizes = [1024, 352], strides = [1, 1]} : vector<1024x416xf32> to vector<1024x352xf32>
    %slice3A_120 = vector.extract_strided_slice %convert_element_type3A {offsets = [0, 64], sizes = [1024, 352], strides = [1, 1]} : vector<1024x416xf32> to vector<1024x352xf32>
    %mul3A_121 = arith.mulf %slice3A_119, %slice3A_120 : vector<1024x352xf32>
    %convert_element_type3A_122 = arith.truncf %mul3A_121 : vector<1024x352xf32> to vector<1024x352xbf16>
    %iota3A_123 = tpu.iota {dimensions = array<i32: 0>} : vector<352x22xi32>
    %jit3A_124 = arith.constant 16 : i32
    %div3A_125 = vector.broadcast %jit3A_124 : i32 to vector<352x22xi32>
    %div3A_126 = arith.divsi %iota3A_123, %div3A_125 : vector<352x22xi32>
    %sign3A_127 = arith.constant 0 : i32
    %sign3A_128 = vector.broadcast %sign3A_127 : i32 to vector<352x22xi32>
    %sign3A_129 = arith.cmpi sgt, %iota3A_123, %sign3A_128 : vector<352x22xi32>
    %sign3A_130 = arith.extui %sign3A_129 : vector<352x22xi1> to vector<352x22xi32>
    %sign3A_131 = arith.constant 0 : i32
    %sign3A_132 = vector.broadcast %sign3A_131 : i32 to vector<352x22xi32>
    %sign3A_133 = arith.cmpi slt, %iota3A_123, %sign3A_132 : vector<352x22xi32>
    %sign3A_134 = arith.extui %sign3A_133 : vector<352x22xi1> to vector<352x22xi32>
    %sign3A_135 = arith.subi %sign3A_130, %sign3A_134 : vector<352x22xi32>
    %sign3A_136 = arith.constant 0 : i32
    %sign3A_137 = arith.cmpi sgt, %jit3A_124, %sign3A_136 : i32
    %sign3A_138 = arith.extui %sign3A_137 : i1 to i32
    %sign3A_139 = arith.constant 0 : i32
    %sign3A_140 = arith.cmpi slt, %jit3A_124, %sign3A_139 : i32
    %sign3A_141 = arith.extui %sign3A_140 : i1 to i32
    %sign3A_142 = arith.subi %sign3A_138, %sign3A_141 : i32
    %ne3A_143 = vector.broadcast %sign3A_142 : i32 to vector<352x22xi32>
    %ne3A_144 = arith.cmpi ne, %sign3A_135, %ne3A_143 : vector<352x22xi32>
    %rem3A_145 = vector.broadcast %jit3A_124 : i32 to vector<352x22xi32>
    %rem3A_146 = arith.remsi %iota3A_123, %rem3A_145 : vector<352x22xi32>
    %ne3A_147 = arith.constant 0 : i32
    %ne3A_148 = vector.broadcast %ne3A_147 : i32 to vector<352x22xi32>
    %ne3A_149 = arith.cmpi ne, %rem3A_146, %ne3A_148 : vector<352x22xi32>
    %and3A_150 = arith.andi %ne3A_144, %ne3A_149 : vector<352x22xi1>
    %sub3A_151 = arith.constant 1 : i32
    %sub3A_152 = vector.broadcast %sub3A_151 : i32 to vector<352x22xi32>
    %sub3A_153 = arith.subi %div3A_126, %sub3A_152 : vector<352x22xi32>
    %select_n3A_154 = arith.select %and3A_150, %sub3A_153, %div3A_126 : vector<352x22xi1>, vector<352x22xi32>
    %iota3A_155 = tpu.iota {dimensions = array<i32: 1>} : vector<352x22xi32>
    %eq3A_156 = arith.cmpi eq, %select_n3A_154, %iota3A_155 : vector<352x22xi32>
    %convert_element_type3A_157 = arith.extui %eq3A_156 : vector<352x22xi1> to vector<352x22xi32>
    %convert_element_type3A_158 = arith.sitofp %convert_element_type3A_157 : vector<352x22xi32> to vector<352x22xf32>
    %convert_element_type3A_159 = arith.truncf %convert_element_type3A_158 : vector<352x22xf32> to vector<352x22xbf16>
    %dot_general3A_160 = arith.constant dense<0.000000e+00> : vector<1024x22xf32>
    %dot_general3A_161 = tpu.matmul %convert_element_type3A_122, %convert_element_type3A_159, %dot_general3A_160 {dimension_numbers = #tpu.dot_dimension_numbers<[1], [0], [0], [1], [0, 0, 1, 1], [], []>, transpose_lhs_hint = false} : vector<1024x352xbf16>, vector<352x22xbf16>, vector<1024x22xf32> -> vector<1024x22xf32>
    %slice3A_162 = vector.extract_strided_slice %convert_element_type3A {offsets = [0, 0], sizes = [1024, 336], strides = [1, 1]} : vector<1024x416xf32> to vector<1024x336xf32>
    %slice3A_163 = vector.extract_strided_slice %convert_element_type3A {offsets = [0, 80], sizes = [1024, 336], strides = [1, 1]} : vector<1024x416xf32> to vector<1024x336xf32>
    %mul3A_164 = arith.mulf %slice3A_162, %slice3A_163 : vector<1024x336xf32>
    %convert_element_type3A_165 = arith.truncf %mul3A_164 : vector<1024x336xf32> to vector<1024x336xbf16>
    %iota3A_166 = tpu.iota {dimensions = array<i32: 0>} : vector<336x21xi32>
    %jit3A_167 = arith.constant 16 : i32
    %div3A_168 = vector.broadcast %jit3A_167 : i32 to vector<336x21xi32>
    %div3A_169 = arith.divsi %iota3A_166, %div3A_168 : vector<336x21xi32>
    %sign3A_170 = arith.constant 0 : i32
    %sign3A_171 = vector.broadcast %sign3A_170 : i32 to vector<336x21xi32>
    %sign3A_172 = arith.cmpi sgt, %iota3A_166, %sign3A_171 : vector<336x21xi32>
    %sign3A_173 = arith.extui %sign3A_172 : vector<336x21xi1> to vector<336x21xi32>
    %sign3A_174 = arith.constant 0 : i32
    %sign3A_175 = vector.broadcast %sign3A_174 : i32 to vector<336x21xi32>
    %sign3A_176 = arith.cmpi slt, %iota3A_166, %sign3A_175 : vector<336x21xi32>
    %sign3A_177 = arith.extui %sign3A_176 : vector<336x21xi1> to vector<336x21xi32>
    %sign3A_178 = arith.subi %sign3A_173, %sign3A_177 : vector<336x21xi32>
    %sign3A_179 = arith.constant 0 : i32
    %sign3A_180 = arith.cmpi sgt, %jit3A_167, %sign3A_179 : i32
    %sign3A_181 = arith.extui %sign3A_180 : i1 to i32
    %sign3A_182 = arith.constant 0 : i32
    %sign3A_183 = arith.cmpi slt, %jit3A_167, %sign3A_182 : i32
    %sign3A_184 = arith.extui %sign3A_183 : i1 to i32
    %sign3A_185 = arith.subi %sign3A_181, %sign3A_184 : i32
    %ne3A_186 = vector.broadcast %sign3A_185 : i32 to vector<336x21xi32>
    %ne3A_187 = arith.cmpi ne, %sign3A_178, %ne3A_186 : vector<336x21xi32>
    %rem3A_188 = vector.broadcast %jit3A_167 : i32 to vector<336x21xi32>
    %rem3A_189 = arith.remsi %iota3A_166, %rem3A_188 : vector<336x21xi32>
    %ne3A_190 = arith.constant 0 : i32
    %ne3A_191 = vector.broadcast %ne3A_190 : i32 to vector<336x21xi32>
    %ne3A_192 = arith.cmpi ne, %rem3A_189, %ne3A_191 : vector<336x21xi32>
    %and3A_193 = arith.andi %ne3A_187, %ne3A_192 : vector<336x21xi1>
    %sub3A_194 = arith.constant 1 : i32
    %sub3A_195 = vector.broadcast %sub3A_194 : i32 to vector<336x21xi32>
    %sub3A_196 = arith.subi %div3A_169, %sub3A_195 : vector<336x21xi32>
    %select_n3A_197 = arith.select %and3A_193, %sub3A_196, %div3A_169 : vector<336x21xi1>, vector<336x21xi32>
    %iota3A_198 = tpu.iota {dimensions = array<i32: 1>} : vector<336x21xi32>
    %eq3A_199 = arith.cmpi eq, %select_n3A_197, %iota3A_198 : vector<336x21xi32>
    %convert_element_type3A_200 = arith.extui %eq3A_199 : vector<336x21xi1> to vector<336x21xi32>
    %convert_element_type3A_201 = arith.sitofp %convert_element_type3A_200 : vector<336x21xi32> to vector<336x21xf32>
    %convert_element_type3A_202 = arith.truncf %convert_element_type3A_201 : vector<336x21xf32> to vector<336x21xbf16>
    %dot_general3A_203 = arith.constant dense<0.000000e+00> : vector<1024x21xf32>
    %dot_general3A_204 = tpu.matmul %convert_element_type3A_165, %convert_element_type3A_202, %dot_general3A_203 {dimension_numbers = #tpu.dot_dimension_numbers<[1], [0], [0], [1], [0, 0, 1, 1], [], []>, transpose_lhs_hint = false} : vector<1024x336xbf16>, vector<336x21xbf16>, vector<1024x21xf32> -> vector<1024x21xf32>
    %slice3A_205 = vector.extract_strided_slice %convert_element_type3A {offsets = [0, 0], sizes = [1024, 320], strides = [1, 1]} : vector<1024x416xf32> to vector<1024x320xf32>
    %slice3A_206 = vector.extract_strided_slice %convert_element_type3A {offsets = [0, 96], sizes = [1024, 320], strides = [1, 1]} : vector<1024x416xf32> to vector<1024x320xf32>
    %mul3A_207 = arith.mulf %slice3A_205, %slice3A_206 : vector<1024x320xf32>
    %convert_element_type3A_208 = arith.truncf %mul3A_207 : vector<1024x320xf32> to vector<1024x320xbf16>
    %iota3A_209 = tpu.iota {dimensions = array<i32: 0>} : vector<320x20xi32>
    %jit3A_210 = arith.constant 16 : i32
    %div3A_211 = vector.broadcast %jit3A_210 : i32 to vector<320x20xi32>
    %div3A_212 = arith.divsi %iota3A_209, %div3A_211 : vector<320x20xi32>
    %sign3A_213 = arith.constant 0 : i32
    %sign3A_214 = vector.broadcast %sign3A_213 : i32 to vector<320x20xi32>
    %sign3A_215 = arith.cmpi sgt, %iota3A_209, %sign3A_214 : vector<320x20xi32>
    %sign3A_216 = arith.extui %sign3A_215 : vector<320x20xi1> to vector<320x20xi32>
    %sign3A_217 = arith.constant 0 : i32
    %sign3A_218 = vector.broadcast %sign3A_217 : i32 to vector<320x20xi32>
    %sign3A_219 = arith.cmpi slt, %iota3A_209, %sign3A_218 : vector<320x20xi32>
    %sign3A_220 = arith.extui %sign3A_219 : vector<320x20xi1> to vector<320x20xi32>
    %sign3A_221 = arith.subi %sign3A_216, %sign3A_220 : vector<320x20xi32>
    %sign3A_222 = arith.constant 0 : i32
    %sign3A_223 = arith.cmpi sgt, %jit3A_210, %sign3A_222 : i32
    %sign3A_224 = arith.extui %sign3A_223 : i1 to i32
    %sign3A_225 = arith.constant 0 : i32
    %sign3A_226 = arith.cmpi slt, %jit3A_210, %sign3A_225 : i32
    %sign3A_227 = arith.extui %sign3A_226 : i1 to i32
    %sign3A_228 = arith.subi %sign3A_224, %sign3A_227 : i32
    %ne3A_229 = vector.broadcast %sign3A_228 : i32 to vector<320x20xi32>
    %ne3A_230 = arith.cmpi ne, %sign3A_221, %ne3A_229 : vector<320x20xi32>
    %rem3A_231 = vector.broadcast %jit3A_210 : i32 to vector<320x20xi32>
    %rem3A_232 = arith.remsi %iota3A_209, %rem3A_231 : vector<320x20xi32>
    %ne3A_233 = arith.constant 0 : i32
    %ne3A_234 = vector.broadcast %ne3A_233 : i32 to vector<320x20xi32>
    %ne3A_235 = arith.cmpi ne, %rem3A_232, %ne3A_234 : vector<320x20xi32>
    %and3A_236 = arith.andi %ne3A_230, %ne3A_235 : vector<320x20xi1>
    %sub3A_237 = arith.constant 1 : i32
    %sub3A_238 = vector.broadcast %sub3A_237 : i32 to vector<320x20xi32>
    %sub3A_239 = arith.subi %div3A_212, %sub3A_238 : vector<320x20xi32>
    %select_n3A_240 = arith.select %and3A_236, %sub3A_239, %div3A_212 : vector<320x20xi1>, vector<320x20xi32>
    %iota3A_241 = tpu.iota {dimensions = array<i32: 1>} : vector<320x20xi32>
    %eq3A_242 = arith.cmpi eq, %select_n3A_240, %iota3A_241 : vector<320x20xi32>
    %convert_element_type3A_243 = arith.extui %eq3A_242 : vector<320x20xi1> to vector<320x20xi32>
    %convert_element_type3A_244 = arith.sitofp %convert_element_type3A_243 : vector<320x20xi32> to vector<320x20xf32>
    %convert_element_type3A_245 = arith.truncf %convert_element_type3A_244 : vector<320x20xf32> to vector<320x20xbf16>
    %dot_general3A_246 = arith.constant dense<0.000000e+00> : vector<1024x20xf32>
    %dot_general3A_247 = tpu.matmul %convert_element_type3A_208, %convert_element_type3A_245, %dot_general3A_246 {dimension_numbers = #tpu.dot_dimension_numbers<[1], [0], [0], [1], [0, 0, 1, 1], [], []>, transpose_lhs_hint = false} : vector<1024x320xbf16>, vector<320x20xbf16>, vector<1024x20xf32> -> vector<1024x20xf32>
    %slice3A_248 = vector.extract_strided_slice %convert_element_type3A {offsets = [0, 0], sizes = [1024, 304], strides = [1, 1]} : vector<1024x416xf32> to vector<1024x304xf32>
    %slice3A_249 = vector.extract_strided_slice %convert_element_type3A {offsets = [0, 112], sizes = [1024, 304], strides = [1, 1]} : vector<1024x416xf32> to vector<1024x304xf32>
    %mul3A_250 = arith.mulf %slice3A_248, %slice3A_249 : vector<1024x304xf32>
    %convert_element_type3A_251 = arith.truncf %mul3A_250 : vector<1024x304xf32> to vector<1024x304xbf16>
    %iota3A_252 = tpu.iota {dimensions = array<i32: 0>} : vector<304x19xi32>
    %jit3A_253 = arith.constant 16 : i32
    %div3A_254 = vector.broadcast %jit3A_253 : i32 to vector<304x19xi32>
    %div3A_255 = arith.divsi %iota3A_252, %div3A_254 : vector<304x19xi32>
    %sign3A_256 = arith.constant 0 : i32
    %sign3A_257 = vector.broadcast %sign3A_256 : i32 to vector<304x19xi32>
    %sign3A_258 = arith.cmpi sgt, %iota3A_252, %sign3A_257 : vector<304x19xi32>
    %sign3A_259 = arith.extui %sign3A_258 : vector<304x19xi1> to vector<304x19xi32>
    %sign3A_260 = arith.constant 0 : i32
    %sign3A_261 = vector.broadcast %sign3A_260 : i32 to vector<304x19xi32>
    %sign3A_262 = arith.cmpi slt, %iota3A_252, %sign3A_261 : vector<304x19xi32>
    %sign3A_263 = arith.extui %sign3A_262 : vector<304x19xi1> to vector<304x19xi32>
    %sign3A_264 = arith.subi %sign3A_259, %sign3A_263 : vector<304x19xi32>
    %sign3A_265 = arith.constant 0 : i32
    %sign3A_266 = arith.cmpi sgt, %jit3A_253, %sign3A_265 : i32
    %sign3A_267 = arith.extui %sign3A_266 : i1 to i32
    %sign3A_268 = arith.constant 0 : i32
    %sign3A_269 = arith.cmpi slt, %jit3A_253, %sign3A_268 : i32
    %sign3A_270 = arith.extui %sign3A_269 : i1 to i32
    %sign3A_271 = arith.subi %sign3A_267, %sign3A_270 : i32
    %ne3A_272 = vector.broadcast %sign3A_271 : i32 to vector<304x19xi32>
    %ne3A_273 = arith.cmpi ne, %sign3A_264, %ne3A_272 : vector<304x19xi32>
    %rem3A_274 = vector.broadcast %jit3A_253 : i32 to vector<304x19xi32>
    %rem3A_275 = arith.remsi %iota3A_252, %rem3A_274 : vector<304x19xi32>
    %ne3A_276 = arith.constant 0 : i32
    %ne3A_277 = vector.broadcast %ne3A_276 : i32 to vector<304x19xi32>
    %ne3A_278 = arith.cmpi ne, %rem3A_275, %ne3A_277 : vector<304x19xi32>
    %and3A_279 = arith.andi %ne3A_273, %ne3A_278 : vector<304x19xi1>
    %sub3A_280 = arith.constant 1 : i32
    %sub3A_281 = vector.broadcast %sub3A_280 : i32 to vector<304x19xi32>
    %sub3A_282 = arith.subi %div3A_255, %sub3A_281 : vector<304x19xi32>
    %select_n3A_283 = arith.select %and3A_279, %sub3A_282, %div3A_255 : vector<304x19xi1>, vector<304x19xi32>
    %iota3A_284 = tpu.iota {dimensions = array<i32: 1>} : vector<304x19xi32>
    %eq3A_285 = arith.cmpi eq, %select_n3A_283, %iota3A_284 : vector<304x19xi32>
    %convert_element_type3A_286 = arith.extui %eq3A_285 : vector<304x19xi1> to vector<304x19xi32>
    %convert_element_type3A_287 = arith.sitofp %convert_element_type3A_286 : vector<304x19xi32> to vector<304x19xf32>
    %convert_element_type3A_288 = arith.truncf %convert_element_type3A_287 : vector<304x19xf32> to vector<304x19xbf16>
    %dot_general3A_289 = arith.constant dense<0.000000e+00> : vector<1024x19xf32>
    %dot_general3A_290 = tpu.matmul %convert_element_type3A_251, %convert_element_type3A_288, %dot_general3A_289 {dimension_numbers = #tpu.dot_dimension_numbers<[1], [0], [0], [1], [0, 0, 1, 1], [], []>, transpose_lhs_hint = false} : vector<1024x304xbf16>, vector<304x19xbf16>, vector<1024x19xf32> -> vector<1024x19xf32>
    %slice3A_291 = vector.extract_strided_slice %convert_element_type3A {offsets = [0, 0], sizes = [1024, 288], strides = [1, 1]} : vector<1024x416xf32> to vector<1024x288xf32>
    %slice3A_292 = vector.extract_strided_slice %convert_element_type3A {offsets = [0, 128], sizes = [1024, 288], strides = [1, 1]} : vector<1024x416xf32> to vector<1024x288xf32>
    %mul3A_293 = arith.mulf %slice3A_291, %slice3A_292 : vector<1024x288xf32>
    %convert_element_type3A_294 = arith.truncf %mul3A_293 : vector<1024x288xf32> to vector<1024x288xbf16>
    %iota3A_295 = tpu.iota {dimensions = array<i32: 0>} : vector<288x18xi32>
    %jit3A_296 = arith.constant 16 : i32
    %div3A_297 = vector.broadcast %jit3A_296 : i32 to vector<288x18xi32>
    %div3A_298 = arith.divsi %iota3A_295, %div3A_297 : vector<288x18xi32>
    %sign3A_299 = arith.constant 0 : i32
    %sign3A_300 = vector.broadcast %sign3A_299 : i32 to vector<288x18xi32>
    %sign3A_301 = arith.cmpi sgt, %iota3A_295, %sign3A_300 : vector<288x18xi32>
    %sign3A_302 = arith.extui %sign3A_301 : vector<288x18xi1> to vector<288x18xi32>
    %sign3A_303 = arith.constant 0 : i32
    %sign3A_304 = vector.broadcast %sign3A_303 : i32 to vector<288x18xi32>
    %sign3A_305 = arith.cmpi slt, %iota3A_295, %sign3A_304 : vector<288x18xi32>
    %sign3A_306 = arith.extui %sign3A_305 : vector<288x18xi1> to vector<288x18xi32>
    %sign3A_307 = arith.subi %sign3A_302, %sign3A_306 : vector<288x18xi32>
    %sign3A_308 = arith.constant 0 : i32
    %sign3A_309 = arith.cmpi sgt, %jit3A_296, %sign3A_308 : i32
    %sign3A_310 = arith.extui %sign3A_309 : i1 to i32
    %sign3A_311 = arith.constant 0 : i32
    %sign3A_312 = arith.cmpi slt, %jit3A_296, %sign3A_311 : i32
    %sign3A_313 = arith.extui %sign3A_312 : i1 to i32
    %sign3A_314 = arith.subi %sign3A_310, %sign3A_313 : i32
    %ne3A_315 = vector.broadcast %sign3A_314 : i32 to vector<288x18xi32>
    %ne3A_316 = arith.cmpi ne, %sign3A_307, %ne3A_315 : vector<288x18xi32>
    %rem3A_317 = vector.broadcast %jit3A_296 : i32 to vector<288x18xi32>
    %rem3A_318 = arith.remsi %iota3A_295, %rem3A_317 : vector<288x18xi32>
    %ne3A_319 = arith.constant 0 : i32
    %ne3A_320 = vector.broadcast %ne3A_319 : i32 to vector<288x18xi32>
    %ne3A_321 = arith.cmpi ne, %rem3A_318, %ne3A_320 : vector<288x18xi32>
    %and3A_322 = arith.andi %ne3A_316, %ne3A_321 : vector<288x18xi1>
    %sub3A_323 = arith.constant 1 : i32
    %sub3A_324 = vector.broadcast %sub3A_323 : i32 to vector<288x18xi32>
    %sub3A_325 = arith.subi %div3A_298, %sub3A_324 : vector<288x18xi32>
    %select_n3A_326 = arith.select %and3A_322, %sub3A_325, %div3A_298 : vector<288x18xi1>, vector<288x18xi32>
    %iota3A_327 = tpu.iota {dimensions = array<i32: 1>} : vector<288x18xi32>
    %eq3A_328 = arith.cmpi eq, %select_n3A_326, %iota3A_327 : vector<288x18xi32>
    %convert_element_type3A_329 = arith.extui %eq3A_328 : vector<288x18xi1> to vector<288x18xi32>
    %convert_element_type3A_330 = arith.sitofp %convert_element_type3A_329 : vector<288x18xi32> to vector<288x18xf32>
    %convert_element_type3A_331 = arith.truncf %convert_element_type3A_330 : vector<288x18xf32> to vector<288x18xbf16>
    %dot_general3A_332 = arith.constant dense<0.000000e+00> : vector<1024x18xf32>
    %dot_general3A_333 = tpu.matmul %convert_element_type3A_294, %convert_element_type3A_331, %dot_general3A_332 {dimension_numbers = #tpu.dot_dimension_numbers<[1], [0], [0], [1], [0, 0, 1, 1], [], []>, transpose_lhs_hint = false} : vector<1024x288xbf16>, vector<288x18xbf16>, vector<1024x18xf32> -> vector<1024x18xf32>
    %slice3A_334 = vector.extract_strided_slice %convert_element_type3A {offsets = [0, 0], sizes = [1024, 272], strides = [1, 1]} : vector<1024x416xf32> to vector<1024x272xf32>
    %slice3A_335 = vector.extract_strided_slice %convert_element_type3A {offsets = [0, 144], sizes = [1024, 272], strides = [1, 1]} : vector<1024x416xf32> to vector<1024x272xf32>
    %mul3A_336 = arith.mulf %slice3A_334, %slice3A_335 : vector<1024x272xf32>
    %convert_element_type3A_337 = arith.truncf %mul3A_336 : vector<1024x272xf32> to vector<1024x272xbf16>
    %iota3A_338 = tpu.iota {dimensions = array<i32: 0>} : vector<272x17xi32>
    %jit3A_339 = arith.constant 16 : i32
    %div3A_340 = vector.broadcast %jit3A_339 : i32 to vector<272x17xi32>
    %div3A_341 = arith.divsi %iota3A_338, %div3A_340 : vector<272x17xi32>
    %sign3A_342 = arith.constant 0 : i32
    %sign3A_343 = vector.broadcast %sign3A_342 : i32 to vector<272x17xi32>
    %sign3A_344 = arith.cmpi sgt, %iota3A_338, %sign3A_343 : vector<272x17xi32>
    %sign3A_345 = arith.extui %sign3A_344 : vector<272x17xi1> to vector<272x17xi32>
    %sign3A_346 = arith.constant 0 : i32
    %sign3A_347 = vector.broadcast %sign3A_346 : i32 to vector<272x17xi32>
    %sign3A_348 = arith.cmpi slt, %iota3A_338, %sign3A_347 : vector<272x17xi32>
    %sign3A_349 = arith.extui %sign3A_348 : vector<272x17xi1> to vector<272x17xi32>
    %sign3A_350 = arith.subi %sign3A_345, %sign3A_349 : vector<272x17xi32>
    %sign3A_351 = arith.constant 0 : i32
    %sign3A_352 = arith.cmpi sgt, %jit3A_339, %sign3A_351 : i32
    %sign3A_353 = arith.extui %sign3A_352 : i1 to i32
    %sign3A_354 = arith.constant 0 : i32
    %sign3A_355 = arith.cmpi slt, %jit3A_339, %sign3A_354 : i32
    %sign3A_356 = arith.extui %sign3A_355 : i1 to i32
    %sign3A_357 = arith.subi %sign3A_353, %sign3A_356 : i32
    %ne3A_358 = vector.broadcast %sign3A_357 : i32 to vector<272x17xi32>
    %ne3A_359 = arith.cmpi ne, %sign3A_350, %ne3A_358 : vector<272x17xi32>
    %rem3A_360 = vector.broadcast %jit3A_339 : i32 to vector<272x17xi32>
    %rem3A_361 = arith.remsi %iota3A_338, %rem3A_360 : vector<272x17xi32>
    %ne3A_362 = arith.constant 0 : i32
    %ne3A_363 = vector.broadcast %ne3A_362 : i32 to vector<272x17xi32>
    %ne3A_364 = arith.cmpi ne, %rem3A_361, %ne3A_363 : vector<272x17xi32>
    %and3A_365 = arith.andi %ne3A_359, %ne3A_364 : vector<272x17xi1>
    %sub3A_366 = arith.constant 1 : i32
    %sub3A_367 = vector.broadcast %sub3A_366 : i32 to vector<272x17xi32>
    %sub3A_368 = arith.subi %div3A_341, %sub3A_367 : vector<272x17xi32>
    %select_n3A_369 = arith.select %and3A_365, %sub3A_368, %div3A_341 : vector<272x17xi1>, vector<272x17xi32>
    %iota3A_370 = tpu.iota {dimensions = array<i32: 1>} : vector<272x17xi32>
    %eq3A_371 = arith.cmpi eq, %select_n3A_369, %iota3A_370 : vector<272x17xi32>
    %convert_element_type3A_372 = arith.extui %eq3A_371 : vector<272x17xi1> to vector<272x17xi32>
    %convert_element_type3A_373 = arith.sitofp %convert_element_type3A_372 : vector<272x17xi32> to vector<272x17xf32>
    %convert_element_type3A_374 = arith.truncf %convert_element_type3A_373 : vector<272x17xf32> to vector<272x17xbf16>
    %dot_general3A_375 = arith.constant dense<0.000000e+00> : vector<1024x17xf32>
    %dot_general3A_376 = tpu.matmul %convert_element_type3A_337, %convert_element_type3A_374, %dot_general3A_375 {dimension_numbers = #tpu.dot_dimension_numbers<[1], [0], [0], [1], [0, 0, 1, 1], [], []>, transpose_lhs_hint = false} : vector<1024x272xbf16>, vector<272x17xbf16>, vector<1024x17xf32> -> vector<1024x17xf32>
    %slice3A_377 = vector.extract_strided_slice %convert_element_type3A {offsets = [0, 0], sizes = [1024, 256], strides = [1, 1]} : vector<1024x416xf32> to vector<1024x256xf32>
    %slice3A_378 = vector.extract_strided_slice %convert_element_type3A {offsets = [0, 160], sizes = [1024, 256], strides = [1, 1]} : vector<1024x416xf32> to vector<1024x256xf32>
    %mul3A_379 = arith.mulf %slice3A_377, %slice3A_378 : vector<1024x256xf32>
    %convert_element_type3A_380 = arith.truncf %mul3A_379 : vector<1024x256xf32> to vector<1024x256xbf16>
    %iota3A_381 = tpu.iota {dimensions = array<i32: 0>} : vector<256x16xi32>
    %jit3A_382 = arith.constant 16 : i32
    %div3A_383 = vector.broadcast %jit3A_382 : i32 to vector<256x16xi32>
    %div3A_384 = arith.divsi %iota3A_381, %div3A_383 : vector<256x16xi32>
    %sign3A_385 = arith.constant 0 : i32
    %sign3A_386 = vector.broadcast %sign3A_385 : i32 to vector<256x16xi32>
    %sign3A_387 = arith.cmpi sgt, %iota3A_381, %sign3A_386 : vector<256x16xi32>
    %sign3A_388 = arith.extui %sign3A_387 : vector<256x16xi1> to vector<256x16xi32>
    %sign3A_389 = arith.constant 0 : i32
    %sign3A_390 = vector.broadcast %sign3A_389 : i32 to vector<256x16xi32>
    %sign3A_391 = arith.cmpi slt, %iota3A_381, %sign3A_390 : vector<256x16xi32>
    %sign3A_392 = arith.extui %sign3A_391 : vector<256x16xi1> to vector<256x16xi32>
    %sign3A_393 = arith.subi %sign3A_388, %sign3A_392 : vector<256x16xi32>
    %sign3A_394 = arith.constant 0 : i32
    %sign3A_395 = arith.cmpi sgt, %jit3A_382, %sign3A_394 : i32
    %sign3A_396 = arith.extui %sign3A_395 : i1 to i32
    %sign3A_397 = arith.constant 0 : i32
    %sign3A_398 = arith.cmpi slt, %jit3A_382, %sign3A_397 : i32
    %sign3A_399 = arith.extui %sign3A_398 : i1 to i32
    %sign3A_400 = arith.subi %sign3A_396, %sign3A_399 : i32
    %ne3A_401 = vector.broadcast %sign3A_400 : i32 to vector<256x16xi32>
    %ne3A_402 = arith.cmpi ne, %sign3A_393, %ne3A_401 : vector<256x16xi32>
    %rem3A_403 = vector.broadcast %jit3A_382 : i32 to vector<256x16xi32>
    %rem3A_404 = arith.remsi %iota3A_381, %rem3A_403 : vector<256x16xi32>
    %ne3A_405 = arith.constant 0 : i32
    %ne3A_406 = vector.broadcast %ne3A_405 : i32 to vector<256x16xi32>
    %ne3A_407 = arith.cmpi ne, %rem3A_404, %ne3A_406 : vector<256x16xi32>
    %and3A_408 = arith.andi %ne3A_402, %ne3A_407 : vector<256x16xi1>
    %sub3A_409 = arith.constant 1 : i32
    %sub3A_410 = vector.broadcast %sub3A_409 : i32 to vector<256x16xi32>
    %sub3A_411 = arith.subi %div3A_384, %sub3A_410 : vector<256x16xi32>
    %select_n3A_412 = arith.select %and3A_408, %sub3A_411, %div3A_384 : vector<256x16xi1>, vector<256x16xi32>
    %iota3A_413 = tpu.iota {dimensions = array<i32: 1>} : vector<256x16xi32>
    %eq3A_414 = arith.cmpi eq, %select_n3A_412, %iota3A_413 : vector<256x16xi32>
    %convert_element_type3A_415 = arith.extui %eq3A_414 : vector<256x16xi1> to vector<256x16xi32>
    %convert_element_type3A_416 = arith.sitofp %convert_element_type3A_415 : vector<256x16xi32> to vector<256x16xf32>
    %convert_element_type3A_417 = arith.truncf %convert_element_type3A_416 : vector<256x16xf32> to vector<256x16xbf16>
    %dot_general3A_418 = arith.constant dense<0.000000e+00> : vector<1024x16xf32>
    %dot_general3A_419 = tpu.matmul %convert_element_type3A_380, %convert_element_type3A_417, %dot_general3A_418 {dimension_numbers = #tpu.dot_dimension_numbers<[1], [0], [0], [1], [0, 0, 1, 1], [], []>, transpose_lhs_hint = false} : vector<1024x256xbf16>, vector<256x16xbf16>, vector<1024x16xf32> -> vector<1024x16xf32>
    %slice3A_420 = vector.extract_strided_slice %convert_element_type3A {offsets = [0, 0], sizes = [1024, 240], strides = [1, 1]} : vector<1024x416xf32> to vector<1024x240xf32>
    %slice3A_421 = vector.extract_strided_slice %convert_element_type3A {offsets = [0, 176], sizes = [1024, 240], strides = [1, 1]} : vector<1024x416xf32> to vector<1024x240xf32>
    %mul3A_422 = arith.mulf %slice3A_420, %slice3A_421 : vector<1024x240xf32>
    %convert_element_type3A_423 = arith.truncf %mul3A_422 : vector<1024x240xf32> to vector<1024x240xbf16>
    %iota3A_424 = tpu.iota {dimensions = array<i32: 0>} : vector<240x15xi32>
    %jit3A_425 = arith.constant 16 : i32
    %div3A_426 = vector.broadcast %jit3A_425 : i32 to vector<240x15xi32>
    %div3A_427 = arith.divsi %iota3A_424, %div3A_426 : vector<240x15xi32>
    %sign3A_428 = arith.constant 0 : i32
    %sign3A_429 = vector.broadcast %sign3A_428 : i32 to vector<240x15xi32>
    %sign3A_430 = arith.cmpi sgt, %iota3A_424, %sign3A_429 : vector<240x15xi32>
    %sign3A_431 = arith.extui %sign3A_430 : vector<240x15xi1> to vector<240x15xi32>
    %sign3A_432 = arith.constant 0 : i32
    %sign3A_433 = vector.broadcast %sign3A_432 : i32 to vector<240x15xi32>
    %sign3A_434 = arith.cmpi slt, %iota3A_424, %sign3A_433 : vector<240x15xi32>
    %sign3A_435 = arith.extui %sign3A_434 : vector<240x15xi1> to vector<240x15xi32>
    %sign3A_436 = arith.subi %sign3A_431, %sign3A_435 : vector<240x15xi32>
    %sign3A_437 = arith.constant 0 : i32
    %sign3A_438 = arith.cmpi sgt, %jit3A_425, %sign3A_437 : i32
    %sign3A_439 = arith.extui %sign3A_438 : i1 to i32
    %sign3A_440 = arith.constant 0 : i32
    %sign3A_441 = arith.cmpi slt, %jit3A_425, %sign3A_440 : i32
    %sign3A_442 = arith.extui %sign3A_441 : i1 to i32
    %sign3A_443 = arith.subi %sign3A_439, %sign3A_442 : i32
    %ne3A_444 = vector.broadcast %sign3A_443 : i32 to vector<240x15xi32>
    %ne3A_445 = arith.cmpi ne, %sign3A_436, %ne3A_444 : vector<240x15xi32>
    %rem3A_446 = vector.broadcast %jit3A_425 : i32 to vector<240x15xi32>
    %rem3A_447 = arith.remsi %iota3A_424, %rem3A_446 : vector<240x15xi32>
    %ne3A_448 = arith.constant 0 : i32
    %ne3A_449 = vector.broadcast %ne3A_448 : i32 to vector<240x15xi32>
    %ne3A_450 = arith.cmpi ne, %rem3A_447, %ne3A_449 : vector<240x15xi32>
    %and3A_451 = arith.andi %ne3A_445, %ne3A_450 : vector<240x15xi1>
    %sub3A_452 = arith.constant 1 : i32
    %sub3A_453 = vector.broadcast %sub3A_452 : i32 to vector<240x15xi32>
    %sub3A_454 = arith.subi %div3A_427, %sub3A_453 : vector<240x15xi32>
    %select_n3A_455 = arith.select %and3A_451, %sub3A_454, %div3A_427 : vector<240x15xi1>, vector<240x15xi32>
    %iota3A_456 = tpu.iota {dimensions = array<i32: 1>} : vector<240x15xi32>
    %eq3A_457 = arith.cmpi eq, %select_n3A_455, %iota3A_456 : vector<240x15xi32>
    %convert_element_type3A_458 = arith.extui %eq3A_457 : vector<240x15xi1> to vector<240x15xi32>
    %convert_element_type3A_459 = arith.sitofp %convert_element_type3A_458 : vector<240x15xi32> to vector<240x15xf32>
    %convert_element_type3A_460 = arith.truncf %convert_element_type3A_459 : vector<240x15xf32> to vector<240x15xbf16>
    %dot_general3A_461 = arith.constant dense<0.000000e+00> : vector<1024x15xf32>
    %dot_general3A_462 = tpu.matmul %convert_element_type3A_423, %convert_element_type3A_460, %dot_general3A_461 {dimension_numbers = #tpu.dot_dimension_numbers<[1], [0], [0], [1], [0, 0, 1, 1], [], []>, transpose_lhs_hint = false} : vector<1024x240xbf16>, vector<240x15xbf16>, vector<1024x15xf32> -> vector<1024x15xf32>
    %slice3A_463 = vector.extract_strided_slice %convert_element_type3A {offsets = [0, 0], sizes = [1024, 224], strides = [1, 1]} : vector<1024x416xf32> to vector<1024x224xf32>
    %slice3A_464 = vector.extract_strided_slice %convert_element_type3A {offsets = [0, 192], sizes = [1024, 224], strides = [1, 1]} : vector<1024x416xf32> to vector<1024x224xf32>
    %mul3A_465 = arith.mulf %slice3A_463, %slice3A_464 : vector<1024x224xf32>
    %convert_element_type3A_466 = arith.truncf %mul3A_465 : vector<1024x224xf32> to vector<1024x224xbf16>
    %iota3A_467 = tpu.iota {dimensions = array<i32: 0>} : vector<224x14xi32>
    %jit3A_468 = arith.constant 16 : i32
    %div3A_469 = vector.broadcast %jit3A_468 : i32 to vector<224x14xi32>
    %div3A_470 = arith.divsi %iota3A_467, %div3A_469 : vector<224x14xi32>
    %sign3A_471 = arith.constant 0 : i32
    %sign3A_472 = vector.broadcast %sign3A_471 : i32 to vector<224x14xi32>
    %sign3A_473 = arith.cmpi sgt, %iota3A_467, %sign3A_472 : vector<224x14xi32>
    %sign3A_474 = arith.extui %sign3A_473 : vector<224x14xi1> to vector<224x14xi32>
    %sign3A_475 = arith.constant 0 : i32
    %sign3A_476 = vector.broadcast %sign3A_475 : i32 to vector<224x14xi32>
    %sign3A_477 = arith.cmpi slt, %iota3A_467, %sign3A_476 : vector<224x14xi32>
    %sign3A_478 = arith.extui %sign3A_477 : vector<224x14xi1> to vector<224x14xi32>
    %sign3A_479 = arith.subi %sign3A_474, %sign3A_478 : vector<224x14xi32>
    %sign3A_480 = arith.constant 0 : i32
    %sign3A_481 = arith.cmpi sgt, %jit3A_468, %sign3A_480 : i32
    %sign3A_482 = arith.extui %sign3A_481 : i1 to i32
    %sign3A_483 = arith.constant 0 : i32
    %sign3A_484 = arith.cmpi slt, %jit3A_468, %sign3A_483 : i32
    %sign3A_485 = arith.extui %sign3A_484 : i1 to i32
    %sign3A_486 = arith.subi %sign3A_482, %sign3A_485 : i32
    %ne3A_487 = vector.broadcast %sign3A_486 : i32 to vector<224x14xi32>
    %ne3A_488 = arith.cmpi ne, %sign3A_479, %ne3A_487 : vector<224x14xi32>
    %rem3A_489 = vector.broadcast %jit3A_468 : i32 to vector<224x14xi32>
    %rem3A_490 = arith.remsi %iota3A_467, %rem3A_489 : vector<224x14xi32>
    %ne3A_491 = arith.constant 0 : i32
    %ne3A_492 = vector.broadcast %ne3A_491 : i32 to vector<224x14xi32>
    %ne3A_493 = arith.cmpi ne, %rem3A_490, %ne3A_492 : vector<224x14xi32>
    %and3A_494 = arith.andi %ne3A_488, %ne3A_493 : vector<224x14xi1>
    %sub3A_495 = arith.constant 1 : i32
    %sub3A_496 = vector.broadcast %sub3A_495 : i32 to vector<224x14xi32>
    %sub3A_497 = arith.subi %div3A_470, %sub3A_496 : vector<224x14xi32>
    %select_n3A_498 = arith.select %and3A_494, %sub3A_497, %div3A_470 : vector<224x14xi1>, vector<224x14xi32>
    %iota3A_499 = tpu.iota {dimensions = array<i32: 1>} : vector<224x14xi32>
    %eq3A_500 = arith.cmpi eq, %select_n3A_498, %iota3A_499 : vector<224x14xi32>
    %convert_element_type3A_501 = arith.extui %eq3A_500 : vector<224x14xi1> to vector<224x14xi32>
    %convert_element_type3A_502 = arith.sitofp %convert_element_type3A_501 : vector<224x14xi32> to vector<224x14xf32>
    %convert_element_type3A_503 = arith.truncf %convert_element_type3A_502 : vector<224x14xf32> to vector<224x14xbf16>
    %dot_general3A_504 = arith.constant dense<0.000000e+00> : vector<1024x14xf32>
    %dot_general3A_505 = tpu.matmul %convert_element_type3A_466, %convert_element_type3A_503, %dot_general3A_504 {dimension_numbers = #tpu.dot_dimension_numbers<[1], [0], [0], [1], [0, 0, 1, 1], [], []>, transpose_lhs_hint = false} : vector<1024x224xbf16>, vector<224x14xbf16>, vector<1024x14xf32> -> vector<1024x14xf32>
    %slice3A_506 = vector.extract_strided_slice %convert_element_type3A {offsets = [0, 0], sizes = [1024, 208], strides = [1, 1]} : vector<1024x416xf32> to vector<1024x208xf32>
    %slice3A_507 = vector.extract_strided_slice %convert_element_type3A {offsets = [0, 208], sizes = [1024, 208], strides = [1, 1]} : vector<1024x416xf32> to vector<1024x208xf32>
    %mul3A_508 = arith.mulf %slice3A_506, %slice3A_507 : vector<1024x208xf32>
    %convert_element_type3A_509 = arith.truncf %mul3A_508 : vector<1024x208xf32> to vector<1024x208xbf16>
    %iota3A_510 = tpu.iota {dimensions = array<i32: 0>} : vector<208x13xi32>
    %jit3A_511 = arith.constant 16 : i32
    %div3A_512 = vector.broadcast %jit3A_511 : i32 to vector<208x13xi32>
    %div3A_513 = arith.divsi %iota3A_510, %div3A_512 : vector<208x13xi32>
    %sign3A_514 = arith.constant 0 : i32
    %sign3A_515 = vector.broadcast %sign3A_514 : i32 to vector<208x13xi32>
    %sign3A_516 = arith.cmpi sgt, %iota3A_510, %sign3A_515 : vector<208x13xi32>
    %sign3A_517 = arith.extui %sign3A_516 : vector<208x13xi1> to vector<208x13xi32>
    %sign3A_518 = arith.constant 0 : i32
    %sign3A_519 = vector.broadcast %sign3A_518 : i32 to vector<208x13xi32>
    %sign3A_520 = arith.cmpi slt, %iota3A_510, %sign3A_519 : vector<208x13xi32>
    %sign3A_521 = arith.extui %sign3A_520 : vector<208x13xi1> to vector<208x13xi32>
    %sign3A_522 = arith.subi %sign3A_517, %sign3A_521 : vector<208x13xi32>
    %sign3A_523 = arith.constant 0 : i32
    %sign3A_524 = arith.cmpi sgt, %jit3A_511, %sign3A_523 : i32
    %sign3A_525 = arith.extui %sign3A_524 : i1 to i32
    %sign3A_526 = arith.constant 0 : i32
    %sign3A_527 = arith.cmpi slt, %jit3A_511, %sign3A_526 : i32
    %sign3A_528 = arith.extui %sign3A_527 : i1 to i32
    %sign3A_529 = arith.subi %sign3A_525, %sign3A_528 : i32
    %ne3A_530 = vector.broadcast %sign3A_529 : i32 to vector<208x13xi32>
    %ne3A_531 = arith.cmpi ne, %sign3A_522, %ne3A_530 : vector<208x13xi32>
    %rem3A_532 = vector.broadcast %jit3A_511 : i32 to vector<208x13xi32>
    %rem3A_533 = arith.remsi %iota3A_510, %rem3A_532 : vector<208x13xi32>
    %ne3A_534 = arith.constant 0 : i32
    %ne3A_535 = vector.broadcast %ne3A_534 : i32 to vector<208x13xi32>
    %ne3A_536 = arith.cmpi ne, %rem3A_533, %ne3A_535 : vector<208x13xi32>
    %and3A_537 = arith.andi %ne3A_531, %ne3A_536 : vector<208x13xi1>
    %sub3A_538 = arith.constant 1 : i32
    %sub3A_539 = vector.broadcast %sub3A_538 : i32 to vector<208x13xi32>
    %sub3A_540 = arith.subi %div3A_513, %sub3A_539 : vector<208x13xi32>
    %select_n3A_541 = arith.select %and3A_537, %sub3A_540, %div3A_513 : vector<208x13xi1>, vector<208x13xi32>
    %iota3A_542 = tpu.iota {dimensions = array<i32: 1>} : vector<208x13xi32>
    %eq3A_543 = arith.cmpi eq, %select_n3A_541, %iota3A_542 : vector<208x13xi32>
    %convert_element_type3A_544 = arith.extui %eq3A_543 : vector<208x13xi1> to vector<208x13xi32>
    %convert_element_type3A_545 = arith.sitofp %convert_element_type3A_544 : vector<208x13xi32> to vector<208x13xf32>
    %convert_element_type3A_546 = arith.truncf %convert_element_type3A_545 : vector<208x13xf32> to vector<208x13xbf16>
    %dot_general3A_547 = arith.constant dense<0.000000e+00> : vector<1024x13xf32>
    %dot_general3A_548 = tpu.matmul %convert_element_type3A_509, %convert_element_type3A_546, %dot_general3A_547 {dimension_numbers = #tpu.dot_dimension_numbers<[1], [0], [0], [1], [0, 0, 1, 1], [], []>, transpose_lhs_hint = false} : vector<1024x208xbf16>, vector<208x13xbf16>, vector<1024x13xf32> -> vector<1024x13xf32>
    %slice3A_549 = vector.extract_strided_slice %convert_element_type3A {offsets = [0, 0], sizes = [1024, 192], strides = [1, 1]} : vector<1024x416xf32> to vector<1024x192xf32>
    %slice3A_550 = vector.extract_strided_slice %convert_element_type3A {offsets = [0, 224], sizes = [1024, 192], strides = [1, 1]} : vector<1024x416xf32> to vector<1024x192xf32>
    %mul3A_551 = arith.mulf %slice3A_549, %slice3A_550 : vector<1024x192xf32>
    %convert_element_type3A_552 = arith.truncf %mul3A_551 : vector<1024x192xf32> to vector<1024x192xbf16>
    %iota3A_553 = tpu.iota {dimensions = array<i32: 0>} : vector<192x12xi32>
    %jit3A_554 = arith.constant 16 : i32
    %div3A_555 = vector.broadcast %jit3A_554 : i32 to vector<192x12xi32>
    %div3A_556 = arith.divsi %iota3A_553, %div3A_555 : vector<192x12xi32>
    %sign3A_557 = arith.constant 0 : i32
    %sign3A_558 = vector.broadcast %sign3A_557 : i32 to vector<192x12xi32>
    %sign3A_559 = arith.cmpi sgt, %iota3A_553, %sign3A_558 : vector<192x12xi32>
    %sign3A_560 = arith.extui %sign3A_559 : vector<192x12xi1> to vector<192x12xi32>
    %sign3A_561 = arith.constant 0 : i32
    %sign3A_562 = vector.broadcast %sign3A_561 : i32 to vector<192x12xi32>
    %sign3A_563 = arith.cmpi slt, %iota3A_553, %sign3A_562 : vector<192x12xi32>
    %sign3A_564 = arith.extui %sign3A_563 : vector<192x12xi1> to vector<192x12xi32>
    %sign3A_565 = arith.subi %sign3A_560, %sign3A_564 : vector<192x12xi32>
    %sign3A_566 = arith.constant 0 : i32
    %sign3A_567 = arith.cmpi sgt, %jit3A_554, %sign3A_566 : i32
    %sign3A_568 = arith.extui %sign3A_567 : i1 to i32
    %sign3A_569 = arith.constant 0 : i32
    %sign3A_570 = arith.cmpi slt, %jit3A_554, %sign3A_569 : i32
    %sign3A_571 = arith.extui %sign3A_570 : i1 to i32
    %sign3A_572 = arith.subi %sign3A_568, %sign3A_571 : i32
    %ne3A_573 = vector.broadcast %sign3A_572 : i32 to vector<192x12xi32>
    %ne3A_574 = arith.cmpi ne, %sign3A_565, %ne3A_573 : vector<192x12xi32>
    %rem3A_575 = vector.broadcast %jit3A_554 : i32 to vector<192x12xi32>
    %rem3A_576 = arith.remsi %iota3A_553, %rem3A_575 : vector<192x12xi32>
    %ne3A_577 = arith.constant 0 : i32
    %ne3A_578 = vector.broadcast %ne3A_577 : i32 to vector<192x12xi32>
    %ne3A_579 = arith.cmpi ne, %rem3A_576, %ne3A_578 : vector<192x12xi32>
    %and3A_580 = arith.andi %ne3A_574, %ne3A_579 : vector<192x12xi1>
    %sub3A_581 = arith.constant 1 : i32
    %sub3A_582 = vector.broadcast %sub3A_581 : i32 to vector<192x12xi32>
    %sub3A_583 = arith.subi %div3A_556, %sub3A_582 : vector<192x12xi32>
    %select_n3A_584 = arith.select %and3A_580, %sub3A_583, %div3A_556 : vector<192x12xi1>, vector<192x12xi32>
    %iota3A_585 = tpu.iota {dimensions = array<i32: 1>} : vector<192x12xi32>
    %eq3A_586 = arith.cmpi eq, %select_n3A_584, %iota3A_585 : vector<192x12xi32>
    %convert_element_type3A_587 = arith.extui %eq3A_586 : vector<192x12xi1> to vector<192x12xi32>
    %convert_element_type3A_588 = arith.sitofp %convert_element_type3A_587 : vector<192x12xi32> to vector<192x12xf32>
    %convert_element_type3A_589 = arith.truncf %convert_element_type3A_588 : vector<192x12xf32> to vector<192x12xbf16>
    %dot_general3A_590 = arith.constant dense<0.000000e+00> : vector<1024x12xf32>
    %dot_general3A_591 = tpu.matmul %convert_element_type3A_552, %convert_element_type3A_589, %dot_general3A_590 {dimension_numbers = #tpu.dot_dimension_numbers<[1], [0], [0], [1], [0, 0, 1, 1], [], []>, transpose_lhs_hint = false} : vector<1024x192xbf16>, vector<192x12xbf16>, vector<1024x12xf32> -> vector<1024x12xf32>
    %slice3A_592 = vector.extract_strided_slice %convert_element_type3A {offsets = [0, 0], sizes = [1024, 176], strides = [1, 1]} : vector<1024x416xf32> to vector<1024x176xf32>
    %slice3A_593 = vector.extract_strided_slice %convert_element_type3A {offsets = [0, 240], sizes = [1024, 176], strides = [1, 1]} : vector<1024x416xf32> to vector<1024x176xf32>
    %mul3A_594 = arith.mulf %slice3A_592, %slice3A_593 : vector<1024x176xf32>
    %convert_element_type3A_595 = arith.truncf %mul3A_594 : vector<1024x176xf32> to vector<1024x176xbf16>
    %iota3A_596 = tpu.iota {dimensions = array<i32: 0>} : vector<176x11xi32>
    %jit3A_597 = arith.constant 16 : i32
    %div3A_598 = vector.broadcast %jit3A_597 : i32 to vector<176x11xi32>
    %div3A_599 = arith.divsi %iota3A_596, %div3A_598 : vector<176x11xi32>
    %sign3A_600 = arith.constant 0 : i32
    %sign3A_601 = vector.broadcast %sign3A_600 : i32 to vector<176x11xi32>
    %sign3A_602 = arith.cmpi sgt, %iota3A_596, %sign3A_601 : vector<176x11xi32>
    %sign3A_603 = arith.extui %sign3A_602 : vector<176x11xi1> to vector<176x11xi32>
    %sign3A_604 = arith.constant 0 : i32
    %sign3A_605 = vector.broadcast %sign3A_604 : i32 to vector<176x11xi32>
    %sign3A_606 = arith.cmpi slt, %iota3A_596, %sign3A_605 : vector<176x11xi32>
    %sign3A_607 = arith.extui %sign3A_606 : vector<176x11xi1> to vector<176x11xi32>
    %sign3A_608 = arith.subi %sign3A_603, %sign3A_607 : vector<176x11xi32>
    %sign3A_609 = arith.constant 0 : i32
    %sign3A_610 = arith.cmpi sgt, %jit3A_597, %sign3A_609 : i32
    %sign3A_611 = arith.extui %sign3A_610 : i1 to i32
    %sign3A_612 = arith.constant 0 : i32
    %sign3A_613 = arith.cmpi slt, %jit3A_597, %sign3A_612 : i32
    %sign3A_614 = arith.extui %sign3A_613 : i1 to i32
    %sign3A_615 = arith.subi %sign3A_611, %sign3A_614 : i32
    %ne3A_616 = vector.broadcast %sign3A_615 : i32 to vector<176x11xi32>
    %ne3A_617 = arith.cmpi ne, %sign3A_608, %ne3A_616 : vector<176x11xi32>
    %rem3A_618 = vector.broadcast %jit3A_597 : i32 to vector<176x11xi32>
    %rem3A_619 = arith.remsi %iota3A_596, %rem3A_618 : vector<176x11xi32>
    %ne3A_620 = arith.constant 0 : i32
    %ne3A_621 = vector.broadcast %ne3A_620 : i32 to vector<176x11xi32>
    %ne3A_622 = arith.cmpi ne, %rem3A_619, %ne3A_621 : vector<176x11xi32>
    %and3A_623 = arith.andi %ne3A_617, %ne3A_622 : vector<176x11xi1>
    %sub3A_624 = arith.constant 1 : i32
    %sub3A_625 = vector.broadcast %sub3A_624 : i32 to vector<176x11xi32>
    %sub3A_626 = arith.subi %div3A_599, %sub3A_625 : vector<176x11xi32>
    %select_n3A_627 = arith.select %and3A_623, %sub3A_626, %div3A_599 : vector<176x11xi1>, vector<176x11xi32>
    %iota3A_628 = tpu.iota {dimensions = array<i32: 1>} : vector<176x11xi32>
    %eq3A_629 = arith.cmpi eq, %select_n3A_627, %iota3A_628 : vector<176x11xi32>
    %convert_element_type3A_630 = arith.extui %eq3A_629 : vector<176x11xi1> to vector<176x11xi32>
    %convert_element_type3A_631 = arith.sitofp %convert_element_type3A_630 : vector<176x11xi32> to vector<176x11xf32>
    %convert_element_type3A_632 = arith.truncf %convert_element_type3A_631 : vector<176x11xf32> to vector<176x11xbf16>
    %dot_general3A_633 = arith.constant dense<0.000000e+00> : vector<1024x11xf32>
    %dot_general3A_634 = tpu.matmul %convert_element_type3A_595, %convert_element_type3A_632, %dot_general3A_633 {dimension_numbers = #tpu.dot_dimension_numbers<[1], [0], [0], [1], [0, 0, 1, 1], [], []>, transpose_lhs_hint = false} : vector<1024x176xbf16>, vector<176x11xbf16>, vector<1024x11xf32> -> vector<1024x11xf32>
    %slice3A_635 = vector.extract_strided_slice %convert_element_type3A {offsets = [0, 0], sizes = [1024, 160], strides = [1, 1]} : vector<1024x416xf32> to vector<1024x160xf32>
    %slice3A_636 = vector.extract_strided_slice %convert_element_type3A {offsets = [0, 256], sizes = [1024, 160], strides = [1, 1]} : vector<1024x416xf32> to vector<1024x160xf32>
    %mul3A_637 = arith.mulf %slice3A_635, %slice3A_636 : vector<1024x160xf32>
    %convert_element_type3A_638 = arith.truncf %mul3A_637 : vector<1024x160xf32> to vector<1024x160xbf16>
    %iota3A_639 = tpu.iota {dimensions = array<i32: 0>} : vector<160x10xi32>
    %jit3A_640 = arith.constant 16 : i32
    %div3A_641 = vector.broadcast %jit3A_640 : i32 to vector<160x10xi32>
    %div3A_642 = arith.divsi %iota3A_639, %div3A_641 : vector<160x10xi32>
    %sign3A_643 = arith.constant 0 : i32
    %sign3A_644 = vector.broadcast %sign3A_643 : i32 to vector<160x10xi32>
    %sign3A_645 = arith.cmpi sgt, %iota3A_639, %sign3A_644 : vector<160x10xi32>
    %sign3A_646 = arith.extui %sign3A_645 : vector<160x10xi1> to vector<160x10xi32>
    %sign3A_647 = arith.constant 0 : i32
    %sign3A_648 = vector.broadcast %sign3A_647 : i32 to vector<160x10xi32>
    %sign3A_649 = arith.cmpi slt, %iota3A_639, %sign3A_648 : vector<160x10xi32>
    %sign3A_650 = arith.extui %sign3A_649 : vector<160x10xi1> to vector<160x10xi32>
    %sign3A_651 = arith.subi %sign3A_646, %sign3A_650 : vector<160x10xi32>
    %sign3A_652 = arith.constant 0 : i32
    %sign3A_653 = arith.cmpi sgt, %jit3A_640, %sign3A_652 : i32
    %sign3A_654 = arith.extui %sign3A_653 : i1 to i32
    %sign3A_655 = arith.constant 0 : i32
    %sign3A_656 = arith.cmpi slt, %jit3A_640, %sign3A_655 : i32
    %sign3A_657 = arith.extui %sign3A_656 : i1 to i32
    %sign3A_658 = arith.subi %sign3A_654, %sign3A_657 : i32
    %ne3A_659 = vector.broadcast %sign3A_658 : i32 to vector<160x10xi32>
    %ne3A_660 = arith.cmpi ne, %sign3A_651, %ne3A_659 : vector<160x10xi32>
    %rem3A_661 = vector.broadcast %jit3A_640 : i32 to vector<160x10xi32>
    %rem3A_662 = arith.remsi %iota3A_639, %rem3A_661 : vector<160x10xi32>
    %ne3A_663 = arith.constant 0 : i32
    %ne3A_664 = vector.broadcast %ne3A_663 : i32 to vector<160x10xi32>
    %ne3A_665 = arith.cmpi ne, %rem3A_662, %ne3A_664 : vector<160x10xi32>
    %and3A_666 = arith.andi %ne3A_660, %ne3A_665 : vector<160x10xi1>
    %sub3A_667 = arith.constant 1 : i32
    %sub3A_668 = vector.broadcast %sub3A_667 : i32 to vector<160x10xi32>
    %sub3A_669 = arith.subi %div3A_642, %sub3A_668 : vector<160x10xi32>
    %select_n3A_670 = arith.select %and3A_666, %sub3A_669, %div3A_642 : vector<160x10xi1>, vector<160x10xi32>
    %iota3A_671 = tpu.iota {dimensions = array<i32: 1>} : vector<160x10xi32>
    %eq3A_672 = arith.cmpi eq, %select_n3A_670, %iota3A_671 : vector<160x10xi32>
    %convert_element_type3A_673 = arith.extui %eq3A_672 : vector<160x10xi1> to vector<160x10xi32>
    %convert_element_type3A_674 = arith.sitofp %convert_element_type3A_673 : vector<160x10xi32> to vector<160x10xf32>
    %convert_element_type3A_675 = arith.truncf %convert_element_type3A_674 : vector<160x10xf32> to vector<160x10xbf16>
    %dot_general3A_676 = arith.constant dense<0.000000e+00> : vector<1024x10xf32>
    %dot_general3A_677 = tpu.matmul %convert_element_type3A_638, %convert_element_type3A_675, %dot_general3A_676 {dimension_numbers = #tpu.dot_dimension_numbers<[1], [0], [0], [1], [0, 0, 1, 1], [], []>, transpose_lhs_hint = false} : vector<1024x160xbf16>, vector<160x10xbf16>, vector<1024x10xf32> -> vector<1024x10xf32>
    %slice3A_678 = vector.extract_strided_slice %convert_element_type3A {offsets = [0, 0], sizes = [1024, 144], strides = [1, 1]} : vector<1024x416xf32> to vector<1024x144xf32>
    %slice3A_679 = vector.extract_strided_slice %convert_element_type3A {offsets = [0, 272], sizes = [1024, 144], strides = [1, 1]} : vector<1024x416xf32> to vector<1024x144xf32>
    %mul3A_680 = arith.mulf %slice3A_678, %slice3A_679 : vector<1024x144xf32>
    %convert_element_type3A_681 = arith.truncf %mul3A_680 : vector<1024x144xf32> to vector<1024x144xbf16>
    %iota3A_682 = tpu.iota {dimensions = array<i32: 0>} : vector<144x9xi32>
    %jit3A_683 = arith.constant 16 : i32
    %div3A_684 = vector.broadcast %jit3A_683 : i32 to vector<144x9xi32>
    %div3A_685 = arith.divsi %iota3A_682, %div3A_684 : vector<144x9xi32>
    %sign3A_686 = arith.constant 0 : i32
    %sign3A_687 = vector.broadcast %sign3A_686 : i32 to vector<144x9xi32>
    %sign3A_688 = arith.cmpi sgt, %iota3A_682, %sign3A_687 : vector<144x9xi32>
    %sign3A_689 = arith.extui %sign3A_688 : vector<144x9xi1> to vector<144x9xi32>
    %sign3A_690 = arith.constant 0 : i32
    %sign3A_691 = vector.broadcast %sign3A_690 : i32 to vector<144x9xi32>
    %sign3A_692 = arith.cmpi slt, %iota3A_682, %sign3A_691 : vector<144x9xi32>
    %sign3A_693 = arith.extui %sign3A_692 : vector<144x9xi1> to vector<144x9xi32>
    %sign3A_694 = arith.subi %sign3A_689, %sign3A_693 : vector<144x9xi32>
    %sign3A_695 = arith.constant 0 : i32
    %sign3A_696 = arith.cmpi sgt, %jit3A_683, %sign3A_695 : i32
    %sign3A_697 = arith.extui %sign3A_696 : i1 to i32
    %sign3A_698 = arith.constant 0 : i32
    %sign3A_699 = arith.cmpi slt, %jit3A_683, %sign3A_698 : i32
    %sign3A_700 = arith.extui %sign3A_699 : i1 to i32
    %sign3A_701 = arith.subi %sign3A_697, %sign3A_700 : i32
    %ne3A_702 = vector.broadcast %sign3A_701 : i32 to vector<144x9xi32>
    %ne3A_703 = arith.cmpi ne, %sign3A_694, %ne3A_702 : vector<144x9xi32>
    %rem3A_704 = vector.broadcast %jit3A_683 : i32 to vector<144x9xi32>
    %rem3A_705 = arith.remsi %iota3A_682, %rem3A_704 : vector<144x9xi32>
    %ne3A_706 = arith.constant 0 : i32
    %ne3A_707 = vector.broadcast %ne3A_706 : i32 to vector<144x9xi32>
    %ne3A_708 = arith.cmpi ne, %rem3A_705, %ne3A_707 : vector<144x9xi32>
    %and3A_709 = arith.andi %ne3A_703, %ne3A_708 : vector<144x9xi1>
    %sub3A_710 = arith.constant 1 : i32
    %sub3A_711 = vector.broadcast %sub3A_710 : i32 to vector<144x9xi32>
    %sub3A_712 = arith.subi %div3A_685, %sub3A_711 : vector<144x9xi32>
    %select_n3A_713 = arith.select %and3A_709, %sub3A_712, %div3A_685 : vector<144x9xi1>, vector<144x9xi32>
    %iota3A_714 = tpu.iota {dimensions = array<i32: 1>} : vector<144x9xi32>
    %eq3A_715 = arith.cmpi eq, %select_n3A_713, %iota3A_714 : vector<144x9xi32>
    %convert_element_type3A_716 = arith.extui %eq3A_715 : vector<144x9xi1> to vector<144x9xi32>
    %convert_element_type3A_717 = arith.sitofp %convert_element_type3A_716 : vector<144x9xi32> to vector<144x9xf32>
    %convert_element_type3A_718 = arith.truncf %convert_element_type3A_717 : vector<144x9xf32> to vector<144x9xbf16>
    %dot_general3A_719 = arith.constant dense<0.000000e+00> : vector<1024x9xf32>
    %dot_general3A_720 = tpu.matmul %convert_element_type3A_681, %convert_element_type3A_718, %dot_general3A_719 {dimension_numbers = #tpu.dot_dimension_numbers<[1], [0], [0], [1], [0, 0, 1, 1], [], []>, transpose_lhs_hint = false} : vector<1024x144xbf16>, vector<144x9xbf16>, vector<1024x9xf32> -> vector<1024x9xf32>
    %slice3A_721 = vector.extract_strided_slice %convert_element_type3A {offsets = [0, 0], sizes = [1024, 128], strides = [1, 1]} : vector<1024x416xf32> to vector<1024x128xf32>
    %slice3A_722 = vector.extract_strided_slice %convert_element_type3A {offsets = [0, 288], sizes = [1024, 128], strides = [1, 1]} : vector<1024x416xf32> to vector<1024x128xf32>
    %mul3A_723 = arith.mulf %slice3A_721, %slice3A_722 : vector<1024x128xf32>
    %convert_element_type3A_724 = arith.truncf %mul3A_723 : vector<1024x128xf32> to vector<1024x128xbf16>
    %iota3A_725 = tpu.iota {dimensions = array<i32: 0>} : vector<128x8xi32>
    %jit3A_726 = arith.constant 16 : i32
    %div3A_727 = vector.broadcast %jit3A_726 : i32 to vector<128x8xi32>
    %div3A_728 = arith.divsi %iota3A_725, %div3A_727 : vector<128x8xi32>
    %sign3A_729 = arith.constant 0 : i32
    %sign3A_730 = vector.broadcast %sign3A_729 : i32 to vector<128x8xi32>
    %sign3A_731 = arith.cmpi sgt, %iota3A_725, %sign3A_730 : vector<128x8xi32>
    %sign3A_732 = arith.extui %sign3A_731 : vector<128x8xi1> to vector<128x8xi32>
    %sign3A_733 = arith.constant 0 : i32
    %sign3A_734 = vector.broadcast %sign3A_733 : i32 to vector<128x8xi32>
    %sign3A_735 = arith.cmpi slt, %iota3A_725, %sign3A_734 : vector<128x8xi32>
    %sign3A_736 = arith.extui %sign3A_735 : vector<128x8xi1> to vector<128x8xi32>
    %sign3A_737 = arith.subi %sign3A_732, %sign3A_736 : vector<128x8xi32>
    %sign3A_738 = arith.constant 0 : i32
    %sign3A_739 = arith.cmpi sgt, %jit3A_726, %sign3A_738 : i32
    %sign3A_740 = arith.extui %sign3A_739 : i1 to i32
    %sign3A_741 = arith.constant 0 : i32
    %sign3A_742 = arith.cmpi slt, %jit3A_726, %sign3A_741 : i32
    %sign3A_743 = arith.extui %sign3A_742 : i1 to i32
    %sign3A_744 = arith.subi %sign3A_740, %sign3A_743 : i32
    %ne3A_745 = vector.broadcast %sign3A_744 : i32 to vector<128x8xi32>
    %ne3A_746 = arith.cmpi ne, %sign3A_737, %ne3A_745 : vector<128x8xi32>
    %rem3A_747 = vector.broadcast %jit3A_726 : i32 to vector<128x8xi32>
    %rem3A_748 = arith.remsi %iota3A_725, %rem3A_747 : vector<128x8xi32>
    %ne3A_749 = arith.constant 0 : i32
    %ne3A_750 = vector.broadcast %ne3A_749 : i32 to vector<128x8xi32>
    %ne3A_751 = arith.cmpi ne, %rem3A_748, %ne3A_750 : vector<128x8xi32>
    %and3A_752 = arith.andi %ne3A_746, %ne3A_751 : vector<128x8xi1>
    %sub3A_753 = arith.constant 1 : i32
    %sub3A_754 = vector.broadcast %sub3A_753 : i32 to vector<128x8xi32>
    %sub3A_755 = arith.subi %div3A_728, %sub3A_754 : vector<128x8xi32>
    %select_n3A_756 = arith.select %and3A_752, %sub3A_755, %div3A_728 : vector<128x8xi1>, vector<128x8xi32>
    %iota3A_757 = tpu.iota {dimensions = array<i32: 1>} : vector<128x8xi32>
    %eq3A_758 = arith.cmpi eq, %select_n3A_756, %iota3A_757 : vector<128x8xi32>
    %convert_element_type3A_759 = arith.extui %eq3A_758 : vector<128x8xi1> to vector<128x8xi32>
    %convert_element_type3A_760 = arith.sitofp %convert_element_type3A_759 : vector<128x8xi32> to vector<128x8xf32>
    %convert_element_type3A_761 = arith.truncf %convert_element_type3A_760 : vector<128x8xf32> to vector<128x8xbf16>
    %dot_general3A_762 = arith.constant dense<0.000000e+00> : vector<1024x8xf32>
    %dot_general3A_763 = tpu.matmul %convert_element_type3A_724, %convert_element_type3A_761, %dot_general3A_762 {dimension_numbers = #tpu.dot_dimension_numbers<[1], [0], [0], [1], [0, 0, 1, 1], [], []>, transpose_lhs_hint = false} : vector<1024x128xbf16>, vector<128x8xbf16>, vector<1024x8xf32> -> vector<1024x8xf32>
    %slice3A_764 = vector.extract_strided_slice %convert_element_type3A {offsets = [0, 0], sizes = [1024, 112], strides = [1, 1]} : vector<1024x416xf32> to vector<1024x112xf32>
    %slice3A_765 = vector.extract_strided_slice %convert_element_type3A {offsets = [0, 304], sizes = [1024, 112], strides = [1, 1]} : vector<1024x416xf32> to vector<1024x112xf32>
    %mul3A_766 = arith.mulf %slice3A_764, %slice3A_765 : vector<1024x112xf32>
    %convert_element_type3A_767 = arith.truncf %mul3A_766 : vector<1024x112xf32> to vector<1024x112xbf16>
    %iota3A_768 = tpu.iota {dimensions = array<i32: 0>} : vector<112x7xi32>
    %jit3A_769 = arith.constant 16 : i32
    %div3A_770 = vector.broadcast %jit3A_769 : i32 to vector<112x7xi32>
    %div3A_771 = arith.divsi %iota3A_768, %div3A_770 : vector<112x7xi32>
    %sign3A_772 = arith.constant 0 : i32
    %sign3A_773 = vector.broadcast %sign3A_772 : i32 to vector<112x7xi32>
    %sign3A_774 = arith.cmpi sgt, %iota3A_768, %sign3A_773 : vector<112x7xi32>
    %sign3A_775 = arith.extui %sign3A_774 : vector<112x7xi1> to vector<112x7xi32>
    %sign3A_776 = arith.constant 0 : i32
    %sign3A_777 = vector.broadcast %sign3A_776 : i32 to vector<112x7xi32>
    %sign3A_778 = arith.cmpi slt, %iota3A_768, %sign3A_777 : vector<112x7xi32>
    %sign3A_779 = arith.extui %sign3A_778 : vector<112x7xi1> to vector<112x7xi32>
    %sign3A_780 = arith.subi %sign3A_775, %sign3A_779 : vector<112x7xi32>
    %sign3A_781 = arith.constant 0 : i32
    %sign3A_782 = arith.cmpi sgt, %jit3A_769, %sign3A_781 : i32
    %sign3A_783 = arith.extui %sign3A_782 : i1 to i32
    %sign3A_784 = arith.constant 0 : i32
    %sign3A_785 = arith.cmpi slt, %jit3A_769, %sign3A_784 : i32
    %sign3A_786 = arith.extui %sign3A_785 : i1 to i32
    %sign3A_787 = arith.subi %sign3A_783, %sign3A_786 : i32
    %ne3A_788 = vector.broadcast %sign3A_787 : i32 to vector<112x7xi32>
    %ne3A_789 = arith.cmpi ne, %sign3A_780, %ne3A_788 : vector<112x7xi32>
    %rem3A_790 = vector.broadcast %jit3A_769 : i32 to vector<112x7xi32>
    %rem3A_791 = arith.remsi %iota3A_768, %rem3A_790 : vector<112x7xi32>
    %ne3A_792 = arith.constant 0 : i32
    %ne3A_793 = vector.broadcast %ne3A_792 : i32 to vector<112x7xi32>
    %ne3A_794 = arith.cmpi ne, %rem3A_791, %ne3A_793 : vector<112x7xi32>
    %and3A_795 = arith.andi %ne3A_789, %ne3A_794 : vector<112x7xi1>
    %sub3A_796 = arith.constant 1 : i32
    %sub3A_797 = vector.broadcast %sub3A_796 : i32 to vector<112x7xi32>
    %sub3A_798 = arith.subi %div3A_771, %sub3A_797 : vector<112x7xi32>
    %select_n3A_799 = arith.select %and3A_795, %sub3A_798, %div3A_771 : vector<112x7xi1>, vector<112x7xi32>
    %iota3A_800 = tpu.iota {dimensions = array<i32: 1>} : vector<112x7xi32>
    %eq3A_801 = arith.cmpi eq, %select_n3A_799, %iota3A_800 : vector<112x7xi32>
    %convert_element_type3A_802 = arith.extui %eq3A_801 : vector<112x7xi1> to vector<112x7xi32>
    %convert_element_type3A_803 = arith.sitofp %convert_element_type3A_802 : vector<112x7xi32> to vector<112x7xf32>
    %convert_element_type3A_804 = arith.truncf %convert_element_type3A_803 : vector<112x7xf32> to vector<112x7xbf16>
    %dot_general3A_805 = arith.constant dense<0.000000e+00> : vector<1024x7xf32>
    %dot_general3A_806 = tpu.matmul %convert_element_type3A_767, %convert_element_type3A_804, %dot_general3A_805 {dimension_numbers = #tpu.dot_dimension_numbers<[1], [0], [0], [1], [0, 0, 1, 1], [], []>, transpose_lhs_hint = false} : vector<1024x112xbf16>, vector<112x7xbf16>, vector<1024x7xf32> -> vector<1024x7xf32>
    %slice3A_807 = vector.extract_strided_slice %convert_element_type3A {offsets = [0, 0], sizes = [1024, 96], strides = [1, 1]} : vector<1024x416xf32> to vector<1024x96xf32>
    %slice3A_808 = vector.extract_strided_slice %convert_element_type3A {offsets = [0, 320], sizes = [1024, 96], strides = [1, 1]} : vector<1024x416xf32> to vector<1024x96xf32>
    %mul3A_809 = arith.mulf %slice3A_807, %slice3A_808 : vector<1024x96xf32>
    %convert_element_type3A_810 = arith.truncf %mul3A_809 : vector<1024x96xf32> to vector<1024x96xbf16>
    %iota3A_811 = tpu.iota {dimensions = array<i32: 0>} : vector<96x6xi32>
    %jit3A_812 = arith.constant 16 : i32
    %div3A_813 = vector.broadcast %jit3A_812 : i32 to vector<96x6xi32>
    %div3A_814 = arith.divsi %iota3A_811, %div3A_813 : vector<96x6xi32>
    %sign3A_815 = arith.constant 0 : i32
    %sign3A_816 = vector.broadcast %sign3A_815 : i32 to vector<96x6xi32>
    %sign3A_817 = arith.cmpi sgt, %iota3A_811, %sign3A_816 : vector<96x6xi32>
    %sign3A_818 = arith.extui %sign3A_817 : vector<96x6xi1> to vector<96x6xi32>
    %sign3A_819 = arith.constant 0 : i32
    %sign3A_820 = vector.broadcast %sign3A_819 : i32 to vector<96x6xi32>
    %sign3A_821 = arith.cmpi slt, %iota3A_811, %sign3A_820 : vector<96x6xi32>
    %sign3A_822 = arith.extui %sign3A_821 : vector<96x6xi1> to vector<96x6xi32>
    %sign3A_823 = arith.subi %sign3A_818, %sign3A_822 : vector<96x6xi32>
    %sign3A_824 = arith.constant 0 : i32
    %sign3A_825 = arith.cmpi sgt, %jit3A_812, %sign3A_824 : i32
    %sign3A_826 = arith.extui %sign3A_825 : i1 to i32
    %sign3A_827 = arith.constant 0 : i32
    %sign3A_828 = arith.cmpi slt, %jit3A_812, %sign3A_827 : i32
    %sign3A_829 = arith.extui %sign3A_828 : i1 to i32
    %sign3A_830 = arith.subi %sign3A_826, %sign3A_829 : i32
    %ne3A_831 = vector.broadcast %sign3A_830 : i32 to vector<96x6xi32>
    %ne3A_832 = arith.cmpi ne, %sign3A_823, %ne3A_831 : vector<96x6xi32>
    %rem3A_833 = vector.broadcast %jit3A_812 : i32 to vector<96x6xi32>
    %rem3A_834 = arith.remsi %iota3A_811, %rem3A_833 : vector<96x6xi32>
    %ne3A_835 = arith.constant 0 : i32
    %ne3A_836 = vector.broadcast %ne3A_835 : i32 to vector<96x6xi32>
    %ne3A_837 = arith.cmpi ne, %rem3A_834, %ne3A_836 : vector<96x6xi32>
    %and3A_838 = arith.andi %ne3A_832, %ne3A_837 : vector<96x6xi1>
    %sub3A_839 = arith.constant 1 : i32
    %sub3A_840 = vector.broadcast %sub3A_839 : i32 to vector<96x6xi32>
    %sub3A_841 = arith.subi %div3A_814, %sub3A_840 : vector<96x6xi32>
    %select_n3A_842 = arith.select %and3A_838, %sub3A_841, %div3A_814 : vector<96x6xi1>, vector<96x6xi32>
    %iota3A_843 = tpu.iota {dimensions = array<i32: 1>} : vector<96x6xi32>
    %eq3A_844 = arith.cmpi eq, %select_n3A_842, %iota3A_843 : vector<96x6xi32>
    %convert_element_type3A_845 = arith.extui %eq3A_844 : vector<96x6xi1> to vector<96x6xi32>
    %convert_element_type3A_846 = arith.sitofp %convert_element_type3A_845 : vector<96x6xi32> to vector<96x6xf32>
    %convert_element_type3A_847 = arith.truncf %convert_element_type3A_846 : vector<96x6xf32> to vector<96x6xbf16>
    %dot_general3A_848 = arith.constant dense<0.000000e+00> : vector<1024x6xf32>
    %dot_general3A_849 = tpu.matmul %convert_element_type3A_810, %convert_element_type3A_847, %dot_general3A_848 {dimension_numbers = #tpu.dot_dimension_numbers<[1], [0], [0], [1], [0, 0, 1, 1], [], []>, transpose_lhs_hint = false} : vector<1024x96xbf16>, vector<96x6xbf16>, vector<1024x6xf32> -> vector<1024x6xf32>
    %slice3A_850 = vector.extract_strided_slice %convert_element_type3A {offsets = [0, 0], sizes = [1024, 80], strides = [1, 1]} : vector<1024x416xf32> to vector<1024x80xf32>
    %slice3A_851 = vector.extract_strided_slice %convert_element_type3A {offsets = [0, 336], sizes = [1024, 80], strides = [1, 1]} : vector<1024x416xf32> to vector<1024x80xf32>
    %mul3A_852 = arith.mulf %slice3A_850, %slice3A_851 : vector<1024x80xf32>
    %convert_element_type3A_853 = arith.truncf %mul3A_852 : vector<1024x80xf32> to vector<1024x80xbf16>
    %iota3A_854 = tpu.iota {dimensions = array<i32: 0>} : vector<80x5xi32>
    %jit3A_855 = arith.constant 16 : i32
    %div3A_856 = vector.broadcast %jit3A_855 : i32 to vector<80x5xi32>
    %div3A_857 = arith.divsi %iota3A_854, %div3A_856 : vector<80x5xi32>
    %sign3A_858 = arith.constant 0 : i32
    %sign3A_859 = vector.broadcast %sign3A_858 : i32 to vector<80x5xi32>
    %sign3A_860 = arith.cmpi sgt, %iota3A_854, %sign3A_859 : vector<80x5xi32>
    %sign3A_861 = arith.extui %sign3A_860 : vector<80x5xi1> to vector<80x5xi32>
    %sign3A_862 = arith.constant 0 : i32
    %sign3A_863 = vector.broadcast %sign3A_862 : i32 to vector<80x5xi32>
    %sign3A_864 = arith.cmpi slt, %iota3A_854, %sign3A_863 : vector<80x5xi32>
    %sign3A_865 = arith.extui %sign3A_864 : vector<80x5xi1> to vector<80x5xi32>
    %sign3A_866 = arith.subi %sign3A_861, %sign3A_865 : vector<80x5xi32>
    %sign3A_867 = arith.constant 0 : i32
    %sign3A_868 = arith.cmpi sgt, %jit3A_855, %sign3A_867 : i32
    %sign3A_869 = arith.extui %sign3A_868 : i1 to i32
    %sign3A_870 = arith.constant 0 : i32
    %sign3A_871 = arith.cmpi slt, %jit3A_855, %sign3A_870 : i32
    %sign3A_872 = arith.extui %sign3A_871 : i1 to i32
    %sign3A_873 = arith.subi %sign3A_869, %sign3A_872 : i32
    %ne3A_874 = vector.broadcast %sign3A_873 : i32 to vector<80x5xi32>
    %ne3A_875 = arith.cmpi ne, %sign3A_866, %ne3A_874 : vector<80x5xi32>
    %rem3A_876 = vector.broadcast %jit3A_855 : i32 to vector<80x5xi32>
    %rem3A_877 = arith.remsi %iota3A_854, %rem3A_876 : vector<80x5xi32>
    %ne3A_878 = arith.constant 0 : i32
    %ne3A_879 = vector.broadcast %ne3A_878 : i32 to vector<80x5xi32>
    %ne3A_880 = arith.cmpi ne, %rem3A_877, %ne3A_879 : vector<80x5xi32>
    %and3A_881 = arith.andi %ne3A_875, %ne3A_880 : vector<80x5xi1>
    %sub3A_882 = arith.constant 1 : i32
    %sub3A_883 = vector.broadcast %sub3A_882 : i32 to vector<80x5xi32>
    %sub3A_884 = arith.subi %div3A_857, %sub3A_883 : vector<80x5xi32>
    %select_n3A_885 = arith.select %and3A_881, %sub3A_884, %div3A_857 : vector<80x5xi1>, vector<80x5xi32>
    %iota3A_886 = tpu.iota {dimensions = array<i32: 1>} : vector<80x5xi32>
    %eq3A_887 = arith.cmpi eq, %select_n3A_885, %iota3A_886 : vector<80x5xi32>
    %convert_element_type3A_888 = arith.extui %eq3A_887 : vector<80x5xi1> to vector<80x5xi32>
    %convert_element_type3A_889 = arith.sitofp %convert_element_type3A_888 : vector<80x5xi32> to vector<80x5xf32>
    %convert_element_type3A_890 = arith.truncf %convert_element_type3A_889 : vector<80x5xf32> to vector<80x5xbf16>
    %dot_general3A_891 = arith.constant dense<0.000000e+00> : vector<1024x5xf32>
    %dot_general3A_892 = tpu.matmul %convert_element_type3A_853, %convert_element_type3A_890, %dot_general3A_891 {dimension_numbers = #tpu.dot_dimension_numbers<[1], [0], [0], [1], [0, 0, 1, 1], [], []>, transpose_lhs_hint = false} : vector<1024x80xbf16>, vector<80x5xbf16>, vector<1024x5xf32> -> vector<1024x5xf32>
    %slice3A_893 = vector.extract_strided_slice %convert_element_type3A {offsets = [0, 0], sizes = [1024, 64], strides = [1, 1]} : vector<1024x416xf32> to vector<1024x64xf32>
    %slice3A_894 = vector.extract_strided_slice %convert_element_type3A {offsets = [0, 352], sizes = [1024, 64], strides = [1, 1]} : vector<1024x416xf32> to vector<1024x64xf32>
    %mul3A_895 = arith.mulf %slice3A_893, %slice3A_894 : vector<1024x64xf32>
    %convert_element_type3A_896 = arith.truncf %mul3A_895 : vector<1024x64xf32> to vector<1024x64xbf16>
    %iota3A_897 = tpu.iota {dimensions = array<i32: 0>} : vector<64x4xi32>
    %jit3A_898 = arith.constant 16 : i32
    %div3A_899 = vector.broadcast %jit3A_898 : i32 to vector<64x4xi32>
    %div3A_900 = arith.divsi %iota3A_897, %div3A_899 : vector<64x4xi32>
    %sign3A_901 = arith.constant 0 : i32
    %sign3A_902 = vector.broadcast %sign3A_901 : i32 to vector<64x4xi32>
    %sign3A_903 = arith.cmpi sgt, %iota3A_897, %sign3A_902 : vector<64x4xi32>
    %sign3A_904 = arith.extui %sign3A_903 : vector<64x4xi1> to vector<64x4xi32>
    %sign3A_905 = arith.constant 0 : i32
    %sign3A_906 = vector.broadcast %sign3A_905 : i32 to vector<64x4xi32>
    %sign3A_907 = arith.cmpi slt, %iota3A_897, %sign3A_906 : vector<64x4xi32>
    %sign3A_908 = arith.extui %sign3A_907 : vector<64x4xi1> to vector<64x4xi32>
    %sign3A_909 = arith.subi %sign3A_904, %sign3A_908 : vector<64x4xi32>
    %sign3A_910 = arith.constant 0 : i32
    %sign3A_911 = arith.cmpi sgt, %jit3A_898, %sign3A_910 : i32
    %sign3A_912 = arith.extui %sign3A_911 : i1 to i32
    %sign3A_913 = arith.constant 0 : i32
    %sign3A_914 = arith.cmpi slt, %jit3A_898, %sign3A_913 : i32
    %sign3A_915 = arith.extui %sign3A_914 : i1 to i32
    %sign3A_916 = arith.subi %sign3A_912, %sign3A_915 : i32
    %ne3A_917 = vector.broadcast %sign3A_916 : i32 to vector<64x4xi32>
    %ne3A_918 = arith.cmpi ne, %sign3A_909, %ne3A_917 : vector<64x4xi32>
    %rem3A_919 = vector.broadcast %jit3A_898 : i32 to vector<64x4xi32>
    %rem3A_920 = arith.remsi %iota3A_897, %rem3A_919 : vector<64x4xi32>
    %ne3A_921 = arith.constant 0 : i32
    %ne3A_922 = vector.broadcast %ne3A_921 : i32 to vector<64x4xi32>
    %ne3A_923 = arith.cmpi ne, %rem3A_920, %ne3A_922 : vector<64x4xi32>
    %and3A_924 = arith.andi %ne3A_918, %ne3A_923 : vector<64x4xi1>
    %sub3A_925 = arith.constant 1 : i32
    %sub3A_926 = vector.broadcast %sub3A_925 : i32 to vector<64x4xi32>
    %sub3A_927 = arith.subi %div3A_900, %sub3A_926 : vector<64x4xi32>
    %select_n3A_928 = arith.select %and3A_924, %sub3A_927, %div3A_900 : vector<64x4xi1>, vector<64x4xi32>
    %iota3A_929 = tpu.iota {dimensions = array<i32: 1>} : vector<64x4xi32>
    %eq3A_930 = arith.cmpi eq, %select_n3A_928, %iota3A_929 : vector<64x4xi32>
    %convert_element_type3A_931 = arith.extui %eq3A_930 : vector<64x4xi1> to vector<64x4xi32>
    %convert_element_type3A_932 = arith.sitofp %convert_element_type3A_931 : vector<64x4xi32> to vector<64x4xf32>
    %convert_element_type3A_933 = arith.truncf %convert_element_type3A_932 : vector<64x4xf32> to vector<64x4xbf16>
    %dot_general3A_934 = arith.constant dense<0.000000e+00> : vector<1024x4xf32>
    %dot_general3A_935 = tpu.matmul %convert_element_type3A_896, %convert_element_type3A_933, %dot_general3A_934 {dimension_numbers = #tpu.dot_dimension_numbers<[1], [0], [0], [1], [0, 0, 1, 1], [], []>, transpose_lhs_hint = false} : vector<1024x64xbf16>, vector<64x4xbf16>, vector<1024x4xf32> -> vector<1024x4xf32>
    %slice3A_936 = vector.extract_strided_slice %convert_element_type3A {offsets = [0, 0], sizes = [1024, 48], strides = [1, 1]} : vector<1024x416xf32> to vector<1024x48xf32>
    %slice3A_937 = vector.extract_strided_slice %convert_element_type3A {offsets = [0, 368], sizes = [1024, 48], strides = [1, 1]} : vector<1024x416xf32> to vector<1024x48xf32>
    %mul3A_938 = arith.mulf %slice3A_936, %slice3A_937 : vector<1024x48xf32>
    %convert_element_type3A_939 = arith.truncf %mul3A_938 : vector<1024x48xf32> to vector<1024x48xbf16>
    %iota3A_940 = tpu.iota {dimensions = array<i32: 0>} : vector<48x3xi32>
    %jit3A_941 = arith.constant 16 : i32
    %div3A_942 = vector.broadcast %jit3A_941 : i32 to vector<48x3xi32>
    %div3A_943 = arith.divsi %iota3A_940, %div3A_942 : vector<48x3xi32>
    %sign3A_944 = arith.constant 0 : i32
    %sign3A_945 = vector.broadcast %sign3A_944 : i32 to vector<48x3xi32>
    %sign3A_946 = arith.cmpi sgt, %iota3A_940, %sign3A_945 : vector<48x3xi32>
    %sign3A_947 = arith.extui %sign3A_946 : vector<48x3xi1> to vector<48x3xi32>
    %sign3A_948 = arith.constant 0 : i32
    %sign3A_949 = vector.broadcast %sign3A_948 : i32 to vector<48x3xi32>
    %sign3A_950 = arith.cmpi slt, %iota3A_940, %sign3A_949 : vector<48x3xi32>
    %sign3A_951 = arith.extui %sign3A_950 : vector<48x3xi1> to vector<48x3xi32>
    %sign3A_952 = arith.subi %sign3A_947, %sign3A_951 : vector<48x3xi32>
    %sign3A_953 = arith.constant 0 : i32
    %sign3A_954 = arith.cmpi sgt, %jit3A_941, %sign3A_953 : i32
    %sign3A_955 = arith.extui %sign3A_954 : i1 to i32
    %sign3A_956 = arith.constant 0 : i32
    %sign3A_957 = arith.cmpi slt, %jit3A_941, %sign3A_956 : i32
    %sign3A_958 = arith.extui %sign3A_957 : i1 to i32
    %sign3A_959 = arith.subi %sign3A_955, %sign3A_958 : i32
    %ne3A_960 = vector.broadcast %sign3A_959 : i32 to vector<48x3xi32>
    %ne3A_961 = arith.cmpi ne, %sign3A_952, %ne3A_960 : vector<48x3xi32>
    %rem3A_962 = vector.broadcast %jit3A_941 : i32 to vector<48x3xi32>
    %rem3A_963 = arith.remsi %iota3A_940, %rem3A_962 : vector<48x3xi32>
    %ne3A_964 = arith.constant 0 : i32
    %ne3A_965 = vector.broadcast %ne3A_964 : i32 to vector<48x3xi32>
    %ne3A_966 = arith.cmpi ne, %rem3A_963, %ne3A_965 : vector<48x3xi32>
    %and3A_967 = arith.andi %ne3A_961, %ne3A_966 : vector<48x3xi1>
    %sub3A_968 = arith.constant 1 : i32
    %sub3A_969 = vector.broadcast %sub3A_968 : i32 to vector<48x3xi32>
    %sub3A_970 = arith.subi %div3A_943, %sub3A_969 : vector<48x3xi32>
    %select_n3A_971 = arith.select %and3A_967, %sub3A_970, %div3A_943 : vector<48x3xi1>, vector<48x3xi32>
    %iota3A_972 = tpu.iota {dimensions = array<i32: 1>} : vector<48x3xi32>
    %eq3A_973 = arith.cmpi eq, %select_n3A_971, %iota3A_972 : vector<48x3xi32>
    %convert_element_type3A_974 = arith.extui %eq3A_973 : vector<48x3xi1> to vector<48x3xi32>
    %convert_element_type3A_975 = arith.sitofp %convert_element_type3A_974 : vector<48x3xi32> to vector<48x3xf32>
    %convert_element_type3A_976 = arith.truncf %convert_element_type3A_975 : vector<48x3xf32> to vector<48x3xbf16>
    %dot_general3A_977 = arith.constant dense<0.000000e+00> : vector<1024x3xf32>
    %dot_general3A_978 = tpu.matmul %convert_element_type3A_939, %convert_element_type3A_976, %dot_general3A_977 {dimension_numbers = #tpu.dot_dimension_numbers<[1], [0], [0], [1], [0, 0, 1, 1], [], []>, transpose_lhs_hint = false} : vector<1024x48xbf16>, vector<48x3xbf16>, vector<1024x3xf32> -> vector<1024x3xf32>
    %slice3A_979 = vector.extract_strided_slice %convert_element_type3A {offsets = [0, 0], sizes = [1024, 32], strides = [1, 1]} : vector<1024x416xf32> to vector<1024x32xf32>
    %slice3A_980 = vector.extract_strided_slice %convert_element_type3A {offsets = [0, 384], sizes = [1024, 32], strides = [1, 1]} : vector<1024x416xf32> to vector<1024x32xf32>
    %mul3A_981 = arith.mulf %slice3A_979, %slice3A_980 : vector<1024x32xf32>
    %convert_element_type3A_982 = arith.truncf %mul3A_981 : vector<1024x32xf32> to vector<1024x32xbf16>
    %iota3A_983 = tpu.iota {dimensions = array<i32: 0>} : vector<32x2xi32>
    %jit3A_984 = arith.constant 16 : i32
    %div3A_985 = vector.broadcast %jit3A_984 : i32 to vector<32x2xi32>
    %div3A_986 = arith.divsi %iota3A_983, %div3A_985 : vector<32x2xi32>
    %sign3A_987 = arith.constant 0 : i32
    %sign3A_988 = vector.broadcast %sign3A_987 : i32 to vector<32x2xi32>
    %sign3A_989 = arith.cmpi sgt, %iota3A_983, %sign3A_988 : vector<32x2xi32>
    %sign3A_990 = arith.extui %sign3A_989 : vector<32x2xi1> to vector<32x2xi32>
    %sign3A_991 = arith.constant 0 : i32
    %sign3A_992 = vector.broadcast %sign3A_991 : i32 to vector<32x2xi32>
    %sign3A_993 = arith.cmpi slt, %iota3A_983, %sign3A_992 : vector<32x2xi32>
    %sign3A_994 = arith.extui %sign3A_993 : vector<32x2xi1> to vector<32x2xi32>
    %sign3A_995 = arith.subi %sign3A_990, %sign3A_994 : vector<32x2xi32>
    %sign3A_996 = arith.constant 0 : i32
    %sign3A_997 = arith.cmpi sgt, %jit3A_984, %sign3A_996 : i32
    %sign3A_998 = arith.extui %sign3A_997 : i1 to i32
    %sign3A_999 = arith.constant 0 : i32
    %sign3A_1000 = arith.cmpi slt, %jit3A_984, %sign3A_999 : i32
    %sign3A_1001 = arith.extui %sign3A_1000 : i1 to i32
    %sign3A_1002 = arith.subi %sign3A_998, %sign3A_1001 : i32
    %ne3A_1003 = vector.broadcast %sign3A_1002 : i32 to vector<32x2xi32>
    %ne3A_1004 = arith.cmpi ne, %sign3A_995, %ne3A_1003 : vector<32x2xi32>
    %rem3A_1005 = vector.broadcast %jit3A_984 : i32 to vector<32x2xi32>
    %rem3A_1006 = arith.remsi %iota3A_983, %rem3A_1005 : vector<32x2xi32>
    %ne3A_1007 = arith.constant 0 : i32
    %ne3A_1008 = vector.broadcast %ne3A_1007 : i32 to vector<32x2xi32>
    %ne3A_1009 = arith.cmpi ne, %rem3A_1006, %ne3A_1008 : vector<32x2xi32>
    %and3A_1010 = arith.andi %ne3A_1004, %ne3A_1009 : vector<32x2xi1>
    %sub3A_1011 = arith.constant 1 : i32
    %sub3A_1012 = vector.broadcast %sub3A_1011 : i32 to vector<32x2xi32>
    %sub3A_1013 = arith.subi %div3A_986, %sub3A_1012 : vector<32x2xi32>
    %select_n3A_1014 = arith.select %and3A_1010, %sub3A_1013, %div3A_986 : vector<32x2xi1>, vector<32x2xi32>
    %iota3A_1015 = tpu.iota {dimensions = array<i32: 1>} : vector<32x2xi32>
    %eq3A_1016 = arith.cmpi eq, %select_n3A_1014, %iota3A_1015 : vector<32x2xi32>
    %convert_element_type3A_1017 = arith.extui %eq3A_1016 : vector<32x2xi1> to vector<32x2xi32>
    %convert_element_type3A_1018 = arith.sitofp %convert_element_type3A_1017 : vector<32x2xi32> to vector<32x2xf32>
    %convert_element_type3A_1019 = arith.truncf %convert_element_type3A_1018 : vector<32x2xf32> to vector<32x2xbf16>
    %dot_general3A_1020 = arith.constant dense<0.000000e+00> : vector<1024x2xf32>
    %dot_general3A_1021 = tpu.matmul %convert_element_type3A_982, %convert_element_type3A_1019, %dot_general3A_1020 {dimension_numbers = #tpu.dot_dimension_numbers<[1], [0], [0], [1], [0, 0, 1, 1], [], []>, transpose_lhs_hint = false} : vector<1024x32xbf16>, vector<32x2xbf16>, vector<1024x2xf32> -> vector<1024x2xf32>
    %slice3A_1022 = vector.extract_strided_slice %convert_element_type3A {offsets = [0, 0], sizes = [1024, 16], strides = [1, 1]} : vector<1024x416xf32> to vector<1024x16xf32>
    %slice3A_1023 = vector.extract_strided_slice %convert_element_type3A {offsets = [0, 400], sizes = [1024, 16], strides = [1, 1]} : vector<1024x416xf32> to vector<1024x16xf32>
    %mul3A_1024 = arith.mulf %slice3A_1022, %slice3A_1023 : vector<1024x16xf32>
    %convert_element_type3A_1025 = arith.truncf %mul3A_1024 : vector<1024x16xf32> to vector<1024x16xbf16>
    %iota3A_1026 = tpu.iota {dimensions = array<i32: 0>} : vector<16x1xi32>
    %jit3A_1027 = arith.constant 16 : i32
    %div3A_1028 = vector.broadcast %jit3A_1027 : i32 to vector<16x1xi32>
    %div3A_1029 = arith.divsi %iota3A_1026, %div3A_1028 : vector<16x1xi32>
    %sign3A_1030 = arith.constant 0 : i32
    %sign3A_1031 = vector.broadcast %sign3A_1030 : i32 to vector<16x1xi32>
    %sign3A_1032 = arith.cmpi sgt, %iota3A_1026, %sign3A_1031 : vector<16x1xi32>
    %sign3A_1033 = arith.extui %sign3A_1032 : vector<16x1xi1> to vector<16x1xi32>
    %sign3A_1034 = arith.constant 0 : i32
    %sign3A_1035 = vector.broadcast %sign3A_1034 : i32 to vector<16x1xi32>
    %sign3A_1036 = arith.cmpi slt, %iota3A_1026, %sign3A_1035 : vector<16x1xi32>
    %sign3A_1037 = arith.extui %sign3A_1036 : vector<16x1xi1> to vector<16x1xi32>
    %sign3A_1038 = arith.subi %sign3A_1033, %sign3A_1037 : vector<16x1xi32>
    %sign3A_1039 = arith.constant 0 : i32
    %sign3A_1040 = arith.cmpi sgt, %jit3A_1027, %sign3A_1039 : i32
    %sign3A_1041 = arith.extui %sign3A_1040 : i1 to i32
    %sign3A_1042 = arith.constant 0 : i32
    %sign3A_1043 = arith.cmpi slt, %jit3A_1027, %sign3A_1042 : i32
    %sign3A_1044 = arith.extui %sign3A_1043 : i1 to i32
    %sign3A_1045 = arith.subi %sign3A_1041, %sign3A_1044 : i32
    %ne3A_1046 = vector.broadcast %sign3A_1045 : i32 to vector<16x1xi32>
    %ne3A_1047 = arith.cmpi ne, %sign3A_1038, %ne3A_1046 : vector<16x1xi32>
    %rem3A_1048 = vector.broadcast %jit3A_1027 : i32 to vector<16x1xi32>
    %rem3A_1049 = arith.remsi %iota3A_1026, %rem3A_1048 : vector<16x1xi32>
    %ne3A_1050 = arith.constant 0 : i32
    %ne3A_1051 = vector.broadcast %ne3A_1050 : i32 to vector<16x1xi32>
    %ne3A_1052 = arith.cmpi ne, %rem3A_1049, %ne3A_1051 : vector<16x1xi32>
    %and3A_1053 = arith.andi %ne3A_1047, %ne3A_1052 : vector<16x1xi1>
    %sub3A_1054 = arith.constant 1 : i32
    %sub3A_1055 = vector.broadcast %sub3A_1054 : i32 to vector<16x1xi32>
    %sub3A_1056 = arith.subi %div3A_1029, %sub3A_1055 : vector<16x1xi32>
    %select_n3A_1057 = arith.select %and3A_1053, %sub3A_1056, %div3A_1029 : vector<16x1xi1>, vector<16x1xi32>
    %iota3A_1058 = tpu.iota {dimensions = array<i32: 1>} : vector<16x1xi32>
    %eq3A_1059 = arith.cmpi eq, %select_n3A_1057, %iota3A_1058 : vector<16x1xi32>
    %convert_element_type3A_1060 = arith.extui %eq3A_1059 : vector<16x1xi1> to vector<16x1xi32>
    %convert_element_type3A_1061 = arith.sitofp %convert_element_type3A_1060 : vector<16x1xi32> to vector<16x1xf32>
    %convert_element_type3A_1062 = arith.truncf %convert_element_type3A_1061 : vector<16x1xf32> to vector<16x1xbf16>
    %dot_general3A_1063 = arith.constant dense<0.000000e+00> : vector<1024x1xf32>
    %dot_general3A_1064 = tpu.matmul %convert_element_type3A_1025, %convert_element_type3A_1062, %dot_general3A_1063 {dimension_numbers = #tpu.dot_dimension_numbers<[1], [0], [0], [1], [0, 0, 1, 1], [], []>, transpose_lhs_hint = false} : vector<1024x16xbf16>, vector<16x1xbf16>, vector<1024x1xf32> -> vector<1024x1xf32>
    %concatenate3A = tpu.concatenate %dot_general3A_32, %dot_general3A_75, %dot_general3A_118, %dot_general3A_161, %dot_general3A_204, %dot_general3A_247, %dot_general3A_290, %dot_general3A_333, %dot_general3A_376, %dot_general3A_419, %dot_general3A_462, %dot_general3A_505, %dot_general3A_548, %dot_general3A_591, %dot_general3A_634, %dot_general3A_677, %dot_general3A_720, %dot_general3A_763, %dot_general3A_806, %dot_general3A_849, %dot_general3A_892, %dot_general3A_935, %dot_general3A_978, %dot_general3A_1021, %dot_general3A_1064 in 1 : vector<1024x25xf32>, vector<1024x24xf32>, vector<1024x23xf32>, vector<1024x22xf32>, vector<1024x21xf32>, vector<1024x20xf32>, vector<1024x19xf32>, vector<1024x18xf32>, vector<1024x17xf32>, vector<1024x16xf32>, vector<1024x15xf32>, vector<1024x14xf32>, vector<1024x13xf32>, vector<1024x12xf32>, vector<1024x11xf32>, vector<1024x10xf32>, vector<1024x9xf32>, vector<1024x8xf32>, vector<1024x7xf32>, vector<1024x6xf32>, vector<1024x5xf32>, vector<1024x4xf32>, vector<1024x3xf32>, vector<1024x2xf32>, vector<1024x1xf32> -> vector<1024x325xf32>
    %convert_element_type3A_1065 = arith.truncf %concatenate3A : vector<1024x325xf32> to vector<1024x325xbf16>
    %get3A_1066 = arith.constant 0 : index
    %get3A_1067 = arith.constant 0 : index
    %get3A_1068 = vector.load %arg2[%get3A_1066, %get3A_1067] : memref<416x512xf32, #tpu.memory_space<vmem>>, vector<416x512xf32>
    %convert_element_type3A_1069 = arith.truncf %get3A_1068 : vector<416x512xf32> to vector<416x512xbf16>
    %dot_general3A_1070 = arith.constant dense<0.000000e+00> : vector<1024x512xf32>
    %dot_general3A_1071 = tpu.matmul %slice3A, %convert_element_type3A_1069, %dot_general3A_1070 {dimension_numbers = #tpu.dot_dimension_numbers<[1], [0], [0], [1], [0, 0, 1, 1], [], []>, transpose_lhs_hint = false} : vector<1024x416xbf16>, vector<416x512xbf16>, vector<1024x512xf32> -> vector<1024x512xf32>
    %get3A_1072 = arith.constant 0 : index
    %get3A_1073 = arith.constant 0 : index
    %get3A_1074 = vector.load %arg3[%get3A_1072, %get3A_1073] : memref<325x512xf32, #tpu.memory_space<vmem>>, vector<325x512xf32>
    %convert_element_type3A_1075 = arith.truncf %get3A_1074 : vector<325x512xf32> to vector<325x512xbf16>
    %dot_general3A_1076 = arith.constant dense<0.000000e+00> : vector<1024x512xf32>
    %dot_general3A_1077 = tpu.matmul %convert_element_type3A_1065, %convert_element_type3A_1075, %dot_general3A_1076 {dimension_numbers = #tpu.dot_dimension_numbers<[1], [0], [0], [1], [0, 0, 1, 1], [], []>, transpose_lhs_hint = false} : vector<1024x325xbf16>, vector<325x512xbf16>, vector<1024x512xf32> -> vector<1024x512xf32>
    %add3A = arith.addf %dot_general3A_1071, %dot_general3A_1077 : vector<1024x512xf32>
    %get3A_1078 = arith.constant 0 : index
    %get3A_1079 = arith.constant 0 : index
    %get3A_1080 = vector.load %arg6[%get3A_1078, %get3A_1079] : memref<1x512xf32, #tpu.memory_space<vmem>>, vector<1x512xf32>
    %add3A_1081 = vector.broadcast %get3A_1080 : vector<1x512xf32> to vector<1024x512xf32>
    %add3A_1082 = arith.addf %add3A, %add3A_1081 : vector<1024x512xf32>
    %max3A = arith.constant 0.000000e+00 : f32
    %max3A_1083 = vector.broadcast %max3A : f32 to vector<1024x512xf32>
    %max3A_1084 = arith.maximumf %add3A_1082, %max3A_1083 : vector<1024x512xf32>
    %convert_element_type3A_1085 = arith.truncf %max3A_1084 : vector<1024x512xf32> to vector<1024x512xbf16>
    %get3A_1086 = arith.constant 0 : index
    %get3A_1087 = arith.constant 0 : index
    %get3A_1088 = vector.load %arg4[%get3A_1086, %get3A_1087] : memref<512x256xf32, #tpu.memory_space<vmem>>, vector<512x256xf32>
    %convert_element_type3A_1089 = arith.truncf %get3A_1088 : vector<512x256xf32> to vector<512x256xbf16>
    %dot_general3A_1090 = arith.constant dense<0.000000e+00> : vector<1024x256xf32>
    %dot_general3A_1091 = tpu.matmul %convert_element_type3A_1085, %convert_element_type3A_1089, %dot_general3A_1090 {dimension_numbers = #tpu.dot_dimension_numbers<[1], [0], [0], [1], [0, 0, 1, 1], [], []>, transpose_lhs_hint = false} : vector<1024x512xbf16>, vector<512x256xbf16>, vector<1024x256xf32> -> vector<1024x256xf32>
    %get3A_1092 = arith.constant 0 : index
    %get3A_1093 = arith.constant 0 : index
    %get3A_1094 = vector.load %arg7[%get3A_1092, %get3A_1093] : memref<1x256xf32, #tpu.memory_space<vmem>>, vector<1x256xf32>
    %add3A_1095 = vector.broadcast %get3A_1094 : vector<1x256xf32> to vector<1024x256xf32>
    %add3A_1096 = arith.addf %dot_general3A_1091, %add3A_1095 : vector<1024x256xf32>
    %max3A_1097 = arith.constant 0.000000e+00 : f32
    %max3A_1098 = vector.broadcast %max3A_1097 : f32 to vector<1024x256xf32>
    %max3A_1099 = arith.maximumf %add3A_1096, %max3A_1098 : vector<1024x256xf32>
    %convert_element_type3A_1100 = arith.truncf %max3A_1099 : vector<1024x256xf32> to vector<1024x256xbf16>
    %get3A_1101 = arith.constant 0 : index
    %get3A_1102 = arith.constant 0 : index
    %get3A_1103 = vector.load %arg5[%get3A_1101, %get3A_1102] : memref<256x1xf32, #tpu.memory_space<vmem>>, vector<256x1xf32>
    %convert_element_type3A_1104 = arith.truncf %get3A_1103 : vector<256x1xf32> to vector<256x1xbf16>
    %dot_general3A_1105 = arith.constant dense<0.000000e+00> : vector<1024x1xf32>
    %dot_general3A_1106 = tpu.matmul %convert_element_type3A_1100, %convert_element_type3A_1104, %dot_general3A_1105 {dimension_numbers = #tpu.dot_dimension_numbers<[1], [0], [0], [1], [0, 0, 1, 1], [], []>, transpose_lhs_hint = false} : vector<1024x256xbf16>, vector<256x1xbf16>, vector<1024x1xf32> -> vector<1024x1xf32>
    %get3A_1107 = arith.constant 0 : index
    %get3A_1108 = arith.constant 0 : index
    %get3A_1109 = vector.load %arg8[%get3A_1107, %get3A_1108] : memref<1x1xf32, #tpu.memory_space<vmem>>, vector<1x1xf32>
    %add3A_1110 = vector.broadcast %get3A_1109 : vector<1x1xf32> to vector<1024x1xf32>
    %add3A_1111 = arith.addf %dot_general3A_1106, %add3A_1110 : vector<1024x1xf32>
    %logistic3A = arith.negf %add3A_1111 : vector<1024x1xf32>
    %logistic3A_1112 = math.exp %logistic3A : vector<1024x1xf32>
    %logistic3A_1113 = arith.constant 1.000000e+00 : f32
    %logistic3A_1114 = vector.broadcast %logistic3A_1113 : f32 to vector<1024x1xf32>
    %logistic3A_1115 = arith.addf %logistic3A_1114, %logistic3A_1112 : vector<1024x1xf32>
    %logistic3A_1116 = arith.divf %logistic3A_1114, %logistic3A_1115 : vector<1024x1xf32>
    %swap3A = arith.constant 0 : index
    %swap3A_1117 = arith.constant 0 : index
    %swap3A_1118 = vector.load %arg9[%swap3A, %swap3A_1117] : memref<1024x1xf32, #tpu.memory_space<vmem>>, vector<1024x1xf32>
    tpu.vector_store %arg9[%swap3A, %swap3A_1117], %logistic3A_1116 {strides = array<i32>} : memref<1024x1xf32, #tpu.memory_space<vmem>>, vector<1024x1xf32>,
    return
  }
  func.func @transform_0(%arg0: i32) -> (i32, i32) {
    %c0_i32 = arith.constant 0 : i32
    %c0_i32_0 = arith.constant 0 : i32
    return %arg0, %c0_i32 : i32, i32
  }
  func.func @transform_1(%arg0: i32) -> (i32, i32) {
    %c0_i32 = arith.constant 0 : i32
    %c0_i32_0 = arith.constant 0 : i32
    %c0_i32_1 = arith.constant 0 : i32
    return %c0_i32, %c0_i32_0 : i32, i32
  }
  func.func @transform_2(%arg0: i32) -> (i32, i32) {
    %c0_i32 = arith.constant 0 : i32
    %c0_i32_0 = arith.constant 0 : i32
    %c0_i32_1 = arith.constant 0 : i32
    return %c0_i32, %c0_i32_0 : i32, i32
  }
  func.func @transform_3(%arg0: i32) -> (i32, i32) {
    %c0_i32 = arith.constant 0 : i32
    %c0_i32_0 = arith.constant 0 : i32
    %c0_i32_1 = arith.constant 0 : i32
    return %c0_i32, %c0_i32_0 : i32, i32
  }
  func.func @transform_4(%arg0: i32) -> (i32, i32) {
    %c0_i32 = arith.constant 0 : i32
    %c0_i32_0 = arith.constant 0 : i32
    %c0_i32_1 = arith.constant 0 : i32
    return %c0_i32, %c0_i32_0 : i32, i32
  }
  func.func @transform_5(%arg0: i32) -> (i32, i32) {
    %c0_i32 = arith.constant 0 : i32
    %c0_i32_0 = arith.constant 0 : i32
    %c0_i32_1 = arith.constant 0 : i32
    return %c0_i32, %c0_i32_0 : i32, i32
  }
  func.func @transform_6(%arg0: i32) -> (i32, i32) {
    %c0_i32 = arith.constant 0 : i32
    %c0_i32_0 = arith.constant 0 : i32
    %c0_i32_1 = arith.constant 0 : i32
    return %c0_i32, %c0_i32_0 : i32, i32
  }
  func.func @transform_7(%arg0: i32) -> (i32, i32) {
    %c0_i32 = arith.constant 0 : i32
    %c0_i32_0 = arith.constant 0 : i32
    %c0_i32_1 = arith.constant 0 : i32
    return %c0_i32, %c0_i32_0 : i32, i32
  }
  func.func @transform_8(%arg0: i32) -> (i32, i32) {
    %c0_i32 = arith.constant 0 : i32
    %c0_i32_0 = arith.constant 0 : i32
    return %arg0, %c0_i32 : i32, i32
  }
}

</mosaic_0001>

<sc_bundles>
// kernel: kernel.11.cloned.1.call-start
scs
__scs_entry_jumppad:
0x0: {  	(pc) =	sbr.rel $0x88, $3  }
0x1: {  	(tag) =	ssettag $0x0;
	lr =	simm.s32 $0x1  }
0x2: {  	[smem:$0x3F99] =	sst lr;
	_ =	strace $0xD0000000  }
0x3: {  	_ = 	snop  }
0x4: {  	_ = 	snop  }
0x5: {  	_ = 	snop  }
0x6: {  	_ = 	snop  }
0x7: {  	_ = 	snop  }
__scs_overlays_trampoline_lowered:
0x8: {  	[smem:$0x3FA8] =	sst s0  }
0x9: {  	[smem:$0x3FA9] =	sst s1  }
0xa: {  	[smem:$0x3FAA] =	sst s2  }
0xb: {  	[smem:$0x3FAB] =	sst s3  }
0xc: {  	[smem:$0x3FAC] =	sst s4  }
0xd: {  	[smem:$0x3FAD] =	sst s5  }
0xe: {  	[smem:$0x3FAE] =	sst s6  }
0xf: {  	[smem:$0x3FAF] =	sst s7  }
0x10: {  	[smem:$0x3FB0] =	sst s8  }
0x11: {  	[smem:$0x3FB1] =	sst s9;
	s0 =	simm.s32 @!p0 $0x0  }
0x12: {  	s1 =	sld [smem:$0x3F97];
	s0 =	simm.s32 @p0 $0x1  }
0x13: {  	[smem:$0x3FB2] =	sst s0;
	s0 =	simm.s32 @!p1 $0x0  }
0x14: {  	s2 =	sld [smem:$0x3F96];
	s0 =	simm.s32 @p1 $0x1  }
0x15: {  	[smem:$0x3FB3] =	sst s0;
	s0 =	simm.s32 @!p2 $0x0  }
0x16: {  	s3 =	sld [smem:$0x3FDB];
	s0 =	simm.s32 @p2 $0x1  }
0x17: {  	s4 =	simm.s32 $0x1BF5;
	[smem:$0x3FB5] =	sst s0  }
0x18: {  	s0 =	sld [smem:$0x3F98];
	_ =	swait.ge [sflag:s4], $0x0  }
0x19: {  	s7 =	sld [smem:$0x3F99]  }
0x1a: {  	s8 =	sadd.s32 $0xFFFFE003, lr  }
0x1b: {  	s9 =	sadd.s32 $0xFFFFFEF7, lr;
	s5 =	simm.s32 $0xFFFFFFFF;
	p2 =	slt.u32 s8, $0xFFFFF086  }
0x1c: {  	p1 =	slt.u32 s9, $0xF7A;
	s5 =	simm.s32 @!p2 $0x0  }
0x1d: {  	s5 =	simm.s32 @p1 $0x1;
	p0 =	seq.s32 s7, s2  }
0x1e: {  	s7 =	smul.u32 @!p0 $0xF7A, s2;
	p2 =	seq.s32 @!p0 s5, $0x0  }
0x1f: {  	s9 =	smul.u32 $0xF7A, s1;
	s8 =	simm.s32 @!p0 $0x1BF5;
	p2 =	por !p2, p0  }
0x20: {  	[sflag:s8] =	ssyncset.s32 @!p0 $0xFFFFF086;
	s6 =	sadd.s32 @!p0 s3, s7;
	s7 =	simm.s32 @!p0 $0x108  }
0x21: {  	s3 =	sadd.s32 s3, s9;
	s6 =	sadd.s32 @!p0 $0x88, s6;
	s7 =	simm.s32 @p2 $0x1082  }
0x22: {  	[simem:s7], [sflag:s8] =	dma.local @!p0 [hbm:s6], $0xF7A  }
0x23: {  	s9 =	sor.u32 $0xD0000000, s2;
	s6 =	simm.s32 $0x108;
	_ =	swait.ge @!p0 [sflag:s8], $0x0  }
0x24: {  	s3 =	sadd.s32 $0x88, s3;
	s6 =	simm.s32 @!p1 $0x1082;
	[sflag:s4] =	ssyncset.s32 $0xFFFFF086  }
0x25: {  	[simem:s6], [sflag:s4] =	dma.local [hbm:s3], $0xF7A  }
0x26: {  	[smem:$0x3F99] =	sst s1;
	(tag) =	ssettag s2;
	_ =	strace s9  }
0x27: {  	s1 =	sld [smem:$0x3FA9]  }
0x28: {  	s2 =	sld [smem:$0x3FAA]  }
0x29: {  	s4 =	sld [smem:$0x3FAC]  }
0x2a: {  	p0 =	seq.s32 s5, $0x0;
	s5 =	sld [smem:$0x3FAD]  }
0x2b: {  	s6 =	sld [smem:$0x3FAE]  }
0x2c: {  	s7 =	sld [smem:$0x3FAF]  }
0x2d: {  	s3 =	simm.s32 $0x108;
	s8 =	sld [smem:$0x3FB0]  }
0x2e: {  	s3 =	simm.s32 @!p0 $0x1082;
	s9 =	sld [smem:$0x3FB1]  }
0x2f: {  	lr =	sadd.s32 s0, s3;
	s0 =	sld [smem:$0x3FA8]  }
0x30: {  	s3 =	sld [smem:$0x3FAB]  }
0x31: {  	[smem:$0x3FB4] =	sst s10  }
0x32: {  	s10 =	sld [smem:$0x3FB2];
	_ =	sdelay $0x3  }
0x33: {  	p0 =	seq.s32 s10, $0x1;
	s10 =	sld [smem:$0x3FB4];
	_ =	sdelay $0x3  }
0x34: {  	[smem:$0x3FB4] =	sst s10  }
0x35: {  	s10 =	sld [smem:$0x3FB3];
	_ =	sdelay $0x3  }
0x36: {  	p1 =	seq.s32 s10, $0x1;
	s10 =	sld [smem:$0x3FB4];
	_ =	sdelay $0x3  }
0x37: {  	[smem:$0x3FB4] =	sst s10  }
0x38: {  	s10 =	sld [smem:$0x3FB5]  }
0x39: {  	_ = 	snop;
	(pc) =	sbr.ind lr, $3  }
0x3a: {  	_ = 	snop  }
0x3b: {  	_ = 	snop  }
0x3c: {  	p2 =	seq.s32 s10, $0x1;
	s10 =	sld [smem:$0x3FB4]  }
0x3d: {  	_ =	shalt  }
0x3e: {  	_ =	shalt  }
0x3f: {  	_ =	shalt  }
0x40: {  	_ =	shalt  }
0x41: {  	_ =	shalt  }
0x42: {  	_ =	shalt  }
0x43: {  	_ =	shalt  }
0x44: {  	_ =	shalt  }
0x45: {  	_ =	shalt  }
0x46: {  	_ =	shalt  }
0x47: {  	_ =	shalt  }
0x48: {  	_ =	shalt  }
0x49: {  	_ =	shalt  }
0x4a: {  	_ =	shalt  }
0x4b: {  	_ =	shalt  }
0x4c: {  	_ =	shalt  }
0x4d: {  	_ =	shalt  }
0x4e: {  	_ =	shalt  }
0x4f: {  	_ =	shalt  }
0x50: {  	_ =	shalt  }
0x51: {  	_ =	shalt  }
0x52: {  	_ =	shalt  }
0x53: {  	_ =	shalt  }
0x54: {  	_ =	shalt  }
0x55: {  	_ =	shalt  }
0x56: {  	_ =	shalt  }
0x57: {  	_ =	shalt  }
0x58: {  	_ =	shalt  }
0x59: {  	_ =	shalt  }
0x5a: {  	_ =	shalt  }
0x5b: {  	_ =	shalt  }
0x5c: {  	_ =	shalt  }
0x5d: {  	_ =	shalt  }
0x5e: {  	_ =	shalt  }
0x5f: {  	_ =	shalt  }
0x60: {  	_ =	shalt  }
0x61: {  	_ =	shalt  }
0x62: {  	_ =	shalt  }
0x63: {  	_ =	shalt  }
0x64: {  	_ =	shalt  }
0x65: {  	_ =	shalt  }
0x66: {  	_ =	shalt  }
0x67: {  	_ =	shalt  }
0x68: {  	_ =	shalt  }
0x69: {  	_ =	shalt  }
0x6a: {  	_ =	shalt  }
0x6b: {  	_ =	shalt  }
0x6c: {  	_ =	shalt  }
0x6d: {  	_ =	shalt  }
0x6e: {  	_ =	shalt  }
0x6f: {  	_ =	shalt  }
0x70: {  	_ =	shalt  }
0x71: {  	_ =	shalt  }
0x72: {  	_ =	shalt  }
0x73: {  	_ =	shalt  }
0x74: {  	_ =	shalt  }
0x75: {  	_ =	shalt  }
0x76: {  	_ =	shalt  }
0x77: {  	_ =	shalt  }
0x78: {  	_ =	shalt  }
0x79: {  	_ =	shalt  }
0x7a: {  	_ =	shalt  }
0x7b: {  	_ =	shalt  }
0x7c: {  	_ =	shalt  }
0x7d: {  	_ =	shalt  }
0x7e: {  	_ =	shalt  }
0x7f: {  	_ =	shalt  }
0x80: {  	_ =	shalt  }
0x81: {  	_ =	shalt  }
0x82: {  	_ =	shalt  }
0x83: {  	_ =	shalt  }
0x84: {  	_ =	shalt  }
0x85: {  	_ =	shalt  }
0x86: {  	_ =	shalt  }
0x87: {  	_ =	shalt  }
.Lfunc_end0:
.L_simem_size_0:
called_computation.1_lowered:
.L_overlay_start_0:
0x88: {  	s2 =	sld [smem:$0x3FD9]  }
0x89: {  	s3 =	sld [smem:$0x3FFE];
	_ =	sdelay $0x1  }
0x8a: {  	s1 =	srdreg.scid  }
0x8b: {  	s0 =	sand.u32 $0x1, s1  }
0x8c: {  	s17 =	sshll.u32 s0, $0xA;
	s2 =	sadd.s32 s3, s2  }
0x8d: {  	s2 =	sadd.s32 s2, s17  }
0x8e: {  	[smem:$0x3FC0] =	sst s2  }
0x8f: {  	_ = 	snop  }
0x90: {  	(tm) =	ssettm $0x1  }
0x91: {  	s18 =	sld [smem:$0x3FFB];
	_ =	sdelay $0x3  }
0x92: {  	_ =	strace s18  }
0x93: {  	s2 =	sld [smem:$0x3FFC];
	_ =	sdelay $0x3  }
0x94: {  	_ =	strace s2  }
0x95: {  	s2 =	sld [smem:$0x3FFD];
	_ =	sdelay $0x3  }
0x96: {  	_ =	strace s2  }
0x97: {  	_ =	strace $0x8FFFFFFF  }
0x98: {  	s19 =	sld [smem:$0x3FDB];
	_ =	sdelay $0x1  }
0x99: {  	s20 =	simm.s32 $_scs_section_size  }
0x9a: {  	s4 =	simm.s32 $_size__tile_overlayer_lowered;
	s5 =	simm.s32 $_tile_overlayer_lowered  }
0x9b: {  	s6 =	simm.s32 $0x1BFF;
	s21 =	sshll.u32 s5, $0x1;
	s3 =	sadd.s32 s20, s19  }
0x9c: {  	s22 =	simm.s32 $0x0;
	s4 =	sshll.u32 s4, $0x1;
	s5 =	sadd.s32 s21, s3  }
0x9d: {  	[timem:s22], [sflag:s6] =	dma.local [hbm:s5], s4  }
0x9e: {  	_ =	swait.ge [sflag:s6], s4  }
0x9f: {  	s4 =	ssub.s32 $0x0, s4;
	[sflag:s6] =	ssyncset.done $0x0  }
0xa0: {  	[sflag:s6] =	ssyncadd.s32 s4;
	_ =	sdelay $0x1  }
0xa1: {  	s23 =	simm.s32 $0x1B8B  }
0xa2: {  	_ =	swait.ge [sflag:s23], $0x1  }
0xa3: {  	[sflag:s23] =	ssyncset.done $0x0  }
0xa4: {  	[sflag:s23] =	ssyncadd.s32 $0xFFFFFFFF  }
0xa5: {  	s4 =	sld [smem:$0x0]  }
0xa6: {  	s5 =	sand.u32 $0xFFFFFFFE, s1  }
0xa7: {  	p0 =	sne.s32 s1, s5  }
0xa8: {  	s5 =	sshll.u32 @p0 s5, $0xE  }
0xa9: {  	s5 =	sadd.s32 @p0 $0x11B8D, s5;
	s6 =	sshll.u32 @p0 s4, $0x11  }
0xaa: {  	s5 =	sor.u32 @p0 s6, s5  }
0xab: {  	[sflag:s5] =	ssyncadd.remote.s32 @p0 $0x1;
	_ =	sdelay $0x1  }
0xac: {  	s5 =	simm.s32 @p0 $0x1B8D  }
0xad: {  	_ =	swait.eq @p0 [sflag:s5], $0x1  }
0xae: {  	[sflag:s5] =	ssyncadd.s32 @p0 $0xFFFFFFFF  }
0xaf: {  	s6 =	sshll.u32 @!p0 s1, $0xE  }
0xb0: {  	s6 =	sor.u32 @!p0 $0x4000, s6;
	s5 =	simm.s32 @!p0 $0x1B8D  }
0xb1: {  	s4 =	sshll.u32 @!p0 s4, $0x11;
	s6 =	sadd.s32 @!p0 $0x11B8D, s6;
	_ =	swait.eq @!p0 [sflag:s5], $0x1  }
0xb2: {  	s4 =	sor.u32 @!p0 s4, s6;
	[sflag:s5] =	ssyncadd.s32 @!p0 $0xFFFFFFFF  }
0xb3: {  	s25 =	simm.s32 $0x1B8E;
	s24 =	sld [smem:$0x3FFE];
	[sflag:s4] =	ssyncadd.remote.s32 @!p0 $0x1  }
0xb4: {  	s26 =	simm.s32 $execute0_lowered;
	[smem:$0x3FD2] =	sst s25  }
0xb5: {  	s5 =	sshll.u32 s26, $0x1;
	_ =	strace $0x80000067;
	[dreg:$0x1] =	wrdreg $0xFFFFFFFF  }
0xb6: {  	s28 =	simm.s32 $_size_execute0_lowered;
	s3 =	sadd.s32 s3, s5;
	[dreg:$0x0] =	wrdreg $0x0  }
0xb7: {  	s5 =	sshll.u32 s28, $0x1;
	[dreg:$0x2] =	wrdreg s3  }
0xb8: {  	[dreg:$0x3] =	wrdreg s5  }
0xb9: {  	[dreg:$0x4] =	wrdreg $0xC0  }
0xba: {  	_ =	task [dreg:s22], $0x5FFFF  }
0xbb: {  	[dreg:$0x1] =	wrdreg $0xFFFFFFFF  }
0xbc: {  	[dreg:$0x0] =	wrdreg $0x60  }
0xbd: {  	[dreg:$0x2] =	wrdreg s24  }
0xbe: {  	[dreg:$0x3] =	wrdreg $0x9  }
0xbf: {  	_ =	task.clear_ibuf [dreg:s22], $0x4FFFF;
	_ =	strace $0x90000067  }
0xc0: {  	s29 =	simm.s32 $0x9;
	_ =	strace $0x80000070  }
0xc1: {  	_ =	swait.ge [sflag:s29], $0x1  }
0xc2: {  	[sflag:s29] =	ssyncadd.s32 $0xFFFFFFFF  }
0xc3: {  	_ =	strace $0x90000070  }
0xc4: {  	_ =	sfence  }
0xc5: {  	s30 =	sld [smem:$0x0];
	_ =	sdelay $0x2  }
0xc6: {  	s31 =	sshll.u32 s1, $0xD;
	s1 =	sshrl.u32 s1, $0x2  }
0xc7: {  	s4 =	sand.u32 $0x4000, s31;
	s1 =	sadd.s32 s1, s30  }
0xc8: {  	s0 =	sor.u32 s4, s0;
	s1 =	sshll.u32 s1, $0x11  }
0xc9: {  	s0 =	sor.u32 s1, s0  }
0xca: {  	s0 =	sadd.s32 $0x8F2B, s0  }
0xcb: {  	[sflag:s0] =	ssyncadd.remote.s32 $0x1  }
0xcc: {  	_ =	sfence.sel $0xFFFF  }
0xcd: {  	[dreg:$0x0] =	wrdreg $0xFFFFFFFF;
	(pc) =	sbr.abs _section_cstart, $3  }
0xce: {  	[dreg:$0x1] =	wrdreg $0xFFFFFFFF  }
0xcf: {  	_ =	task.clear_ibuf [dreg:s22], $0x2FFFF;
	_ =	strace $0x9FFFFFFF  }
0xd0: {  	(tm) =	ssettm $0x7FFFFFFF  }
0xd1: {  	_ =	shalt  }
tec
execute0_lowered:
.L_overlay_start_1:
0x0: {  	(tag) =	ssettag $0x1  }
0x1: {  	s4 =	rddreg [dreg:$0x0]  }
0x2: {  	s0 =	rddreg [dreg:$0x1];
	s1 =	simm.s32 $0x0;
	s5 =	srdreg.scid  }
0x3: {  	s8 =	simm.s32 $0x80;
	s9 =	simm.s32 $0x4;
	[smem:$0x7FF] =	sst s1  }
0x4: {  	s10 =	simm.s32 $0x0;
	s2 =	sadd.s32 $0x27F800, s4;
	s3 =	sadd.s32 $0x508800, s4  }
0x5: {  	s4 =	sadd.s32 $0x62800, s4;
	_ =	strace $0x80000068;
	[dreg:$0x2] =	wrdreg s2  }
0x6: {  	s5 =	sand.u32 $0x1, s5;
	s2 =	stileid.u32;
	[dreg:$0x4] =	wrdreg s4  }
0x7: {  	s6 =	ssub.s32 $0x2, s5;
	s5 =	sshll.u32 s5, $0x4;
	[dreg:$0x3] =	wrdreg s8  }
0x8: {  	s8 =	simm.s32 $0x5;
	s7 =	sshrl.u32 s6, $0x1;
	s5 =	sor.u32 s2, s5  }
0x9: {  	s6 =	ssub.s32 s6, s7;
	s31 =	sshll.u32 s5, $0x9;
	s4 =	sshll.u32 s5, $0x5  }
0xa: {  	s7 =	simm.s32 $0x1;
	s5 =	sadd.s32 s3, s31;
	s6 =	smax.u32 s6, $0x1  }
.LBB2_1:
0xb: {  	_ =	strace $0x80000069;
	s11 =	simm.s32 $0x1;
	p0 =	por $0x0, $0x0  }
0xc: {  	[tilespmem:s1], [sflag:$0x1] =	stream.linear.gather [hbm4b:s5+s1], $0x80, $0x200038;
	[tilespmem:$0x900] =	vst v63  }
0xd: {  	s11 =	simm.s32 @p0 $0x0  }
0xe: {  	p4 =	por $0x1, $0x1;
	s20 =	sand.u32 $0x1, s1;
	p1 =	sne.s32 s11, $0x0  }
0xf: {  	p2 =	por $0x1, $0x1;
	s18 =	simm.s32 $0x1E;
	p0 =	por !p4, !p1  }
0x10: {  	s16 =	simm.s32 $0x0;
	p5 =	por $0x0, $0x0;
	p0 =	por !p0, !p0  }
0x11: {  	s23 =	sadd.s32 $0x0, s4;
	s30 =	sadd.s32 $0x1, s20;
	s12 =	sadd.s32 @p0 s4, s11  }
0x12: {  	_ =	strace $0x90000069;
	s13 =	sand.u32 @p0 $0x1, s7;
	s12 =	sshll.u32 @p0 s12, $0x4  }
0x13: {  	_ =	strace @p0 $0x8000006A;
	s15 =	simm.s32 @p0 $0x0;
	s12 =	sand.u32 @p0 $0x1FFFFFF0, s12  }
0x14: {  	s14 =	sshll.u32 @p0 s13, $0x7;
	s13 =	sadd.s32 @p0 $0x1, s13;
	s12 =	sadd.s32 @p0 s3, s12  }
0x15: {  	[tilespmem:s14], [sflag:s13] =	stream.linear.gather @p0 [hbm4b:s12+s15], $0x80, $0x200038;
	[tilespmem:$0x900] =	vst v63  }
0x16: {  	p3 =	por p2, p2;
	s21 =	sshll.u32 s20, $0xA;
	_ =	strace @p0 $0x9000006A  }
0x17: {  	s16 =	sand.u32 $0x80, s16;
	p2 =	por p5, p5;
	_ =	strace $0x8000006B  }
0x18: {  	s17 =	sadd.s32 $0x1, s11;
	s22 =	sor.u32 $0x100, s21;
	_ =	swait.ge [sflag:s30], $0x80  }
0x19: {  	s21 =	simm.s32 $0x1;
	p6 =	por p1, p1;
	[sflag:s30] =	ssyncset.done $0x0  }
0x1a: {  	p1 =	por p3, p3;
	p4 =	por $0x1, $0x1;
	[sflag:s30] =	ssyncadd.s32 $0xFFFFFF80  }
0x1b: {  	s12 =	simm.s32 $0x1F;
	s15 =	sand.u32 @!p3 $0x1, s1;
	_ =	strace $0x9000006B  }
0x1c: {  	s13 =	simm.s32 $0x1;
	p3 =	seq.s32 s17, $0x20;
	_ =	strace $0x8000006C  }
0x1d: {  	s13 =	simm.s32 @!p0 $0x0;
	s17 =	simm.s32 @p3 $0x0;
	s19 =	rddreg [dreg:$0x3]  }
0x1e: {  	p0 =	por $0x0, $0x0;
	s14 =	sadd.s32 $0x1, s13;
	s31 =	rddreg [dreg:$0x2]  }
0x1f: {  	[tilespmem:s22], [sflag:$0x5] =	stream.indirect.gather [hbm4b:s31+s19], $0x8, s16, s19, $0x2000b8;
	[tilespmem:$0x900] =	vst v63  }
0x20: {  	p3 =	sne.s32 s11, s17;
	s21 =	simm.s32 @!p0 $0x0;
	_ =	swait.ge [sflag:s8], $0x400  }
0x21: {  	p5 =	por !p4, !p3;
	p4 =	por $0x0, $0x0;
	[sflag:s8] =	ssyncset.done $0x0  }
0x22: {  	s13 =	simm.s32 $0x0;
	p6 =	por p4, p6;
	[sflag:s8] =	ssyncadd.s32 $0xFFFFFC00  }
0x23: {  	s16 =	simm.s32 $0x0;
	s19 =	simm.s32 $0x0;
	_ =	strace $0x9000006C  }
.LBB2_2:
0x24: {  	_ =	strace @p6 $0x8000006D;
	s13 =	sadd.s32 s21, s13;
	s21 =	smov.u32 s12  }
0x25: {  	s12 =	smov.u32 s18;
	s18 =	sadd.s32 $0xFFFFFFFF, s18;
	p0 =	por p3, p3  }
0x26: {  	s28 =	sshll.u32 @p6 s23, $0x7;
	s20 =	sadd.s32 @p6 $0x3, s20;
	s24 =	simm.s32 @!p0 $0x0  }
0x27: {  	s25 =	rddreg [dreg:$0x4];
	s28 =	sand.u32 @p6 $0xFFFFF80, s28;
	s24 =	simm.s32 @p0 $0x1  }
0x28: {  	s25 =	sadd.s32 @p6 s25, s28;
	s28 =	simm.s32 @p6 $0x0;
	p0 =	sne.s32 s18, $0x0  }
0x29: {  	[hbm4b:s25+s28] =	stream.linear.scatter @p6 [tilespmem:s22], [sflag:s20], $0x400, $0x200038;
	[tilespmem:$0x900] =	vst v63  }
0x2a: {  	s20 =	sadd.s32 @!p1 $0x3, s15;
	s15 =	simm.s32 @!p0 $0x0  }
0x2b: {  	s26 =	simm.s32 $0x1;
	[smem:$0x7FC] =	sst s24;
	s15 =	simm.s32 @p0 $0x1  }
0x2c: {  	s26 =	simm.s32 @!p6 $0x0;
	_ =	strace @p6 $0x9000006D;
	[smem:$0x7FD] =	sst s15  }
0x2d: {  	p5 =	por !p5, !p5;
	s19 =	sadd.s32 s26, s19;
	_ =	strace @!p1 $0x8000006E  }
0x2e: {  	s24 =	sand.u32 @!p2 $0x1, s13;
	s22 =	sand.u32 @p5 $0x1, s14;
	_ =	swait.ge @!p1 [sflag:s20], $0x400  }
0x2f: {  	s15 =	smov.u32 s24;
	s24 =	sadd.s32 @p5 s4, s17;
	[sflag:s20] =	ssyncset.done @!p1 $0x0  }
0x30: {  	s25 =	sshll.u32 @p5 s22, $0x7;
	s24 =	sshll.u32 @p5 s24, $0x4;
	[sflag:s20] =	ssyncadd.s32 @!p1 $0xFFFFFC00  }
0x31: {  	s20 =	sadd.s32 @p5 $0x1, s22;
	s22 =	sand.u32 @p5 $0x1FFFFFF0, s24;
	_ =	strace @!p1 $0x9000006E  }
0x32: {  	s24 =	simm.s32 @p5 $0x0;
	s22 =	sadd.s32 @p5 s3, s22;
	_ =	strace @p5 $0x8000006A  }
0x33: {  	[tilespmem:s25], [sflag:s20] =	stream.linear.gather @p5 [hbm4b:s22+s24], $0x80, $0x200038;
	[tilespmem:$0x900] =	vst v63  }
0x34: {  	s16 =	sadd.s32 s26, s16;
	s26 =	sand.u32 $0x1, s19;
	_ =	strace @p5 $0x9000006A  }
0x35: {  	s24 =	sadd.s32 $0x1, s26;
	_ =	strace $0x8000006B  }
0x36: {  	_ =	swait.ge [sflag:s24], $0x80  }
0x37: {  	[sflag:s24] =	ssyncset.done $0x0  }
0x38: {  	s20 =	simm.s32 $0x1;
	[sflag:s24] =	ssyncadd.s32 $0xFFFFFF80  }
0x39: {  	s20 =	simm.s32 @!p5 $0x0;
	_ =	strace $0x9000006B  }
0x3a: {  	s14 =	sadd.s32 s20, s14;
	s20 =	sand.u32 $0x1, s16;
	_ =	strace $0x8000006C  }
0x3b: {  	s29 =	sshll.u32 s19, $0x7;
	s25 =	sshll.u32 s20, $0xA;
	s26 =	rddreg [dreg:$0x3]  }
0x3c: {  	s29 =	sand.u32 $0x80, s29;
	s22 =	sor.u32 $0x100, s25;
	s30 =	rddreg [dreg:$0x2]  }
0x3d: {  	[tilespmem:s22], [sflag:$0x5] =	stream.indirect.gather [hbm4b:s30+s26], $0x8, s29, s26, $0x2000b8;
	[tilespmem:$0x900] =	vst v63  }
0x3e: {  	_ =	swait.ge [sflag:s8], $0x400  }
0x3f: {  	s31 =	sadd.s32 $0x1, s17;
	[sflag:s8] =	ssyncset.done $0x0  }
0x40: {  	s23 =	sadd.s32 s4, s11;
	s11 =	smov.u32 s17;
	[sflag:s8] =	ssyncadd.s32 $0xFFFFFC00  }
0x41: {  	p3 =	seq.s32 s31, $0x20;
	s17 =	smov.u32 s31;
	_ =	strace $0x9000006C  }
0x42: {  	s17 =	simm.s32 @p3 $0x0;
	s31 =	sld [smem:$0x7FD]  }
0x43: {  	p6 =	sne.s32 s12, $0x1;
	p0 =	sne.s32 s21, $0x20;
	p3 =	sne.s32 s11, s17  }
0x44: {  	p5 =	por !p6, !p3;
	p6 =	seq.s32 s21, $0x1;
	s21 =	simm.s32 $0x1  }
0x45: {  	s21 =	simm.s32 @!p0 $0x0;
	p0 =	seq.s32 s31, $0x1  }
.Ltmp0:
0x46: {  	s30 =	sld [smem:$0x7FC];
	(pc) =	sbr.rel @p0 .LBB2_2-.Ltmp0, $4  }
0x47: {  	_ = 	snop  }
0x48: {  	p4 =	seq.s32 s12, $0x20  }
0x49: {  	p1 =	por p2, p2;
	p2 =	por p4, p4;
	p4 =	seq.s32 s30, $0x1  }
0x4a: {  	p6 =	por p6, p4  }
0x4b: {  	_ =	strace @p6 $0x8000006D;
	s23 =	sshll.u32 @p6 s23, $0x7  }
0x4c: {  	s18 =	rddreg [dreg:$0x4];
	s23 =	sand.u32 @p6 $0xFFFFF80, s23  }
0x4d: {  	s20 =	sadd.s32 @p6 $0x3, s20;
	s18 =	sadd.s32 @p6 s18, s23;
	s23 =	simm.s32 @p6 $0x0  }
0x4e: {  	[hbm4b:s18+s23] =	stream.linear.scatter @p6 [tilespmem:s22], [sflag:s20], $0x400, $0x200038;
	[tilespmem:$0x900] =	vst v63  }
0x4f: {  	p0 =	por !p5, !p5;
	_ =	strace @p6 $0x9000006D  }
0x50: {  	s15 =	sadd.s32 @!p1 $0x3, s15;
	s17 =	sadd.s32 @p0 s4, s17;
	_ =	strace @!p1 $0x8000006E  }
0x51: {  	s14 =	sand.u32 @p0 $0x1, s14;
	s17 =	sshll.u32 @p0 s17, $0x4;
	_ =	swait.ge @!p1 [sflag:s15], $0x400  }
0x52: {  	s18 =	simm.s32 $0x1;
	s20 =	sshll.u32 @p0 s14, $0x7;
	[sflag:s15] =	ssyncset.done @!p1 $0x0  }
0x53: {  	s14 =	sadd.s32 @p0 $0x1, s14;
	s18 =	simm.s32 @!p6 $0x0;
	[sflag:s15] =	ssyncadd.s32 @!p1 $0xFFFFFC00  }
0x54: {  	s19 =	sadd.s32 s18, s19;
	s15 =	sand.u32 @p0 $0x1FFFFFF0, s17;
	_ =	strace @!p1 $0x9000006E  }
0x55: {  	s17 =	simm.s32 @p0 $0x0;
	s15 =	sadd.s32 @p0 s3, s15;
	_ =	strace @p0 $0x8000006A  }
0x56: {  	[tilespmem:s20], [sflag:s14] =	stream.linear.gather @p0 [hbm4b:s15+s17], $0x80, $0x200038;
	[tilespmem:$0x900] =	vst v63  }
0x57: {  	s25 =	sand.u32 $0x1, s19;
	_ =	strace @p0 $0x9000006A  }
0x58: {  	s14 =	sadd.s32 $0x1, s25;
	_ =	strace $0x8000006B  }
0x59: {  	_ =	swait.ge [sflag:s14], $0x80  }
0x5a: {  	[sflag:s14] =	ssyncset.done $0x0  }
0x5b: {  	[sflag:s14] =	ssyncadd.s32 $0xFFFFFF80  }
0x5c: {  	s26 =	sadd.s32 s18, s16;
	_ =	strace $0x9000006B  }
0x5d: {  	s14 =	sand.u32 $0x1, s26;
	_ =	strace $0x8000006C  }
0x5e: {  	s30 =	sshll.u32 s19, $0x7;
	s31 =	sshll.u32 s14, $0xA;
	s28 =	rddreg [dreg:$0x3]  }
0x5f: {  	s17 =	sand.u32 $0x80, s30;
	s18 =	sor.u32 $0x100, s31;
	s29 =	rddreg [dreg:$0x2]  }
0x60: {  	[tilespmem:s18], [sflag:$0x5] =	stream.indirect.gather [hbm4b:s29+s28], $0x8, s17, s28, $0x2000b8;
	[tilespmem:$0x900] =	vst v63  }
0x61: {  	_ =	swait.ge [sflag:s8], $0x400  }
0x62: {  	[sflag:s8] =	ssyncset.done $0x0  }
0x63: {  	p5 =	por p3, p3;
	p6 =	seq.s32 s12, $0x1;
	[sflag:s8] =	ssyncadd.s32 $0xFFFFFC00  }
0x64: {  	s11 =	sadd.s32 s4, s11;
	p0 =	por p6, p5;
	_ =	strace $0x9000006C  }
0x65: {  	s11 =	sshll.u32 @p0 s11, $0x7;
	_ =	strace @p0 $0x8000006D  }
0x66: {  	s13 =	sadd.s32 s21, s13;
	s11 =	sand.u32 @p0 $0xFFFFF80, s11;
	s12 =	rddreg [dreg:$0x4]  }
0x67: {  	s14 =	sadd.s32 @p0 $0x3, s14;
	s11 =	sadd.s32 @p0 s12, s11;
	s12 =	simm.s32 @p0 $0x0  }
0x68: {  	[hbm4b:s11+s12] =	stream.linear.scatter @p0 [tilespmem:s18], [sflag:s14], $0x400, $0x200038;
	[tilespmem:$0x900] =	vst v63  }
0x69: {  	p1 =	por p2, p2;
	s11 =	sand.u32 @!p2 $0x1, s13;
	_ =	strace @p0 $0x9000006D  }
0x6a: {  	s11 =	sadd.s32 @!p1 $0x3, s11;
	_ =	strace @!p1 $0x8000006E  }
0x6b: {  	_ =	swait.ge @!p1 [sflag:s11], $0x400  }
0x6c: {  	[sflag:s11] =	ssyncset.done @!p1 $0x0  }
0x6d: {  	s10 =	sadd.s32 $0x1, s10;
	[sflag:s11] =	ssyncadd.s32 @!p1 $0xFFFFFC00  }
0x6e: {  	p0 =	sne.s32 s10, s6;
	_ =	strace @!p1 $0x9000006E  }
.Ltmp1:
0x6f: {  	_ =	strace $0x8000006F;
	(pc) =	sbr.rel @p0 .LBB2_1-.Ltmp1, $4  }
0x70: {  	_ =	swait.ge [sflag:s9], $0x400  }
0x71: {  	[sflag:s9] =	ssyncset.done $0x0  }
0x72: {  	[sflag:s9] =	ssyncadd.s32 $0xFFFFFC00  }
0x73: {  	_ =	strace $0x9000006F  }
0x74: {  	_ =	sfence.sel $0x180000  }
0x75: {  	[bflag:$0x0] =	sbarrier.arrive $0xFFFF  }
0x76: {  	p0 =	sne.s32 s2, $0x0;
	_ =	strace $0x90000068  }
0x77: {  	s0 =	sadd.s32 @!p0 $0x100000, s0;
	[bflag:$0x2] =	sbarrier.arrive $0xFFFF  }
0x78: {  	[sflag:s0] =	ssyncadd.tile.s32 @!p0 $0x1;
	_ =	shalt  }
.Lfunc_end2:
_tile_overlayer_lowered:
.L_overlay_start_2:
0x79: {  	(tag) =	ssettag $0x2  }
0x7a: {  	s0 =	rddreg [dreg:$0x0];
	s2 =	stileid.u32  }
0x7b: {  	s1 =	rddreg [dreg:$0x1];
	p0 =	sne.s32 s2, $0x0  }
0x7c: {  	s3 =	rddreg [dreg:$0x2];
	[bflag:$0x3] =	sbarrier.arrive $0xFFFF;
	s2 =	simm.s32 @!p0 $0x1C01  }
0x7d: {  	[timem:s3], [sflag:s2] =	dma.local @!p0 [hbm:s0], s1  }
0x7e: {  	s0 =	simm.s32 @!p0 $0x1  }
0x7f: {  	_ =	swait.ge @!p0 [sflag:s0], s1  }
0x80: {  	s1 =	ssub.s32 @!p0 $0x0, s1;
	[sflag:s0] =	ssyncset.done @!p0 $0x0  }
0x81: {  	[sflag:s0] =	ssyncadd.s32 @!p0 s1  }
0x82: {  	[bflag:$0x3] =	sbarrier.arrive $0xFFFF  }
0x83: {  	_ =	shalt  }

// kernel: kernel.14.cloned.1.call-start
scs
__scs_entry_jumppad:
0x0: {  	(pc) =	sbr.rel $0x88, $3  }
0x1: {  	(tag) =	ssettag $0x0;
	lr =	simm.s32 $0x1  }
0x2: {  	[smem:$0x3F99] =	sst lr;
	_ =	strace $0xD0000000  }
0x3: {  	_ = 	snop  }
0x4: {  	_ = 	snop  }
0x5: {  	_ = 	snop  }
0x6: {  	_ = 	snop  }
0x7: {  	_ = 	snop  }
__scs_overlays_trampoline_lowered:
0x8: {  	[smem:$0x3FA8] =	sst s0  }
0x9: {  	[smem:$0x3FA9] =	sst s1  }
0xa: {  	[smem:$0x3FAA] =	sst s2  }
0xb: {  	[smem:$0x3FAB] =	sst s3  }
0xc: {  	[smem:$0x3FAC] =	sst s4  }
0xd: {  	[smem:$0x3FAD] =	sst s5  }
0xe: {  	[smem:$0x3FAE] =	sst s6  }
0xf: {  	[smem:$0x3FAF] =	sst s7  }
0x10: {  	[smem:$0x3FB0] =	sst s8  }
0x11: {  	[smem:$0x3FB1] =	sst s9;
	s0 =	simm.s32 @!p0 $0x0  }
0x12: {  	s1 =	sld [smem:$0x3F97];
	s0 =	simm.s32 @p0 $0x1  }
0x13: {  	[smem:$0x3FB2] =	sst s0;
	s0 =	simm.s32 @!p1 $0x0  }
0x14: {  	s2 =	sld [smem:$0x3F96];
	s0 =	simm.s32 @p1 $0x1  }
0x15: {  	[smem:$0x3FB3] =	sst s0;
	s0 =	simm.s32 @!p2 $0x0  }
0x16: {  	s3 =	sld [smem:$0x3FDB];
	s0 =	simm.s32 @p2 $0x1  }
0x17: {  	s4 =	simm.s32 $0x1BF5;
	[smem:$0x3FB5] =	sst s0  }
0x18: {  	s0 =	sld [smem:$0x3F98];
	_ =	swait.ge [sflag:s4], $0x0  }
0x19: {  	s7 =	sld [smem:$0x3F99]  }
0x1a: {  	s8 =	sadd.s32 $0xFFFFE003, lr  }
0x1b: {  	s9 =	sadd.s32 $0xFFFFFEF7, lr;
	s5 =	simm.s32 $0xFFFFFFFF;
	p2 =	slt.u32 s8, $0xFFFFF086  }
0x1c: {  	p1 =	slt.u32 s9, $0xF7A;
	s5 =	simm.s32 @!p2 $0x0  }
0x1d: {  	s5 =	simm.s32 @p1 $0x1;
	p0 =	seq.s32 s7, s2  }
0x1e: {  	s7 =	smul.u32 @!p0 $0xF7A, s2;
	p2 =	seq.s32 @!p0 s5, $0x0  }
0x1f: {  	s9 =	smul.u32 $0xF7A, s1;
	s8 =	simm.s32 @!p0 $0x1BF5;
	p2 =	por !p2, p0  }
0x20: {  	[sflag:s8] =	ssyncset.s32 @!p0 $0xFFFFF086;
	s6 =	sadd.s32 @!p0 s3, s7;
	s7 =	simm.s32 @!p0 $0x108  }
0x21: {  	s3 =	sadd.s32 s3, s9;
	s6 =	sadd.s32 @!p0 $0x88, s6;
	s7 =	simm.s32 @p2 $0x1082  }
0x22: {  	[simem:s7], [sflag:s8] =	dma.local @!p0 [hbm:s6], $0xF7A  }
0x23: {  	s9 =	sor.u32 $0xD0000000, s2;
	s6 =	simm.s32 $0x108;
	_ =	swait.ge @!p0 [sflag:s8], $0x0  }
0x24: {  	s3 =	sadd.s32 $0x88, s3;
	s6 =	simm.s32 @!p1 $0x1082;
	[sflag:s4] =	ssyncset.s32 $0xFFFFF086  }
0x25: {  	[simem:s6], [sflag:s4] =	dma.local [hbm:s3], $0xF7A  }
0x26: {  	[smem:$0x3F99] =	sst s1;
	(tag) =	ssettag s2;
	_ =	strace s9  }
0x27: {  	s1 =	sld [smem:$0x3FA9]  }
0x28: {  	s2 =	sld [smem:$0x3FAA]  }
0x29: {  	s4 =	sld [smem:$0x3FAC]  }
0x2a: {  	p0 =	seq.s32 s5, $0x0;
	s5 =	sld [smem:$0x3FAD]  }
0x2b: {  	s6 =	sld [smem:$0x3FAE]  }
0x2c: {  	s7 =	sld [smem:$0x3FAF]  }
0x2d: {  	s3 =	simm.s32 $0x108;
	s8 =	sld [smem:$0x3FB0]  }
0x2e: {  	s3 =	simm.s32 @!p0 $0x1082;
	s9 =	sld [smem:$0x3FB1]  }
0x2f: {  	lr =	sadd.s32 s0, s3;
	s0 =	sld [smem:$0x3FA8]  }
0x30: {  	s3 =	sld [smem:$0x3FAB]  }
0x31: {  	[smem:$0x3FB4] =	sst s10  }
0x32: {  	s10 =	sld [smem:$0x3FB2];
	_ =	sdelay $0x3  }
0x33: {  	p0 =	seq.s32 s10, $0x1;
	s10 =	sld [smem:$0x3FB4];
	_ =	sdelay $0x3  }
0x34: {  	[smem:$0x3FB4] =	sst s10  }
0x35: {  	s10 =	sld [smem:$0x3FB3];
	_ =	sdelay $0x3  }
0x36: {  	p1 =	seq.s32 s10, $0x1;
	s10 =	sld [smem:$0x3FB4];
	_ =	sdelay $0x3  }
0x37: {  	[smem:$0x3FB4] =	sst s10  }
0x38: {  	s10 =	sld [smem:$0x3FB5]  }
0x39: {  	_ = 	snop;
	(pc) =	sbr.ind lr, $3  }
0x3a: {  	_ = 	snop  }
0x3b: {  	_ = 	snop  }
0x3c: {  	p2 =	seq.s32 s10, $0x1;
	s10 =	sld [smem:$0x3FB4]  }
0x3d: {  	_ =	shalt  }
0x3e: {  	_ =	shalt  }
0x3f: {  	_ =	shalt  }
0x40: {  	_ =	shalt  }
0x41: {  	_ =	shalt  }
0x42: {  	_ =	shalt  }
0x43: {  	_ =	shalt  }
0x44: {  	_ =	shalt  }
0x45: {  	_ =	shalt  }
0x46: {  	_ =	shalt  }
0x47: {  	_ =	shalt  }
0x48: {  	_ =	shalt  }
0x49: {  	_ =	shalt  }
0x4a: {  	_ =	shalt  }
0x4b: {  	_ =	shalt  }
0x4c: {  	_ =	shalt  }
0x4d: {  	_ =	shalt  }
0x4e: {  	_ =	shalt  }
0x4f: {  	_ =	shalt  }
0x50: {  	_ =	shalt  }
0x51: {  	_ =	shalt  }
0x52: {  	_ =	shalt  }
0x53: {  	_ =	shalt  }
0x54: {  	_ =	shalt  }
0x55: {  	_ =	shalt  }
0x56: {  	_ =	shalt  }
0x57: {  	_ =	shalt  }
0x58: {  	_ =	shalt  }
0x59: {  	_ =	shalt  }
0x5a: {  	_ =	shalt  }
0x5b: {  	_ =	shalt  }
0x5c: {  	_ =	shalt  }
0x5d: {  	_ =	shalt  }
0x5e: {  	_ =	shalt  }
0x5f: {  	_ =	shalt  }
0x60: {  	_ =	shalt  }
0x61: {  	_ =	shalt  }
0x62: {  	_ =	shalt  }
0x63: {  	_ =	shalt  }
0x64: {  	_ =	shalt  }
0x65: {  	_ =	shalt  }
0x66: {  	_ =	shalt  }
0x67: {  	_ =	shalt  }
0x68: {  	_ =	shalt  }
0x69: {  	_ =	shalt  }
0x6a: {  	_ =	shalt  }
0x6b: {  	_ =	shalt  }
0x6c: {  	_ =	shalt  }
0x6d: {  	_ =	shalt  }
0x6e: {  	_ =	shalt  }
0x6f: {  	_ =	shalt  }
0x70: {  	_ =	shalt  }
0x71: {  	_ =	shalt  }
0x72: {  	_ =	shalt  }
0x73: {  	_ =	shalt  }
0x74: {  	_ =	shalt  }
0x75: {  	_ =	shalt  }
0x76: {  	_ =	shalt  }
0x77: {  	_ =	shalt  }
0x78: {  	_ =	shalt  }
0x79: {  	_ =	shalt  }
0x7a: {  	_ =	shalt  }
0x7b: {  	_ =	shalt  }
0x7c: {  	_ =	shalt  }
0x7d: {  	_ =	shalt  }
0x7e: {  	_ =	shalt  }
0x7f: {  	_ =	shalt  }
0x80: {  	_ =	shalt  }
0x81: {  	_ =	shalt  }
0x82: {  	_ =	shalt  }
0x83: {  	_ =	shalt  }
0x84: {  	_ =	shalt  }
0x85: {  	_ =	shalt  }
0x86: {  	_ =	shalt  }
0x87: {  	_ =	shalt  }
.Lfunc_end0:
.L_simem_size_0:
called_computation.2_lowered:
.L_overlay_start_0:
0x88: {  	s2 =	sld [smem:$0x3FD9]  }
0x89: {  	s3 =	sld [smem:$0x3FFE];
	_ =	sdelay $0x1  }
0x8a: {  	s1 =	srdreg.scid  }
0x8b: {  	s0 =	sand.u32 $0x1, s1  }
0x8c: {  	s17 =	sshll.u32 s0, $0xA;
	s2 =	sadd.s32 s3, s2  }
0x8d: {  	s2 =	sadd.s32 s2, s17  }
0x8e: {  	[smem:$0x3FC0] =	sst s2  }
0x8f: {  	_ = 	snop  }
0x90: {  	(tm) =	ssettm $0x1  }
0x91: {  	s18 =	sld [smem:$0x3FFB];
	_ =	sdelay $0x3  }
0x92: {  	_ =	strace s18  }
0x93: {  	s2 =	sld [smem:$0x3FFC];
	_ =	sdelay $0x3  }
0x94: {  	_ =	strace s2  }
0x95: {  	s2 =	sld [smem:$0x3FFD];
	_ =	sdelay $0x3  }
0x96: {  	_ =	strace s2  }
0x97: {  	_ =	strace $0x8FFFFFFF  }
0x98: {  	s19 =	sld [smem:$0x3FDB];
	_ =	sdelay $0x1  }
0x99: {  	s20 =	simm.s32 $_scs_section_size  }
0x9a: {  	s4 =	simm.s32 $_size__tile_overlayer_lowered;
	s5 =	simm.s32 $_tile_overlayer_lowered  }
0x9b: {  	s6 =	simm.s32 $0x1BFF;
	s21 =	sshll.u32 s5, $0x1;
	s3 =	sadd.s32 s20, s19  }
0x9c: {  	s22 =	simm.s32 $0x0;
	s4 =	sshll.u32 s4, $0x1;
	s5 =	sadd.s32 s21, s3  }
0x9d: {  	[timem:s22], [sflag:s6] =	dma.local [hbm:s5], s4  }
0x9e: {  	_ =	swait.ge [sflag:s6], s4  }
0x9f: {  	s4 =	ssub.s32 $0x0, s4;
	[sflag:s6] =	ssyncset.done $0x0  }
0xa0: {  	[sflag:s6] =	ssyncadd.s32 s4;
	_ =	sdelay $0x1  }
0xa1: {  	s23 =	simm.s32 $0x1B8B  }
0xa2: {  	_ =	swait.ge [sflag:s23], $0x1  }
0xa3: {  	[sflag:s23] =	ssyncset.done $0x0  }
0xa4: {  	[sflag:s23] =	ssyncadd.s32 $0xFFFFFFFF  }
0xa5: {  	s4 =	sld [smem:$0x0]  }
0xa6: {  	s5 =	sand.u32 $0xFFFFFFFE, s1  }
0xa7: {  	p0 =	sne.s32 s1, s5  }
0xa8: {  	s5 =	sshll.u32 @p0 s5, $0xE  }
0xa9: {  	s5 =	sadd.s32 @p0 $0x11B8D, s5;
	s6 =	sshll.u32 @p0 s4, $0x11  }
0xaa: {  	s5 =	sor.u32 @p0 s6, s5  }
0xab: {  	[sflag:s5] =	ssyncadd.remote.s32 @p0 $0x1;
	_ =	sdelay $0x1  }
0xac: {  	s5 =	simm.s32 @p0 $0x1B8D  }
0xad: {  	_ =	swait.eq @p0 [sflag:s5], $0x1  }
0xae: {  	[sflag:s5] =	ssyncadd.s32 @p0 $0xFFFFFFFF  }
0xaf: {  	s6 =	sshll.u32 @!p0 s1, $0xE  }
0xb0: {  	s6 =	sor.u32 @!p0 $0x4000, s6;
	s5 =	simm.s32 @!p0 $0x1B8D  }
0xb1: {  	s4 =	sshll.u32 @!p0 s4, $0x11;
	s6 =	sadd.s32 @!p0 $0x11B8D, s6;
	_ =	swait.eq @!p0 [sflag:s5], $0x1  }
0xb2: {  	s4 =	sor.u32 @!p0 s4, s6;
	[sflag:s5] =	ssyncadd.s32 @!p0 $0xFFFFFFFF  }
0xb3: {  	s25 =	simm.s32 $0x1B8E;
	s24 =	sld [smem:$0x3FFE];
	[sflag:s4] =	ssyncadd.remote.s32 @!p0 $0x1  }
0xb4: {  	s26 =	simm.s32 $execute0_lowered;
	[smem:$0x3FD2] =	sst s25  }
0xb5: {  	s5 =	sshll.u32 s26, $0x1;
	_ =	strace $0x8000005D;
	[dreg:$0x1] =	wrdreg $0xFFFFFFFF  }
0xb6: {  	s28 =	simm.s32 $_size_execute0_lowered;
	s3 =	sadd.s32 s3, s5;
	[dreg:$0x0] =	wrdreg $0x0  }
0xb7: {  	s5 =	sshll.u32 s28, $0x1;
	[dreg:$0x2] =	wrdreg s3  }
0xb8: {  	[dreg:$0x3] =	wrdreg s5  }
0xb9: {  	[dreg:$0x4] =	wrdreg $0xC0  }
0xba: {  	_ =	task [dreg:s22], $0x5FFFF  }
0xbb: {  	[dreg:$0x1] =	wrdreg $0xFFFFFFFF  }
0xbc: {  	[dreg:$0x0] =	wrdreg $0x60  }
0xbd: {  	[dreg:$0x2] =	wrdreg s24  }
0xbe: {  	[dreg:$0x3] =	wrdreg $0xA  }
0xbf: {  	_ =	task.clear_ibuf [dreg:s22], $0x4FFFF;
	_ =	strace $0x9000005D  }
0xc0: {  	s29 =	simm.s32 $0xA;
	_ =	strace $0x80000066  }
0xc1: {  	_ =	swait.ge [sflag:s29], $0x1  }
0xc2: {  	[sflag:s29] =	ssyncadd.s32 $0xFFFFFFFF  }
0xc3: {  	_ =	strace $0x90000066  }
0xc4: {  	_ =	sfence  }
0xc5: {  	s30 =	sld [smem:$0x0];
	_ =	sdelay $0x2  }
0xc6: {  	s31 =	sshll.u32 s1, $0xD;
	s1 =	sshrl.u32 s1, $0x2  }
0xc7: {  	s4 =	sand.u32 $0x4000, s31;
	s1 =	sadd.s32 s1, s30  }
0xc8: {  	s0 =	sor.u32 s4, s0;
	s1 =	sshll.u32 s1, $0x11  }
0xc9: {  	s0 =	sor.u32 s1, s0  }
0xca: {  	s0 =	sadd.s32 $0x8F2B, s0  }
0xcb: {  	[sflag:s0] =	ssyncadd.remote.s32 $0x1  }
0xcc: {  	_ =	sfence.sel $0xFFFF  }
0xcd: {  	[dreg:$0x0] =	wrdreg $0xFFFFFFFF;
	(pc) =	sbr.abs _section_cstart, $3  }
0xce: {  	[dreg:$0x1] =	wrdreg $0xFFFFFFFF  }
0xcf: {  	_ =	task.clear_ibuf [dreg:s22], $0x2FFFF;
	_ =	strace $0x9FFFFFFF  }
0xd0: {  	(tm) =	ssettm $0x7FFFFFFF  }
0xd1: {  	_ =	shalt  }
tec
execute0_lowered:
.L_overlay_start_1:
0x0: {  	(tag) =	ssettag $0x1  }
0x1: {  	s4 =	rddreg [dreg:$0x0]  }
0x2: {  	s0 =	rddreg [dreg:$0x1];
	s1 =	simm.s32 $0x0;
	s5 =	srdreg.scid  }
0x3: {  	s8 =	simm.s32 $0x80;
	s9 =	simm.s32 $0x4;
	[smem:$0x7FF] =	sst s1  }
0x4: {  	s10 =	simm.s32 $0x0;
	s2 =	sadd.s32 $0x27F800, s4;
	s3 =	sadd.s32 $0x504800, s4  }
0x5: {  	s4 =	sadd.s32 $0x42800, s4;
	_ =	strace $0x8000005E;
	[dreg:$0x2] =	wrdreg s2  }
0x6: {  	s5 =	sand.u32 $0x1, s5;
	s2 =	stileid.u32;
	[dreg:$0x4] =	wrdreg s4  }
0x7: {  	s6 =	ssub.s32 $0x2, s5;
	s5 =	sshll.u32 s5, $0x4;
	[dreg:$0x3] =	wrdreg s8  }
0x8: {  	s8 =	simm.s32 $0x5;
	s7 =	sshrl.u32 s6, $0x1;
	s5 =	sor.u32 s2, s5  }
0x9: {  	s6 =	ssub.s32 s6, s7;
	s31 =	sshll.u32 s5, $0x9;
	s4 =	sshll.u32 s5, $0x5  }
0xa: {  	s7 =	simm.s32 $0x1;
	s5 =	sadd.s32 s3, s31;
	s6 =	smax.u32 s6, $0x1  }
.LBB2_1:
0xb: {  	_ =	strace $0x8000005F;
	s11 =	simm.s32 $0x1;
	p0 =	por $0x0, $0x0  }
0xc: {  	[tilespmem:s1], [sflag:$0x1] =	stream.linear.gather [hbm4b:s5+s1], $0x80, $0x200038;
	[tilespmem:$0x900] =	vst v63  }
0xd: {  	s11 =	simm.s32 @p0 $0x0  }
0xe: {  	p4 =	por $0x1, $0x1;
	s20 =	sand.u32 $0x1, s1;
	p1 =	sne.s32 s11, $0x0  }
0xf: {  	p2 =	por $0x1, $0x1;
	s18 =	simm.s32 $0x1E;
	p0 =	por !p4, !p1  }
0x10: {  	s16 =	simm.s32 $0x0;
	p5 =	por $0x0, $0x0;
	p0 =	por !p0, !p0  }
0x11: {  	s23 =	sadd.s32 $0x0, s4;
	s30 =	sadd.s32 $0x1, s20;
	s12 =	sadd.s32 @p0 s4, s11  }
0x12: {  	_ =	strace $0x9000005F;
	s13 =	sand.u32 @p0 $0x1, s7;
	s12 =	sshll.u32 @p0 s12, $0x4  }
0x13: {  	_ =	strace @p0 $0x80000060;
	s15 =	simm.s32 @p0 $0x0;
	s12 =	sand.u32 @p0 $0x1FFFFFF0, s12  }
0x14: {  	s14 =	sshll.u32 @p0 s13, $0x7;
	s13 =	sadd.s32 @p0 $0x1, s13;
	s12 =	sadd.s32 @p0 s3, s12  }
0x15: {  	[tilespmem:s14], [sflag:s13] =	stream.linear.gather @p0 [hbm4b:s12+s15], $0x80, $0x200038;
	[tilespmem:$0x900] =	vst v63  }
0x16: {  	p3 =	por p2, p2;
	s21 =	sshll.u32 s20, $0xA;
	_ =	strace @p0 $0x90000060  }
0x17: {  	s16 =	sand.u32 $0x80, s16;
	p2 =	por p5, p5;
	_ =	strace $0x80000061  }
0x18: {  	s17 =	sadd.s32 $0x1, s11;
	s22 =	sor.u32 $0x100, s21;
	_ =	swait.ge [sflag:s30], $0x80  }
0x19: {  	s21 =	simm.s32 $0x1;
	p6 =	por p1, p1;
	[sflag:s30] =	ssyncset.done $0x0  }
0x1a: {  	p1 =	por p3, p3;
	p4 =	por $0x1, $0x1;
	[sflag:s30] =	ssyncadd.s32 $0xFFFFFF80  }
0x1b: {  	s12 =	simm.s32 $0x1F;
	s15 =	sand.u32 @!p3 $0x1, s1;
	_ =	strace $0x90000061  }
0x1c: {  	s13 =	simm.s32 $0x1;
	p3 =	seq.s32 s17, $0x20;
	_ =	strace $0x80000062  }
0x1d: {  	s13 =	simm.s32 @!p0 $0x0;
	s17 =	simm.s32 @p3 $0x0;
	s19 =	rddreg [dreg:$0x3]  }
0x1e: {  	p0 =	por $0x0, $0x0;
	s14 =	sadd.s32 $0x1, s13;
	s31 =	rddreg [dreg:$0x2]  }
0x1f: {  	[tilespmem:s22], [sflag:$0x5] =	stream.indirect.gather [hbm4b:s31+s19], $0x8, s16, s19, $0x2000b8;
	[tilespmem:$0x900] =	vst v63  }
0x20: {  	p3 =	sne.s32 s11, s17;
	s21 =	simm.s32 @!p0 $0x0;
	_ =	swait.ge [sflag:s8], $0x400  }
0x21: {  	p5 =	por !p4, !p3;
	p4 =	por $0x0, $0x0;
	[sflag:s8] =	ssyncset.done $0x0  }
0x22: {  	s13 =	simm.s32 $0x0;
	p6 =	por p4, p6;
	[sflag:s8] =	ssyncadd.s32 $0xFFFFFC00  }
0x23: {  	s16 =	simm.s32 $0x0;
	s19 =	simm.s32 $0x0;
	_ =	strace $0x90000062  }
.LBB2_2:
0x24: {  	_ =	strace @p6 $0x80000063;
	s13 =	sadd.s32 s21, s13;
	s21 =	smov.u32 s12  }
0x25: {  	s12 =	smov.u32 s18;
	s18 =	sadd.s32 $0xFFFFFFFF, s18;
	p0 =	por p3, p3  }
0x26: {  	s28 =	sshll.u32 @p6 s23, $0x7;
	s20 =	sadd.s32 @p6 $0x3, s20;
	s24 =	simm.s32 @!p0 $0x0  }
0x27: {  	s25 =	rddreg [dreg:$0x4];
	s28 =	sand.u32 @p6 $0xFFFFF80, s28;
	s24 =	simm.s32 @p0 $0x1  }
0x28: {  	s25 =	sadd.s32 @p6 s25, s28;
	s28 =	simm.s32 @p6 $0x0;
	p0 =	sne.s32 s18, $0x0  }
0x29: {  	[hbm4b:s25+s28] =	stream.linear.scatter @p6 [tilespmem:s22], [sflag:s20], $0x400, $0x200038;
	[tilespmem:$0x900] =	vst v63  }
0x2a: {  	s20 =	sadd.s32 @!p1 $0x3, s15;
	s15 =	simm.s32 @!p0 $0x0  }
0x2b: {  	s26 =	simm.s32 $0x1;
	[smem:$0x7FC] =	sst s24;
	s15 =	simm.s32 @p0 $0x1  }
0x2c: {  	s26 =	simm.s32 @!p6 $0x0;
	_ =	strace @p6 $0x90000063;
	[smem:$0x7FD] =	sst s15  }
0x2d: {  	p5 =	por !p5, !p5;
	s19 =	sadd.s32 s26, s19;
	_ =	strace @!p1 $0x80000064  }
0x2e: {  	s24 =	sand.u32 @!p2 $0x1, s13;
	s22 =	sand.u32 @p5 $0x1, s14;
	_ =	swait.ge @!p1 [sflag:s20], $0x400  }
0x2f: {  	s15 =	smov.u32 s24;
	s24 =	sadd.s32 @p5 s4, s17;
	[sflag:s20] =	ssyncset.done @!p1 $0x0  }
0x30: {  	s25 =	sshll.u32 @p5 s22, $0x7;
	s24 =	sshll.u32 @p5 s24, $0x4;
	[sflag:s20] =	ssyncadd.s32 @!p1 $0xFFFFFC00  }
0x31: {  	s20 =	sadd.s32 @p5 $0x1, s22;
	s22 =	sand.u32 @p5 $0x1FFFFFF0, s24;
	_ =	strace @!p1 $0x90000064  }
0x32: {  	s24 =	simm.s32 @p5 $0x0;
	s22 =	sadd.s32 @p5 s3, s22;
	_ =	strace @p5 $0x80000060  }
0x33: {  	[tilespmem:s25], [sflag:s20] =	stream.linear.gather @p5 [hbm4b:s22+s24], $0x80, $0x200038;
	[tilespmem:$0x900] =	vst v63  }
0x34: {  	s16 =	sadd.s32 s26, s16;
	s26 =	sand.u32 $0x1, s19;
	_ =	strace @p5 $0x90000060  }
0x35: {  	s24 =	sadd.s32 $0x1, s26;
	_ =	strace $0x80000061  }
0x36: {  	_ =	swait.ge [sflag:s24], $0x80  }
0x37: {  	[sflag:s24] =	ssyncset.done $0x0  }
0x38: {  	s20 =	simm.s32 $0x1;
	[sflag:s24] =	ssyncadd.s32 $0xFFFFFF80  }
0x39: {  	s20 =	simm.s32 @!p5 $0x0;
	_ =	strace $0x90000061  }
0x3a: {  	s14 =	sadd.s32 s20, s14;
	s20 =	sand.u32 $0x1, s16;
	_ =	strace $0x80000062  }
0x3b: {  	s29 =	sshll.u32 s19, $0x7;
	s25 =	sshll.u32 s20, $0xA;
	s26 =	rddreg [dreg:$0x3]  }
0x3c: {  	s29 =	sand.u32 $0x80, s29;
	s22 =	sor.u32 $0x100, s25;
	s30 =	rddreg [dreg:$0x2]  }
0x3d: {  	[tilespmem:s22], [sflag:$0x5] =	stream.indirect.gather [hbm4b:s30+s26], $0x8, s29, s26, $0x2000b8;
	[tilespmem:$0x900] =	vst v63  }
0x3e: {  	_ =	swait.ge [sflag:s8], $0x400  }
0x3f: {  	s31 =	sadd.s32 $0x1, s17;
	[sflag:s8] =	ssyncset.done $0x0  }
0x40: {  	s23 =	sadd.s32 s4, s11;
	s11 =	smov.u32 s17;
	[sflag:s8] =	ssyncadd.s32 $0xFFFFFC00  }
0x41: {  	p3 =	seq.s32 s31, $0x20;
	s17 =	smov.u32 s31;
	_ =	strace $0x90000062  }
0x42: {  	s17 =	simm.s32 @p3 $0x0;
	s31 =	sld [smem:$0x7FD]  }
0x43: {  	p6 =	sne.s32 s12, $0x1;
	p0 =	sne.s32 s21, $0x20;
	p3 =	sne.s32 s11, s17  }
0x44: {  	p5 =	por !p6, !p3;
	p6 =	seq.s32 s21, $0x1;
	s21 =	simm.s32 $0x1  }
0x45: {  	s21 =	simm.s32 @!p0 $0x0;
	p0 =	seq.s32 s31, $0x1  }
.Ltmp0:
0x46: {  	s30 =	sld [smem:$0x7FC];
	(pc) =	sbr.rel @p0 .LBB2_2-.Ltmp0, $4  }
0x47: {  	_ = 	snop  }
0x48: {  	p4 =	seq.s32 s12, $0x20  }
0x49: {  	p1 =	por p2, p2;
	p2 =	por p4, p4;
	p4 =	seq.s32 s30, $0x1  }
0x4a: {  	p6 =	por p6, p4  }
0x4b: {  	_ =	strace @p6 $0x80000063;
	s23 =	sshll.u32 @p6 s23, $0x7  }
0x4c: {  	s18 =	rddreg [dreg:$0x4];
	s23 =	sand.u32 @p6 $0xFFFFF80, s23  }
0x4d: {  	s20 =	sadd.s32 @p6 $0x3, s20;
	s18 =	sadd.s32 @p6 s18, s23;
	s23 =	simm.s32 @p6 $0x0  }
0x4e: {  	[hbm4b:s18+s23] =	stream.linear.scatter @p6 [tilespmem:s22], [sflag:s20], $0x400, $0x200038;
	[tilespmem:$0x900] =	vst v63  }
0x4f: {  	p0 =	por !p5, !p5;
	_ =	strace @p6 $0x90000063  }
0x50: {  	s15 =	sadd.s32 @!p1 $0x3, s15;
	s17 =	sadd.s32 @p0 s4, s17;
	_ =	strace @!p1 $0x80000064  }
0x51: {  	s14 =	sand.u32 @p0 $0x1, s14;
	s17 =	sshll.u32 @p0 s17, $0x4;
	_ =	swait.ge @!p1 [sflag:s15], $0x400  }
0x52: {  	s18 =	simm.s32 $0x1;
	s20 =	sshll.u32 @p0 s14, $0x7;
	[sflag:s15] =	ssyncset.done @!p1 $0x0  }
0x53: {  	s14 =	sadd.s32 @p0 $0x1, s14;
	s18 =	simm.s32 @!p6 $0x0;
	[sflag:s15] =	ssyncadd.s32 @!p1 $0xFFFFFC00  }
0x54: {  	s19 =	sadd.s32 s18, s19;
	s15 =	sand.u32 @p0 $0x1FFFFFF0, s17;
	_ =	strace @!p1 $0x90000064  }
0x55: {  	s17 =	simm.s32 @p0 $0x0;
	s15 =	sadd.s32 @p0 s3, s15;
	_ =	strace @p0 $0x80000060  }
0x56: {  	[tilespmem:s20], [sflag:s14] =	stream.linear.gather @p0 [hbm4b:s15+s17], $0x80, $0x200038;
	[tilespmem:$0x900] =	vst v63  }
0x57: {  	s25 =	sand.u32 $0x1, s19;
	_ =	strace @p0 $0x90000060  }
0x58: {  	s14 =	sadd.s32 $0x1, s25;
	_ =	strace $0x80000061  }
0x59: {  	_ =	swait.ge [sflag:s14], $0x80  }
0x5a: {  	[sflag:s14] =	ssyncset.done $0x0  }
0x5b: {  	[sflag:s14] =	ssyncadd.s32 $0xFFFFFF80  }
0x5c: {  	s26 =	sadd.s32 s18, s16;
	_ =	strace $0x90000061  }
0x5d: {  	s14 =	sand.u32 $0x1, s26;
	_ =	strace $0x80000062  }
0x5e: {  	s30 =	sshll.u32 s19, $0x7;
	s31 =	sshll.u32 s14, $0xA;
	s28 =	rddreg [dreg:$0x3]  }
0x5f: {  	s17 =	sand.u32 $0x80, s30;
	s18 =	sor.u32 $0x100, s31;
	s29 =	rddreg [dreg:$0x2]  }
0x60: {  	[tilespmem:s18], [sflag:$0x5] =	stream.indirect.gather [hbm4b:s29+s28], $0x8, s17, s28, $0x2000b8;
	[tilespmem:$0x900] =	vst v63  }
0x61: {  	_ =	swait.ge [sflag:s8], $0x400  }
0x62: {  	[sflag:s8] =	ssyncset.done $0x0  }
0x63: {  	p5 =	por p3, p3;
	p6 =	seq.s32 s12, $0x1;
	[sflag:s8] =	ssyncadd.s32 $0xFFFFFC00  }
0x64: {  	s11 =	sadd.s32 s4, s11;
	p0 =	por p6, p5;
	_ =	strace $0x90000062  }
0x65: {  	s11 =	sshll.u32 @p0 s11, $0x7;
	_ =	strace @p0 $0x80000063  }
0x66: {  	s13 =	sadd.s32 s21, s13;
	s11 =	sand.u32 @p0 $0xFFFFF80, s11;
	s12 =	rddreg [dreg:$0x4]  }
0x67: {  	s14 =	sadd.s32 @p0 $0x3, s14;
	s11 =	sadd.s32 @p0 s12, s11;
	s12 =	simm.s32 @p0 $0x0  }
0x68: {  	[hbm4b:s11+s12] =	stream.linear.scatter @p0 [tilespmem:s18], [sflag:s14], $0x400, $0x200038;
	[tilespmem:$0x900] =	vst v63  }
0x69: {  	p1 =	por p2, p2;
	s11 =	sand.u32 @!p2 $0x1, s13;
	_ =	strace @p0 $0x90000063  }
0x6a: {  	s11 =	sadd.s32 @!p1 $0x3, s11;
	_ =	strace @!p1 $0x80000064  }
0x6b: {  	_ =	swait.ge @!p1 [sflag:s11], $0x400  }
0x6c: {  	[sflag:s11] =	ssyncset.done @!p1 $0x0  }
0x6d: {  	s10 =	sadd.s32 $0x1, s10;
	[sflag:s11] =	ssyncadd.s32 @!p1 $0xFFFFFC00  }
0x6e: {  	p0 =	sne.s32 s10, s6;
	_ =	strace @!p1 $0x90000064  }
.Ltmp1:
0x6f: {  	_ =	strace $0x80000065;
	(pc) =	sbr.rel @p0 .LBB2_1-.Ltmp1, $4  }
0x70: {  	_ =	swait.ge [sflag:s9], $0x400  }
0x71: {  	[sflag:s9] =	ssyncset.done $0x0  }
0x72: {  	[sflag:s9] =	ssyncadd.s32 $0xFFFFFC00  }
0x73: {  	_ =	strace $0x90000065  }
0x74: {  	_ =	sfence.sel $0x180000  }
0x75: {  	[bflag:$0x0] =	sbarrier.arrive $0xFFFF  }
0x76: {  	p0 =	sne.s32 s2, $0x0;
	_ =	strace $0x9000005E  }
0x77: {  	s0 =	sadd.s32 @!p0 $0x100000, s0;
	[bflag:$0x2] =	sbarrier.arrive $0xFFFF  }
0x78: {  	[sflag:s0] =	ssyncadd.tile.s32 @!p0 $0x1;
	_ =	shalt  }
.Lfunc_end2:
_tile_overlayer_lowered:
.L_overlay_start_2:
0x79: {  	(tag) =	ssettag $0x2  }
0x7a: {  	s0 =	rddreg [dreg:$0x0];
	s2 =	stileid.u32  }
0x7b: {  	s1 =	rddreg [dreg:$0x1];
	p0 =	sne.s32 s2, $0x0  }
0x7c: {  	s3 =	rddreg [dreg:$0x2];
	[bflag:$0x3] =	sbarrier.arrive $0xFFFF;
	s2 =	simm.s32 @!p0 $0x1C01  }
0x7d: {  	[timem:s3], [sflag:s2] =	dma.local @!p0 [hbm:s0], s1  }
0x7e: {  	s0 =	simm.s32 @!p0 $0x1  }
0x7f: {  	_ =	swait.ge @!p0 [sflag:s0], s1  }
0x80: {  	s1 =	ssub.s32 @!p0 $0x0, s1;
	[sflag:s0] =	ssyncset.done @!p0 $0x0  }
0x81: {  	[sflag:s0] =	ssyncadd.s32 @!p0 s1  }
0x82: {  	[bflag:$0x3] =	sbarrier.arrive $0xFFFF  }
0x83: {  	_ =	shalt  }

// kernel: kernel.17.cloned.1.call-start
scs
__scs_entry_jumppad:
0x0: {  	(pc) =	sbr.rel $0x88, $3  }
0x1: {  	(tag) =	ssettag $0x0;
	lr =	simm.s32 $0x1  }
0x2: {  	[smem:$0x3F99] =	sst lr;
	_ =	strace $0xD0000000  }
0x3: {  	_ = 	snop  }
0x4: {  	_ = 	snop  }
0x5: {  	_ = 	snop  }
0x6: {  	_ = 	snop  }
0x7: {  	_ = 	snop  }
__scs_overlays_trampoline_lowered:
0x8: {  	[smem:$0x3FA8] =	sst s0  }
0x9: {  	[smem:$0x3FA9] =	sst s1  }
0xa: {  	[smem:$0x3FAA] =	sst s2  }
0xb: {  	[smem:$0x3FAB] =	sst s3  }
0xc: {  	[smem:$0x3FAC] =	sst s4  }
0xd: {  	[smem:$0x3FAD] =	sst s5  }
0xe: {  	[smem:$0x3FAE] =	sst s6  }
0xf: {  	[smem:$0x3FAF] =	sst s7  }
0x10: {  	[smem:$0x3FB0] =	sst s8  }
0x11: {  	[smem:$0x3FB1] =	sst s9;
	s0 =	simm.s32 @!p0 $0x0  }
0x12: {  	s1 =	sld [smem:$0x3F97];
	s0 =	simm.s32 @p0 $0x1  }
0x13: {  	[smem:$0x3FB2] =	sst s0;
	s0 =	simm.s32 @!p1 $0x0  }
0x14: {  	s2 =	sld [smem:$0x3F96];
	s0 =	simm.s32 @p1 $0x1  }
0x15: {  	[smem:$0x3FB3] =	sst s0;
	s0 =	simm.s32 @!p2 $0x0  }
0x16: {  	s3 =	sld [smem:$0x3FDB];
	s0 =	simm.s32 @p2 $0x1  }
0x17: {  	s4 =	simm.s32 $0x1BF5;
	[smem:$0x3FB5] =	sst s0  }
0x18: {  	s0 =	sld [smem:$0x3F98];
	_ =	swait.ge [sflag:s4], $0x0  }
0x19: {  	s7 =	sld [smem:$0x3F99]  }
0x1a: {  	s8 =	sadd.s32 $0xFFFFE003, lr  }
0x1b: {  	s9 =	sadd.s32 $0xFFFFFEF7, lr;
	s5 =	simm.s32 $0xFFFFFFFF;
	p2 =	slt.u32 s8, $0xFFFFF086  }
0x1c: {  	p1 =	slt.u32 s9, $0xF7A;
	s5 =	simm.s32 @!p2 $0x0  }
0x1d: {  	s5 =	simm.s32 @p1 $0x1;
	p0 =	seq.s32 s7, s2  }
0x1e: {  	s7 =	smul.u32 @!p0 $0xF7A, s2;
	p2 =	seq.s32 @!p0 s5, $0x0  }
0x1f: {  	s9 =	smul.u32 $0xF7A, s1;
	s8 =	simm.s32 @!p0 $0x1BF5;
	p2 =	por !p2, p0  }
0x20: {  	[sflag:s8] =	ssyncset.s32 @!p0 $0xFFFFF086;
	s6 =	sadd.s32 @!p0 s3, s7;
	s7 =	simm.s32 @!p0 $0x108  }
0x21: {  	s3 =	sadd.s32 s3, s9;
	s6 =	sadd.s32 @!p0 $0x88, s6;
	s7 =	simm.s32 @p2 $0x1082  }
0x22: {  	[simem:s7], [sflag:s8] =	dma.local @!p0 [hbm:s6], $0xF7A  }
0x23: {  	s9 =	sor.u32 $0xD0000000, s2;
	s6 =	simm.s32 $0x108;
	_ =	swait.ge @!p0 [sflag:s8], $0x0  }
0x24: {  	s3 =	sadd.s32 $0x88, s3;
	s6 =	simm.s32 @!p1 $0x1082;
	[sflag:s4] =	ssyncset.s32 $0xFFFFF086  }
0x25: {  	[simem:s6], [sflag:s4] =	dma.local [hbm:s3], $0xF7A  }
0x26: {  	[smem:$0x3F99] =	sst s1;
	(tag) =	ssettag s2;
	_ =	strace s9  }
0x27: {  	s1 =	sld [smem:$0x3FA9]  }
0x28: {  	s2 =	sld [smem:$0x3FAA]  }
0x29: {  	s4 =	sld [smem:$0x3FAC]  }
0x2a: {  	p0 =	seq.s32 s5, $0x0;
	s5 =	sld [smem:$0x3FAD]  }
0x2b: {  	s6 =	sld [smem:$0x3FAE]  }
0x2c: {  	s7 =	sld [smem:$0x3FAF]  }
0x2d: {  	s3 =	simm.s32 $0x108;
	s8 =	sld [smem:$0x3FB0]  }
0x2e: {  	s3 =	simm.s32 @!p0 $0x1082;
	s9 =	sld [smem:$0x3FB1]  }
0x2f: {  	lr =	sadd.s32 s0, s3;
	s0 =	sld [smem:$0x3FA8]  }
0x30: {  	s3 =	sld [smem:$0x3FAB]  }
0x31: {  	[smem:$0x3FB4] =	sst s10  }
0x32: {  	s10 =	sld [smem:$0x3FB2];
	_ =	sdelay $0x3  }
0x33: {  	p0 =	seq.s32 s10, $0x1;
	s10 =	sld [smem:$0x3FB4];
	_ =	sdelay $0x3  }
0x34: {  	[smem:$0x3FB4] =	sst s10  }
0x35: {  	s10 =	sld [smem:$0x3FB3];
	_ =	sdelay $0x3  }
0x36: {  	p1 =	seq.s32 s10, $0x1;
	s10 =	sld [smem:$0x3FB4];
	_ =	sdelay $0x3  }
0x37: {  	[smem:$0x3FB4] =	sst s10  }
0x38: {  	s10 =	sld [smem:$0x3FB5]  }
0x39: {  	_ = 	snop;
	(pc) =	sbr.ind lr, $3  }
0x3a: {  	_ = 	snop  }
0x3b: {  	_ = 	snop  }
0x3c: {  	p2 =	seq.s32 s10, $0x1;
	s10 =	sld [smem:$0x3FB4]  }
0x3d: {  	_ =	shalt  }
0x3e: {  	_ =	shalt  }
0x3f: {  	_ =	shalt  }
0x40: {  	_ =	shalt  }
0x41: {  	_ =	shalt  }
0x42: {  	_ =	shalt  }
0x43: {  	_ =	shalt  }
0x44: {  	_ =	shalt  }
0x45: {  	_ =	shalt  }
0x46: {  	_ =	shalt  }
0x47: {  	_ =	shalt  }
0x48: {  	_ =	shalt  }
0x49: {  	_ =	shalt  }
0x4a: {  	_ =	shalt  }
0x4b: {  	_ =	shalt  }
0x4c: {  	_ =	shalt  }
0x4d: {  	_ =	shalt  }
0x4e: {  	_ =	shalt  }
0x4f: {  	_ =	shalt  }
0x50: {  	_ =	shalt  }
0x51: {  	_ =	shalt  }
0x52: {  	_ =	shalt  }
0x53: {  	_ =	shalt  }
0x54: {  	_ =	shalt  }
0x55: {  	_ =	shalt  }
0x56: {  	_ =	shalt  }
0x57: {  	_ =	shalt  }
0x58: {  	_ =	shalt  }
0x59: {  	_ =	shalt  }
0x5a: {  	_ =	shalt  }
0x5b: {  	_ =	shalt  }
0x5c: {  	_ =	shalt  }
0x5d: {  	_ =	shalt  }
0x5e: {  	_ =	shalt  }
0x5f: {  	_ =	shalt  }
0x60: {  	_ =	shalt  }
0x61: {  	_ =	shalt  }
0x62: {  	_ =	shalt  }
0x63: {  	_ =	shalt  }
0x64: {  	_ =	shalt  }
0x65: {  	_ =	shalt  }
0x66: {  	_ =	shalt  }
0x67: {  	_ =	shalt  }
0x68: {  	_ =	shalt  }
0x69: {  	_ =	shalt  }
0x6a: {  	_ =	shalt  }
0x6b: {  	_ =	shalt  }
0x6c: {  	_ =	shalt  }
0x6d: {  	_ =	shalt  }
0x6e: {  	_ =	shalt  }
0x6f: {  	_ =	shalt  }
0x70: {  	_ =	shalt  }
0x71: {  	_ =	shalt  }
0x72: {  	_ =	shalt  }
0x73: {  	_ =	shalt  }
0x74: {  	_ =	shalt  }
0x75: {  	_ =	shalt  }
0x76: {  	_ =	shalt  }
0x77: {  	_ =	shalt  }
0x78: {  	_ =	shalt  }
0x79: {  	_ =	shalt  }
0x7a: {  	_ =	shalt  }
0x7b: {  	_ =	shalt  }
0x7c: {  	_ =	shalt  }
0x7d: {  	_ =	shalt  }
0x7e: {  	_ =	shalt  }
0x7f: {  	_ =	shalt  }
0x80: {  	_ =	shalt  }
0x81: {  	_ =	shalt  }
0x82: {  	_ =	shalt  }
0x83: {  	_ =	shalt  }
0x84: {  	_ =	shalt  }
0x85: {  	_ =	shalt  }
0x86: {  	_ =	shalt  }
0x87: {  	_ =	shalt  }
.Lfunc_end0:
.L_simem_size_0:
called_computation.3_lowered:
.L_overlay_start_0:
0x88: {  	s2 =	sld [smem:$0x3FD9]  }
0x89: {  	s3 =	sld [smem:$0x3FFE];
	_ =	sdelay $0x1  }
0x8a: {  	s1 =	srdreg.scid  }
0x8b: {  	s0 =	sand.u32 $0x1, s1  }
0x8c: {  	s17 =	sshll.u32 s0, $0xA;
	s2 =	sadd.s32 s3, s2  }
0x8d: {  	s2 =	sadd.s32 s2, s17  }
0x8e: {  	[smem:$0x3FC0] =	sst s2  }
0x8f: {  	_ = 	snop  }
0x90: {  	(tm) =	ssettm $0x1  }
0x91: {  	s18 =	sld [smem:$0x3FFB];
	_ =	sdelay $0x3  }
0x92: {  	_ =	strace s18  }
0x93: {  	s2 =	sld [smem:$0x3FFC];
	_ =	sdelay $0x3  }
0x94: {  	_ =	strace s2  }
0x95: {  	s2 =	sld [smem:$0x3FFD];
	_ =	sdelay $0x3  }
0x96: {  	_ =	strace s2  }
0x97: {  	_ =	strace $0x8FFFFFFF  }
0x98: {  	s19 =	sld [smem:$0x3FDB];
	_ =	sdelay $0x1  }
0x99: {  	s20 =	simm.s32 $_scs_section_size  }
0x9a: {  	s4 =	simm.s32 $_size__tile_overlayer_lowered;
	s5 =	simm.s32 $_tile_overlayer_lowered  }
0x9b: {  	s6 =	simm.s32 $0x1BFF;
	s21 =	sshll.u32 s5, $0x1;
	s3 =	sadd.s32 s20, s19  }
0x9c: {  	s22 =	simm.s32 $0x0;
	s4 =	sshll.u32 s4, $0x1;
	s5 =	sadd.s32 s21, s3  }
0x9d: {  	[timem:s22], [sflag:s6] =	dma.local [hbm:s5], s4  }
0x9e: {  	_ =	swait.ge [sflag:s6], s4  }
0x9f: {  	s4 =	ssub.s32 $0x0, s4;
	[sflag:s6] =	ssyncset.done $0x0  }
0xa0: {  	[sflag:s6] =	ssyncadd.s32 s4;
	_ =	sdelay $0x1  }
0xa1: {  	s23 =	simm.s32 $0x1B8B  }
0xa2: {  	_ =	swait.ge [sflag:s23], $0x1  }
0xa3: {  	[sflag:s23] =	ssyncset.done $0x0  }
0xa4: {  	[sflag:s23] =	ssyncadd.s32 $0xFFFFFFFF  }
0xa5: {  	s4 =	sld [smem:$0x0]  }
0xa6: {  	s5 =	sand.u32 $0xFFFFFFFE, s1  }
0xa7: {  	p0 =	sne.s32 s1, s5  }
0xa8: {  	s5 =	sshll.u32 @p0 s5, $0xE  }
0xa9: {  	s5 =	sadd.s32 @p0 $0x11B8D, s5;
	s6 =	sshll.u32 @p0 s4, $0x11  }
0xaa: {  	s5 =	sor.u32 @p0 s6, s5  }
0xab: {  	[sflag:s5] =	ssyncadd.remote.s32 @p0 $0x1;
	_ =	sdelay $0x1  }
0xac: {  	s5 =	simm.s32 @p0 $0x1B8D  }
0xad: {  	_ =	swait.eq @p0 [sflag:s5], $0x1  }
0xae: {  	[sflag:s5] =	ssyncadd.s32 @p0 $0xFFFFFFFF  }
0xaf: {  	s6 =	sshll.u32 @!p0 s1, $0xE  }
0xb0: {  	s6 =	sor.u32 @!p0 $0x4000, s6;
	s5 =	simm.s32 @!p0 $0x1B8D  }
0xb1: {  	s4 =	sshll.u32 @!p0 s4, $0x11;
	s6 =	sadd.s32 @!p0 $0x11B8D, s6;
	_ =	swait.eq @!p0 [sflag:s5], $0x1  }
0xb2: {  	s4 =	sor.u32 @!p0 s4, s6;
	[sflag:s5] =	ssyncadd.s32 @!p0 $0xFFFFFFFF  }
0xb3: {  	s25 =	simm.s32 $0x1B8E;
	s24 =	sld [smem:$0x3FFE];
	[sflag:s4] =	ssyncadd.remote.s32 @!p0 $0x1  }
0xb4: {  	s26 =	simm.s32 $execute0_lowered;
	[smem:$0x3FD2] =	sst s25  }
0xb5: {  	s5 =	sshll.u32 s26, $0x1;
	_ =	strace $0x80000053;
	[dreg:$0x1] =	wrdreg $0xFFFFFFFF  }
0xb6: {  	s28 =	simm.s32 $_size_execute0_lowered;
	s3 =	sadd.s32 s3, s5;
	[dreg:$0x0] =	wrdreg $0x0  }
0xb7: {  	s5 =	sshll.u32 s28, $0x1;
	[dreg:$0x2] =	wrdreg s3  }
0xb8: {  	[dreg:$0x3] =	wrdreg s5  }
0xb9: {  	[dreg:$0x4] =	wrdreg $0xC0  }
0xba: {  	_ =	task [dreg:s22], $0x5FFFF  }
0xbb: {  	[dreg:$0x1] =	wrdreg $0xFFFFFFFF  }
0xbc: {  	[dreg:$0x0] =	wrdreg $0x60  }
0xbd: {  	[dreg:$0x2] =	wrdreg s24  }
0xbe: {  	[dreg:$0x3] =	wrdreg $0xB  }
0xbf: {  	_ =	task.clear_ibuf [dreg:s22], $0x4FFFF;
	_ =	strace $0x90000053  }
0xc0: {  	s29 =	simm.s32 $0xB;
	_ =	strace $0x8000005C  }
0xc1: {  	_ =	swait.ge [sflag:s29], $0x1  }
0xc2: {  	[sflag:s29] =	ssyncadd.s32 $0xFFFFFFFF  }
0xc3: {  	_ =	strace $0x9000005C  }
0xc4: {  	_ =	sfence  }
0xc5: {  	s30 =	sld [smem:$0x0];
	_ =	sdelay $0x2  }
0xc6: {  	s31 =	sshll.u32 s1, $0xD;
	s1 =	sshrl.u32 s1, $0x2  }
0xc7: {  	s4 =	sand.u32 $0x4000, s31;
	s1 =	sadd.s32 s1, s30  }
0xc8: {  	s0 =	sor.u32 s4, s0;
	s1 =	sshll.u32 s1, $0x11  }
0xc9: {  	s0 =	sor.u32 s1, s0  }
0xca: {  	s0 =	sadd.s32 $0x8F2B, s0  }
0xcb: {  	[sflag:s0] =	ssyncadd.remote.s32 $0x1  }
0xcc: {  	_ =	sfence.sel $0xFFFF  }
0xcd: {  	[dreg:$0x0] =	wrdreg $0xFFFFFFFF;
	(pc) =	sbr.abs _section_cstart, $3  }
0xce: {  	[dreg:$0x1] =	wrdreg $0xFFFFFFFF  }
0xcf: {  	_ =	task.clear_ibuf [dreg:s22], $0x2FFFF;
	_ =	strace $0x9FFFFFFF  }
0xd0: {  	(tm) =	ssettm $0x7FFFFFFF  }
0xd1: {  	_ =	shalt  }
tec
execute0_lowered:
.L_overlay_start_1:
0x0: {  	(tag) =	ssettag $0x1  }
0x1: {  	s4 =	rddreg [dreg:$0x0]  }
0x2: {  	s0 =	rddreg [dreg:$0x1];
	s1 =	simm.s32 $0x0;
	s5 =	srdreg.scid  }
0x3: {  	s8 =	simm.s32 $0x80;
	s9 =	simm.s32 $0x4;
	[smem:$0x7FF] =	sst s1  }
0x4: {  	s10 =	simm.s32 $0x0;
	s2 =	sadd.s32 $0x27F800, s4;
	s3 =	sadd.s32 $0x500800, s4  }
0x5: {  	s4 =	sadd.s32 $0x22800, s4;
	_ =	strace $0x80000054;
	[dreg:$0x2] =	wrdreg s2  }
0x6: {  	s5 =	sand.u32 $0x1, s5;
	s2 =	stileid.u32;
	[dreg:$0x4] =	wrdreg s4  }
0x7: {  	s6 =	ssub.s32 $0x2, s5;
	s5 =	sshll.u32 s5, $0x4;
	[dreg:$0x3] =	wrdreg s8  }
0x8: {  	s8 =	simm.s32 $0x5;
	s7 =	sshrl.u32 s6, $0x1;
	s5 =	sor.u32 s2, s5  }
0x9: {  	s6 =	ssub.s32 s6, s7;
	s31 =	sshll.u32 s5, $0x9;
	s4 =	sshll.u32 s5, $0x5  }
0xa: {  	s7 =	simm.s32 $0x1;
	s5 =	sadd.s32 s3, s31;
	s6 =	smax.u32 s6, $0x1  }
.LBB2_1:
0xb: {  	_ =	strace $0x80000055;
	s11 =	simm.s32 $0x1;
	p0 =	por $0x0, $0x0  }
0xc: {  	[tilespmem:s1], [sflag:$0x1] =	stream.linear.gather [hbm4b:s5+s1], $0x80, $0x200038;
	[tilespmem:$0x900] =	vst v63  }
0xd: {  	s11 =	simm.s32 @p0 $0x0  }
0xe: {  	p4 =	por $0x1, $0x1;
	s20 =	sand.u32 $0x1, s1;
	p1 =	sne.s32 s11, $0x0  }
0xf: {  	p2 =	por $0x1, $0x1;
	s18 =	simm.s32 $0x1E;
	p0 =	por !p4, !p1  }
0x10: {  	s16 =	simm.s32 $0x0;
	p5 =	por $0x0, $0x0;
	p0 =	por !p0, !p0  }
0x11: {  	s23 =	sadd.s32 $0x0, s4;
	s30 =	sadd.s32 $0x1, s20;
	s12 =	sadd.s32 @p0 s4, s11  }
0x12: {  	_ =	strace $0x90000055;
	s13 =	sand.u32 @p0 $0x1, s7;
	s12 =	sshll.u32 @p0 s12, $0x4  }
0x13: {  	_ =	strace @p0 $0x80000056;
	s15 =	simm.s32 @p0 $0x0;
	s12 =	sand.u32 @p0 $0x1FFFFFF0, s12  }
0x14: {  	s14 =	sshll.u32 @p0 s13, $0x7;
	s13 =	sadd.s32 @p0 $0x1, s13;
	s12 =	sadd.s32 @p0 s3, s12  }
0x15: {  	[tilespmem:s14], [sflag:s13] =	stream.linear.gather @p0 [hbm4b:s12+s15], $0x80, $0x200038;
	[tilespmem:$0x900] =	vst v63  }
0x16: {  	p3 =	por p2, p2;
	s21 =	sshll.u32 s20, $0xA;
	_ =	strace @p0 $0x90000056  }
0x17: {  	s16 =	sand.u32 $0x80, s16;
	p2 =	por p5, p5;
	_ =	strace $0x80000057  }
0x18: {  	s17 =	sadd.s32 $0x1, s11;
	s22 =	sor.u32 $0x100, s21;
	_ =	swait.ge [sflag:s30], $0x80  }
0x19: {  	s21 =	simm.s32 $0x1;
	p6 =	por p1, p1;
	[sflag:s30] =	ssyncset.done $0x0  }
0x1a: {  	p1 =	por p3, p3;
	p4 =	por $0x1, $0x1;
	[sflag:s30] =	ssyncadd.s32 $0xFFFFFF80  }
0x1b: {  	s12 =	simm.s32 $0x1F;
	s15 =	sand.u32 @!p3 $0x1, s1;
	_ =	strace $0x90000057  }
0x1c: {  	s13 =	simm.s32 $0x1;
	p3 =	seq.s32 s17, $0x20;
	_ =	strace $0x80000058  }
0x1d: {  	s13 =	simm.s32 @!p0 $0x0;
	s17 =	simm.s32 @p3 $0x0;
	s19 =	rddreg [dreg:$0x3]  }
0x1e: {  	p0 =	por $0x0, $0x0;
	s14 =	sadd.s32 $0x1, s13;
	s31 =	rddreg [dreg:$0x2]  }
0x1f: {  	[tilespmem:s22], [sflag:$0x5] =	stream.indirect.gather [hbm4b:s31+s19], $0x8, s16, s19, $0x2000b8;
	[tilespmem:$0x900] =	vst v63  }
0x20: {  	p3 =	sne.s32 s11, s17;
	s21 =	simm.s32 @!p0 $0x0;
	_ =	swait.ge [sflag:s8], $0x400  }
0x21: {  	p5 =	por !p4, !p3;
	p4 =	por $0x0, $0x0;
	[sflag:s8] =	ssyncset.done $0x0  }
0x22: {  	s13 =	simm.s32 $0x0;
	p6 =	por p4, p6;
	[sflag:s8] =	ssyncadd.s32 $0xFFFFFC00  }
0x23: {  	s16 =	simm.s32 $0x0;
	s19 =	simm.s32 $0x0;
	_ =	strace $0x90000058  }
.LBB2_2:
0x24: {  	_ =	strace @p6 $0x80000059;
	s13 =	sadd.s32 s21, s13;
	s21 =	smov.u32 s12  }
0x25: {  	s12 =	smov.u32 s18;
	s18 =	sadd.s32 $0xFFFFFFFF, s18;
	p0 =	por p3, p3  }
0x26: {  	s28 =	sshll.u32 @p6 s23, $0x7;
	s20 =	sadd.s32 @p6 $0x3, s20;
	s24 =	simm.s32 @!p0 $0x0  }
0x27: {  	s25 =	rddreg [dreg:$0x4];
	s28 =	sand.u32 @p6 $0xFFFFF80, s28;
	s24 =	simm.s32 @p0 $0x1  }
0x28: {  	s25 =	sadd.s32 @p6 s25, s28;
	s28 =	simm.s32 @p6 $0x0;
	p0 =	sne.s32 s18, $0x0  }
0x29: {  	[hbm4b:s25+s28] =	stream.linear.scatter @p6 [tilespmem:s22], [sflag:s20], $0x400, $0x200038;
	[tilespmem:$0x900] =	vst v63  }
0x2a: {  	s20 =	sadd.s32 @!p1 $0x3, s15;
	s15 =	simm.s32 @!p0 $0x0  }
0x2b: {  	s26 =	simm.s32 $0x1;
	[smem:$0x7FC] =	sst s24;
	s15 =	simm.s32 @p0 $0x1  }
0x2c: {  	s26 =	simm.s32 @!p6 $0x0;
	_ =	strace @p6 $0x90000059;
	[smem:$0x7FD] =	sst s15  }
0x2d: {  	p5 =	por !p5, !p5;
	s19 =	sadd.s32 s26, s19;
	_ =	strace @!p1 $0x8000005A  }
0x2e: {  	s24 =	sand.u32 @!p2 $0x1, s13;
	s22 =	sand.u32 @p5 $0x1, s14;
	_ =	swait.ge @!p1 [sflag:s20], $0x400  }
0x2f: {  	s15 =	smov.u32 s24;
	s24 =	sadd.s32 @p5 s4, s17;
	[sflag:s20] =	ssyncset.done @!p1 $0x0  }
0x30: {  	s25 =	sshll.u32 @p5 s22, $0x7;
	s24 =	sshll.u32 @p5 s24, $0x4;
	[sflag:s20] =	ssyncadd.s32 @!p1 $0xFFFFFC00  }
0x31: {  	s20 =	sadd.s32 @p5 $0x1, s22;
	s22 =	sand.u32 @p5 $0x1FFFFFF0, s24;
	_ =	strace @!p1 $0x9000005A  }
0x32: {  	s24 =	simm.s32 @p5 $0x0;
	s22 =	sadd.s32 @p5 s3, s22;
	_ =	strace @p5 $0x80000056  }
0x33: {  	[tilespmem:s25], [sflag:s20] =	stream.linear.gather @p5 [hbm4b:s22+s24], $0x80, $0x200038;
	[tilespmem:$0x900] =	vst v63  }
0x34: {  	s16 =	sadd.s32 s26, s16;
	s26 =	sand.u32 $0x1, s19;
	_ =	strace @p5 $0x90000056  }
0x35: {  	s24 =	sadd.s32 $0x1, s26;
	_ =	strace $0x80000057  }
0x36: {  	_ =	swait.ge [sflag:s24], $0x80  }
0x37: {  	[sflag:s24] =	ssyncset.done $0x0  }
0x38: {  	s20 =	simm.s32 $0x1;
	[sflag:s24] =	ssyncadd.s32 $0xFFFFFF80  }
0x39: {  	s20 =	simm.s32 @!p5 $0x0;
	_ =	strace $0x90000057  }
0x3a: {  	s14 =	sadd.s32 s20, s14;
	s20 =	sand.u32 $0x1, s16;
	_ =	strace $0x80000058  }
0x3b: {  	s29 =	sshll.u32 s19, $0x7;
	s25 =	sshll.u32 s20, $0xA;
	s26 =	rddreg [dreg:$0x3]  }
0x3c: {  	s29 =	sand.u32 $0x80, s29;
	s22 =	sor.u32 $0x100, s25;
	s30 =	rddreg [dreg:$0x2]  }
0x3d: {  	[tilespmem:s22], [sflag:$0x5] =	stream.indirect.gather [hbm4b:s30+s26], $0x8, s29, s26, $0x2000b8;
	[tilespmem:$0x900] =	vst v63  }
0x3e: {  	_ =	swait.ge [sflag:s8], $0x400  }
0x3f: {  	s31 =	sadd.s32 $0x1, s17;
	[sflag:s8] =	ssyncset.done $0x0  }
0x40: {  	s23 =	sadd.s32 s4, s11;
	s11 =	smov.u32 s17;
	[sflag:s8] =	ssyncadd.s32 $0xFFFFFC00  }
0x41: {  	p3 =	seq.s32 s31, $0x20;
	s17 =	smov.u32 s31;
	_ =	strace $0x90000058  }
0x42: {  	s17 =	simm.s32 @p3 $0x0;
	s31 =	sld [smem:$0x7FD]  }
0x43: {  	p6 =	sne.s32 s12, $0x1;
	p0 =	sne.s32 s21, $0x20;
	p3 =	sne.s32 s11, s17  }
0x44: {  	p5 =	por !p6, !p3;
	p6 =	seq.s32 s21, $0x1;
	s21 =	simm.s32 $0x1  }
0x45: {  	s21 =	simm.s32 @!p0 $0x0;
	p0 =	seq.s32 s31, $0x1  }
.Ltmp0:
0x46: {  	s30 =	sld [smem:$0x7FC];
	(pc) =	sbr.rel @p0 .LBB2_2-.Ltmp0, $4  }
0x47: {  	_ = 	snop  }
0x48: {  	p4 =	seq.s32 s12, $0x20  }
0x49: {  	p1 =	por p2, p2;
	p2 =	por p4, p4;
	p4 =	seq.s32 s30, $0x1  }
0x4a: {  	p6 =	por p6, p4  }
0x4b: {  	_ =	strace @p6 $0x80000059;
	s23 =	sshll.u32 @p6 s23, $0x7  }
0x4c: {  	s18 =	rddreg [dreg:$0x4];
	s23 =	sand.u32 @p6 $0xFFFFF80, s23  }
0x4d: {  	s20 =	sadd.s32 @p6 $0x3, s20;
	s18 =	sadd.s32 @p6 s18, s23;
	s23 =	simm.s32 @p6 $0x0  }
0x4e: {  	[hbm4b:s18+s23] =	stream.linear.scatter @p6 [tilespmem:s22], [sflag:s20], $0x400, $0x200038;
	[tilespmem:$0x900] =	vst v63  }
0x4f: {  	p0 =	por !p5, !p5;
	_ =	strace @p6 $0x90000059  }
0x50: {  	s15 =	sadd.s32 @!p1 $0x3, s15;
	s17 =	sadd.s32 @p0 s4, s17;
	_ =	strace @!p1 $0x8000005A  }
0x51: {  	s14 =	sand.u32 @p0 $0x1, s14;
	s17 =	sshll.u32 @p0 s17, $0x4;
	_ =	swait.ge @!p1 [sflag:s15], $0x400  }
0x52: {  	s18 =	simm.s32 $0x1;
	s20 =	sshll.u32 @p0 s14, $0x7;
	[sflag:s15] =	ssyncset.done @!p1 $0x0  }
0x53: {  	s14 =	sadd.s32 @p0 $0x1, s14;
	s18 =	simm.s32 @!p6 $0x0;
	[sflag:s15] =	ssyncadd.s32 @!p1 $0xFFFFFC00  }
0x54: {  	s19 =	sadd.s32 s18, s19;
	s15 =	sand.u32 @p0 $0x1FFFFFF0, s17;
	_ =	strace @!p1 $0x9000005A  }
0x55: {  	s17 =	simm.s32 @p0 $0x0;
	s15 =	sadd.s32 @p0 s3, s15;
	_ =	strace @p0 $0x80000056  }
0x56: {  	[tilespmem:s20], [sflag:s14] =	stream.linear.gather @p0 [hbm4b:s15+s17], $0x80, $0x200038;
	[tilespmem:$0x900] =	vst v63  }
0x57: {  	s25 =	sand.u32 $0x1, s19;
	_ =	strace @p0 $0x90000056  }
0x58: {  	s14 =	sadd.s32 $0x1, s25;
	_ =	strace $0x80000057  }
0x59: {  	_ =	swait.ge [sflag:s14], $0x80  }
0x5a: {  	[sflag:s14] =	ssyncset.done $0x0  }
0x5b: {  	[sflag:s14] =	ssyncadd.s32 $0xFFFFFF80  }
0x5c: {  	s26 =	sadd.s32 s18, s16;
	_ =	strace $0x90000057  }
0x5d: {  	s14 =	sand.u32 $0x1, s26;
	_ =	strace $0x80000058  }
0x5e: {  	s30 =	sshll.u32 s19, $0x7;
	s31 =	sshll.u32 s14, $0xA;
	s28 =	rddreg [dreg:$0x3]  }
0x5f: {  	s17 =	sand.u32 $0x80, s30;
	s18 =	sor.u32 $0x100, s31;
	s29 =	rddreg [dreg:$0x2]  }
0x60: {  	[tilespmem:s18], [sflag:$0x5] =	stream.indirect.gather [hbm4b:s29+s28], $0x8, s17, s28, $0x2000b8;
	[tilespmem:$0x900] =	vst v63  }
0x61: {  	_ =	swait.ge [sflag:s8], $0x400  }
0x62: {  	[sflag:s8] =	ssyncset.done $0x0  }
0x63: {  	p5 =	por p3, p3;
	p6 =	seq.s32 s12, $0x1;
	[sflag:s8] =	ssyncadd.s32 $0xFFFFFC00  }
0x64: {  	s11 =	sadd.s32 s4, s11;
	p0 =	por p6, p5;
	_ =	strace $0x90000058  }
0x65: {  	s11 =	sshll.u32 @p0 s11, $0x7;
	_ =	strace @p0 $0x80000059  }
0x66: {  	s13 =	sadd.s32 s21, s13;
	s11 =	sand.u32 @p0 $0xFFFFF80, s11;
	s12 =	rddreg [dreg:$0x4]  }
0x67: {  	s14 =	sadd.s32 @p0 $0x3, s14;
	s11 =	sadd.s32 @p0 s12, s11;
	s12 =	simm.s32 @p0 $0x0  }
0x68: {  	[hbm4b:s11+s12] =	stream.linear.scatter @p0 [tilespmem:s18], [sflag:s14], $0x400, $0x200038;
	[tilespmem:$0x900] =	vst v63  }
0x69: {  	p1 =	por p2, p2;
	s11 =	sand.u32 @!p2 $0x1, s13;
	_ =	strace @p0 $0x90000059  }
0x6a: {  	s11 =	sadd.s32 @!p1 $0x3, s11;
	_ =	strace @!p1 $0x8000005A  }
0x6b: {  	_ =	swait.ge @!p1 [sflag:s11], $0x400  }
0x6c: {  	[sflag:s11] =	ssyncset.done @!p1 $0x0  }
0x6d: {  	s10 =	sadd.s32 $0x1, s10;
	[sflag:s11] =	ssyncadd.s32 @!p1 $0xFFFFFC00  }
0x6e: {  	p0 =	sne.s32 s10, s6;
	_ =	strace @!p1 $0x9000005A  }
.Ltmp1:
0x6f: {  	_ =	strace $0x8000005B;
	(pc) =	sbr.rel @p0 .LBB2_1-.Ltmp1, $4  }
0x70: {  	_ =	swait.ge [sflag:s9], $0x400  }
0x71: {  	[sflag:s9] =	ssyncset.done $0x0  }
0x72: {  	[sflag:s9] =	ssyncadd.s32 $0xFFFFFC00  }
0x73: {  	_ =	strace $0x9000005B  }
0x74: {  	_ =	sfence.sel $0x180000  }
0x75: {  	[bflag:$0x0] =	sbarrier.arrive $0xFFFF  }
0x76: {  	p0 =	sne.s32 s2, $0x0;
	_ =	strace $0x90000054  }
0x77: {  	s0 =	sadd.s32 @!p0 $0x100000, s0;
	[bflag:$0x2] =	sbarrier.arrive $0xFFFF  }
0x78: {  	[sflag:s0] =	ssyncadd.tile.s32 @!p0 $0x1;
	_ =	shalt  }
.Lfunc_end2:
_tile_overlayer_lowered:
.L_overlay_start_2:
0x79: {  	(tag) =	ssettag $0x2  }
0x7a: {  	s0 =	rddreg [dreg:$0x0];
	s2 =	stileid.u32  }
0x7b: {  	s1 =	rddreg [dreg:$0x1];
	p0 =	sne.s32 s2, $0x0  }
0x7c: {  	s3 =	rddreg [dreg:$0x2];
	[bflag:$0x3] =	sbarrier.arrive $0xFFFF;
	s2 =	simm.s32 @!p0 $0x1C01  }
0x7d: {  	[timem:s3], [sflag:s2] =	dma.local @!p0 [hbm:s0], s1  }
0x7e: {  	s0 =	simm.s32 @!p0 $0x1  }
0x7f: {  	_ =	swait.ge @!p0 [sflag:s0], s1  }
0x80: {  	s1 =	ssub.s32 @!p0 $0x0, s1;
	[sflag:s0] =	ssyncset.done @!p0 $0x0  }
0x81: {  	[sflag:s0] =	ssyncadd.s32 @!p0 s1  }
0x82: {  	[bflag:$0x3] =	sbarrier.arrive $0xFFFF  }
0x83: {  	_ =	shalt  }

// kernel: kernel.20.cloned.1.call-start
scs
__scs_entry_jumppad:
0x0: {  	(pc) =	sbr.rel $0x88, $3  }
0x1: {  	(tag) =	ssettag $0x0;
	lr =	simm.s32 $0x1  }
0x2: {  	[smem:$0x3F99] =	sst lr;
	_ =	strace $0xD0000000  }
0x3: {  	_ = 	snop  }
0x4: {  	_ = 	snop  }
0x5: {  	_ = 	snop  }
0x6: {  	_ = 	snop  }
0x7: {  	_ = 	snop  }
__scs_overlays_trampoline_lowered:
0x8: {  	[smem:$0x3FA8] =	sst s0  }
0x9: {  	[smem:$0x3FA9] =	sst s1  }
0xa: {  	[smem:$0x3FAA] =	sst s2  }
0xb: {  	[smem:$0x3FAB] =	sst s3  }
0xc: {  	[smem:$0x3FAC] =	sst s4  }
0xd: {  	[smem:$0x3FAD] =	sst s5  }
0xe: {  	[smem:$0x3FAE] =	sst s6  }
0xf: {  	[smem:$0x3FAF] =	sst s7  }
0x10: {  	[smem:$0x3FB0] =	sst s8  }
0x11: {  	[smem:$0x3FB1] =	sst s9;
	s0 =	simm.s32 @!p0 $0x0  }
0x12: {  	s1 =	sld [smem:$0x3F97];
	s0 =	simm.s32 @p0 $0x1  }
0x13: {  	[smem:$0x3FB2] =	sst s0;
	s0 =	simm.s32 @!p1 $0x0  }
0x14: {  	s2 =	sld [smem:$0x3F96];
	s0 =	simm.s32 @p1 $0x1  }
0x15: {  	[smem:$0x3FB3] =	sst s0;
	s0 =	simm.s32 @!p2 $0x0  }
0x16: {  	s3 =	sld [smem:$0x3FDB];
	s0 =	simm.s32 @p2 $0x1  }
0x17: {  	s4 =	simm.s32 $0x1BF5;
	[smem:$0x3FB5] =	sst s0  }
0x18: {  	s0 =	sld [smem:$0x3F98];
	_ =	swait.ge [sflag:s4], $0x0  }
0x19: {  	s7 =	sld [smem:$0x3F99]  }
0x1a: {  	s8 =	sadd.s32 $0xFFFFE003, lr  }
0x1b: {  	s9 =	sadd.s32 $0xFFFFFEF7, lr;
	s5 =	simm.s32 $0xFFFFFFFF;
	p2 =	slt.u32 s8, $0xFFFFF086  }
0x1c: {  	p1 =	slt.u32 s9, $0xF7A;
	s5 =	simm.s32 @!p2 $0x0  }
0x1d: {  	s5 =	simm.s32 @p1 $0x1;
	p0 =	seq.s32 s7, s2  }
0x1e: {  	s7 =	smul.u32 @!p0 $0xF7A, s2;
	p2 =	seq.s32 @!p0 s5, $0x0  }
0x1f: {  	s9 =	smul.u32 $0xF7A, s1;
	s8 =	simm.s32 @!p0 $0x1BF5;
	p2 =	por !p2, p0  }
0x20: {  	[sflag:s8] =	ssyncset.s32 @!p0 $0xFFFFF086;
	s6 =	sadd.s32 @!p0 s3, s7;
	s7 =	simm.s32 @!p0 $0x108  }
0x21: {  	s3 =	sadd.s32 s3, s9;
	s6 =	sadd.s32 @!p0 $0x88, s6;
	s7 =	simm.s32 @p2 $0x1082  }
0x22: {  	[simem:s7], [sflag:s8] =	dma.local @!p0 [hbm:s6], $0xF7A  }
0x23: {  	s9 =	sor.u32 $0xD0000000, s2;
	s6 =	simm.s32 $0x108;
	_ =	swait.ge @!p0 [sflag:s8], $0x0  }
0x24: {  	s3 =	sadd.s32 $0x88, s3;
	s6 =	simm.s32 @!p1 $0x1082;
	[sflag:s4] =	ssyncset.s32 $0xFFFFF086  }
0x25: {  	[simem:s6], [sflag:s4] =	dma.local [hbm:s3], $0xF7A  }
0x26: {  	[smem:$0x3F99] =	sst s1;
	(tag) =	ssettag s2;
	_ =	strace s9  }
0x27: {  	s1 =	sld [smem:$0x3FA9]  }
0x28: {  	s2 =	sld [smem:$0x3FAA]  }
0x29: {  	s4 =	sld [smem:$0x3FAC]  }
0x2a: {  	p0 =	seq.s32 s5, $0x0;
	s5 =	sld [smem:$0x3FAD]  }
0x2b: {  	s6 =	sld [smem:$0x3FAE]  }
0x2c: {  	s7 =	sld [smem:$0x3FAF]  }
0x2d: {  	s3 =	simm.s32 $0x108;
	s8 =	sld [smem:$0x3FB0]  }
0x2e: {  	s3 =	simm.s32 @!p0 $0x1082;
	s9 =	sld [smem:$0x3FB1]  }
0x2f: {  	lr =	sadd.s32 s0, s3;
	s0 =	sld [smem:$0x3FA8]  }
0x30: {  	s3 =	sld [smem:$0x3FAB]  }
0x31: {  	[smem:$0x3FB4] =	sst s10  }
0x32: {  	s10 =	sld [smem:$0x3FB2];
	_ =	sdelay $0x3  }
0x33: {  	p0 =	seq.s32 s10, $0x1;
	s10 =	sld [smem:$0x3FB4];
	_ =	sdelay $0x3  }
0x34: {  	[smem:$0x3FB4] =	sst s10  }
0x35: {  	s10 =	sld [smem:$0x3FB3];
	_ =	sdelay $0x3  }
0x36: {  	p1 =	seq.s32 s10, $0x1;
	s10 =	sld [smem:$0x3FB4];
	_ =	sdelay $0x3  }
0x37: {  	[smem:$0x3FB4] =	sst s10  }
0x38: {  	s10 =	sld [smem:$0x3FB5]  }
0x39: {  	_ = 	snop;
	(pc) =	sbr.ind lr, $3  }
0x3a: {  	_ = 	snop  }
0x3b: {  	_ = 	snop  }
0x3c: {  	p2 =	seq.s32 s10, $0x1;
	s10 =	sld [smem:$0x3FB4]  }
0x3d: {  	_ =	shalt  }
0x3e: {  	_ =	shalt  }
0x3f: {  	_ =	shalt  }
0x40: {  	_ =	shalt  }
0x41: {  	_ =	shalt  }
0x42: {  	_ =	shalt  }
0x43: {  	_ =	shalt  }
0x44: {  	_ =	shalt  }
0x45: {  	_ =	shalt  }
0x46: {  	_ =	shalt  }
0x47: {  	_ =	shalt  }
0x48: {  	_ =	shalt  }
0x49: {  	_ =	shalt  }
0x4a: {  	_ =	shalt  }
0x4b: {  	_ =	shalt  }
0x4c: {  	_ =	shalt  }
0x4d: {  	_ =	shalt  }
0x4e: {  	_ =	shalt  }
0x4f: {  	_ =	shalt  }
0x50: {  	_ =	shalt  }
0x51: {  	_ =	shalt  }
0x52: {  	_ =	shalt  }
0x53: {  	_ =	shalt  }
0x54: {  	_ =	shalt  }
0x55: {  	_ =	shalt  }
0x56: {  	_ =	shalt  }
0x57: {  	_ =	shalt  }
0x58: {  	_ =	shalt  }
0x59: {  	_ =	shalt  }
0x5a: {  	_ =	shalt  }
0x5b: {  	_ =	shalt  }
0x5c: {  	_ =	shalt  }
0x5d: {  	_ =	shalt  }
0x5e: {  	_ =	shalt  }
0x5f: {  	_ =	shalt  }
0x60: {  	_ =	shalt  }
0x61: {  	_ =	shalt  }
0x62: {  	_ =	shalt  }
0x63: {  	_ =	shalt  }
0x64: {  	_ =	shalt  }
0x65: {  	_ =	shalt  }
0x66: {  	_ =	shalt  }
0x67: {  	_ =	shalt  }
0x68: {  	_ =	shalt  }
0x69: {  	_ =	shalt  }
0x6a: {  	_ =	shalt  }
0x6b: {  	_ =	shalt  }
0x6c: {  	_ =	shalt  }
0x6d: {  	_ =	shalt  }
0x6e: {  	_ =	shalt  }
0x6f: {  	_ =	shalt  }
0x70: {  	_ =	shalt  }
0x71: {  	_ =	shalt  }
0x72: {  	_ =	shalt  }
0x73: {  	_ =	shalt  }
0x74: {  	_ =	shalt  }
0x75: {  	_ =	shalt  }
0x76: {  	_ =	shalt  }
0x77: {  	_ =	shalt  }
0x78: {  	_ =	shalt  }
0x79: {  	_ =	shalt  }
0x7a: {  	_ =	shalt  }
0x7b: {  	_ =	shalt  }
0x7c: {  	_ =	shalt  }
0x7d: {  	_ =	shalt  }
0x7e: {  	_ =	shalt  }
0x7f: {  	_ =	shalt  }
0x80: {  	_ =	shalt  }
0x81: {  	_ =	shalt  }
0x82: {  	_ =	shalt  }
0x83: {  	_ =	shalt  }
0x84: {  	_ =	shalt  }
0x85: {  	_ =	shalt  }
0x86: {  	_ =	shalt  }
0x87: {  	_ =	shalt  }
.Lfunc_end0:
.L_simem_size_0:
called_computation.4_lowered:
.L_overlay_start_0:
0x88: {  	s2 =	sld [smem:$0x3FD9]  }
0x89: {  	s3 =	sld [smem:$0x3FFE];
	_ =	sdelay $0x1  }
0x8a: {  	s1 =	srdreg.scid  }
0x8b: {  	s0 =	sand.u32 $0x1, s1  }
0x8c: {  	s16 =	sshll.u32 s0, $0xA;
	s2 =	sadd.s32 s3, s2  }
0x8d: {  	s2 =	sadd.s32 s2, s16  }
0x8e: {  	[smem:$0x3FC0] =	sst s2  }
0x8f: {  	_ = 	snop  }
0x90: {  	(tm) =	ssettm $0x1  }
0x91: {  	s17 =	sld [smem:$0x3FFB];
	_ =	sdelay $0x3  }
0x92: {  	_ =	strace s17  }
0x93: {  	s2 =	sld [smem:$0x3FFC];
	_ =	sdelay $0x3  }
0x94: {  	_ =	strace s2  }
0x95: {  	s2 =	sld [smem:$0x3FFD];
	_ =	sdelay $0x3  }
0x96: {  	_ =	strace s2  }
0x97: {  	_ =	strace $0x8FFFFFFF  }
0x98: {  	s18 =	sld [smem:$0x3FDB];
	_ =	sdelay $0x1  }
0x99: {  	s19 =	simm.s32 $_scs_section_size  }
0x9a: {  	s4 =	simm.s32 $_size__tile_overlayer_lowered;
	s5 =	simm.s32 $_tile_overlayer_lowered  }
0x9b: {  	s22 =	simm.s32 $0x1BFF;
	s21 =	sshll.u32 s5, $0x1;
	s2 =	sadd.s32 s19, s18  }
0x9c: {  	s6 =	simm.s32 $0x0;
	s20 =	sshll.u32 s4, $0x1;
	s4 =	sadd.s32 s21, s2  }
0x9d: {  	[timem:s6], [sflag:s22] =	dma.local [hbm:s4], s20  }
0x9e: {  	_ =	swait.ge [sflag:s22], s20  }
0x9f: {  	s3 =	ssub.s32 $0x0, s20;
	[sflag:s22] =	ssyncset.done $0x0  }
0xa0: {  	[sflag:s22] =	ssyncadd.s32 s3;
	_ =	sdelay $0x1  }
0xa1: {  	s23 =	simm.s32 $0x1B8B  }
0xa2: {  	_ =	swait.ge [sflag:s23], $0x1  }
0xa3: {  	[sflag:s23] =	ssyncset.done $0x0  }
0xa4: {  	s25 =	simm.s32 $0x1B8E;
	s24 =	sld [smem:$0x3FFE];
	[sflag:s23] =	ssyncadd.s32 $0xFFFFFFFF  }
0xa5: {  	s26 =	simm.s32 $execute0_lowered;
	[smem:$0x3FD2] =	sst s25  }
0xa6: {  	s4 =	sshll.u32 s26, $0x1;
	_ =	strace $0x80000049;
	[dreg:$0x1] =	wrdreg $0xFFFFFFFF  }
0xa7: {  	s28 =	simm.s32 $_size_execute0_lowered;
	s2 =	sadd.s32 s2, s4;
	[dreg:$0x0] =	wrdreg $0x0  }
0xa8: {  	s4 =	sshll.u32 s28, $0x1;
	[dreg:$0x2] =	wrdreg s2  }
0xa9: {  	[dreg:$0x3] =	wrdreg s4  }
0xaa: {  	[dreg:$0x4] =	wrdreg $0xC0  }
0xab: {  	_ =	task [dreg:s6], $0x5FFFF  }
0xac: {  	[dreg:$0x1] =	wrdreg $0xFFFFFFFF  }
0xad: {  	[dreg:$0x0] =	wrdreg $0x60  }
0xae: {  	[dreg:$0x2] =	wrdreg s24  }
0xaf: {  	[dreg:$0x3] =	wrdreg $0xC  }
0xb0: {  	_ =	task.clear_ibuf [dreg:s6], $0x4FFFF;
	_ =	strace $0x90000049  }
0xb1: {  	s29 =	simm.s32 $0xC;
	_ =	strace $0x80000052  }
0xb2: {  	_ =	swait.ge [sflag:s29], $0x1  }
0xb3: {  	[sflag:s29] =	ssyncadd.s32 $0xFFFFFFFF  }
0xb4: {  	_ =	strace $0x90000052  }
0xb5: {  	_ =	sfence  }
0xb6: {  	s30 =	sld [smem:$0x0];
	_ =	sdelay $0x2  }
0xb7: {  	s31 =	sshll.u32 s1, $0xD;
	s1 =	sshrl.u32 s1, $0x2  }
0xb8: {  	s3 =	sand.u32 $0x4000, s31;
	s1 =	sadd.s32 s1, s30  }
0xb9: {  	s0 =	sor.u32 s3, s0;
	s1 =	sshll.u32 s1, $0x11  }
0xba: {  	s0 =	sor.u32 s1, s0  }
0xbb: {  	s0 =	sadd.s32 $0x8F2B, s0  }
0xbc: {  	[sflag:s0] =	ssyncadd.remote.s32 $0x1  }
0xbd: {  	_ =	sfence.sel $0xFFFF  }
0xbe: {  	[dreg:$0x0] =	wrdreg $0xFFFFFFFF;
	(pc) =	sbr.abs _section_cstart, $3  }
0xbf: {  	[dreg:$0x1] =	wrdreg $0xFFFFFFFF  }
0xc0: {  	_ =	task.clear_ibuf [dreg:s6], $0x2FFFF;
	_ =	strace $0x9FFFFFFF  }
0xc1: {  	(tm) =	ssettm $0x7FFFFFFF  }
tec
execute0_lowered:
.L_overlay_start_1:
0x0: {  	(tag) =	ssettag $0x1  }
0x1: {  	s4 =	rddreg [dreg:$0x0]  }
0x2: {  	s0 =	rddreg [dreg:$0x1];
	s1 =	simm.s32 $0x0;
	s5 =	srdreg.scid  }
0x3: {  	s8 =	simm.s32 $0x80;
	s9 =	simm.s32 $0x4;
	[smem:$0x7FF] =	sst s1  }
0x4: {  	s10 =	simm.s32 $0x0;
	s2 =	sadd.s32 $0x27F800, s4;
	s3 =	sadd.s32 $0x4FC800, s4  }
0x5: {  	s4 =	sadd.s32 $0x2800, s4;
	_ =	strace $0x8000004A;
	[dreg:$0x2] =	wrdreg s2  }
0x6: {  	s5 =	sand.u32 $0x1, s5;
	s2 =	stileid.u32;
	[dreg:$0x4] =	wrdreg s4  }
0x7: {  	s6 =	ssub.s32 $0x2, s5;
	s5 =	sshll.u32 s5, $0x4;
	[dreg:$0x3] =	wrdreg s8  }
0x8: {  	s8 =	simm.s32 $0x5;
	s7 =	sshrl.u32 s6, $0x1;
	s5 =	sor.u32 s2, s5  }
0x9: {  	s6 =	ssub.s32 s6, s7;
	s31 =	sshll.u32 s5, $0x9;
	s4 =	sshll.u32 s5, $0x5  }
0xa: {  	s7 =	simm.s32 $0x1;
	s5 =	sadd.s32 s3, s31;
	s6 =	smax.u32 s6, $0x1  }
.LBB2_1:
0xb: {  	_ =	strace $0x8000004B;
	s11 =	simm.s32 $0x1;
	p0 =	por $0x0, $0x0  }
0xc: {  	[tilespmem:s1], [sflag:$0x1] =	stream.linear.gather [hbm4b:s5+s1], $0x80, $0x200038;
	[tilespmem:$0x900] =	vst v63  }
0xd: {  	s11 =	simm.s32 @p0 $0x0  }
0xe: {  	p4 =	por $0x1, $0x1;
	s20 =	sand.u32 $0x1, s1;
	p1 =	sne.s32 s11, $0x0  }
0xf: {  	p2 =	por $0x1, $0x1;
	s18 =	simm.s32 $0x1E;
	p0 =	por !p4, !p1  }
0x10: {  	s16 =	simm.s32 $0x0;
	p5 =	por $0x0, $0x0;
	p0 =	por !p0, !p0  }
0x11: {  	s23 =	sadd.s32 $0x0, s4;
	s30 =	sadd.s32 $0x1, s20;
	s12 =	sadd.s32 @p0 s4, s11  }
0x12: {  	_ =	strace $0x9000004B;
	s13 =	sand.u32 @p0 $0x1, s7;
	s12 =	sshll.u32 @p0 s12, $0x4  }
0x13: {  	_ =	strace @p0 $0x8000004C;
	s15 =	simm.s32 @p0 $0x0;
	s12 =	sand.u32 @p0 $0x1FFFFFF0, s12  }
0x14: {  	s14 =	sshll.u32 @p0 s13, $0x7;
	s13 =	sadd.s32 @p0 $0x1, s13;
	s12 =	sadd.s32 @p0 s3, s12  }
0x15: {  	[tilespmem:s14], [sflag:s13] =	stream.linear.gather @p0 [hbm4b:s12+s15], $0x80, $0x200038;
	[tilespmem:$0x900] =	vst v63  }
0x16: {  	p3 =	por p2, p2;
	s21 =	sshll.u32 s20, $0xA;
	_ =	strace @p0 $0x9000004C  }
0x17: {  	s16 =	sand.u32 $0x80, s16;
	p2 =	por p5, p5;
	_ =	strace $0x8000004D  }
0x18: {  	s17 =	sadd.s32 $0x1, s11;
	s22 =	sor.u32 $0x100, s21;
	_ =	swait.ge [sflag:s30], $0x80  }
0x19: {  	s21 =	simm.s32 $0x1;
	p6 =	por p1, p1;
	[sflag:s30] =	ssyncset.done $0x0  }
0x1a: {  	p1 =	por p3, p3;
	p4 =	por $0x1, $0x1;
	[sflag:s30] =	ssyncadd.s32 $0xFFFFFF80  }
0x1b: {  	s12 =	simm.s32 $0x1F;
	s15 =	sand.u32 @!p3 $0x1, s1;
	_ =	strace $0x9000004D  }
0x1c: {  	s13 =	simm.s32 $0x1;
	p3 =	seq.s32 s17, $0x20;
	_ =	strace $0x8000004E  }
0x1d: {  	s13 =	simm.s32 @!p0 $0x0;
	s17 =	simm.s32 @p3 $0x0;
	s19 =	rddreg [dreg:$0x3]  }
0x1e: {  	p0 =	por $0x0, $0x0;
	s14 =	sadd.s32 $0x1, s13;
	s31 =	rddreg [dreg:$0x2]  }
0x1f: {  	[tilespmem:s22], [sflag:$0x5] =	stream.indirect.gather [hbm4b:s31+s19], $0x8, s16, s19, $0x2000b8;
	[tilespmem:$0x900] =	vst v63  }
0x20: {  	p3 =	sne.s32 s11, s17;
	s21 =	simm.s32 @!p0 $0x0;
	_ =	swait.ge [sflag:s8], $0x400  }
0x21: {  	p5 =	por !p4, !p3;
	p4 =	por $0x0, $0x0;
	[sflag:s8] =	ssyncset.done $0x0  }
0x22: {  	s13 =	simm.s32 $0x0;
	p6 =	por p4, p6;
	[sflag:s8] =	ssyncadd.s32 $0xFFFFFC00  }
0x23: {  	s16 =	simm.s32 $0x0;
	s19 =	simm.s32 $0x0;
	_ =	strace $0x9000004E  }
.LBB2_2:
0x24: {  	_ =	strace @p6 $0x8000004F;
	s13 =	sadd.s32 s21, s13;
	s21 =	smov.u32 s12  }
0x25: {  	s12 =	smov.u32 s18;
	s18 =	sadd.s32 $0xFFFFFFFF, s18;
	p0 =	por p3, p3  }
0x26: {  	s28 =	sshll.u32 @p6 s23, $0x7;
	s20 =	sadd.s32 @p6 $0x3, s20;
	s24 =	simm.s32 @!p0 $0x0  }
0x27: {  	s25 =	rddreg [dreg:$0x4];
	s28 =	sand.u32 @p6 $0xFFFFF80, s28;
	s24 =	simm.s32 @p0 $0x1  }
0x28: {  	s25 =	sadd.s32 @p6 s25, s28;
	s28 =	simm.s32 @p6 $0x0;
	p0 =	sne.s32 s18, $0x0  }
0x29: {  	[hbm4b:s25+s28] =	stream.linear.scatter @p6 [tilespmem:s22], [sflag:s20], $0x400, $0x200038;
	[tilespmem:$0x900] =	vst v63  }
0x2a: {  	s20 =	sadd.s32 @!p1 $0x3, s15;
	s15 =	simm.s32 @!p0 $0x0  }
0x2b: {  	s26 =	simm.s32 $0x1;
	[smem:$0x7FC] =	sst s24;
	s15 =	simm.s32 @p0 $0x1  }
0x2c: {  	s26 =	simm.s32 @!p6 $0x0;
	_ =	strace @p6 $0x9000004F;
	[smem:$0x7FD] =	sst s15  }
0x2d: {  	p5 =	por !p5, !p5;
	s19 =	sadd.s32 s26, s19;
	_ =	strace @!p1 $0x80000050  }
0x2e: {  	s24 =	sand.u32 @!p2 $0x1, s13;
	s22 =	sand.u32 @p5 $0x1, s14;
	_ =	swait.ge @!p1 [sflag:s20], $0x400  }
0x2f: {  	s15 =	smov.u32 s24;
	s24 =	sadd.s32 @p5 s4, s17;
	[sflag:s20] =	ssyncset.done @!p1 $0x0  }
0x30: {  	s25 =	sshll.u32 @p5 s22, $0x7;
	s24 =	sshll.u32 @p5 s24, $0x4;
	[sflag:s20] =	ssyncadd.s32 @!p1 $0xFFFFFC00  }
0x31: {  	s20 =	sadd.s32 @p5 $0x1, s22;
	s22 =	sand.u32 @p5 $0x1FFFFFF0, s24;
	_ =	strace @!p1 $0x90000050  }
0x32: {  	s24 =	simm.s32 @p5 $0x0;
	s22 =	sadd.s32 @p5 s3, s22;
	_ =	strace @p5 $0x8000004C  }
0x33: {  	[tilespmem:s25], [sflag:s20] =	stream.linear.gather @p5 [hbm4b:s22+s24], $0x80, $0x200038;
	[tilespmem:$0x900] =	vst v63  }
0x34: {  	s16 =	sadd.s32 s26, s16;
	s26 =	sand.u32 $0x1, s19;
	_ =	strace @p5 $0x9000004C  }
0x35: {  	s24 =	sadd.s32 $0x1, s26;
	_ =	strace $0x8000004D  }
0x36: {  	_ =	swait.ge [sflag:s24], $0x80  }
0x37: {  	[sflag:s24] =	ssyncset.done $0x0  }
0x38: {  	s20 =	simm.s32 $0x1;
	[sflag:s24] =	ssyncadd.s32 $0xFFFFFF80  }
0x39: {  	s20 =	simm.s32 @!p5 $0x0;
	_ =	strace $0x9000004D  }
0x3a: {  	s14 =	sadd.s32 s20, s14;
	s20 =	sand.u32 $0x1, s16;
	_ =	strace $0x8000004E  }
0x3b: {  	s29 =	sshll.u32 s19, $0x7;
	s25 =	sshll.u32 s20, $0xA;
	s26 =	rddreg [dreg:$0x3]  }
0x3c: {  	s29 =	sand.u32 $0x80, s29;
	s22 =	sor.u32 $0x100, s25;
	s30 =	rddreg [dreg:$0x2]  }
0x3d: {  	[tilespmem:s22], [sflag:$0x5] =	stream.indirect.gather [hbm4b:s30+s26], $0x8, s29, s26, $0x2000b8;
	[tilespmem:$0x900] =	vst v63  }
0x3e: {  	_ =	swait.ge [sflag:s8], $0x400  }
0x3f: {  	s31 =	sadd.s32 $0x1, s17;
	[sflag:s8] =	ssyncset.done $0x0  }
0x40: {  	s23 =	sadd.s32 s4, s11;
	s11 =	smov.u32 s17;
	[sflag:s8] =	ssyncadd.s32 $0xFFFFFC00  }
0x41: {  	p3 =	seq.s32 s31, $0x20;
	s17 =	smov.u32 s31;
	_ =	strace $0x9000004E  }
0x42: {  	s17 =	simm.s32 @p3 $0x0;
	s31 =	sld [smem:$0x7FD]  }
0x43: {  	p6 =	sne.s32 s12, $0x1;
	p0 =	sne.s32 s21, $0x20;
	p3 =	sne.s32 s11, s17  }
0x44: {  	p5 =	por !p6, !p3;
	p6 =	seq.s32 s21, $0x1;
	s21 =	simm.s32 $0x1  }
0x45: {  	s21 =	simm.s32 @!p0 $0x0;
	p0 =	seq.s32 s31, $0x1  }
.Ltmp0:
0x46: {  	s30 =	sld [smem:$0x7FC];
	(pc) =	sbr.rel @p0 .LBB2_2-.Ltmp0, $4  }
0x47: {  	_ = 	snop  }
0x48: {  	p4 =	seq.s32 s12, $0x20  }
0x49: {  	p1 =	por p2, p2;
	p2 =	por p4, p4;
	p4 =	seq.s32 s30, $0x1  }
0x4a: {  	p6 =	por p6, p4  }
0x4b: {  	_ =	strace @p6 $0x8000004F;
	s23 =	sshll.u32 @p6 s23, $0x7  }
0x4c: {  	s18 =	rddreg [dreg:$0x4];
	s23 =	sand.u32 @p6 $0xFFFFF80, s23  }
0x4d: {  	s20 =	sadd.s32 @p6 $0x3, s20;
	s18 =	sadd.s32 @p6 s18, s23;
	s23 =	simm.s32 @p6 $0x0  }
0x4e: {  	[hbm4b:s18+s23] =	stream.linear.scatter @p6 [tilespmem:s22], [sflag:s20], $0x400, $0x200038;
	[tilespmem:$0x900] =	vst v63  }
0x4f: {  	p0 =	por !p5, !p5;
	_ =	strace @p6 $0x9000004F  }
0x50: {  	s15 =	sadd.s32 @!p1 $0x3, s15;
	s17 =	sadd.s32 @p0 s4, s17;
	_ =	strace @!p1 $0x80000050  }
0x51: {  	s14 =	sand.u32 @p0 $0x1, s14;
	s17 =	sshll.u32 @p0 s17, $0x4;
	_ =	swait.ge @!p1 [sflag:s15], $0x400  }
0x52: {  	s18 =	simm.s32 $0x1;
	s20 =	sshll.u32 @p0 s14, $0x7;
	[sflag:s15] =	ssyncset.done @!p1 $0x0  }
0x53: {  	s14 =	sadd.s32 @p0 $0x1, s14;
	s18 =	simm.s32 @!p6 $0x0;
	[sflag:s15] =	ssyncadd.s32 @!p1 $0xFFFFFC00  }
0x54: {  	s19 =	sadd.s32 s18, s19;
	s15 =	sand.u32 @p0 $0x1FFFFFF0, s17;
	_ =	strace @!p1 $0x90000050  }
0x55: {  	s17 =	simm.s32 @p0 $0x0;
	s15 =	sadd.s32 @p0 s3, s15;
	_ =	strace @p0 $0x8000004C  }
0x56: {  	[tilespmem:s20], [sflag:s14] =	stream.linear.gather @p0 [hbm4b:s15+s17], $0x80, $0x200038;
	[tilespmem:$0x900] =	vst v63  }
0x57: {  	s25 =	sand.u32 $0x1, s19;
	_ =	strace @p0 $0x9000004C  }
0x58: {  	s14 =	sadd.s32 $0x1, s25;
	_ =	strace $0x8000004D  }
0x59: {  	_ =	swait.ge [sflag:s14], $0x80  }
0x5a: {  	[sflag:s14] =	ssyncset.done $0x0  }
0x5b: {  	[sflag:s14] =	ssyncadd.s32 $0xFFFFFF80  }
0x5c: {  	s26 =	sadd.s32 s18, s16;
	_ =	strace $0x9000004D  }
0x5d: {  	s14 =	sand.u32 $0x1, s26;
	_ =	strace $0x8000004E  }
0x5e: {  	s30 =	sshll.u32 s19, $0x7;
	s31 =	sshll.u32 s14, $0xA;
	s28 =	rddreg [dreg:$0x3]  }
0x5f: {  	s17 =	sand.u32 $0x80, s30;
	s18 =	sor.u32 $0x100, s31;
	s29 =	rddreg [dreg:$0x2]  }
0x60: {  	[tilespmem:s18], [sflag:$0x5] =	stream.indirect.gather [hbm4b:s29+s28], $0x8, s17, s28, $0x2000b8;
	[tilespmem:$0x900] =	vst v63  }
0x61: {  	_ =	swait.ge [sflag:s8], $0x400  }
0x62: {  	[sflag:s8] =	ssyncset.done $0x0  }
0x63: {  	p5 =	por p3, p3;
	p6 =	seq.s32 s12, $0x1;
	[sflag:s8] =	ssyncadd.s32 $0xFFFFFC00  }
0x64: {  	s11 =	sadd.s32 s4, s11;
	p0 =	por p6, p5;
	_ =	strace $0x9000004E  }
0x65: {  	s11 =	sshll.u32 @p0 s11, $0x7;
	_ =	strace @p0 $0x8000004F  }
0x66: {  	s13 =	sadd.s32 s21, s13;
	s11 =	sand.u32 @p0 $0xFFFFF80, s11;
	s12 =	rddreg [dreg:$0x4]  }
0x67: {  	s14 =	sadd.s32 @p0 $0x3, s14;
	s11 =	sadd.s32 @p0 s12, s11;
	s12 =	simm.s32 @p0 $0x0  }
0x68: {  	[hbm4b:s11+s12] =	stream.linear.scatter @p0 [tilespmem:s18], [sflag:s14], $0x400, $0x200038;
	[tilespmem:$0x900] =	vst v63  }
0x69: {  	p1 =	por p2, p2;
	s11 =	sand.u32 @!p2 $0x1, s13;
	_ =	strace @p0 $0x9000004F  }
0x6a: {  	s11 =	sadd.s32 @!p1 $0x3, s11;
	_ =	strace @!p1 $0x80000050  }
0x6b: {  	_ =	swait.ge @!p1 [sflag:s11], $0x400  }
0x6c: {  	[sflag:s11] =	ssyncset.done @!p1 $0x0  }
0x6d: {  	s10 =	sadd.s32 $0x1, s10;
	[sflag:s11] =	ssyncadd.s32 @!p1 $0xFFFFFC00  }
0x6e: {  	p0 =	sne.s32 s10, s6;
	_ =	strace @!p1 $0x90000050  }
.Ltmp1:
0x6f: {  	_ =	strace $0x80000051;
	(pc) =	sbr.rel @p0 .LBB2_1-.Ltmp1, $4  }
0x70: {  	_ =	swait.ge [sflag:s9], $0x400  }
0x71: {  	[sflag:s9] =	ssyncset.done $0x0  }
0x72: {  	[sflag:s9] =	ssyncadd.s32 $0xFFFFFC00  }
0x73: {  	_ =	strace $0x90000051  }
0x74: {  	_ =	sfence.sel $0x180000  }
0x75: {  	[bflag:$0x0] =	sbarrier.arrive $0xFFFF  }
0x76: {  	p0 =	sne.s32 s2, $0x0;
	_ =	strace $0x9000004A  }
0x77: {  	s0 =	sadd.s32 @!p0 $0x100000, s0;
	[bflag:$0x2] =	sbarrier.arrive $0xFFFF  }
0x78: {  	[sflag:s0] =	ssyncadd.tile.s32 @!p0 $0x1;
	_ =	shalt  }
.Lfunc_end2:
_tile_overlayer_lowered:
.L_overlay_start_2:
0x79: {  	(tag) =	ssettag $0x2  }
0x7a: {  	s0 =	rddreg [dreg:$0x0];
	s2 =	stileid.u32  }
0x7b: {  	s1 =	rddreg [dreg:$0x1];
	p0 =	sne.s32 s2, $0x0  }
0x7c: {  	s3 =	rddreg [dreg:$0x2];
	[bflag:$0x3] =	sbarrier.arrive $0xFFFF;
	s2 =	simm.s32 @!p0 $0x1C01  }
0x7d: {  	[timem:s3], [sflag:s2] =	dma.local @!p0 [hbm:s0], s1  }
0x7e: {  	s0 =	simm.s32 @!p0 $0x1  }
0x7f: {  	_ =	swait.ge @!p0 [sflag:s0], s1  }
0x80: {  	s1 =	ssub.s32 @!p0 $0x0, s1;
	[sflag:s0] =	ssyncset.done @!p0 $0x0  }
0x81: {  	[sflag:s0] =	ssyncadd.s32 @!p0 s1  }
0x82: {  	[bflag:$0x3] =	sbarrier.arrive $0xFFFF  }
0x83: {  	_ =	shalt  }

// kernel: sparse-core-data-format-call.cloned.1.call-start
scs
called_computation_lowered:
.L_overlay_start_0:
0x0: {  	s1 =	sld [smem:$0x3FD9]  }
0x1: {  	s2 =	sld [smem:$0x3FFE];
	_ =	sdelay $0x1  }
0x2: {  	s3 =	srdreg.scid  }
0x3: {  	s0 =	sand.u32 $0x1, s3  }
0x4: {  	s17 =	sshll.u32 s0, $0xA;
	s1 =	sadd.s32 s2, s1  }
0x5: {  	s1 =	sadd.s32 s1, s17  }
0x6: {  	[smem:$0x3FC0] =	sst s1  }
0x7: {  	_ = 	snop  }
0x8: {  	(tm) =	ssettm $0x1  }
0x9: {  	s18 =	sld [smem:$0x3FFB];
	_ =	sdelay $0x3  }
0xa: {  	_ =	strace s18  }
0xb: {  	s1 =	sld [smem:$0x3FFC];
	_ =	sdelay $0x3  }
0xc: {  	_ =	strace s1  }
0xd: {  	s1 =	sld [smem:$0x3FFD];
	_ =	sdelay $0x3  }
0xe: {  	_ =	strace s1  }
0xf: {  	_ =	strace $0x8FFFFFFF  }
0x10: {  	s19 =	sld [smem:$0x3FDB];
	_ =	sdelay $0x1  }
0x11: {  	s20 =	simm.s32 $_scs_section_size  }
0x12: {  	s4 =	simm.s32 $_size__tile_overlayer_lowered;
	s5 =	simm.s32 $_tile_overlayer_lowered  }
0x13: {  	s23 =	simm.s32 $0x1BFF;
	s22 =	sshll.u32 s5, $0x1;
	s1 =	sadd.s32 s20, s19  }
0x14: {  	s6 =	simm.s32 $0x0;
	s21 =	sshll.u32 s4, $0x1;
	s4 =	sadd.s32 s22, s1  }
0x15: {  	[timem:s6], [sflag:s23] =	dma.local [hbm:s4], s21  }
0x16: {  	_ =	swait.ge [sflag:s23], s21  }
0x17: {  	s2 =	ssub.s32 $0x0, s21;
	[sflag:s23] =	ssyncset.done $0x0  }
0x18: {  	[sflag:s23] =	ssyncadd.s32 s2;
	_ =	sdelay $0x1  }
0x19: {  	s24 =	simm.s32 $0x1B8B  }
0x1a: {  	_ =	swait.ge [sflag:s24], $0x1  }
0x1b: {  	[sflag:s24] =	ssyncset.done $0x0  }
0x1c: {  	s26 =	simm.s32 $0x1B8E;
	s25 =	sld [smem:$0x3FFE];
	[sflag:s24] =	ssyncadd.s32 $0xFFFFFFFF  }
0x1d: {  	s27 =	simm.s32 $execute0_lowered;
	[smem:$0x3FD2] =	sst s26  }
0x1e: {  	s4 =	sshll.u32 s27, $0x1;
	_ =	strace $0x80000046;
	[dreg:$0x1] =	wrdreg $0xFFFFFFFF  }
0x1f: {  	s28 =	simm.s32 $_size_execute0_lowered;
	s1 =	sadd.s32 s1, s4;
	[dreg:$0x0] =	wrdreg $0x0  }
0x20: {  	s4 =	sshll.u32 s28, $0x1;
	[dreg:$0x2] =	wrdreg s1  }
0x21: {  	[dreg:$0x3] =	wrdreg s4  }
0x22: {  	[dreg:$0x4] =	wrdreg $0xC0  }
0x23: {  	_ =	task [dreg:s6], $0x5FFFF  }
0x24: {  	[dreg:$0x1] =	wrdreg $0xFFFFFFFF  }
0x25: {  	[dreg:$0x0] =	wrdreg $0x60  }
0x26: {  	[dreg:$0x2] =	wrdreg s25  }
0x27: {  	[dreg:$0x3] =	wrdreg $0x9  }
0x28: {  	_ =	task.clear_ibuf [dreg:s6], $0x4FFFF;
	_ =	strace $0x90000046  }
0x29: {  	s29 =	simm.s32 $0x9;
	_ =	strace $0x80000048  }
0x2a: {  	_ =	swait.ge [sflag:s29], $0x1  }
0x2b: {  	[sflag:s29] =	ssyncadd.s32 $0xFFFFFFFF  }
0x2c: {  	_ =	strace $0x90000048  }
0x2d: {  	_ =	sfence  }
0x2e: {  	s30 =	sld [smem:$0x0];
	_ =	sdelay $0x2  }
0x2f: {  	s31 =	sshll.u32 s3, $0xD;
	s3 =	sshrl.u32 s3, $0x2  }
0x30: {  	s2 =	sand.u32 $0x4000, s31;
	s1 =	sadd.s32 s3, s30  }
0x31: {  	s0 =	sor.u32 s2, s0;
	s1 =	sshll.u32 s1, $0x11  }
0x32: {  	s0 =	sor.u32 s1, s0  }
0x33: {  	s0 =	sadd.s32 $0x8F2B, s0  }
0x34: {  	[sflag:s0] =	ssyncadd.remote.s32 $0x1  }
0x35: {  	_ =	sfence.sel $0xFFFF  }
0x36: {  	[dreg:$0x0] =	wrdreg $0xFFFFFFFF;
	(pc) =	sbr.abs _section_cstart, $3  }
0x37: {  	[dreg:$0x1] =	wrdreg $0xFFFFFFFF  }
0x38: {  	_ =	task.clear_ibuf [dreg:s6], $0x2FFFF;
	_ =	strace $0x9FFFFFFF  }
0x39: {  	(tm) =	ssettm $0x7FFFFFFF  }
tec
execute0_lowered:
.L_overlay_start_1:
0x0: {  	(tag) =	ssettag $0x1  }
0x1: {  	s0 =	srdreg.scid  }
0x2: {  	s1 =	sshll.u32 s0, $0x4  }
0x3: {  	s4 =	rddreg [dreg:$0x0];
	s0 =	stileid.u32;
	s1 =	sand.u32 $0x10, s1  }
0x4: {  	s7 =	simm.s32 $0x1;
	s8 =	simm.s32 $0x2;
	s1 =	sor.u32 s0, s1  }
0x5: {  	s9 =	simm.s32 $0x0;
	s12 =	simm.s32 $0x0;
	s2 =	sshll.u32 s1, $0x4  }
0x6: {  	s11 =	simm.s32 $0x0;
	s3 =	sadd.s32 $0x2800, s4;
	s6 =	ssub.s32 $0x4FA0, s2  }
.Ltmp0:
0x7: {  	s4 =	sadd.s32 $0x27F800, s4;
	s5 =	sand.u32 $0x1F0, s6;
	(pc) =	sbr.rel .LBB1_1-.Ltmp0, $4  }
0x8: {  	s1 =	rddreg [dreg:$0x1];
	_ =	strace $0x80000047;
	p0 =	sne.s32 s5, $0x0  }
0x9: {  	s6 =	sshrl.u32 s6, $0x9;
	s5 =	simm.s32 $0x1;
	s7 =	simm.s32 @!p0 $0x0  }
0xa: {  	s10 =	smov.u32 s2;
	[sflag:s5] =	ssyncpa.u1 $0x0;
	s6 =	sadd.s32 s7, s6  }
0xb: {  	[sflag:s8] =	ssyncpa.u1 $0x0;
	s8 =	simm.s32 $0x0;
	s7 =	sadd.s32 $0x1, s6  }
.LBB1_7:
0xc: {  	s14 =	sadd.s32 $0x200, s10  }
0xd: {  	p1 =	sgt.s32 s14, $0x4F9F  }
0xe: {  	s14 =	smov.u32 @p1 s2;
	p1 =	sne.s32 s11, s7  }
.Ltmp1:
0xf: {  	p0 =	slt.u32 s11, $0x2;
	(pc) =	sbr.rel @!p1 .LBB1_8-.Ltmp1, $4  }
0x10: {  	s13 =	simm.s32 @!p0 $0x2  }
0x11: {  	s15 =	sadd.s32 $0x1, s11;
	_ =	swait.ge @!p0 [sflag:s13], $0x4000  }
0x12: {  	s12 =	smov.u32 s10;
	s9 =	sadd.s32 $0x8000, s9;
	[sflag:s13] =	ssyncset.done @!p0 $0x0  }
0x13: {  	s11 =	smov.u32 s15;
	s10 =	smov.u32 s14;
	[sflag:s13] =	ssyncadd.s32 @!p0 $0xFFFFC000  }
.LBB1_1:
0x14: {  	p0 =	sge.u32 s11, s6  }
0x15: {  	s13 =	sxor.u32 @!p0 $0xFFFFFFFF, s11  }
0x16: {  	s31 =	sadd.s32 $0xFFFFFFFF, s11;
	s14 =	sshll.u32 @!p0 s10, $0x7;
	s13 =	sshll.u32 @!p0 s13, $0xE  }
0x17: {  	s15 =	simm.s32 @!p0 $0x0;
	s14 =	sadd.s32 @!p0 s3, s14;
	s13 =	sand.u32 @!p0 $0x4000, s13  }
0x18: {  	[tilespmem:s13], [sflag:$0x1] =	stream.linear.gather @!p0 [hbm4b:s14+s15], $0x4000, $0x38;
	[tilespmem:$0x10000] =	vst v63  }
0x19: {  	p0 =	sge.u32 s31, s6  }
.Ltmp2:
0x1a: {  	_ = 	snop;
	(pc) =	sbr.rel @p0 .LBB1_7-.Ltmp2, $1  }
0x1b: {  	_ =	sdelay $0x3  }
0x1c: {  	s13 =	sshrl.u32 s9, $0x1;
	_ =	swait.ge [sflag:s5], $0x4000  }
0x1d: {  	s15 =	sshll.u32 s11, $0xE;
	s16 =	simm.s32 $0x0;
	s14 =	sand.u32 $0x4000, s13  }
0x1e: {  	[sflag:s5] =	ssyncset.done $0x0;
	s15 =	sand.u32 $0x4000, s15;
	s13 =	sor.u32 $0x200, s14  }
0x1f: {  	s14 =	sor.u32 $0x8080, s14;
	[sflag:s5] =	ssyncadd.s32 $0xFFFFC000;
	s15 =	sor.u32 $0x8000, s15  }
.LBB1_3:
0x20: {  	v0 =	vld [tilespmem:s13+$0xFFFFFE70]  }
0x21: {  	v1 =	vld [tilespmem:s13+$0x70]  }
0x22: {  	v2 =	vld [tilespmem:s13+$0x0]  }
0x23: {  	v3 =	vld [tilespmem:s13+$0xFFFFFE10]  }
0x24: {  	v4 =	vld [tilespmem:s13+$0x10]  }
0x25: {  	v5 =	vld [tilespmem:s13+$0xFFFFFE20]  }
0x26: {  	v7 =	vld [tilespmem:s13+$0x20]  }
0x27: {  	v11 =	vld [tilespmem:s13+$0x30];
	v6 =	vunpack.i.l.s16.s32 v0;
	v8 =	vunpack.i.u.s16.s32 v0;
	v9 =	vunpack.i.u.s16.s32 v1  }
0x28: {  	v10 =	vunpack.i.l.s16.s32 v1;
	v0 =	vunpack.i.u.s16.s32 v2;
	v1 =	vunpack.i.l.s16.s32 v2;
	v2 =	vld [tilespmem:s13+$0xFFFFFE30]  }
0x29: {  	v8 =	vpack.i.b32.b16 v9, v8;
	v9 =	vunpack.i.u.s16.s32 v3;
	v3 =	vunpack.i.l.s16.s32 v3  }
0x2a: {  	v12 =	vld [tilespmem:s13+$0xFFFFFE40];
	v6 =	vpack.i.b32.b16 v10, v6;
	[tilespmem:s14+$0x70] =	vst v8;
	v8 =	vunpack.i.u.s16.s32 v4;
	v4 =	vunpack.i.l.s16.s32 v4  }
0x2b: {  	v13 =	vld [tilespmem:s13+$0x40];
	v10 =	vunpack.i.u.s16.s32 v5;
	v5 =	vunpack.i.l.s16.s32 v5;
	[tilespmem:s14+$0xFFFFFFF0] =	vst v6;
	v3 =	vpack.i.b32.b16 v4, v3  }
0x2c: {  	v6 =	vunpack.i.l.s16.s32 v7;
	v4 =	vld [tilespmem:s13+$0xFFFFFE50];
	[tilespmem:s14+$0xFFFFFF90] =	vst v3;
	v3 =	vpack.i.b32.b16 v8, v9;
	v8 =	vunpack.i.u.s16.s32 v7  }
0x2d: {  	v7 =	vunpack.i.l.s16.s32 v11;
	[tilespmem:s14+$0x10] =	vst v3;
	v3 =	vpack.i.b32.b16 v6, v5;
	v9 =	vunpack.i.u.s16.s32 v2;
	v6 =	vld [tilespmem:s13+$0x50]  }
0x2e: {  	v5 =	vunpack.i.l.s16.s32 v2;
	v2 =	vld [tilespmem:s13+$0xFFFFFE60];
	[tilespmem:s14+$0xFFFFFFA0] =	vst v3;
	v3 =	vpack.i.b32.b16 v8, v10;
	v10 =	vunpack.i.u.s16.s32 v11  }
0x2f: {  	s19 =	simm.s32 $0x0;
	v11 =	vpack.i.b32.b16 v7, v5;
	v7 =	vunpack.i.u.s16.s32 v12;
	v8 =	vunpack.i.l.s16.s32 v12;
	[tilespmem:s14+$0x20] =	vst v3;
	v3 =	vld [tilespmem:s13+$0x60]  }
0x30: {  	s20 =	sadd.s32 $0x80, s13;
	s18 =	smov.u32 s14;
	s17 =	smov.u32 s14;
	v5 =	vld [tilespmem:s13+$0xFFFFFE00];
	[tilespmem:s14+$0xFFFFFFB0] =	vst v11;
	v10 =	vpack.i.b32.b16 v10, v9;
	v9 =	vunpack.i.u.s16.s32 v13;
	v11 =	vunpack.i.l.s16.s32 v13  }
.LBB1_4:
0x31: {  	v12 =	vld [tilespmem:s20+$0xFFFFFE70];
	[tilespmem:s18+$0x30] =	vst v10;
	v8 =	vpack.i.b32.b16 v11, v8;
	v10 =	vunpack.i.u.s16.s32 v4;
	v4 =	vunpack.i.l.s16.s32 v4  }
0x32: {  	s19 =	sadd.s32 $0x2, s19;
	v7 =	vpack.i.b32.b16 v9, v7;
	v11 =	vld [tilespmem:s20+$0x70];
	[tilespmem:s18+$0xFFFFFFC0] =	vst v8;
	v8 =	vunpack.i.u.s16.s32 v6;
	v6 =	vunpack.i.l.s16.s32 v6  }
0x33: {  	p0 =	slt.u32 s19, $0x6;
	v9 =	vld [tilespmem:s20+$0x0];
	[tilespmem:s18+$0x40] =	vst v7;
	v4 =	vpack.i.b32.b16 v6, v4;
	v6 =	vunpack.i.u.s16.s32 v2;
	v2 =	vunpack.i.l.s16.s32 v2  }
0x34: {  	v7 =	vld [tilespmem:s20+$0xFFFFFE10];
	[tilespmem:s18+$0xFFFFFFD0] =	vst v4;
	v4 =	vpack.i.b32.b16 v8, v10;
	v8 =	vunpack.i.u.s16.s32 v3;
	v3 =	vunpack.i.l.s16.s32 v3  }
0x35: {  	v10 =	vld [tilespmem:s20+$0x10];
	v13 =	vunpack.i.u.s16.s32 v5;
	v5 =	vunpack.i.l.s16.s32 v5;
	[tilespmem:s18+$0x50] =	vst v4;
	v2 =	vpack.i.b32.b16 v3, v2  }
0x36: {  	v3 =	vld [tilespmem:s20+$0xFFFFFE20];
	v4 =	vunpack.i.l.s16.s32 v12;
	v1 =	vpack.i.b32.b16 v1, v5;
	v5 =	vpack.i.b32.b16 v0, v13;
	[tilespmem:s18+$0xFFFFFFE0] =	vst v2  }
0x37: {  	v12 =	vunpack.i.u.s16.s32 v12;
	v2 =	vld [tilespmem:s20+$0x20];
	v13 =	vunpack.i.u.s16.s32 v11;
	v11 =	vunpack.i.l.s16.s32 v11;
	[tilespmem:s18+$0xFFFFFF80] =	vst v1  }
0x38: {  	s18 =	sadd.s32 $0x100, s18;
	v0 =	vunpack.i.u.s16.s32 v9;
	v1 =	vunpack.i.l.s16.s32 v9;
	v9 =	vld [tilespmem:s20+$0xFFFFFE30];
	v12 =	vpack.i.b32.b16 v13, v12;
	[tilespmem:s17+$0x0] =	vst v5  }
0x39: {  	v6 =	vpack.i.b32.b16 v8, v6;
	v5 =	vunpack.i.u.s16.s32 v7;
	v7 =	vunpack.i.l.s16.s32 v7;
	v13 =	vld [tilespmem:s20+$0x30];
	[tilespmem:s18+$0x70] =	vst v12  }
0x3a: {  	v4 =	vpack.i.b32.b16 v11, v4;
	v8 =	vunpack.i.u.s16.s32 v10;
	v10 =	vunpack.i.l.s16.s32 v10;
	v12 =	vld [tilespmem:s20+$0xFFFFFE40];
	[tilespmem:s17+$0x60] =	vst v6;
	s17 =	smov.u32 s18  }
0x3b: {  	v6 =	vpack.i.b32.b16 v10, v7;
	v7 =	vunpack.i.u.s16.s32 v3;
	v3 =	vunpack.i.l.s16.s32 v3;
	v11 =	vld [tilespmem:s20+$0x40];
	[tilespmem:s18+$0xFFFFFFF0] =	vst v4  }
.Ltmp3:
0x3c: {  	v5 =	vpack.i.b32.b16 v8, v5;
	[tilespmem:s18+$0xFFFFFF90] =	vst v6;
	v8 =	vunpack.i.u.s16.s32 v2;
	v2 =	vunpack.i.l.s16.s32 v2;
	v4 =	vld [tilespmem:s20+$0xFFFFFE50];
	(pc) =	sbr.rel @p0 .LBB1_4-.Ltmp3, $4  }
0x3d: {  	[tilespmem:s18+$0x10] =	vst v5;
	v2 =	vpack.i.b32.b16 v2, v3;
	v10 =	vunpack.i.u.s16.s32 v9;
	v3 =	vunpack.i.l.s16.s32 v9;
	v6 =	vld [tilespmem:s20+$0x50]  }
0x3e: {  	v5 =	vpack.i.b32.b16 v8, v7;
	[tilespmem:s18+$0xFFFFFFA0] =	vst v2;
	v9 =	vunpack.i.u.s16.s32 v13;
	v7 =	vunpack.i.l.s16.s32 v13;
	v2 =	vld [tilespmem:s20+$0xFFFFFE60]  }
0x3f: {  	[tilespmem:s18+$0x20] =	vst v5;
	v13 =	vpack.i.b32.b16 v7, v3;
	v7 =	vunpack.i.u.s16.s32 v12;
	v8 =	vunpack.i.l.s16.s32 v12;
	v3 =	vld [tilespmem:s20+$0x60]  }
0x40: {  	v10 =	vpack.i.b32.b16 v9, v10;
	v5 =	vld [tilespmem:s20+$0xFFFFFE00];
	[tilespmem:s18+$0xFFFFFFB0] =	vst v13;
	v9 =	vunpack.i.u.s16.s32 v11;
	v11 =	vunpack.i.l.s16.s32 v11;
	s20 =	sadd.s32 $0x80, s20  }
0x41: {  	[tilespmem:s18+$0x30] =	vst v10;
	v8 =	vpack.i.b32.b16 v11, v8  }
0x42: {  	v51 =	vunpack.i.l.s16.s32 v4;
	v7 =	vpack.i.b32.b16 v9, v7;
	[tilespmem:s18+$0xFFFFFFC0] =	vst v8;
	v52 =	vunpack.i.l.s16.s32 v6  }
0x43: {  	v53 =	vunpack.i.u.s16.s32 v4;
	s16 =	sadd.s32 $0x1, s16;
	v54 =	vunpack.i.u.s16.s32 v6;
	[tilespmem:s18+$0x40] =	vst v7;
	v55 =	vpack.i.b32.b16 v52, v51  }
0x44: {  	p0 =	sne.s32 s16, $0x10;
	v56 =	vunpack.i.l.s16.s32 v2;
	v4 =	vpack.i.b32.b16 v54, v53;
	[tilespmem:s18+$0xFFFFFFD0] =	vst v55;
	v57 =	vunpack.i.l.s16.s32 v3  }
.Ltmp4:
0x45: {  	[tilespmem:s18+$0x50] =	vst v4;
	v58 =	vunpack.i.l.s16.s32 v5;
	v59 =	vpack.i.b32.b16 v57, v56;
	(pc) =	sbr.rel @p0 .LBB1_3-.Ltmp4, $4  }
0x46: {  	v61 =	vunpack.i.u.s16.s32 v2;
	v62 =	vunpack.i.u.s16.s32 v3;
	v1 =	vpack.i.b32.b16 v1, v58;
	[tilespmem:s18+$0xFFFFFFE0] =	vst v59  }
0x47: {  	v60 =	vunpack.i.u.s16.s32 v5;
	v63 =	vpack.i.b32.b16 v62, v61;
	[tilespmem:s18+$0xFFFFFF80] =	vst v1  }
0x48: {  	v0 =	vpack.i.b32.b16 v0, v60;
	[tilespmem:s17+$0x60] =	vst v63  }
0x49: {  	s13 =	sadd.s32 $0x400, s13;
	s14 =	sadd.s32 $0x400, s14;
	[tilespmem:s17+$0x0] =	vst v0  }
.Ltmp5:
0x4a: {  	(pc) =	sbr.rel .LBB1_7-.Ltmp5, $4  }
0x4b: {  	_ = 	snop  }
0x4c: {  	s12 =	sshll.u32 s12, $0x7  }
0x4d: {  	s12 =	sadd.s32 s4, s12  }
0x4e: {  	[hbm4b:s12+s8] =	stream.linear.scatter [tilespmem:s15], [sflag:$0x2], $0x4000, $0x38;
	[tilespmem:$0x10000] =	vst v63  }
.LBB1_8:
0x4f: {  	_ =	sfence.sel $0x180000  }
0x50: {  	s2 =	simm.s32 $0x1;
	[bflag:$0x0] =	sbarrier.arrive $0xFFFF  }
0x51: {  	s31 =	simm.s32 $0x2;
	[sflag:s2] =	ssyncpa.u1 $0x1  }
0x52: {  	[sflag:s31] =	ssyncpa.u1 $0x1  }
0x53: {  	p0 =	sne.s32 s0, $0x0;
	_ =	strace $0x90000047  }
0x54: {  	s0 =	sadd.s32 @!p0 $0x100000, s1;
	[bflag:$0x2] =	sbarrier.arrive $0xFFFF  }
0x55: {  	[sflag:s0] =	ssyncadd.tile.s32 @!p0 $0x1;
	_ =	shalt  }
.Lfunc_end1:
_tile_overlayer_lowered:
.L_overlay_start_2:
0x56: {  	(tag) =	ssettag $0x2  }
0x57: {  	s0 =	rddreg [dreg:$0x0];
	s2 =	stileid.u32  }
0x58: {  	s1 =	rddreg [dreg:$0x1];
	p0 =	sne.s32 s2, $0x0  }
0x59: {  	s3 =	rddreg [dreg:$0x2];
	[bflag:$0x3] =	sbarrier.arrive $0xFFFF;
	s2 =	simm.s32 @!p0 $0x1C01  }
0x5a: {  	[timem:s3], [sflag:s2] =	dma.local @!p0 [hbm:s0], s1  }
0x5b: {  	s0 =	simm.s32 @!p0 $0x1  }
0x5c: {  	_ =	swait.ge @!p0 [sflag:s0], s1  }
0x5d: {  	s1 =	ssub.s32 @!p0 $0x0, s1;
	[sflag:s0] =	ssyncset.done @!p0 $0x0  }
0x5e: {  	[sflag:s0] =	ssyncadd.s32 @!p0 s1  }
0x5f: {  	[bflag:$0x3] =	sbarrier.arrive $0xFFFF  }
0x60: {  	_ =	shalt  }

</sc_bundles>
